<compile_context>
chip_gen: v7x
topology: tpu7x:2x2x1
jax: 0.10.2.dev20260603
libtpu: 0.0.44.dev20260713+nightly
codegen_flags: <defaults>
</compile_context>

<pallas_src>
import functools

import jax
import jax.numpy as jnp
from jax import lax
from jax.experimental import pallas as pl
from jax.experimental.pallas import tpu as pltpu
from jax.experimental.pallas import tpu_sc as plsc

N = 10000
D = 128
H = 16
OUT = 128
E = 320000

NC = 2
NS = 16
NW = NC * NS
CHUNK = 1024
CB = 10
EPAD = NW * CB * CHUNK
NPAD = 10112
TRASH = NPAD - N
RS_ACC = NPAD // NS

_mesh = plsc.VectorSubcoreMesh(core_axis_name="c", subcore_axis_name="s")


def _deg_body(er, out, dst_v, ones_v, tmp_v, deg_s):
    cid = lax.axis_index("c")
    sid = lax.axis_index("s")
    w = cid * NS + sid
    for j in range(RS_ACC // 16):
        tmp_v[pl.ds(j * 16, 16)] = jnp.zeros((16,), jnp.float32)
    pltpu.sync_copy(tmp_v, deg_s.at[pl.ds(sid * RS_ACC, RS_ACC)])
    pltpu.sync_copy(er.at[1, w], dst_v)
    for j in range(CHUNK // 16):
        ones_v[pl.ds(j * 16, 16)] = jnp.ones((16,), jnp.float32)
    plsc.subcore_barrier()

    def step(c, carry):
        pltpu.sync_copy(ones_v, deg_s.at[dst_v.at[c]], add=True)
        return carry

    lax.fori_loop(0, CB, step, 0)
    plsc.subcore_barrier()
    pltpu.sync_copy(deg_s.at[pl.ds(sid * RS_ACC, RS_ACC)], tmp_v)
    pltpu.sync_copy(tmp_v, out.at[pl.ds(cid * NPAD + sid * RS_ACC, RS_ACC)])


_deg = pl.kernel(
    _deg_body,
    out_type=jax.ShapeDtypeStruct((NC * NPAD,), jnp.float32),
    mesh=_mesh,
    scratch_types=[
        pltpu.VMEM((CB, CHUNK), jnp.int32),
        pltpu.VMEM((CHUNK,), jnp.float32),
        pltpu.VMEM((RS_ACC,), jnp.float32),
        pltpu.VMEM_SHARED((NPAD,), jnp.float32),
    ],
    compiler_params=pltpu.CompilerParams(use_tc_tiling_on_sc=False),
)


UNROLL = 8


def _rows(body):
    def blk(b, carry):
        for k in range(UNROLL):
            body(b * UNROLL + k)
        return carry

    lax.fori_loop(0, RS_ACC // UNROLL, blk, 0)


def _zero_acc(tmp_v, acc_s, sid):
    def zstep(j):
        tmp_v[j] = jnp.zeros((16,), jnp.float32)

    _rows(zstep)
    pltpu.sync_copy(tmp_v, acc_s.at[pl.ds(sid * RS_ACC, RS_ACC), :])


def _hop_phase(er, out, src_v, dst_v, bufa_v, bufb_v, tmp_v, acc_s, tab_s,
               sema, semb, cid, sid, w):
    pltpu.sync_copy(tmp_v, tab_s.at[pl.ds(sid * RS_ACC, RS_ACC), :])
    pltpu.sync_copy(er.at[0, w], src_v)
    pltpu.sync_copy(er.at[1, w], dst_v)
    plsc.subcore_barrier()

    def gath(c, buf, sem):
        return pltpu.async_copy(tab_s.at[src_v.at[c]], buf, sem)

    def scat(c, buf):
        pltpu.sync_copy(buf, acc_s.at[dst_v.at[c]], add=True)

    gath(0, bufa_v, sema)

    def step(i, carry):
        c = 2 * i
        gath(c + 1, bufb_v, semb)
        pltpu.make_async_copy(tab_s.at[src_v.at[c]], bufa_v, sema).wait()
        scat(c, bufa_v)
        gath(c + 2, bufa_v, sema)
        pltpu.make_async_copy(tab_s.at[src_v.at[c]], bufb_v, semb).wait()
        scat(c + 1, bufb_v)
        return carry

    lax.fori_loop(0, CB // 2 - 1, step, 0)
    gath(CB - 1, bufb_v, semb)
    pltpu.make_async_copy(tab_s.at[src_v.at[0]], bufa_v, sema).wait()
    scat(CB - 2, bufa_v)
    pltpu.make_async_copy(tab_s.at[src_v.at[0]], bufb_v, semb).wait()
    scat(CB - 1, bufb_v)

    plsc.subcore_barrier()
    pltpu.sync_copy(acc_s.at[pl.ds(sid * RS_ACC, RS_ACC), :], tmp_v)
    pltpu.sync_copy(tmp_v, out.at[pl.ds(cid * NPAD + sid * RS_ACC, RS_ACC), :])


def _ld(hbm, buf_v, sid):
    pltpu.sync_copy(hbm.at[pl.ds(sid * RS_ACC, RS_ACC), :],
                    buf_v.at[pl.ds(0, RS_ACC), :])


def _ld_async(hbm, buf_v, sid, sem):
    return pltpu.async_copy(hbm.at[pl.ds(sid * RS_ACC, RS_ACC), :],
                            buf_v.at[pl.ds(0, RS_ACC), :], sem)


def _ld_wait(hbm, buf_v, sid, sem):
    pltpu.make_async_copy(hbm.at[pl.ds(sid * RS_ACC, RS_ACC), :],
                          buf_v.at[pl.ds(0, RS_ACC), :], sem).wait()


def _hop1_body(h0, dis, er, out, src_v, dst_v, bufa_v, bufb_v, tmp_v, acc_s,
               tab_s, sema, semb):
    cid = lax.axis_index("c")
    sid = lax.axis_index("s")
    w = cid * NS + sid
    _ld_async(h0, bufa_v, sid, sema)
    _ld_async(dis, bufb_v, sid, semb)
    _zero_acc(tmp_v, acc_s, sid)
    _ld_wait(h0, bufa_v, sid, sema)
    _ld_wait(dis, bufb_v, sid, semb)

    def mstep(r):
        tmp_v[r] = bufa_v[r] * bufb_v[r]

    _rows(mstep)
    _hop_phase(er, out, src_v, dst_v, bufa_v, bufb_v, tmp_v, acc_s, tab_s,
               sema, semb, cid, sid, w)


def _hop2_body(h0, dis, dis2, p, er, out, src_v, dst_v, bufa_v, bufb_v,
               bufc_v, bufd_v, tmp_v, acc_s, tab_s, sema, semb):
    cid = lax.axis_index("c")
    sid = lax.axis_index("s")
    w = cid * NS + sid
    pltpu.async_copy(p.at[pl.ds(sid * RS_ACC, RS_ACC), :],
                     bufa_v.at[pl.ds(0, RS_ACC), :], sema)
    pltpu.async_copy(p.at[pl.ds(NPAD + sid * RS_ACC, RS_ACC), :],
                     bufb_v.at[pl.ds(0, RS_ACC), :], semb)
    _zero_acc(tmp_v, acc_s, sid)
    pltpu.make_async_copy(p.at[pl.ds(sid * RS_ACC, RS_ACC), :],
                          bufa_v.at[pl.ds(0, RS_ACC), :], sema).wait()
    pltpu.make_async_copy(p.at[pl.ds(NPAD + sid * RS_ACC, RS_ACC), :],
                          bufb_v.at[pl.ds(0, RS_ACC), :], semb).wait()
    _ld(h0, bufc_v, sid)
    _ld(dis, bufd_v, sid)

    def s1(r):
        tmp_v[r] = bufa_v[r] + bufb_v[r] + bufc_v[r] * bufd_v[r]

    _rows(s1)
    _ld(dis2, bufa_v, sid)

    def s2(r):
        tmp_v[r] = tmp_v[r] * bufa_v[r]

    _rows(s2)
    _hop_phase(er, out, src_v, dst_v, bufa_v, bufb_v, tmp_v, acc_s, tab_s,
               sema, semb, cid, sid, w)


_hop_scratch = [
    pltpu.VMEM((CB, CHUNK), jnp.int32),
    pltpu.VMEM((CB, CHUNK), jnp.int32),
    pltpu.VMEM((CHUNK, H), jnp.float32),
    pltpu.VMEM((CHUNK, H), jnp.float32),
    pltpu.VMEM((RS_ACC, H), jnp.float32),
    pltpu.VMEM_SHARED((NPAD, H), jnp.float32),
    pltpu.VMEM_SHARED((NPAD, H), jnp.float32),
    pltpu.SemaphoreType.DMA,
    pltpu.SemaphoreType.DMA,
]

_hop1 = pl.kernel(
    _hop1_body,
    out_type=jax.ShapeDtypeStruct((NC * NPAD, H), jnp.float32),
    mesh=_mesh,
    scratch_types=list(_hop_scratch),
    compiler_params=pltpu.CompilerParams(use_tc_tiling_on_sc=False),
)

_hop2 = pl.kernel(
    _hop2_body,
    out_type=jax.ShapeDtypeStruct((NC * NPAD, H), jnp.float32),
    mesh=_mesh,
    scratch_types=(_hop_scratch[:4]
                   + [pltpu.VMEM((RS_ACC, H), jnp.float32),
                      pltpu.VMEM((RS_ACC, H), jnp.float32)]
                   + _hop_scratch[4:]),
    compiler_params=pltpu.CompilerParams(use_tc_tiling_on_sc=False),
)




def _proj_body(x_ref, w_ref, h0_ref):
    h0 = jnp.dot(x_ref[...], w_ref[...], preferred_element_type=jnp.float32)
    h0_ref[0:N, :] = h0
    h0_ref[N:NPAD, :] = jnp.zeros((TRASH, H), jnp.float32)


def _tc_proj(x, W_conv):
    return pl.pallas_call(
        _proj_body,
        out_shape=jax.ShapeDtypeStruct((NPAD, H), jnp.float32),
    )(x, W_conv)


def _prep_body(degp_ref, dis_ref, dis2_ref):
    deg = degp_ref[0:N] + degp_ref[NPAD:NPAD + N] + 1.0
    dis1 = lax.rsqrt(deg)
    dis = jnp.broadcast_to(dis1.reshape(N, 1), (N, H))
    z = jnp.zeros((TRASH, H), jnp.float32)
    dis_ref[0:N, :] = dis
    dis_ref[N:NPAD, :] = z
    dis2_ref[0:N, :] = dis * dis
    dis2_ref[N:NPAD, :] = z


def _tc_prep(degP):
    return pl.pallas_call(
        _prep_body,
        out_shape=[
            jax.ShapeDtypeStruct((NPAD, H), jnp.float32),
            jax.ShapeDtypeStruct((NPAD, H), jnp.float32),
        ],
    )(degP)


def _out_body(q_ref, p_ref, h0_ref, dis_ref, dis2_ref, bc_ref, wl_ref,
              bl_ref, out_ref):
    dis = dis_ref[0:N, :]
    g2 = dis2_ref[0:N, :] * (p_ref[0:N, :] + p_ref[NPAD:NPAD + N, :]
                             + dis * h0_ref[0:N, :])
    h2 = dis * (q_ref[0:N, :] + q_ref[NPAD:NPAD + N, :] + g2)
    a = jnp.maximum(h2 + bc_ref[...], 0.0)
    out_ref[...] = (jnp.dot(a, wl_ref[...], preferred_element_type=jnp.float32)
                    + bl_ref[...])


def _tc_out(Q, P, h0, dis, dis2, bc, wl, bl):
    return pl.pallas_call(
        _out_body,
        out_shape=jax.ShapeDtypeStruct((N, OUT), jnp.float32),
    )(Q, P, h0, dis, dis2, bc, wl, bl)


def kernel(x, edge_index, W_conv, b_conv, W_lin, b_lin):
    npad_e = EPAD - E
    pad_i = jnp.arange(npad_e, dtype=jnp.int32)
    pad = jnp.stack([(pad_i * 97) % N, N + (pad_i % TRASH)])
    er = jnp.concatenate([edge_index, pad], axis=1).reshape(2, NW, CB, CHUNK)

    h0 = _tc_proj(x, W_conv)
    degP = _deg(er)
    dis, dis2 = _tc_prep(degP)

    P = _hop1(h0, dis, er)
    Q = _hop2(h0, dis, dis2, P, er)
    out = _tc_out(Q, P, h0, dis, dis2,
                  b_conv.reshape(1, H), W_lin, b_lin.reshape(1, OUT))
    return out

# --- scband reference (transcript-rebuilt; emitter-appended) ---
"""Pipeline reference for scband-sgc2-84954453114998 (READ-ONLY COPY).

The authoritative reference and input builder live on the scoring server;
editing this copy changes nothing except your own understanding.
"""

import jax, jax.numpy as jnp
import numpy as np

N = 10000
E = 320000
D = 128
H = 16
OUT = 128
K = 2


def setup_inputs(seed: int = 0) -> dict:
    key = jax.random.key(seed)
    k1, k2, k3, k4, k5, k6 = jax.random.split(key, 6)
    x = jax.random.normal(k1, (N, D), dtype=jnp.float32)
    edge_index = jax.random.randint(k2, (2, E), 0, N, dtype=jnp.int32)
    # SGConv internal linear: in_channels -> num_hid
    W_conv = jax.random.normal(k3, (D, H), dtype=jnp.float32) * (1.0 / np.sqrt(D))
    b_conv = jnp.zeros((H,), dtype=jnp.float32)
    # output linear: num_hid -> out_channels
    W_lin = jax.random.normal(k4, (H, OUT), dtype=jnp.float32) * (1.0 / np.sqrt(H))
    b_lin = jnp.zeros((OUT,), dtype=jnp.float32)
    return {"x": x, "edge_index": edge_index, "W_conv": W_conv, "b_conv": b_conv,
            "W_lin": W_lin, "b_lin": b_lin}


def _gcn_norm(edge_index, num_nodes):
    # add self loops with weight 1, symmetric normalization (PyG gcn_norm)
    src = edge_index[0]
    dst = edge_index[1]
    loop = jnp.arange(num_nodes, dtype=src.dtype)
    src = jnp.concatenate([src, loop])
    dst = jnp.concatenate([dst, loop])
    w = jnp.ones(src.shape[0], dtype=jnp.float32)
    deg = jax.ops.segment_sum(w, dst, num_segments=num_nodes)
    deg_inv_sqrt = jnp.where(deg > 0, jax.lax.rsqrt(jnp.maximum(deg, 1e-12)), 0.0)
    norm = deg_inv_sqrt[src] * w * deg_inv_sqrt[dst]
    return src, dst, norm


def reference(x, edge_index, W_conv, b_conv, W_lin, b_lin):
    src, dst, norm = _gcn_norm(edge_index, N)
    h = x
    for _ in range(K):
        # propagate: scatter-add of normalized source features into destination nodes
        h = jax.ops.segment_sum(h[src] * norm[:, None], dst, num_segments=N)
    h = h @ W_conv + b_conv  # SGConv final linear
    h = jax.nn.relu(h)
    # dropout: identity in eval mode
    out = h @ W_lin + b_lin
    return out

if __name__ == "__main__":
    import jax
    _d = setup_inputs()
    print(jax.jit(kernel)(*tuple(_d.values())))

</pallas_src>

<mosaic_0001>
#map = affine_map<(d0, d1) -> (0, 0, 0, 0)>
#map1 = affine_map<(d0, d1) -> (0)>
module attributes {stable_mosaic.version = 14 : i64} {
  func.func @_deg_body(%arg0: i32, %arg1: i32, %arg2: memref<2x32x10x1024xi32, #tpu.memory_space<hbm>>, %arg3: memref<20224xf32, #tpu.memory_space<hbm>>, %arg4: memref<10x1024xi32, #tpu.memory_space<vmem>>, %arg5: memref<1024xf32, #tpu.memory_space<vmem>>, %arg6: memref<632xf32, #tpu.memory_space<vmem>>, %arg7: memref<10112xf32, #tpu.memory_space<vmem_shared>>) attributes {dimension_semantics = [#tpu.dimension_semantics<core_parallel>, #tpu.dimension_semantics<subcore_parallel>], iteration_bounds = array<i64: 2, 16>, scalar_prefetch = 0 : i64, scratch_operands = 4 : i64, tpu.core_type = #tpu.core_type<sc_vector_subcore>, window_params = [{transform_indices = #map}, {transform_indices = #map1}]} {
    %mul3A = arith.constant 16 : i32
    %mul3A_0 = arith.muli %arg0, %mul3A : i32
    %add3A = arith.addi %mul3A_0, %arg1 : i32
    %broadcast_in_dim3A = arith.constant 0.000000e+00 : f32
    %broadcast_in_dim3A_1 = vector.broadcast %broadcast_in_dim3A : f32 to vector<16xf32>
    %swap3A = arith.constant 0 : index
    %swap3A_2 = tpu.vector_load %arg6[%swap3A] {strides = array<i32>} : memref<632xf32, #tpu.memory_space<vmem>>, vector<16xf32>,
    %swap3A_3 = vector.shape_cast %swap3A_2 : vector<16xf32> to vector<16xf32>
    %swap3A_4 = vector.shape_cast %broadcast_in_dim3A_1 : vector<16xf32> to vector<16xf32>
    tpu.vector_store %arg6[%swap3A], %swap3A_4 {strides = array<i32>} : memref<632xf32, #tpu.memory_space<vmem>>, vector<16xf32>,
    %broadcast_in_dim3A_5 = arith.constant 0.000000e+00 : f32
    %broadcast_in_dim3A_6 = vector.broadcast %broadcast_in_dim3A_5 : f32 to vector<16xf32>
    %swap3A_7 = arith.constant 16 : index
    %swap3A_8 = tpu.vector_load %arg6[%swap3A_7] {strides = array<i32>} : memref<632xf32, #tpu.memory_space<vmem>>, vector<16xf32>,
    %swap3A_9 = vector.shape_cast %swap3A_8 : vector<16xf32> to vector<16xf32>
    %swap3A_10 = vector.shape_cast %broadcast_in_dim3A_6 : vector<16xf32> to vector<16xf32>
    tpu.vector_store %arg6[%swap3A_7], %swap3A_10 {strides = array<i32>} : memref<632xf32, #tpu.memory_space<vmem>>, vector<16xf32>,
    %broadcast_in_dim3A_11 = arith.constant 0.000000e+00 : f32
    %broadcast_in_dim3A_12 = vector.broadcast %broadcast_in_dim3A_11 : f32 to vector<16xf32>
    %swap3A_13 = arith.constant 32 : index
    %swap3A_14 = tpu.vector_load %arg6[%swap3A_13] {strides = array<i32>} : memref<632xf32, #tpu.memory_space<vmem>>, vector<16xf32>,
    %swap3A_15 = vector.shape_cast %swap3A_14 : vector<16xf32> to vector<16xf32>
    %swap3A_16 = vector.shape_cast %broadcast_in_dim3A_12 : vector<16xf32> to vector<16xf32>
    tpu.vector_store %arg6[%swap3A_13], %swap3A_16 {strides = array<i32>} : memref<632xf32, #tpu.memory_space<vmem>>, vector<16xf32>,
    %broadcast_in_dim3A_17 = arith.constant 0.000000e+00 : f32
    %broadcast_in_dim3A_18 = vector.broadcast %broadcast_in_dim3A_17 : f32 to vector<16xf32>
    %swap3A_19 = arith.constant 48 : index
    %swap3A_20 = tpu.vector_load %arg6[%swap3A_19] {strides = array<i32>} : memref<632xf32, #tpu.memory_space<vmem>>, vector<16xf32>,
    %swap3A_21 = vector.shape_cast %swap3A_20 : vector<16xf32> to vector<16xf32>
    %swap3A_22 = vector.shape_cast %broadcast_in_dim3A_18 : vector<16xf32> to vector<16xf32>
    tpu.vector_store %arg6[%swap3A_19], %swap3A_22 {strides = array<i32>} : memref<632xf32, #tpu.memory_space<vmem>>, vector<16xf32>,
    %broadcast_in_dim3A_23 = arith.constant 0.000000e+00 : f32
    %broadcast_in_dim3A_24 = vector.broadcast %broadcast_in_dim3A_23 : f32 to vector<16xf32>
    %swap3A_25 = arith.constant 64 : index
    %swap3A_26 = tpu.vector_load %arg6[%swap3A_25] {strides = array<i32>} : memref<632xf32, #tpu.memory_space<vmem>>, vector<16xf32>,
    %swap3A_27 = vector.shape_cast %swap3A_26 : vector<16xf32> to vector<16xf32>
    %swap3A_28 = vector.shape_cast %broadcast_in_dim3A_24 : vector<16xf32> to vector<16xf32>
    tpu.vector_store %arg6[%swap3A_25], %swap3A_28 {strides = array<i32>} : memref<632xf32, #tpu.memory_space<vmem>>, vector<16xf32>,
    %broadcast_in_dim3A_29 = arith.constant 0.000000e+00 : f32
    %broadcast_in_dim3A_30 = vector.broadcast %broadcast_in_dim3A_29 : f32 to vector<16xf32>
    %swap3A_31 = arith.constant 80 : index
    %swap3A_32 = tpu.vector_load %arg6[%swap3A_31] {strides = array<i32>} : memref<632xf32, #tpu.memory_space<vmem>>, vector<16xf32>,
    %swap3A_33 = vector.shape_cast %swap3A_32 : vector<16xf32> to vector<16xf32>
    %swap3A_34 = vector.shape_cast %broadcast_in_dim3A_30 : vector<16xf32> to vector<16xf32>
    tpu.vector_store %arg6[%swap3A_31], %swap3A_34 {strides = array<i32>} : memref<632xf32, #tpu.memory_space<vmem>>, vector<16xf32>,
    %broadcast_in_dim3A_35 = arith.constant 0.000000e+00 : f32
    %broadcast_in_dim3A_36 = vector.broadcast %broadcast_in_dim3A_35 : f32 to vector<16xf32>
    %swap3A_37 = arith.constant 96 : index
    %swap3A_38 = tpu.vector_load %arg6[%swap3A_37] {strides = array<i32>} : memref<632xf32, #tpu.memory_space<vmem>>, vector<16xf32>,
    %swap3A_39 = vector.shape_cast %swap3A_38 : vector<16xf32> to vector<16xf32>
    %swap3A_40 = vector.shape_cast %broadcast_in_dim3A_36 : vector<16xf32> to vector<16xf32>
    tpu.vector_store %arg6[%swap3A_37], %swap3A_40 {strides = array<i32>} : memref<632xf32, #tpu.memory_space<vmem>>, vector<16xf32>,
    %broadcast_in_dim3A_41 = arith.constant 0.000000e+00 : f32
    %broadcast_in_dim3A_42 = vector.broadcast %broadcast_in_dim3A_41 : f32 to vector<16xf32>
    %swap3A_43 = arith.constant 112 : index
    %swap3A_44 = tpu.vector_load %arg6[%swap3A_43] {strides = array<i32>} : memref<632xf32, #tpu.memory_space<vmem>>, vector<16xf32>,
    %swap3A_45 = vector.shape_cast %swap3A_44 : vector<16xf32> to vector<16xf32>
    %swap3A_46 = vector.shape_cast %broadcast_in_dim3A_42 : vector<16xf32> to vector<16xf32>
    tpu.vector_store %arg6[%swap3A_43], %swap3A_46 {strides = array<i32>} : memref<632xf32, #tpu.memory_space<vmem>>, vector<16xf32>,
    %broadcast_in_dim3A_47 = arith.constant 0.000000e+00 : f32
    %broadcast_in_dim3A_48 = vector.broadcast %broadcast_in_dim3A_47 : f32 to vector<16xf32>
    %swap3A_49 = arith.constant 128 : index
    %swap3A_50 = tpu.vector_load %arg6[%swap3A_49] {strides = array<i32>} : memref<632xf32, #tpu.memory_space<vmem>>, vector<16xf32>,
    %swap3A_51 = vector.shape_cast %swap3A_50 : vector<16xf32> to vector<16xf32>
    %swap3A_52 = vector.shape_cast %broadcast_in_dim3A_48 : vector<16xf32> to vector<16xf32>
    tpu.vector_store %arg6[%swap3A_49], %swap3A_52 {strides = array<i32>} : memref<632xf32, #tpu.memory_space<vmem>>, vector<16xf32>,
    %broadcast_in_dim3A_53 = arith.constant 0.000000e+00 : f32
    %broadcast_in_dim3A_54 = vector.broadcast %broadcast_in_dim3A_53 : f32 to vector<16xf32>
    %swap3A_55 = arith.constant 144 : index
    %swap3A_56 = tpu.vector_load %arg6[%swap3A_55] {strides = array<i32>} : memref<632xf32, #tpu.memory_space<vmem>>, vector<16xf32>,
    %swap3A_57 = vector.shape_cast %swap3A_56 : vector<16xf32> to vector<16xf32>
    %swap3A_58 = vector.shape_cast %broadcast_in_dim3A_54 : vector<16xf32> to vector<16xf32>
    tpu.vector_store %arg6[%swap3A_55], %swap3A_58 {strides = array<i32>} : memref<632xf32, #tpu.memory_space<vmem>>, vector<16xf32>,
    %broadcast_in_dim3A_59 = arith.constant 0.000000e+00 : f32
    %broadcast_in_dim3A_60 = vector.broadcast %broadcast_in_dim3A_59 : f32 to vector<16xf32>
    %swap3A_61 = arith.constant 160 : index
    %swap3A_62 = tpu.vector_load %arg6[%swap3A_61] {strides = array<i32>} : memref<632xf32, #tpu.memory_space<vmem>>, vector<16xf32>,
    %swap3A_63 = vector.shape_cast %swap3A_62 : vector<16xf32> to vector<16xf32>
    %swap3A_64 = vector.shape_cast %broadcast_in_dim3A_60 : vector<16xf32> to vector<16xf32>
    tpu.vector_store %arg6[%swap3A_61], %swap3A_64 {strides = array<i32>} : memref<632xf32, #tpu.memory_space<vmem>>, vector<16xf32>,
    %broadcast_in_dim3A_65 = arith.constant 0.000000e+00 : f32
    %broadcast_in_dim3A_66 = vector.broadcast %broadcast_in_dim3A_65 : f32 to vector<16xf32>
    %swap3A_67 = arith.constant 176 : index
    %swap3A_68 = tpu.vector_load %arg6[%swap3A_67] {strides = array<i32>} : memref<632xf32, #tpu.memory_space<vmem>>, vector<16xf32>,
    %swap3A_69 = vector.shape_cast %swap3A_68 : vector<16xf32> to vector<16xf32>
    %swap3A_70 = vector.shape_cast %broadcast_in_dim3A_66 : vector<16xf32> to vector<16xf32>
    tpu.vector_store %arg6[%swap3A_67], %swap3A_70 {strides = array<i32>} : memref<632xf32, #tpu.memory_space<vmem>>, vector<16xf32>,
    %broadcast_in_dim3A_71 = arith.constant 0.000000e+00 : f32
    %broadcast_in_dim3A_72 = vector.broadcast %broadcast_in_dim3A_71 : f32 to vector<16xf32>
    %swap3A_73 = arith.constant 192 : index
    %swap3A_74 = tpu.vector_load %arg6[%swap3A_73] {strides = array<i32>} : memref<632xf32, #tpu.memory_space<vmem>>, vector<16xf32>,
    %swap3A_75 = vector.shape_cast %swap3A_74 : vector<16xf32> to vector<16xf32>
    %swap3A_76 = vector.shape_cast %broadcast_in_dim3A_72 : vector<16xf32> to vector<16xf32>
    tpu.vector_store %arg6[%swap3A_73], %swap3A_76 {strides = array<i32>} : memref<632xf32, #tpu.memory_space<vmem>>, vector<16xf32>,
    %broadcast_in_dim3A_77 = arith.constant 0.000000e+00 : f32
    %broadcast_in_dim3A_78 = vector.broadcast %broadcast_in_dim3A_77 : f32 to vector<16xf32>
    %swap3A_79 = arith.constant 208 : index
    %swap3A_80 = tpu.vector_load %arg6[%swap3A_79] {strides = array<i32>} : memref<632xf32, #tpu.memory_space<vmem>>, vector<16xf32>,
    %swap3A_81 = vector.shape_cast %swap3A_80 : vector<16xf32> to vector<16xf32>
    %swap3A_82 = vector.shape_cast %broadcast_in_dim3A_78 : vector<16xf32> to vector<16xf32>
    tpu.vector_store %arg6[%swap3A_79], %swap3A_82 {strides = array<i32>} : memref<632xf32, #tpu.memory_space<vmem>>, vector<16xf32>,
    %broadcast_in_dim3A_83 = arith.constant 0.000000e+00 : f32
    %broadcast_in_dim3A_84 = vector.broadcast %broadcast_in_dim3A_83 : f32 to vector<16xf32>
    %swap3A_85 = arith.constant 224 : index
    %swap3A_86 = tpu.vector_load %arg6[%swap3A_85] {strides = array<i32>} : memref<632xf32, #tpu.memory_space<vmem>>, vector<16xf32>,
    %swap3A_87 = vector.shape_cast %swap3A_86 : vector<16xf32> to vector<16xf32>
    %swap3A_88 = vector.shape_cast %broadcast_in_dim3A_84 : vector<16xf32> to vector<16xf32>
    tpu.vector_store %arg6[%swap3A_85], %swap3A_88 {strides = array<i32>} : memref<632xf32, #tpu.memory_space<vmem>>, vector<16xf32>,
    %broadcast_in_dim3A_89 = arith.constant 0.000000e+00 : f32
    %broadcast_in_dim3A_90 = vector.broadcast %broadcast_in_dim3A_89 : f32 to vector<16xf32>
    %swap3A_91 = arith.constant 240 : index
    %swap3A_92 = tpu.vector_load %arg6[%swap3A_91] {strides = array<i32>} : memref<632xf32, #tpu.memory_space<vmem>>, vector<16xf32>,
    %swap3A_93 = vector.shape_cast %swap3A_92 : vector<16xf32> to vector<16xf32>
    %swap3A_94 = vector.shape_cast %broadcast_in_dim3A_90 : vector<16xf32> to vector<16xf32>
    tpu.vector_store %arg6[%swap3A_91], %swap3A_94 {strides = array<i32>} : memref<632xf32, #tpu.memory_space<vmem>>, vector<16xf32>,
    %broadcast_in_dim3A_95 = arith.constant 0.000000e+00 : f32
    %broadcast_in_dim3A_96 = vector.broadcast %broadcast_in_dim3A_95 : f32 to vector<16xf32>
    %swap3A_97 = arith.constant 256 : index
    %swap3A_98 = tpu.vector_load %arg6[%swap3A_97] {strides = array<i32>} : memref<632xf32, #tpu.memory_space<vmem>>, vector<16xf32>,
    %swap3A_99 = vector.shape_cast %swap3A_98 : vector<16xf32> to vector<16xf32>
    %swap3A_100 = vector.shape_cast %broadcast_in_dim3A_96 : vector<16xf32> to vector<16xf32>
    tpu.vector_store %arg6[%swap3A_97], %swap3A_100 {strides = array<i32>} : memref<632xf32, #tpu.memory_space<vmem>>, vector<16xf32>,
    %broadcast_in_dim3A_101 = arith.constant 0.000000e+00 : f32
    %broadcast_in_dim3A_102 = vector.broadcast %broadcast_in_dim3A_101 : f32 to vector<16xf32>
    %swap3A_103 = arith.constant 272 : index
    %swap3A_104 = tpu.vector_load %arg6[%swap3A_103] {strides = array<i32>} : memref<632xf32, #tpu.memory_space<vmem>>, vector<16xf32>,
    %swap3A_105 = vector.shape_cast %swap3A_104 : vector<16xf32> to vector<16xf32>
    %swap3A_106 = vector.shape_cast %broadcast_in_dim3A_102 : vector<16xf32> to vector<16xf32>
    tpu.vector_store %arg6[%swap3A_103], %swap3A_106 {strides = array<i32>} : memref<632xf32, #tpu.memory_space<vmem>>, vector<16xf32>,
    %broadcast_in_dim3A_107 = arith.constant 0.000000e+00 : f32
    %broadcast_in_dim3A_108 = vector.broadcast %broadcast_in_dim3A_107 : f32 to vector<16xf32>
    %swap3A_109 = arith.constant 288 : index
    %swap3A_110 = tpu.vector_load %arg6[%swap3A_109] {strides = array<i32>} : memref<632xf32, #tpu.memory_space<vmem>>, vector<16xf32>,
    %swap3A_111 = vector.shape_cast %swap3A_110 : vector<16xf32> to vector<16xf32>
    %swap3A_112 = vector.shape_cast %broadcast_in_dim3A_108 : vector<16xf32> to vector<16xf32>
    tpu.vector_store %arg6[%swap3A_109], %swap3A_112 {strides = array<i32>} : memref<632xf32, #tpu.memory_space<vmem>>, vector<16xf32>,
    %broadcast_in_dim3A_113 = arith.constant 0.000000e+00 : f32
    %broadcast_in_dim3A_114 = vector.broadcast %broadcast_in_dim3A_113 : f32 to vector<16xf32>
    %swap3A_115 = arith.constant 304 : index
    %swap3A_116 = tpu.vector_load %arg6[%swap3A_115] {strides = array<i32>} : memref<632xf32, #tpu.memory_space<vmem>>, vector<16xf32>,
    %swap3A_117 = vector.shape_cast %swap3A_116 : vector<16xf32> to vector<16xf32>
    %swap3A_118 = vector.shape_cast %broadcast_in_dim3A_114 : vector<16xf32> to vector<16xf32>
    tpu.vector_store %arg6[%swap3A_115], %swap3A_118 {strides = array<i32>} : memref<632xf32, #tpu.memory_space<vmem>>, vector<16xf32>,
    %broadcast_in_dim3A_119 = arith.constant 0.000000e+00 : f32
    %broadcast_in_dim3A_120 = vector.broadcast %broadcast_in_dim3A_119 : f32 to vector<16xf32>
    %swap3A_121 = arith.constant 320 : index
    %swap3A_122 = tpu.vector_load %arg6[%swap3A_121] {strides = array<i32>} : memref<632xf32, #tpu.memory_space<vmem>>, vector<16xf32>,
    %swap3A_123 = vector.shape_cast %swap3A_122 : vector<16xf32> to vector<16xf32>
    %swap3A_124 = vector.shape_cast %broadcast_in_dim3A_120 : vector<16xf32> to vector<16xf32>
    tpu.vector_store %arg6[%swap3A_121], %swap3A_124 {strides = array<i32>} : memref<632xf32, #tpu.memory_space<vmem>>, vector<16xf32>,
    %broadcast_in_dim3A_125 = arith.constant 0.000000e+00 : f32
    %broadcast_in_dim3A_126 = vector.broadcast %broadcast_in_dim3A_125 : f32 to vector<16xf32>
    %swap3A_127 = arith.constant 336 : index
    %swap3A_128 = tpu.vector_load %arg6[%swap3A_127] {strides = array<i32>} : memref<632xf32, #tpu.memory_space<vmem>>, vector<16xf32>,
    %swap3A_129 = vector.shape_cast %swap3A_128 : vector<16xf32> to vector<16xf32>
    %swap3A_130 = vector.shape_cast %broadcast_in_dim3A_126 : vector<16xf32> to vector<16xf32>
    tpu.vector_store %arg6[%swap3A_127], %swap3A_130 {strides = array<i32>} : memref<632xf32, #tpu.memory_space<vmem>>, vector<16xf32>,
    %broadcast_in_dim3A_131 = arith.constant 0.000000e+00 : f32
    %broadcast_in_dim3A_132 = vector.broadcast %broadcast_in_dim3A_131 : f32 to vector<16xf32>
    %swap3A_133 = arith.constant 352 : index
    %swap3A_134 = tpu.vector_load %arg6[%swap3A_133] {strides = array<i32>} : memref<632xf32, #tpu.memory_space<vmem>>, vector<16xf32>,
    %swap3A_135 = vector.shape_cast %swap3A_134 : vector<16xf32> to vector<16xf32>
    %swap3A_136 = vector.shape_cast %broadcast_in_dim3A_132 : vector<16xf32> to vector<16xf32>
    tpu.vector_store %arg6[%swap3A_133], %swap3A_136 {strides = array<i32>} : memref<632xf32, #tpu.memory_space<vmem>>, vector<16xf32>,
    %broadcast_in_dim3A_137 = arith.constant 0.000000e+00 : f32
    %broadcast_in_dim3A_138 = vector.broadcast %broadcast_in_dim3A_137 : f32 to vector<16xf32>
    %swap3A_139 = arith.constant 368 : index
    %swap3A_140 = tpu.vector_load %arg6[%swap3A_139] {strides = array<i32>} : memref<632xf32, #tpu.memory_space<vmem>>, vector<16xf32>,
    %swap3A_141 = vector.shape_cast %swap3A_140 : vector<16xf32> to vector<16xf32>
    %swap3A_142 = vector.shape_cast %broadcast_in_dim3A_138 : vector<16xf32> to vector<16xf32>
    tpu.vector_store %arg6[%swap3A_139], %swap3A_142 {strides = array<i32>} : memref<632xf32, #tpu.memory_space<vmem>>, vector<16xf32>,
    %broadcast_in_dim3A_143 = arith.constant 0.000000e+00 : f32
    %broadcast_in_dim3A_144 = vector.broadcast %broadcast_in_dim3A_143 : f32 to vector<16xf32>
    %swap3A_145 = arith.constant 384 : index
    %swap3A_146 = tpu.vector_load %arg6[%swap3A_145] {strides = array<i32>} : memref<632xf32, #tpu.memory_space<vmem>>, vector<16xf32>,
    %swap3A_147 = vector.shape_cast %swap3A_146 : vector<16xf32> to vector<16xf32>
    %swap3A_148 = vector.shape_cast %broadcast_in_dim3A_144 : vector<16xf32> to vector<16xf32>
    tpu.vector_store %arg6[%swap3A_145], %swap3A_148 {strides = array<i32>} : memref<632xf32, #tpu.memory_space<vmem>>, vector<16xf32>,
    %broadcast_in_dim3A_149 = arith.constant 0.000000e+00 : f32
    %broadcast_in_dim3A_150 = vector.broadcast %broadcast_in_dim3A_149 : f32 to vector<16xf32>
    %swap3A_151 = arith.constant 400 : index
    %swap3A_152 = tpu.vector_load %arg6[%swap3A_151] {strides = array<i32>} : memref<632xf32, #tpu.memory_space<vmem>>, vector<16xf32>,
    %swap3A_153 = vector.shape_cast %swap3A_152 : vector<16xf32> to vector<16xf32>
    %swap3A_154 = vector.shape_cast %broadcast_in_dim3A_150 : vector<16xf32> to vector<16xf32>
    tpu.vector_store %arg6[%swap3A_151], %swap3A_154 {strides = array<i32>} : memref<632xf32, #tpu.memory_space<vmem>>, vector<16xf32>,
    %broadcast_in_dim3A_155 = arith.constant 0.000000e+00 : f32
    %broadcast_in_dim3A_156 = vector.broadcast %broadcast_in_dim3A_155 : f32 to vector<16xf32>
    %swap3A_157 = arith.constant 416 : index
    %swap3A_158 = tpu.vector_load %arg6[%swap3A_157] {strides = array<i32>} : memref<632xf32, #tpu.memory_space<vmem>>, vector<16xf32>,
    %swap3A_159 = vector.shape_cast %swap3A_158 : vector<16xf32> to vector<16xf32>
    %swap3A_160 = vector.shape_cast %broadcast_in_dim3A_156 : vector<16xf32> to vector<16xf32>
    tpu.vector_store %arg6[%swap3A_157], %swap3A_160 {strides = array<i32>} : memref<632xf32, #tpu.memory_space<vmem>>, vector<16xf32>,
    %broadcast_in_dim3A_161 = arith.constant 0.000000e+00 : f32
    %broadcast_in_dim3A_162 = vector.broadcast %broadcast_in_dim3A_161 : f32 to vector<16xf32>
    %swap3A_163 = arith.constant 432 : index
    %swap3A_164 = tpu.vector_load %arg6[%swap3A_163] {strides = array<i32>} : memref<632xf32, #tpu.memory_space<vmem>>, vector<16xf32>,
    %swap3A_165 = vector.shape_cast %swap3A_164 : vector<16xf32> to vector<16xf32>
    %swap3A_166 = vector.shape_cast %broadcast_in_dim3A_162 : vector<16xf32> to vector<16xf32>
    tpu.vector_store %arg6[%swap3A_163], %swap3A_166 {strides = array<i32>} : memref<632xf32, #tpu.memory_space<vmem>>, vector<16xf32>,
    %broadcast_in_dim3A_167 = arith.constant 0.000000e+00 : f32
    %broadcast_in_dim3A_168 = vector.broadcast %broadcast_in_dim3A_167 : f32 to vector<16xf32>
    %swap3A_169 = arith.constant 448 : index
    %swap3A_170 = tpu.vector_load %arg6[%swap3A_169] {strides = array<i32>} : memref<632xf32, #tpu.memory_space<vmem>>, vector<16xf32>,
    %swap3A_171 = vector.shape_cast %swap3A_170 : vector<16xf32> to vector<16xf32>
    %swap3A_172 = vector.shape_cast %broadcast_in_dim3A_168 : vector<16xf32> to vector<16xf32>
    tpu.vector_store %arg6[%swap3A_169], %swap3A_172 {strides = array<i32>} : memref<632xf32, #tpu.memory_space<vmem>>, vector<16xf32>,
    %broadcast_in_dim3A_173 = arith.constant 0.000000e+00 : f32
    %broadcast_in_dim3A_174 = vector.broadcast %broadcast_in_dim3A_173 : f32 to vector<16xf32>
    %swap3A_175 = arith.constant 464 : index
    %swap3A_176 = tpu.vector_load %arg6[%swap3A_175] {strides = array<i32>} : memref<632xf32, #tpu.memory_space<vmem>>, vector<16xf32>,
    %swap3A_177 = vector.shape_cast %swap3A_176 : vector<16xf32> to vector<16xf32>
    %swap3A_178 = vector.shape_cast %broadcast_in_dim3A_174 : vector<16xf32> to vector<16xf32>
    tpu.vector_store %arg6[%swap3A_175], %swap3A_178 {strides = array<i32>} : memref<632xf32, #tpu.memory_space<vmem>>, vector<16xf32>,
    %broadcast_in_dim3A_179 = arith.constant 0.000000e+00 : f32
    %broadcast_in_dim3A_180 = vector.broadcast %broadcast_in_dim3A_179 : f32 to vector<16xf32>
    %swap3A_181 = arith.constant 480 : index
    %swap3A_182 = tpu.vector_load %arg6[%swap3A_181] {strides = array<i32>} : memref<632xf32, #tpu.memory_space<vmem>>, vector<16xf32>,
    %swap3A_183 = vector.shape_cast %swap3A_182 : vector<16xf32> to vector<16xf32>
    %swap3A_184 = vector.shape_cast %broadcast_in_dim3A_180 : vector<16xf32> to vector<16xf32>
    tpu.vector_store %arg6[%swap3A_181], %swap3A_184 {strides = array<i32>} : memref<632xf32, #tpu.memory_space<vmem>>, vector<16xf32>,
    %broadcast_in_dim3A_185 = arith.constant 0.000000e+00 : f32
    %broadcast_in_dim3A_186 = vector.broadcast %broadcast_in_dim3A_185 : f32 to vector<16xf32>
    %swap3A_187 = arith.constant 496 : index
    %swap3A_188 = tpu.vector_load %arg6[%swap3A_187] {strides = array<i32>} : memref<632xf32, #tpu.memory_space<vmem>>, vector<16xf32>,
    %swap3A_189 = vector.shape_cast %swap3A_188 : vector<16xf32> to vector<16xf32>
    %swap3A_190 = vector.shape_cast %broadcast_in_dim3A_186 : vector<16xf32> to vector<16xf32>
    tpu.vector_store %arg6[%swap3A_187], %swap3A_190 {strides = array<i32>} : memref<632xf32, #tpu.memory_space<vmem>>, vector<16xf32>,
    %broadcast_in_dim3A_191 = arith.constant 0.000000e+00 : f32
    %broadcast_in_dim3A_192 = vector.broadcast %broadcast_in_dim3A_191 : f32 to vector<16xf32>
    %swap3A_193 = arith.constant 512 : index
    %swap3A_194 = tpu.vector_load %arg6[%swap3A_193] {strides = array<i32>} : memref<632xf32, #tpu.memory_space<vmem>>, vector<16xf32>,
    %swap3A_195 = vector.shape_cast %swap3A_194 : vector<16xf32> to vector<16xf32>
    %swap3A_196 = vector.shape_cast %broadcast_in_dim3A_192 : vector<16xf32> to vector<16xf32>
    tpu.vector_store %arg6[%swap3A_193], %swap3A_196 {strides = array<i32>} : memref<632xf32, #tpu.memory_space<vmem>>, vector<16xf32>,
    %broadcast_in_dim3A_197 = arith.constant 0.000000e+00 : f32
    %broadcast_in_dim3A_198 = vector.broadcast %broadcast_in_dim3A_197 : f32 to vector<16xf32>
    %swap3A_199 = arith.constant 528 : index
    %swap3A_200 = tpu.vector_load %arg6[%swap3A_199] {strides = array<i32>} : memref<632xf32, #tpu.memory_space<vmem>>, vector<16xf32>,
    %swap3A_201 = vector.shape_cast %swap3A_200 : vector<16xf32> to vector<16xf32>
    %swap3A_202 = vector.shape_cast %broadcast_in_dim3A_198 : vector<16xf32> to vector<16xf32>
    tpu.vector_store %arg6[%swap3A_199], %swap3A_202 {strides = array<i32>} : memref<632xf32, #tpu.memory_space<vmem>>, vector<16xf32>,
    %broadcast_in_dim3A_203 = arith.constant 0.000000e+00 : f32
    %broadcast_in_dim3A_204 = vector.broadcast %broadcast_in_dim3A_203 : f32 to vector<16xf32>
    %swap3A_205 = arith.constant 544 : index
    %swap3A_206 = tpu.vector_load %arg6[%swap3A_205] {strides = array<i32>} : memref<632xf32, #tpu.memory_space<vmem>>, vector<16xf32>,
    %swap3A_207 = vector.shape_cast %swap3A_206 : vector<16xf32> to vector<16xf32>
    %swap3A_208 = vector.shape_cast %broadcast_in_dim3A_204 : vector<16xf32> to vector<16xf32>
    tpu.vector_store %arg6[%swap3A_205], %swap3A_208 {strides = array<i32>} : memref<632xf32, #tpu.memory_space<vmem>>, vector<16xf32>,
    %broadcast_in_dim3A_209 = arith.constant 0.000000e+00 : f32
    %broadcast_in_dim3A_210 = vector.broadcast %broadcast_in_dim3A_209 : f32 to vector<16xf32>
    %swap3A_211 = arith.constant 560 : index
    %swap3A_212 = tpu.vector_load %arg6[%swap3A_211] {strides = array<i32>} : memref<632xf32, #tpu.memory_space<vmem>>, vector<16xf32>,
    %swap3A_213 = vector.shape_cast %swap3A_212 : vector<16xf32> to vector<16xf32>
    %swap3A_214 = vector.shape_cast %broadcast_in_dim3A_210 : vector<16xf32> to vector<16xf32>
    tpu.vector_store %arg6[%swap3A_211], %swap3A_214 {strides = array<i32>} : memref<632xf32, #tpu.memory_space<vmem>>, vector<16xf32>,
    %broadcast_in_dim3A_215 = arith.constant 0.000000e+00 : f32
    %broadcast_in_dim3A_216 = vector.broadcast %broadcast_in_dim3A_215 : f32 to vector<16xf32>
    %swap3A_217 = arith.constant 576 : index
    %swap3A_218 = tpu.vector_load %arg6[%swap3A_217] {strides = array<i32>} : memref<632xf32, #tpu.memory_space<vmem>>, vector<16xf32>,
    %swap3A_219 = vector.shape_cast %swap3A_218 : vector<16xf32> to vector<16xf32>
    %swap3A_220 = vector.shape_cast %broadcast_in_dim3A_216 : vector<16xf32> to vector<16xf32>
    tpu.vector_store %arg6[%swap3A_217], %swap3A_220 {strides = array<i32>} : memref<632xf32, #tpu.memory_space<vmem>>, vector<16xf32>,
    %broadcast_in_dim3A_221 = arith.constant 0.000000e+00 : f32
    %broadcast_in_dim3A_222 = vector.broadcast %broadcast_in_dim3A_221 : f32 to vector<16xf32>
    %swap3A_223 = arith.constant 592 : index
    %swap3A_224 = tpu.vector_load %arg6[%swap3A_223] {strides = array<i32>} : memref<632xf32, #tpu.memory_space<vmem>>, vector<16xf32>,
    %swap3A_225 = vector.shape_cast %swap3A_224 : vector<16xf32> to vector<16xf32>
    %swap3A_226 = vector.shape_cast %broadcast_in_dim3A_222 : vector<16xf32> to vector<16xf32>
    tpu.vector_store %arg6[%swap3A_223], %swap3A_226 {strides = array<i32>} : memref<632xf32, #tpu.memory_space<vmem>>, vector<16xf32>,
    %broadcast_in_dim3A_227 = arith.constant 0.000000e+00 : f32
    %broadcast_in_dim3A_228 = vector.broadcast %broadcast_in_dim3A_227 : f32 to vector<16xf32>
    %swap3A_229 = arith.constant 608 : index
    %swap3A_230 = tpu.vector_load %arg6[%swap3A_229] {strides = array<i32>} : memref<632xf32, #tpu.memory_space<vmem>>, vector<16xf32>,
    %swap3A_231 = vector.shape_cast %swap3A_230 : vector<16xf32> to vector<16xf32>
    %swap3A_232 = vector.shape_cast %broadcast_in_dim3A_228 : vector<16xf32> to vector<16xf32>
    tpu.vector_store %arg6[%swap3A_229], %swap3A_232 {strides = array<i32>} : memref<632xf32, #tpu.memory_space<vmem>>, vector<16xf32>,
    %mul3A_233 = arith.constant 632 : i32
    %mul3A_234 = arith.muli %arg1, %mul3A_233 : i32
    "tpu.region"() ({
      %run_scoped3A_632 = tpu.sem_alloc : memref<!tpu.dma_semaphore, #tpu.memory_space<semaphore_mem>>
      %dma_start3A = tpu.memref_slice %arg7[%mul3A_234] : memref<10112xf32, #tpu.memory_space<vmem_shared>> -> memref<632xf32, #tpu.memory_space<vmem_shared>>
      %dma_start3A_633 = tpu.memref_slice %arg7[%mul3A_234] : memref<10112xf32, #tpu.memory_space<vmem_shared>> -> memref<632xf32, #tpu.memory_space<vmem_shared>>
      tpu.enqueue_dma source(%arg6 : memref<632xf32, #tpu.memory_space<vmem>>) target(%dma_start3A_633 : memref<632xf32, #tpu.memory_space<vmem_shared>>) target_semaphore(%run_scoped3A_632 : memref<!tpu.dma_semaphore, #tpu.memory_space<semaphore_mem>>)
      %dma_wait3A = tpu.memref_slice %arg7[%mul3A_234] : memref<10112xf32, #tpu.memory_space<vmem_shared>> -> memref<632xf32, #tpu.memory_space<vmem_shared>>
      %dma_wait3A_634 = tpu.memref_slice %arg7[%mul3A_234] : memref<10112xf32, #tpu.memory_space<vmem_shared>> -> memref<632xf32, #tpu.memory_space<vmem_shared>>
      tpu.wait_dma2 semaphore(%run_scoped3A_632 : memref<!tpu.dma_semaphore, #tpu.memory_space<semaphore_mem>>) src(%arg6 : memref<632xf32, #tpu.memory_space<vmem>>) dst(%dma_wait3A_634 : memref<632xf32, #tpu.memory_space<vmem_shared>>)
      tpu.yield
    }) : () -> ()
    %run_scoped3A = arith.constant 1 : i32
    "tpu.region"() ({
      %run_scoped3A_632 = tpu.sem_alloc : memref<!tpu.dma_semaphore, #tpu.memory_space<semaphore_mem>>
      %dma_start3A = arith.constant 0 : i32
      %dma_start3A_633 = arith.constant 0 : i32
      %dma_start3A_634 = tpu.memref_slice %arg2[%run_scoped3A, %add3A, %dma_start3A, %dma_start3A_633] : memref<2x32x10x1024xi32, #tpu.memory_space<hbm>> -> memref<1x1x10x1024xi32, #tpu.memory_space<hbm>>
      %dma_start3A_635 = tpu.memref_squeeze %dma_start3A_634 : memref<1x1x10x1024xi32, #tpu.memory_space<hbm>> -> memref<10x1024xi32, #tpu.memory_space<hbm>>
      %dma_start3A_636 = arith.constant 0 : i32
      %dma_start3A_637 = arith.constant 0 : i32
      %dma_start3A_638 = tpu.memref_slice %arg2[%run_scoped3A, %add3A, %dma_start3A_636, %dma_start3A_637] : memref<2x32x10x1024xi32, #tpu.memory_space<hbm>> -> memref<1x1x10x1024xi32, #tpu.memory_space<hbm>>
      %dma_start3A_639 = tpu.memref_squeeze %dma_start3A_638 : memref<1x1x10x1024xi32, #tpu.memory_space<hbm>> -> memref<10x1024xi32, #tpu.memory_space<hbm>>
      tpu.enqueue_dma source(%dma_start3A_639 : memref<10x1024xi32, #tpu.memory_space<hbm>>) target(%arg4 : memref<10x1024xi32, #tpu.memory_space<vmem>>) target_semaphore(%run_scoped3A_632 : memref<!tpu.dma_semaphore, #tpu.memory_space<semaphore_mem>>)
      %dma_wait3A = arith.constant 0 : i32
      %dma_wait3A_640 = arith.constant 0 : i32
      %dma_wait3A_641 = tpu.memref_slice %arg2[%run_scoped3A, %add3A, %dma_wait3A, %dma_wait3A_640] : memref<2x32x10x1024xi32, #tpu.memory_space<hbm>> -> memref<1x1x10x1024xi32, #tpu.memory_space<hbm>>
      %dma_wait3A_642 = tpu.memref_squeeze %dma_wait3A_641 : memref<1x1x10x1024xi32, #tpu.memory_space<hbm>> -> memref<10x1024xi32, #tpu.memory_space<hbm>>
      %dma_wait3A_643 = arith.constant 0 : i32
      %dma_wait3A_644 = arith.constant 0 : i32
      %dma_wait3A_645 = tpu.memref_slice %arg2[%run_scoped3A, %add3A, %dma_wait3A_643, %dma_wait3A_644] : memref<2x32x10x1024xi32, #tpu.memory_space<hbm>> -> memref<1x1x10x1024xi32, #tpu.memory_space<hbm>>
      %dma_wait3A_646 = tpu.memref_squeeze %dma_wait3A_645 : memref<1x1x10x1024xi32, #tpu.memory_space<hbm>> -> memref<10x1024xi32, #tpu.memory_space<hbm>>
      tpu.wait_dma2 semaphore(%run_scoped3A_632 : memref<!tpu.dma_semaphore, #tpu.memory_space<semaphore_mem>>) src(%dma_wait3A_646 : memref<10x1024xi32, #tpu.memory_space<hbm>>) dst(%arg4 : memref<10x1024xi32, #tpu.memory_space<vmem>>)
      tpu.yield
    }) : () -> ()
    %broadcast_in_dim3A_235 = arith.constant 1.000000e+00 : f32
    %broadcast_in_dim3A_236 = vector.broadcast %broadcast_in_dim3A_235 : f32 to vector<16xf32>
    %swap3A_237 = arith.constant 0 : index
    %swap3A_238 = tpu.vector_load %arg5[%swap3A_237] {strides = array<i32>} : memref<1024xf32, #tpu.memory_space<vmem>>, vector<16xf32>,
    %swap3A_239 = vector.shape_cast %swap3A_238 : vector<16xf32> to vector<16xf32>
    %swap3A_240 = vector.shape_cast %broadcast_in_dim3A_236 : vector<16xf32> to vector<16xf32>
    tpu.vector_store %arg5[%swap3A_237], %swap3A_240 {strides = array<i32>} : memref<1024xf32, #tpu.memory_space<vmem>>, vector<16xf32>,
    %broadcast_in_dim3A_241 = arith.constant 1.000000e+00 : f32
    %broadcast_in_dim3A_242 = vector.broadcast %broadcast_in_dim3A_241 : f32 to vector<16xf32>
    %swap3A_243 = arith.constant 16 : index
    %swap3A_244 = tpu.vector_load %arg5[%swap3A_243] {strides = array<i32>} : memref<1024xf32, #tpu.memory_space<vmem>>, vector<16xf32>,
    %swap3A_245 = vector.shape_cast %swap3A_244 : vector<16xf32> to vector<16xf32>
    %swap3A_246 = vector.shape_cast %broadcast_in_dim3A_242 : vector<16xf32> to vector<16xf32>
    tpu.vector_store %arg5[%swap3A_243], %swap3A_246 {strides = array<i32>} : memref<1024xf32, #tpu.memory_space<vmem>>, vector<16xf32>,
    %broadcast_in_dim3A_247 = arith.constant 1.000000e+00 : f32
    %broadcast_in_dim3A_248 = vector.broadcast %broadcast_in_dim3A_247 : f32 to vector<16xf32>
    %swap3A_249 = arith.constant 32 : index
    %swap3A_250 = tpu.vector_load %arg5[%swap3A_249] {strides = array<i32>} : memref<1024xf32, #tpu.memory_space<vmem>>, vector<16xf32>,
    %swap3A_251 = vector.shape_cast %swap3A_250 : vector<16xf32> to vector<16xf32>
    %swap3A_252 = vector.shape_cast %broadcast_in_dim3A_248 : vector<16xf32> to vector<16xf32>
    tpu.vector_store %arg5[%swap3A_249], %swap3A_252 {strides = array<i32>} : memref<1024xf32, #tpu.memory_space<vmem>>, vector<16xf32>,
    %broadcast_in_dim3A_253 = arith.constant 1.000000e+00 : f32
    %broadcast_in_dim3A_254 = vector.broadcast %broadcast_in_dim3A_253 : f32 to vector<16xf32>
    %swap3A_255 = arith.constant 48 : index
    %swap3A_256 = tpu.vector_load %arg5[%swap3A_255] {strides = array<i32>} : memref<1024xf32, #tpu.memory_space<vmem>>, vector<16xf32>,
    %swap3A_257 = vector.shape_cast %swap3A_256 : vector<16xf32> to vector<16xf32>
    %swap3A_258 = vector.shape_cast %broadcast_in_dim3A_254 : vector<16xf32> to vector<16xf32>
    tpu.vector_store %arg5[%swap3A_255], %swap3A_258 {strides = array<i32>} : memref<1024xf32, #tpu.memory_space<vmem>>, vector<16xf32>,
    %broadcast_in_dim3A_259 = arith.constant 1.000000e+00 : f32
    %broadcast_in_dim3A_260 = vector.broadcast %broadcast_in_dim3A_259 : f32 to vector<16xf32>
    %swap3A_261 = arith.constant 64 : index
    %swap3A_262 = tpu.vector_load %arg5[%swap3A_261] {strides = array<i32>} : memref<1024xf32, #tpu.memory_space<vmem>>, vector<16xf32>,
    %swap3A_263 = vector.shape_cast %swap3A_262 : vector<16xf32> to vector<16xf32>
    %swap3A_264 = vector.shape_cast %broadcast_in_dim3A_260 : vector<16xf32> to vector<16xf32>
    tpu.vector_store %arg5[%swap3A_261], %swap3A_264 {strides = array<i32>} : memref<1024xf32, #tpu.memory_space<vmem>>, vector<16xf32>,
    %broadcast_in_dim3A_265 = arith.constant 1.000000e+00 : f32
    %broadcast_in_dim3A_266 = vector.broadcast %broadcast_in_dim3A_265 : f32 to vector<16xf32>
    %swap3A_267 = arith.constant 80 : index
    %swap3A_268 = tpu.vector_load %arg5[%swap3A_267] {strides = array<i32>} : memref<1024xf32, #tpu.memory_space<vmem>>, vector<16xf32>,
    %swap3A_269 = vector.shape_cast %swap3A_268 : vector<16xf32> to vector<16xf32>
    %swap3A_270 = vector.shape_cast %broadcast_in_dim3A_266 : vector<16xf32> to vector<16xf32>
    tpu.vector_store %arg5[%swap3A_267], %swap3A_270 {strides = array<i32>} : memref<1024xf32, #tpu.memory_space<vmem>>, vector<16xf32>,
    %broadcast_in_dim3A_271 = arith.constant 1.000000e+00 : f32
    %broadcast_in_dim3A_272 = vector.broadcast %broadcast_in_dim3A_271 : f32 to vector<16xf32>
    %swap3A_273 = arith.constant 96 : index
    %swap3A_274 = tpu.vector_load %arg5[%swap3A_273] {strides = array<i32>} : memref<1024xf32, #tpu.memory_space<vmem>>, vector<16xf32>,
    %swap3A_275 = vector.shape_cast %swap3A_274 : vector<16xf32> to vector<16xf32>
    %swap3A_276 = vector.shape_cast %broadcast_in_dim3A_272 : vector<16xf32> to vector<16xf32>
    tpu.vector_store %arg5[%swap3A_273], %swap3A_276 {strides = array<i32>} : memref<1024xf32, #tpu.memory_space<vmem>>, vector<16xf32>,
    %broadcast_in_dim3A_277 = arith.constant 1.000000e+00 : f32
    %broadcast_in_dim3A_278 = vector.broadcast %broadcast_in_dim3A_277 : f32 to vector<16xf32>
    %swap3A_279 = arith.constant 112 : index
    %swap3A_280 = tpu.vector_load %arg5[%swap3A_279] {strides = array<i32>} : memref<1024xf32, #tpu.memory_space<vmem>>, vector<16xf32>,
    %swap3A_281 = vector.shape_cast %swap3A_280 : vector<16xf32> to vector<16xf32>
    %swap3A_282 = vector.shape_cast %broadcast_in_dim3A_278 : vector<16xf32> to vector<16xf32>
    tpu.vector_store %arg5[%swap3A_279], %swap3A_282 {strides = array<i32>} : memref<1024xf32, #tpu.memory_space<vmem>>, vector<16xf32>,
    %broadcast_in_dim3A_283 = arith.constant 1.000000e+00 : f32
    %broadcast_in_dim3A_284 = vector.broadcast %broadcast_in_dim3A_283 : f32 to vector<16xf32>
    %swap3A_285 = arith.constant 128 : index
    %swap3A_286 = tpu.vector_load %arg5[%swap3A_285] {strides = array<i32>} : memref<1024xf32, #tpu.memory_space<vmem>>, vector<16xf32>,
    %swap3A_287 = vector.shape_cast %swap3A_286 : vector<16xf32> to vector<16xf32>
    %swap3A_288 = vector.shape_cast %broadcast_in_dim3A_284 : vector<16xf32> to vector<16xf32>
    tpu.vector_store %arg5[%swap3A_285], %swap3A_288 {strides = array<i32>} : memref<1024xf32, #tpu.memory_space<vmem>>, vector<16xf32>,
    %broadcast_in_dim3A_289 = arith.constant 1.000000e+00 : f32
    %broadcast_in_dim3A_290 = vector.broadcast %broadcast_in_dim3A_289 : f32 to vector<16xf32>
    %swap3A_291 = arith.constant 144 : index
    %swap3A_292 = tpu.vector_load %arg5[%swap3A_291] {strides = array<i32>} : memref<1024xf32, #tpu.memory_space<vmem>>, vector<16xf32>,
    %swap3A_293 = vector.shape_cast %swap3A_292 : vector<16xf32> to vector<16xf32>
    %swap3A_294 = vector.shape_cast %broadcast_in_dim3A_290 : vector<16xf32> to vector<16xf32>
    tpu.vector_store %arg5[%swap3A_291], %swap3A_294 {strides = array<i32>} : memref<1024xf32, #tpu.memory_space<vmem>>, vector<16xf32>,
    %broadcast_in_dim3A_295 = arith.constant 1.000000e+00 : f32
    %broadcast_in_dim3A_296 = vector.broadcast %broadcast_in_dim3A_295 : f32 to vector<16xf32>
    %swap3A_297 = arith.constant 160 : index
    %swap3A_298 = tpu.vector_load %arg5[%swap3A_297] {strides = array<i32>} : memref<1024xf32, #tpu.memory_space<vmem>>, vector<16xf32>,
    %swap3A_299 = vector.shape_cast %swap3A_298 : vector<16xf32> to vector<16xf32>
    %swap3A_300 = vector.shape_cast %broadcast_in_dim3A_296 : vector<16xf32> to vector<16xf32>
    tpu.vector_store %arg5[%swap3A_297], %swap3A_300 {strides = array<i32>} : memref<1024xf32, #tpu.memory_space<vmem>>, vector<16xf32>,
    %broadcast_in_dim3A_301 = arith.constant 1.000000e+00 : f32
    %broadcast_in_dim3A_302 = vector.broadcast %broadcast_in_dim3A_301 : f32 to vector<16xf32>
    %swap3A_303 = arith.constant 176 : index
    %swap3A_304 = tpu.vector_load %arg5[%swap3A_303] {strides = array<i32>} : memref<1024xf32, #tpu.memory_space<vmem>>, vector<16xf32>,
    %swap3A_305 = vector.shape_cast %swap3A_304 : vector<16xf32> to vector<16xf32>
    %swap3A_306 = vector.shape_cast %broadcast_in_dim3A_302 : vector<16xf32> to vector<16xf32>
    tpu.vector_store %arg5[%swap3A_303], %swap3A_306 {strides = array<i32>} : memref<1024xf32, #tpu.memory_space<vmem>>, vector<16xf32>,
    %broadcast_in_dim3A_307 = arith.constant 1.000000e+00 : f32
    %broadcast_in_dim3A_308 = vector.broadcast %broadcast_in_dim3A_307 : f32 to vector<16xf32>
    %swap3A_309 = arith.constant 192 : index
    %swap3A_310 = tpu.vector_load %arg5[%swap3A_309] {strides = array<i32>} : memref<1024xf32, #tpu.memory_space<vmem>>, vector<16xf32>,
    %swap3A_311 = vector.shape_cast %swap3A_310 : vector<16xf32> to vector<16xf32>
    %swap3A_312 = vector.shape_cast %broadcast_in_dim3A_308 : vector<16xf32> to vector<16xf32>
    tpu.vector_store %arg5[%swap3A_309], %swap3A_312 {strides = array<i32>} : memref<1024xf32, #tpu.memory_space<vmem>>, vector<16xf32>,
    %broadcast_in_dim3A_313 = arith.constant 1.000000e+00 : f32
    %broadcast_in_dim3A_314 = vector.broadcast %broadcast_in_dim3A_313 : f32 to vector<16xf32>
    %swap3A_315 = arith.constant 208 : index
    %swap3A_316 = tpu.vector_load %arg5[%swap3A_315] {strides = array<i32>} : memref<1024xf32, #tpu.memory_space<vmem>>, vector<16xf32>,
    %swap3A_317 = vector.shape_cast %swap3A_316 : vector<16xf32> to vector<16xf32>
    %swap3A_318 = vector.shape_cast %broadcast_in_dim3A_314 : vector<16xf32> to vector<16xf32>
    tpu.vector_store %arg5[%swap3A_315], %swap3A_318 {strides = array<i32>} : memref<1024xf32, #tpu.memory_space<vmem>>, vector<16xf32>,
    %broadcast_in_dim3A_319 = arith.constant 1.000000e+00 : f32
    %broadcast_in_dim3A_320 = vector.broadcast %broadcast_in_dim3A_319 : f32 to vector<16xf32>
    %swap3A_321 = arith.constant 224 : index
    %swap3A_322 = tpu.vector_load %arg5[%swap3A_321] {strides = array<i32>} : memref<1024xf32, #tpu.memory_space<vmem>>, vector<16xf32>,
    %swap3A_323 = vector.shape_cast %swap3A_322 : vector<16xf32> to vector<16xf32>
    %swap3A_324 = vector.shape_cast %broadcast_in_dim3A_320 : vector<16xf32> to vector<16xf32>
    tpu.vector_store %arg5[%swap3A_321], %swap3A_324 {strides = array<i32>} : memref<1024xf32, #tpu.memory_space<vmem>>, vector<16xf32>,
    %broadcast_in_dim3A_325 = arith.constant 1.000000e+00 : f32
    %broadcast_in_dim3A_326 = vector.broadcast %broadcast_in_dim3A_325 : f32 to vector<16xf32>
    %swap3A_327 = arith.constant 240 : index
    %swap3A_328 = tpu.vector_load %arg5[%swap3A_327] {strides = array<i32>} : memref<1024xf32, #tpu.memory_space<vmem>>, vector<16xf32>,
    %swap3A_329 = vector.shape_cast %swap3A_328 : vector<16xf32> to vector<16xf32>
    %swap3A_330 = vector.shape_cast %broadcast_in_dim3A_326 : vector<16xf32> to vector<16xf32>
    tpu.vector_store %arg5[%swap3A_327], %swap3A_330 {strides = array<i32>} : memref<1024xf32, #tpu.memory_space<vmem>>, vector<16xf32>,
    %broadcast_in_dim3A_331 = arith.constant 1.000000e+00 : f32
    %broadcast_in_dim3A_332 = vector.broadcast %broadcast_in_dim3A_331 : f32 to vector<16xf32>
    %swap3A_333 = arith.constant 256 : index
    %swap3A_334 = tpu.vector_load %arg5[%swap3A_333] {strides = array<i32>} : memref<1024xf32, #tpu.memory_space<vmem>>, vector<16xf32>,
    %swap3A_335 = vector.shape_cast %swap3A_334 : vector<16xf32> to vector<16xf32>
    %swap3A_336 = vector.shape_cast %broadcast_in_dim3A_332 : vector<16xf32> to vector<16xf32>
    tpu.vector_store %arg5[%swap3A_333], %swap3A_336 {strides = array<i32>} : memref<1024xf32, #tpu.memory_space<vmem>>, vector<16xf32>,
    %broadcast_in_dim3A_337 = arith.constant 1.000000e+00 : f32
    %broadcast_in_dim3A_338 = vector.broadcast %broadcast_in_dim3A_337 : f32 to vector<16xf32>
    %swap3A_339 = arith.constant 272 : index
    %swap3A_340 = tpu.vector_load %arg5[%swap3A_339] {strides = array<i32>} : memref<1024xf32, #tpu.memory_space<vmem>>, vector<16xf32>,
    %swap3A_341 = vector.shape_cast %swap3A_340 : vector<16xf32> to vector<16xf32>
    %swap3A_342 = vector.shape_cast %broadcast_in_dim3A_338 : vector<16xf32> to vector<16xf32>
    tpu.vector_store %arg5[%swap3A_339], %swap3A_342 {strides = array<i32>} : memref<1024xf32, #tpu.memory_space<vmem>>, vector<16xf32>,
    %broadcast_in_dim3A_343 = arith.constant 1.000000e+00 : f32
    %broadcast_in_dim3A_344 = vector.broadcast %broadcast_in_dim3A_343 : f32 to vector<16xf32>
    %swap3A_345 = arith.constant 288 : index
    %swap3A_346 = tpu.vector_load %arg5[%swap3A_345] {strides = array<i32>} : memref<1024xf32, #tpu.memory_space<vmem>>, vector<16xf32>,
    %swap3A_347 = vector.shape_cast %swap3A_346 : vector<16xf32> to vector<16xf32>
    %swap3A_348 = vector.shape_cast %broadcast_in_dim3A_344 : vector<16xf32> to vector<16xf32>
    tpu.vector_store %arg5[%swap3A_345], %swap3A_348 {strides = array<i32>} : memref<1024xf32, #tpu.memory_space<vmem>>, vector<16xf32>,
    %broadcast_in_dim3A_349 = arith.constant 1.000000e+00 : f32
    %broadcast_in_dim3A_350 = vector.broadcast %broadcast_in_dim3A_349 : f32 to vector<16xf32>
    %swap3A_351 = arith.constant 304 : index
    %swap3A_352 = tpu.vector_load %arg5[%swap3A_351] {strides = array<i32>} : memref<1024xf32, #tpu.memory_space<vmem>>, vector<16xf32>,
    %swap3A_353 = vector.shape_cast %swap3A_352 : vector<16xf32> to vector<16xf32>
    %swap3A_354 = vector.shape_cast %broadcast_in_dim3A_350 : vector<16xf32> to vector<16xf32>
    tpu.vector_store %arg5[%swap3A_351], %swap3A_354 {strides = array<i32>} : memref<1024xf32, #tpu.memory_space<vmem>>, vector<16xf32>,
    %broadcast_in_dim3A_355 = arith.constant 1.000000e+00 : f32
    %broadcast_in_dim3A_356 = vector.broadcast %broadcast_in_dim3A_355 : f32 to vector<16xf32>
    %swap3A_357 = arith.constant 320 : index
    %swap3A_358 = tpu.vector_load %arg5[%swap3A_357] {strides = array<i32>} : memref<1024xf32, #tpu.memory_space<vmem>>, vector<16xf32>,
    %swap3A_359 = vector.shape_cast %swap3A_358 : vector<16xf32> to vector<16xf32>
    %swap3A_360 = vector.shape_cast %broadcast_in_dim3A_356 : vector<16xf32> to vector<16xf32>
    tpu.vector_store %arg5[%swap3A_357], %swap3A_360 {strides = array<i32>} : memref<1024xf32, #tpu.memory_space<vmem>>, vector<16xf32>,
    %broadcast_in_dim3A_361 = arith.constant 1.000000e+00 : f32
    %broadcast_in_dim3A_362 = vector.broadcast %broadcast_in_dim3A_361 : f32 to vector<16xf32>
    %swap3A_363 = arith.constant 336 : index
    %swap3A_364 = tpu.vector_load %arg5[%swap3A_363] {strides = array<i32>} : memref<1024xf32, #tpu.memory_space<vmem>>, vector<16xf32>,
    %swap3A_365 = vector.shape_cast %swap3A_364 : vector<16xf32> to vector<16xf32>
    %swap3A_366 = vector.shape_cast %broadcast_in_dim3A_362 : vector<16xf32> to vector<16xf32>
    tpu.vector_store %arg5[%swap3A_363], %swap3A_366 {strides = array<i32>} : memref<1024xf32, #tpu.memory_space<vmem>>, vector<16xf32>,
    %broadcast_in_dim3A_367 = arith.constant 1.000000e+00 : f32
    %broadcast_in_dim3A_368 = vector.broadcast %broadcast_in_dim3A_367 : f32 to vector<16xf32>
    %swap3A_369 = arith.constant 352 : index
    %swap3A_370 = tpu.vector_load %arg5[%swap3A_369] {strides = array<i32>} : memref<1024xf32, #tpu.memory_space<vmem>>, vector<16xf32>,
    %swap3A_371 = vector.shape_cast %swap3A_370 : vector<16xf32> to vector<16xf32>
    %swap3A_372 = vector.shape_cast %broadcast_in_dim3A_368 : vector<16xf32> to vector<16xf32>
    tpu.vector_store %arg5[%swap3A_369], %swap3A_372 {strides = array<i32>} : memref<1024xf32, #tpu.memory_space<vmem>>, vector<16xf32>,
    %broadcast_in_dim3A_373 = arith.constant 1.000000e+00 : f32
    %broadcast_in_dim3A_374 = vector.broadcast %broadcast_in_dim3A_373 : f32 to vector<16xf32>
    %swap3A_375 = arith.constant 368 : index
    %swap3A_376 = tpu.vector_load %arg5[%swap3A_375] {strides = array<i32>} : memref<1024xf32, #tpu.memory_space<vmem>>, vector<16xf32>,
    %swap3A_377 = vector.shape_cast %swap3A_376 : vector<16xf32> to vector<16xf32>
    %swap3A_378 = vector.shape_cast %broadcast_in_dim3A_374 : vector<16xf32> to vector<16xf32>
    tpu.vector_store %arg5[%swap3A_375], %swap3A_378 {strides = array<i32>} : memref<1024xf32, #tpu.memory_space<vmem>>, vector<16xf32>,
    %broadcast_in_dim3A_379 = arith.constant 1.000000e+00 : f32
    %broadcast_in_dim3A_380 = vector.broadcast %broadcast_in_dim3A_379 : f32 to vector<16xf32>
    %swap3A_381 = arith.constant 384 : index
    %swap3A_382 = tpu.vector_load %arg5[%swap3A_381] {strides = array<i32>} : memref<1024xf32, #tpu.memory_space<vmem>>, vector<16xf32>,
    %swap3A_383 = vector.shape_cast %swap3A_382 : vector<16xf32> to vector<16xf32>
    %swap3A_384 = vector.shape_cast %broadcast_in_dim3A_380 : vector<16xf32> to vector<16xf32>
    tpu.vector_store %arg5[%swap3A_381], %swap3A_384 {strides = array<i32>} : memref<1024xf32, #tpu.memory_space<vmem>>, vector<16xf32>,
    %broadcast_in_dim3A_385 = arith.constant 1.000000e+00 : f32
    %broadcast_in_dim3A_386 = vector.broadcast %broadcast_in_dim3A_385 : f32 to vector<16xf32>
    %swap3A_387 = arith.constant 400 : index
    %swap3A_388 = tpu.vector_load %arg5[%swap3A_387] {strides = array<i32>} : memref<1024xf32, #tpu.memory_space<vmem>>, vector<16xf32>,
    %swap3A_389 = vector.shape_cast %swap3A_388 : vector<16xf32> to vector<16xf32>
    %swap3A_390 = vector.shape_cast %broadcast_in_dim3A_386 : vector<16xf32> to vector<16xf32>
    tpu.vector_store %arg5[%swap3A_387], %swap3A_390 {strides = array<i32>} : memref<1024xf32, #tpu.memory_space<vmem>>, vector<16xf32>,
    %broadcast_in_dim3A_391 = arith.constant 1.000000e+00 : f32
    %broadcast_in_dim3A_392 = vector.broadcast %broadcast_in_dim3A_391 : f32 to vector<16xf32>
    %swap3A_393 = arith.constant 416 : index
    %swap3A_394 = tpu.vector_load %arg5[%swap3A_393] {strides = array<i32>} : memref<1024xf32, #tpu.memory_space<vmem>>, vector<16xf32>,
    %swap3A_395 = vector.shape_cast %swap3A_394 : vector<16xf32> to vector<16xf32>
    %swap3A_396 = vector.shape_cast %broadcast_in_dim3A_392 : vector<16xf32> to vector<16xf32>
    tpu.vector_store %arg5[%swap3A_393], %swap3A_396 {strides = array<i32>} : memref<1024xf32, #tpu.memory_space<vmem>>, vector<16xf32>,
    %broadcast_in_dim3A_397 = arith.constant 1.000000e+00 : f32
    %broadcast_in_dim3A_398 = vector.broadcast %broadcast_in_dim3A_397 : f32 to vector<16xf32>
    %swap3A_399 = arith.constant 432 : index
    %swap3A_400 = tpu.vector_load %arg5[%swap3A_399] {strides = array<i32>} : memref<1024xf32, #tpu.memory_space<vmem>>, vector<16xf32>,
    %swap3A_401 = vector.shape_cast %swap3A_400 : vector<16xf32> to vector<16xf32>
    %swap3A_402 = vector.shape_cast %broadcast_in_dim3A_398 : vector<16xf32> to vector<16xf32>
    tpu.vector_store %arg5[%swap3A_399], %swap3A_402 {strides = array<i32>} : memref<1024xf32, #tpu.memory_space<vmem>>, vector<16xf32>,
    %broadcast_in_dim3A_403 = arith.constant 1.000000e+00 : f32
    %broadcast_in_dim3A_404 = vector.broadcast %broadcast_in_dim3A_403 : f32 to vector<16xf32>
    %swap3A_405 = arith.constant 448 : index
    %swap3A_406 = tpu.vector_load %arg5[%swap3A_405] {strides = array<i32>} : memref<1024xf32, #tpu.memory_space<vmem>>, vector<16xf32>,
    %swap3A_407 = vector.shape_cast %swap3A_406 : vector<16xf32> to vector<16xf32>
    %swap3A_408 = vector.shape_cast %broadcast_in_dim3A_404 : vector<16xf32> to vector<16xf32>
    tpu.vector_store %arg5[%swap3A_405], %swap3A_408 {strides = array<i32>} : memref<1024xf32, #tpu.memory_space<vmem>>, vector<16xf32>,
    %broadcast_in_dim3A_409 = arith.constant 1.000000e+00 : f32
    %broadcast_in_dim3A_410 = vector.broadcast %broadcast_in_dim3A_409 : f32 to vector<16xf32>
    %swap3A_411 = arith.constant 464 : index
    %swap3A_412 = tpu.vector_load %arg5[%swap3A_411] {strides = array<i32>} : memref<1024xf32, #tpu.memory_space<vmem>>, vector<16xf32>,
    %swap3A_413 = vector.shape_cast %swap3A_412 : vector<16xf32> to vector<16xf32>
    %swap3A_414 = vector.shape_cast %broadcast_in_dim3A_410 : vector<16xf32> to vector<16xf32>
    tpu.vector_store %arg5[%swap3A_411], %swap3A_414 {strides = array<i32>} : memref<1024xf32, #tpu.memory_space<vmem>>, vector<16xf32>,
    %broadcast_in_dim3A_415 = arith.constant 1.000000e+00 : f32
    %broadcast_in_dim3A_416 = vector.broadcast %broadcast_in_dim3A_415 : f32 to vector<16xf32>
    %swap3A_417 = arith.constant 480 : index
    %swap3A_418 = tpu.vector_load %arg5[%swap3A_417] {strides = array<i32>} : memref<1024xf32, #tpu.memory_space<vmem>>, vector<16xf32>,
    %swap3A_419 = vector.shape_cast %swap3A_418 : vector<16xf32> to vector<16xf32>
    %swap3A_420 = vector.shape_cast %broadcast_in_dim3A_416 : vector<16xf32> to vector<16xf32>
    tpu.vector_store %arg5[%swap3A_417], %swap3A_420 {strides = array<i32>} : memref<1024xf32, #tpu.memory_space<vmem>>, vector<16xf32>,
    %broadcast_in_dim3A_421 = arith.constant 1.000000e+00 : f32
    %broadcast_in_dim3A_422 = vector.broadcast %broadcast_in_dim3A_421 : f32 to vector<16xf32>
    %swap3A_423 = arith.constant 496 : index
    %swap3A_424 = tpu.vector_load %arg5[%swap3A_423] {strides = array<i32>} : memref<1024xf32, #tpu.memory_space<vmem>>, vector<16xf32>,
    %swap3A_425 = vector.shape_cast %swap3A_424 : vector<16xf32> to vector<16xf32>
    %swap3A_426 = vector.shape_cast %broadcast_in_dim3A_422 : vector<16xf32> to vector<16xf32>
    tpu.vector_store %arg5[%swap3A_423], %swap3A_426 {strides = array<i32>} : memref<1024xf32, #tpu.memory_space<vmem>>, vector<16xf32>,
    %broadcast_in_dim3A_427 = arith.constant 1.000000e+00 : f32
    %broadcast_in_dim3A_428 = vector.broadcast %broadcast_in_dim3A_427 : f32 to vector<16xf32>
    %swap3A_429 = arith.constant 512 : index
    %swap3A_430 = tpu.vector_load %arg5[%swap3A_429] {strides = array<i32>} : memref<1024xf32, #tpu.memory_space<vmem>>, vector<16xf32>,
    %swap3A_431 = vector.shape_cast %swap3A_430 : vector<16xf32> to vector<16xf32>
    %swap3A_432 = vector.shape_cast %broadcast_in_dim3A_428 : vector<16xf32> to vector<16xf32>
    tpu.vector_store %arg5[%swap3A_429], %swap3A_432 {strides = array<i32>} : memref<1024xf32, #tpu.memory_space<vmem>>, vector<16xf32>,
    %broadcast_in_dim3A_433 = arith.constant 1.000000e+00 : f32
    %broadcast_in_dim3A_434 = vector.broadcast %broadcast_in_dim3A_433 : f32 to vector<16xf32>
    %swap3A_435 = arith.constant 528 : index
    %swap3A_436 = tpu.vector_load %arg5[%swap3A_435] {strides = array<i32>} : memref<1024xf32, #tpu.memory_space<vmem>>, vector<16xf32>,
    %swap3A_437 = vector.shape_cast %swap3A_436 : vector<16xf32> to vector<16xf32>
    %swap3A_438 = vector.shape_cast %broadcast_in_dim3A_434 : vector<16xf32> to vector<16xf32>
    tpu.vector_store %arg5[%swap3A_435], %swap3A_438 {strides = array<i32>} : memref<1024xf32, #tpu.memory_space<vmem>>, vector<16xf32>,
    %broadcast_in_dim3A_439 = arith.constant 1.000000e+00 : f32
    %broadcast_in_dim3A_440 = vector.broadcast %broadcast_in_dim3A_439 : f32 to vector<16xf32>
    %swap3A_441 = arith.constant 544 : index
    %swap3A_442 = tpu.vector_load %arg5[%swap3A_441] {strides = array<i32>} : memref<1024xf32, #tpu.memory_space<vmem>>, vector<16xf32>,
    %swap3A_443 = vector.shape_cast %swap3A_442 : vector<16xf32> to vector<16xf32>
    %swap3A_444 = vector.shape_cast %broadcast_in_dim3A_440 : vector<16xf32> to vector<16xf32>
    tpu.vector_store %arg5[%swap3A_441], %swap3A_444 {strides = array<i32>} : memref<1024xf32, #tpu.memory_space<vmem>>, vector<16xf32>,
    %broadcast_in_dim3A_445 = arith.constant 1.000000e+00 : f32
    %broadcast_in_dim3A_446 = vector.broadcast %broadcast_in_dim3A_445 : f32 to vector<16xf32>
    %swap3A_447 = arith.constant 560 : index
    %swap3A_448 = tpu.vector_load %arg5[%swap3A_447] {strides = array<i32>} : memref<1024xf32, #tpu.memory_space<vmem>>, vector<16xf32>,
    %swap3A_449 = vector.shape_cast %swap3A_448 : vector<16xf32> to vector<16xf32>
    %swap3A_450 = vector.shape_cast %broadcast_in_dim3A_446 : vector<16xf32> to vector<16xf32>
    tpu.vector_store %arg5[%swap3A_447], %swap3A_450 {strides = array<i32>} : memref<1024xf32, #tpu.memory_space<vmem>>, vector<16xf32>,
    %broadcast_in_dim3A_451 = arith.constant 1.000000e+00 : f32
    %broadcast_in_dim3A_452 = vector.broadcast %broadcast_in_dim3A_451 : f32 to vector<16xf32>
    %swap3A_453 = arith.constant 576 : index
    %swap3A_454 = tpu.vector_load %arg5[%swap3A_453] {strides = array<i32>} : memref<1024xf32, #tpu.memory_space<vmem>>, vector<16xf32>,
    %swap3A_455 = vector.shape_cast %swap3A_454 : vector<16xf32> to vector<16xf32>
    %swap3A_456 = vector.shape_cast %broadcast_in_dim3A_452 : vector<16xf32> to vector<16xf32>
    tpu.vector_store %arg5[%swap3A_453], %swap3A_456 {strides = array<i32>} : memref<1024xf32, #tpu.memory_space<vmem>>, vector<16xf32>,
    %broadcast_in_dim3A_457 = arith.constant 1.000000e+00 : f32
    %broadcast_in_dim3A_458 = vector.broadcast %broadcast_in_dim3A_457 : f32 to vector<16xf32>
    %swap3A_459 = arith.constant 592 : index
    %swap3A_460 = tpu.vector_load %arg5[%swap3A_459] {strides = array<i32>} : memref<1024xf32, #tpu.memory_space<vmem>>, vector<16xf32>,
    %swap3A_461 = vector.shape_cast %swap3A_460 : vector<16xf32> to vector<16xf32>
    %swap3A_462 = vector.shape_cast %broadcast_in_dim3A_458 : vector<16xf32> to vector<16xf32>
    tpu.vector_store %arg5[%swap3A_459], %swap3A_462 {strides = array<i32>} : memref<1024xf32, #tpu.memory_space<vmem>>, vector<16xf32>,
    %broadcast_in_dim3A_463 = arith.constant 1.000000e+00 : f32
    %broadcast_in_dim3A_464 = vector.broadcast %broadcast_in_dim3A_463 : f32 to vector<16xf32>
    %swap3A_465 = arith.constant 608 : index
    %swap3A_466 = tpu.vector_load %arg5[%swap3A_465] {strides = array<i32>} : memref<1024xf32, #tpu.memory_space<vmem>>, vector<16xf32>,
    %swap3A_467 = vector.shape_cast %swap3A_466 : vector<16xf32> to vector<16xf32>
    %swap3A_468 = vector.shape_cast %broadcast_in_dim3A_464 : vector<16xf32> to vector<16xf32>
    tpu.vector_store %arg5[%swap3A_465], %swap3A_468 {strides = array<i32>} : memref<1024xf32, #tpu.memory_space<vmem>>, vector<16xf32>,
    %broadcast_in_dim3A_469 = arith.constant 1.000000e+00 : f32
    %broadcast_in_dim3A_470 = vector.broadcast %broadcast_in_dim3A_469 : f32 to vector<16xf32>
    %swap3A_471 = arith.constant 624 : index
    %swap3A_472 = tpu.vector_load %arg5[%swap3A_471] {strides = array<i32>} : memref<1024xf32, #tpu.memory_space<vmem>>, vector<16xf32>,
    %swap3A_473 = vector.shape_cast %swap3A_472 : vector<16xf32> to vector<16xf32>
    %swap3A_474 = vector.shape_cast %broadcast_in_dim3A_470 : vector<16xf32> to vector<16xf32>
    tpu.vector_store %arg5[%swap3A_471], %swap3A_474 {strides = array<i32>} : memref<1024xf32, #tpu.memory_space<vmem>>, vector<16xf32>,
    %broadcast_in_dim3A_475 = arith.constant 1.000000e+00 : f32
    %broadcast_in_dim3A_476 = vector.broadcast %broadcast_in_dim3A_475 : f32 to vector<16xf32>
    %swap3A_477 = arith.constant 640 : index
    %swap3A_478 = tpu.vector_load %arg5[%swap3A_477] {strides = array<i32>} : memref<1024xf32, #tpu.memory_space<vmem>>, vector<16xf32>,
    %swap3A_479 = vector.shape_cast %swap3A_478 : vector<16xf32> to vector<16xf32>
    %swap3A_480 = vector.shape_cast %broadcast_in_dim3A_476 : vector<16xf32> to vector<16xf32>
    tpu.vector_store %arg5[%swap3A_477], %swap3A_480 {strides = array<i32>} : memref<1024xf32, #tpu.memory_space<vmem>>, vector<16xf32>,
    %broadcast_in_dim3A_481 = arith.constant 1.000000e+00 : f32
    %broadcast_in_dim3A_482 = vector.broadcast %broadcast_in_dim3A_481 : f32 to vector<16xf32>
    %swap3A_483 = arith.constant 656 : index
    %swap3A_484 = tpu.vector_load %arg5[%swap3A_483] {strides = array<i32>} : memref<1024xf32, #tpu.memory_space<vmem>>, vector<16xf32>,
    %swap3A_485 = vector.shape_cast %swap3A_484 : vector<16xf32> to vector<16xf32>
    %swap3A_486 = vector.shape_cast %broadcast_in_dim3A_482 : vector<16xf32> to vector<16xf32>
    tpu.vector_store %arg5[%swap3A_483], %swap3A_486 {strides = array<i32>} : memref<1024xf32, #tpu.memory_space<vmem>>, vector<16xf32>,
    %broadcast_in_dim3A_487 = arith.constant 1.000000e+00 : f32
    %broadcast_in_dim3A_488 = vector.broadcast %broadcast_in_dim3A_487 : f32 to vector<16xf32>
    %swap3A_489 = arith.constant 672 : index
    %swap3A_490 = tpu.vector_load %arg5[%swap3A_489] {strides = array<i32>} : memref<1024xf32, #tpu.memory_space<vmem>>, vector<16xf32>,
    %swap3A_491 = vector.shape_cast %swap3A_490 : vector<16xf32> to vector<16xf32>
    %swap3A_492 = vector.shape_cast %broadcast_in_dim3A_488 : vector<16xf32> to vector<16xf32>
    tpu.vector_store %arg5[%swap3A_489], %swap3A_492 {strides = array<i32>} : memref<1024xf32, #tpu.memory_space<vmem>>, vector<16xf32>,
    %broadcast_in_dim3A_493 = arith.constant 1.000000e+00 : f32
    %broadcast_in_dim3A_494 = vector.broadcast %broadcast_in_dim3A_493 : f32 to vector<16xf32>
    %swap3A_495 = arith.constant 688 : index
    %swap3A_496 = tpu.vector_load %arg5[%swap3A_495] {strides = array<i32>} : memref<1024xf32, #tpu.memory_space<vmem>>, vector<16xf32>,
    %swap3A_497 = vector.shape_cast %swap3A_496 : vector<16xf32> to vector<16xf32>
    %swap3A_498 = vector.shape_cast %broadcast_in_dim3A_494 : vector<16xf32> to vector<16xf32>
    tpu.vector_store %arg5[%swap3A_495], %swap3A_498 {strides = array<i32>} : memref<1024xf32, #tpu.memory_space<vmem>>, vector<16xf32>,
    %broadcast_in_dim3A_499 = arith.constant 1.000000e+00 : f32
    %broadcast_in_dim3A_500 = vector.broadcast %broadcast_in_dim3A_499 : f32 to vector<16xf32>
    %swap3A_501 = arith.constant 704 : index
    %swap3A_502 = tpu.vector_load %arg5[%swap3A_501] {strides = array<i32>} : memref<1024xf32, #tpu.memory_space<vmem>>, vector<16xf32>,
    %swap3A_503 = vector.shape_cast %swap3A_502 : vector<16xf32> to vector<16xf32>
    %swap3A_504 = vector.shape_cast %broadcast_in_dim3A_500 : vector<16xf32> to vector<16xf32>
    tpu.vector_store %arg5[%swap3A_501], %swap3A_504 {strides = array<i32>} : memref<1024xf32, #tpu.memory_space<vmem>>, vector<16xf32>,
    %broadcast_in_dim3A_505 = arith.constant 1.000000e+00 : f32
    %broadcast_in_dim3A_506 = vector.broadcast %broadcast_in_dim3A_505 : f32 to vector<16xf32>
    %swap3A_507 = arith.constant 720 : index
    %swap3A_508 = tpu.vector_load %arg5[%swap3A_507] {strides = array<i32>} : memref<1024xf32, #tpu.memory_space<vmem>>, vector<16xf32>,
    %swap3A_509 = vector.shape_cast %swap3A_508 : vector<16xf32> to vector<16xf32>
    %swap3A_510 = vector.shape_cast %broadcast_in_dim3A_506 : vector<16xf32> to vector<16xf32>
    tpu.vector_store %arg5[%swap3A_507], %swap3A_510 {strides = array<i32>} : memref<1024xf32, #tpu.memory_space<vmem>>, vector<16xf32>,
    %broadcast_in_dim3A_511 = arith.constant 1.000000e+00 : f32
    %broadcast_in_dim3A_512 = vector.broadcast %broadcast_in_dim3A_511 : f32 to vector<16xf32>
    %swap3A_513 = arith.constant 736 : index
    %swap3A_514 = tpu.vector_load %arg5[%swap3A_513] {strides = array<i32>} : memref<1024xf32, #tpu.memory_space<vmem>>, vector<16xf32>,
    %swap3A_515 = vector.shape_cast %swap3A_514 : vector<16xf32> to vector<16xf32>
    %swap3A_516 = vector.shape_cast %broadcast_in_dim3A_512 : vector<16xf32> to vector<16xf32>
    tpu.vector_store %arg5[%swap3A_513], %swap3A_516 {strides = array<i32>} : memref<1024xf32, #tpu.memory_space<vmem>>, vector<16xf32>,
    %broadcast_in_dim3A_517 = arith.constant 1.000000e+00 : f32
    %broadcast_in_dim3A_518 = vector.broadcast %broadcast_in_dim3A_517 : f32 to vector<16xf32>
    %swap3A_519 = arith.constant 752 : index
    %swap3A_520 = tpu.vector_load %arg5[%swap3A_519] {strides = array<i32>} : memref<1024xf32, #tpu.memory_space<vmem>>, vector<16xf32>,
    %swap3A_521 = vector.shape_cast %swap3A_520 : vector<16xf32> to vector<16xf32>
    %swap3A_522 = vector.shape_cast %broadcast_in_dim3A_518 : vector<16xf32> to vector<16xf32>
    tpu.vector_store %arg5[%swap3A_519], %swap3A_522 {strides = array<i32>} : memref<1024xf32, #tpu.memory_space<vmem>>, vector<16xf32>,
    %broadcast_in_dim3A_523 = arith.constant 1.000000e+00 : f32
    %broadcast_in_dim3A_524 = vector.broadcast %broadcast_in_dim3A_523 : f32 to vector<16xf32>
    %swap3A_525 = arith.constant 768 : index
    %swap3A_526 = tpu.vector_load %arg5[%swap3A_525] {strides = array<i32>} : memref<1024xf32, #tpu.memory_space<vmem>>, vector<16xf32>,
    %swap3A_527 = vector.shape_cast %swap3A_526 : vector<16xf32> to vector<16xf32>
    %swap3A_528 = vector.shape_cast %broadcast_in_dim3A_524 : vector<16xf32> to vector<16xf32>
    tpu.vector_store %arg5[%swap3A_525], %swap3A_528 {strides = array<i32>} : memref<1024xf32, #tpu.memory_space<vmem>>, vector<16xf32>,
    %broadcast_in_dim3A_529 = arith.constant 1.000000e+00 : f32
    %broadcast_in_dim3A_530 = vector.broadcast %broadcast_in_dim3A_529 : f32 to vector<16xf32>
    %swap3A_531 = arith.constant 784 : index
    %swap3A_532 = tpu.vector_load %arg5[%swap3A_531] {strides = array<i32>} : memref<1024xf32, #tpu.memory_space<vmem>>, vector<16xf32>,
    %swap3A_533 = vector.shape_cast %swap3A_532 : vector<16xf32> to vector<16xf32>
    %swap3A_534 = vector.shape_cast %broadcast_in_dim3A_530 : vector<16xf32> to vector<16xf32>
    tpu.vector_store %arg5[%swap3A_531], %swap3A_534 {strides = array<i32>} : memref<1024xf32, #tpu.memory_space<vmem>>, vector<16xf32>,
    %broadcast_in_dim3A_535 = arith.constant 1.000000e+00 : f32
    %broadcast_in_dim3A_536 = vector.broadcast %broadcast_in_dim3A_535 : f32 to vector<16xf32>
    %swap3A_537 = arith.constant 800 : index
    %swap3A_538 = tpu.vector_load %arg5[%swap3A_537] {strides = array<i32>} : memref<1024xf32, #tpu.memory_space<vmem>>, vector<16xf32>,
    %swap3A_539 = vector.shape_cast %swap3A_538 : vector<16xf32> to vector<16xf32>
    %swap3A_540 = vector.shape_cast %broadcast_in_dim3A_536 : vector<16xf32> to vector<16xf32>
    tpu.vector_store %arg5[%swap3A_537], %swap3A_540 {strides = array<i32>} : memref<1024xf32, #tpu.memory_space<vmem>>, vector<16xf32>,
    %broadcast_in_dim3A_541 = arith.constant 1.000000e+00 : f32
    %broadcast_in_dim3A_542 = vector.broadcast %broadcast_in_dim3A_541 : f32 to vector<16xf32>
    %swap3A_543 = arith.constant 816 : index
    %swap3A_544 = tpu.vector_load %arg5[%swap3A_543] {strides = array<i32>} : memref<1024xf32, #tpu.memory_space<vmem>>, vector<16xf32>,
    %swap3A_545 = vector.shape_cast %swap3A_544 : vector<16xf32> to vector<16xf32>
    %swap3A_546 = vector.shape_cast %broadcast_in_dim3A_542 : vector<16xf32> to vector<16xf32>
    tpu.vector_store %arg5[%swap3A_543], %swap3A_546 {strides = array<i32>} : memref<1024xf32, #tpu.memory_space<vmem>>, vector<16xf32>,
    %broadcast_in_dim3A_547 = arith.constant 1.000000e+00 : f32
    %broadcast_in_dim3A_548 = vector.broadcast %broadcast_in_dim3A_547 : f32 to vector<16xf32>
    %swap3A_549 = arith.constant 832 : index
    %swap3A_550 = tpu.vector_load %arg5[%swap3A_549] {strides = array<i32>} : memref<1024xf32, #tpu.memory_space<vmem>>, vector<16xf32>,
    %swap3A_551 = vector.shape_cast %swap3A_550 : vector<16xf32> to vector<16xf32>
    %swap3A_552 = vector.shape_cast %broadcast_in_dim3A_548 : vector<16xf32> to vector<16xf32>
    tpu.vector_store %arg5[%swap3A_549], %swap3A_552 {strides = array<i32>} : memref<1024xf32, #tpu.memory_space<vmem>>, vector<16xf32>,
    %broadcast_in_dim3A_553 = arith.constant 1.000000e+00 : f32
    %broadcast_in_dim3A_554 = vector.broadcast %broadcast_in_dim3A_553 : f32 to vector<16xf32>
    %swap3A_555 = arith.constant 848 : index
    %swap3A_556 = tpu.vector_load %arg5[%swap3A_555] {strides = array<i32>} : memref<1024xf32, #tpu.memory_space<vmem>>, vector<16xf32>,
    %swap3A_557 = vector.shape_cast %swap3A_556 : vector<16xf32> to vector<16xf32>
    %swap3A_558 = vector.shape_cast %broadcast_in_dim3A_554 : vector<16xf32> to vector<16xf32>
    tpu.vector_store %arg5[%swap3A_555], %swap3A_558 {strides = array<i32>} : memref<1024xf32, #tpu.memory_space<vmem>>, vector<16xf32>,
    %broadcast_in_dim3A_559 = arith.constant 1.000000e+00 : f32
    %broadcast_in_dim3A_560 = vector.broadcast %broadcast_in_dim3A_559 : f32 to vector<16xf32>
    %swap3A_561 = arith.constant 864 : index
    %swap3A_562 = tpu.vector_load %arg5[%swap3A_561] {strides = array<i32>} : memref<1024xf32, #tpu.memory_space<vmem>>, vector<16xf32>,
    %swap3A_563 = vector.shape_cast %swap3A_562 : vector<16xf32> to vector<16xf32>
    %swap3A_564 = vector.shape_cast %broadcast_in_dim3A_560 : vector<16xf32> to vector<16xf32>
    tpu.vector_store %arg5[%swap3A_561], %swap3A_564 {strides = array<i32>} : memref<1024xf32, #tpu.memory_space<vmem>>, vector<16xf32>,
    %broadcast_in_dim3A_565 = arith.constant 1.000000e+00 : f32
    %broadcast_in_dim3A_566 = vector.broadcast %broadcast_in_dim3A_565 : f32 to vector<16xf32>
    %swap3A_567 = arith.constant 880 : index
    %swap3A_568 = tpu.vector_load %arg5[%swap3A_567] {strides = array<i32>} : memref<1024xf32, #tpu.memory_space<vmem>>, vector<16xf32>,
    %swap3A_569 = vector.shape_cast %swap3A_568 : vector<16xf32> to vector<16xf32>
    %swap3A_570 = vector.shape_cast %broadcast_in_dim3A_566 : vector<16xf32> to vector<16xf32>
    tpu.vector_store %arg5[%swap3A_567], %swap3A_570 {strides = array<i32>} : memref<1024xf32, #tpu.memory_space<vmem>>, vector<16xf32>,
    %broadcast_in_dim3A_571 = arith.constant 1.000000e+00 : f32
    %broadcast_in_dim3A_572 = vector.broadcast %broadcast_in_dim3A_571 : f32 to vector<16xf32>
    %swap3A_573 = arith.constant 896 : index
    %swap3A_574 = tpu.vector_load %arg5[%swap3A_573] {strides = array<i32>} : memref<1024xf32, #tpu.memory_space<vmem>>, vector<16xf32>,
    %swap3A_575 = vector.shape_cast %swap3A_574 : vector<16xf32> to vector<16xf32>
    %swap3A_576 = vector.shape_cast %broadcast_in_dim3A_572 : vector<16xf32> to vector<16xf32>
    tpu.vector_store %arg5[%swap3A_573], %swap3A_576 {strides = array<i32>} : memref<1024xf32, #tpu.memory_space<vmem>>, vector<16xf32>,
    %broadcast_in_dim3A_577 = arith.constant 1.000000e+00 : f32
    %broadcast_in_dim3A_578 = vector.broadcast %broadcast_in_dim3A_577 : f32 to vector<16xf32>
    %swap3A_579 = arith.constant 912 : index
    %swap3A_580 = tpu.vector_load %arg5[%swap3A_579] {strides = array<i32>} : memref<1024xf32, #tpu.memory_space<vmem>>, vector<16xf32>,
    %swap3A_581 = vector.shape_cast %swap3A_580 : vector<16xf32> to vector<16xf32>
    %swap3A_582 = vector.shape_cast %broadcast_in_dim3A_578 : vector<16xf32> to vector<16xf32>
    tpu.vector_store %arg5[%swap3A_579], %swap3A_582 {strides = array<i32>} : memref<1024xf32, #tpu.memory_space<vmem>>, vector<16xf32>,
    %broadcast_in_dim3A_583 = arith.constant 1.000000e+00 : f32
    %broadcast_in_dim3A_584 = vector.broadcast %broadcast_in_dim3A_583 : f32 to vector<16xf32>
    %swap3A_585 = arith.constant 928 : index
    %swap3A_586 = tpu.vector_load %arg5[%swap3A_585] {strides = array<i32>} : memref<1024xf32, #tpu.memory_space<vmem>>, vector<16xf32>,
    %swap3A_587 = vector.shape_cast %swap3A_586 : vector<16xf32> to vector<16xf32>
    %swap3A_588 = vector.shape_cast %broadcast_in_dim3A_584 : vector<16xf32> to vector<16xf32>
    tpu.vector_store %arg5[%swap3A_585], %swap3A_588 {strides = array<i32>} : memref<1024xf32, #tpu.memory_space<vmem>>, vector<16xf32>,
    %broadcast_in_dim3A_589 = arith.constant 1.000000e+00 : f32
    %broadcast_in_dim3A_590 = vector.broadcast %broadcast_in_dim3A_589 : f32 to vector<16xf32>
    %swap3A_591 = arith.constant 944 : index
    %swap3A_592 = tpu.vector_load %arg5[%swap3A_591] {strides = array<i32>} : memref<1024xf32, #tpu.memory_space<vmem>>, vector<16xf32>,
    %swap3A_593 = vector.shape_cast %swap3A_592 : vector<16xf32> to vector<16xf32>
    %swap3A_594 = vector.shape_cast %broadcast_in_dim3A_590 : vector<16xf32> to vector<16xf32>
    tpu.vector_store %arg5[%swap3A_591], %swap3A_594 {strides = array<i32>} : memref<1024xf32, #tpu.memory_space<vmem>>, vector<16xf32>,
    %broadcast_in_dim3A_595 = arith.constant 1.000000e+00 : f32
    %broadcast_in_dim3A_596 = vector.broadcast %broadcast_in_dim3A_595 : f32 to vector<16xf32>
    %swap3A_597 = arith.constant 960 : index
    %swap3A_598 = tpu.vector_load %arg5[%swap3A_597] {strides = array<i32>} : memref<1024xf32, #tpu.memory_space<vmem>>, vector<16xf32>,
    %swap3A_599 = vector.shape_cast %swap3A_598 : vector<16xf32> to vector<16xf32>
    %swap3A_600 = vector.shape_cast %broadcast_in_dim3A_596 : vector<16xf32> to vector<16xf32>
    tpu.vector_store %arg5[%swap3A_597], %swap3A_600 {strides = array<i32>} : memref<1024xf32, #tpu.memory_space<vmem>>, vector<16xf32>,
    %broadcast_in_dim3A_601 = arith.constant 1.000000e+00 : f32
    %broadcast_in_dim3A_602 = vector.broadcast %broadcast_in_dim3A_601 : f32 to vector<16xf32>
    %swap3A_603 = arith.constant 976 : index
    %swap3A_604 = tpu.vector_load %arg5[%swap3A_603] {strides = array<i32>} : memref<1024xf32, #tpu.memory_space<vmem>>, vector<16xf32>,
    %swap3A_605 = vector.shape_cast %swap3A_604 : vector<16xf32> to vector<16xf32>
    %swap3A_606 = vector.shape_cast %broadcast_in_dim3A_602 : vector<16xf32> to vector<16xf32>
    tpu.vector_store %arg5[%swap3A_603], %swap3A_606 {strides = array<i32>} : memref<1024xf32, #tpu.memory_space<vmem>>, vector<16xf32>,
    %broadcast_in_dim3A_607 = arith.constant 1.000000e+00 : f32
    %broadcast_in_dim3A_608 = vector.broadcast %broadcast_in_dim3A_607 : f32 to vector<16xf32>
    %swap3A_609 = arith.constant 992 : index
    %swap3A_610 = tpu.vector_load %arg5[%swap3A_609] {strides = array<i32>} : memref<1024xf32, #tpu.memory_space<vmem>>, vector<16xf32>,
    %swap3A_611 = vector.shape_cast %swap3A_610 : vector<16xf32> to vector<16xf32>
    %swap3A_612 = vector.shape_cast %broadcast_in_dim3A_608 : vector<16xf32> to vector<16xf32>
    tpu.vector_store %arg5[%swap3A_609], %swap3A_612 {strides = array<i32>} : memref<1024xf32, #tpu.memory_space<vmem>>, vector<16xf32>,
    %broadcast_in_dim3A_613 = arith.constant 1.000000e+00 : f32
    %broadcast_in_dim3A_614 = vector.broadcast %broadcast_in_dim3A_613 : f32 to vector<16xf32>
    %swap3A_615 = arith.constant 1008 : index
    %swap3A_616 = tpu.vector_load %arg5[%swap3A_615] {strides = array<i32>} : memref<1024xf32, #tpu.memory_space<vmem>>, vector<16xf32>,
    %swap3A_617 = vector.shape_cast %swap3A_616 : vector<16xf32> to vector<16xf32>
    %swap3A_618 = vector.shape_cast %broadcast_in_dim3A_614 : vector<16xf32> to vector<16xf32>
    tpu.vector_store %arg5[%swap3A_615], %swap3A_618 {strides = array<i32>} : memref<1024xf32, #tpu.memory_space<vmem>>, vector<16xf32>,
    %barrier3A = arith.constant 0 : index
    tpu.barrier barrier_id(%barrier3A)
    %scan3A = arith.constant 0 : i32
    %scan3A_619 = arith.constant 0 : i32
    %scan3A_620 = arith.constant 10 : i32
    %scan3A_621 = arith.addi %scan3A_619, %scan3A_620 : i32
    %scan3A_622 = arith.constant 1 : i32
    scf.for %scan3A_632 = %scan3A_619 to %scan3A_621 step %scan3A_622  : i32 {
      "tpu.region"() ({
        %run_scoped3A_633 = tpu.sem_alloc : memref<!tpu.dma_semaphore, #tpu.memory_space<semaphore_mem>>
        %dma_start3A = arith.constant 0 : i32
        %dma_start3A_634 = tpu.memref_slice %arg4[%scan3A_632, %dma_start3A] : memref<10x1024xi32, #tpu.memory_space<vmem>> -> memref<1x1024xi32, #tpu.memory_space<vmem>>
        %dma_start3A_635 = tpu.memref_squeeze %dma_start3A_634 : memref<1x1024xi32, #tpu.memory_space<vmem>> -> memref<1024xi32, #tpu.memory_space<vmem>>
        %dma_start3A_636 = arith.constant 0 : i32
        %dma_start3A_637 = tpu.memref_slice %arg7[%dma_start3A_636] : memref<10112xf32, #tpu.memory_space<vmem_shared>> -> memref<10112xf32, #tpu.memory_space<vmem_shared>>
        tpu.enqueue_indirect_dma source(%arg5 : memref<1024xf32, #tpu.memory_space<vmem>>) target(%dma_start3A_637 : memref<10112xf32, #tpu.memory_space<vmem_shared>>) offsets(%dma_start3A_635 : memref<1024xi32, #tpu.memory_space<vmem>>) semaphore(%run_scoped3A_633 : memref<!tpu.dma_semaphore, #tpu.memory_space<semaphore_mem>>) {add = true}
        %dma_wait3A = arith.constant 0 : i32
        %dma_wait3A_638 = tpu.memref_slice %arg4[%scan3A_632, %dma_wait3A] : memref<10x1024xi32, #tpu.memory_space<vmem>> -> memref<1x1024xi32, #tpu.memory_space<vmem>>
        %dma_wait3A_639 = tpu.memref_squeeze %dma_wait3A_638 : memref<1x1024xi32, #tpu.memory_space<vmem>> -> memref<1024xi32, #tpu.memory_space<vmem>>
        %dma_wait3A_640 = arith.constant 0 : i32
        %dma_wait3A_641 = tpu.memref_slice %arg7[%dma_wait3A_640] : memref<10112xf32, #tpu.memory_space<vmem_shared>> -> memref<10112xf32, #tpu.memory_space<vmem_shared>>
        tpu.wait_indirect_dma semaphore(%run_scoped3A_633 : memref<!tpu.dma_semaphore, #tpu.memory_space<semaphore_mem>>) src(%arg5 : memref<1024xf32, #tpu.memory_space<vmem>>) dst(%dma_wait3A_641 : memref<10112xf32, #tpu.memory_space<vmem_shared>>)
        tpu.yield
      }) : () -> ()
    }
    %scan3A_623 = arith.constant 10 : i32
    %barrier3A_624 = arith.constant 0 : index
    tpu.barrier barrier_id(%barrier3A_624)
    %mul3A_625 = arith.constant 632 : i32
    %mul3A_626 = arith.muli %arg1, %mul3A_625 : i32
    "tpu.region"() ({
      %run_scoped3A_632 = tpu.sem_alloc : memref<!tpu.dma_semaphore, #tpu.memory_space<semaphore_mem>>
      %dma_start3A = tpu.memref_slice %arg7[%mul3A_626] : memref<10112xf32, #tpu.memory_space<vmem_shared>> -> memref<632xf32, #tpu.memory_space<vmem_shared>>
      %dma_start3A_633 = tpu.memref_slice %arg7[%mul3A_626] : memref<10112xf32, #tpu.memory_space<vmem_shared>> -> memref<632xf32, #tpu.memory_space<vmem_shared>>
      tpu.enqueue_dma source(%dma_start3A_633 : memref<632xf32, #tpu.memory_space<vmem_shared>>) target(%arg6 : memref<632xf32, #tpu.memory_space<vmem>>) target_semaphore(%run_scoped3A_632 : memref<!tpu.dma_semaphore, #tpu.memory_space<semaphore_mem>>)
      %dma_wait3A = tpu.memref_slice %arg7[%mul3A_626] : memref<10112xf32, #tpu.memory_space<vmem_shared>> -> memref<632xf32, #tpu.memory_space<vmem_shared>>
      %dma_wait3A_634 = tpu.memref_slice %arg7[%mul3A_626] : memref<10112xf32, #tpu.memory_space<vmem_shared>> -> memref<632xf32, #tpu.memory_space<vmem_shared>>
      tpu.wait_dma2 semaphore(%run_scoped3A_632 : memref<!tpu.dma_semaphore, #tpu.memory_space<semaphore_mem>>) src(%dma_wait3A_634 : memref<632xf32, #tpu.memory_space<vmem_shared>>) dst(%arg6 : memref<632xf32, #tpu.memory_space<vmem>>)
      tpu.yield
    }) : () -> ()
    %mul3A_627 = arith.constant 10112 : i32
    %mul3A_628 = arith.muli %arg0, %mul3A_627 : i32
    %mul3A_629 = arith.constant 632 : i32
    %mul3A_630 = arith.muli %arg1, %mul3A_629 : i32
    %add3A_631 = arith.addi %mul3A_628, %mul3A_630 : i32
    "tpu.region"() ({
      %run_scoped3A_632 = tpu.sem_alloc : memref<!tpu.dma_semaphore, #tpu.memory_space<semaphore_mem>>
      %dma_start3A = tpu.memref_slice %arg3[%add3A_631] : memref<20224xf32, #tpu.memory_space<hbm>> -> memref<632xf32, #tpu.memory_space<hbm>>
      %dma_start3A_633 = tpu.memref_slice %arg3[%add3A_631] : memref<20224xf32, #tpu.memory_space<hbm>> -> memref<632xf32, #tpu.memory_space<hbm>>
      tpu.enqueue_dma source(%arg6 : memref<632xf32, #tpu.memory_space<vmem>>) target(%dma_start3A_633 : memref<632xf32, #tpu.memory_space<hbm>>) target_semaphore(%run_scoped3A_632 : memref<!tpu.dma_semaphore, #tpu.memory_space<semaphore_mem>>)
      %dma_wait3A = tpu.memref_slice %arg3[%add3A_631] : memref<20224xf32, #tpu.memory_space<hbm>> -> memref<632xf32, #tpu.memory_space<hbm>>
      %dma_wait3A_634 = tpu.memref_slice %arg3[%add3A_631] : memref<20224xf32, #tpu.memory_space<hbm>> -> memref<632xf32, #tpu.memory_space<hbm>>
      tpu.wait_dma2 semaphore(%run_scoped3A_632 : memref<!tpu.dma_semaphore, #tpu.memory_space<semaphore_mem>>) src(%arg6 : memref<632xf32, #tpu.memory_space<vmem>>) dst(%dma_wait3A_634 : memref<632xf32, #tpu.memory_space<hbm>>)
      tpu.yield
    }) : () -> ()
    return
  }
}

#map = affine_map<(d0, d1) -> (0, 0)>
#map1 = affine_map<(d0, d1) -> (0, 0, 0, 0)>
module attributes {stable_mosaic.version = 14 : i64} {
  func.func @_hop1_body(%arg0: i32, %arg1: i32, %arg2: memref<10112x16xf32, #tpu.memory_space<hbm>>, %arg3: memref<10112x16xf32, #tpu.memory_space<hbm>>, %arg4: memref<2x32x10x1024xi32, #tpu.memory_space<hbm>>, %arg5: memref<20224x16xf32, #tpu.memory_space<hbm>>, %arg6: memref<10x1024xi32, #tpu.memory_space<vmem>>, %arg7: memref<10x1024xi32, #tpu.memory_space<vmem>>, %arg8: memref<1024x16xf32, #tpu.memory_space<vmem>>, %arg9: memref<1024x16xf32, #tpu.memory_space<vmem>>, %arg10: memref<632x16xf32, #tpu.memory_space<vmem>>, %arg11: memref<10112x16xf32, #tpu.memory_space<vmem_shared>>, %arg12: memref<10112x16xf32, #tpu.memory_space<vmem_shared>>, %arg13: memref<!tpu.dma_semaphore, #tpu.memory_space<semaphore_mem>>, %arg14: memref<!tpu.dma_semaphore, #tpu.memory_space<semaphore_mem>>) attributes {dimension_semantics = [#tpu.dimension_semantics<core_parallel>, #tpu.dimension_semantics<subcore_parallel>], iteration_bounds = array<i64: 2, 16>, scalar_prefetch = 0 : i64, scratch_operands = 9 : i64, tpu.core_type = #tpu.core_type<sc_vector_subcore>, window_params = [{transform_indices = #map}, {transform_indices = #map}, {transform_indices = #map1}, {transform_indices = #map}]} {
    %mul3A = arith.constant 16 : i32
    %mul3A_0 = arith.muli %arg0, %mul3A : i32
    %add3A = arith.addi %mul3A_0, %arg1 : i32
    %mul3A_1 = arith.constant 632 : i32
    %mul3A_2 = arith.muli %arg1, %mul3A_1 : i32
    %dma_start3A = arith.constant 0 : i32
    %dma_start3A_3 = arith.constant 0 : i32
    %dma_start3A_4 = tpu.memref_slice %arg8[%dma_start3A, %dma_start3A_3] : memref<1024x16xf32, #tpu.memory_space<vmem>> -> memref<632x16xf32, #tpu.memory_space<vmem>>
    %dma_start3A_5 = arith.constant 0 : i32
    %dma_start3A_6 = tpu.memref_slice %arg2[%mul3A_2, %dma_start3A_5] : memref<10112x16xf32, #tpu.memory_space<hbm>> -> memref<632x16xf32, #tpu.memory_space<hbm>>
    %dma_start3A_7 = arith.constant 0 : i32
    %dma_start3A_8 = arith.constant 0 : i32
    %dma_start3A_9 = tpu.memref_slice %arg8[%dma_start3A_7, %dma_start3A_8] : memref<1024x16xf32, #tpu.memory_space<vmem>> -> memref<632x16xf32, #tpu.memory_space<vmem>>
    %dma_start3A_10 = arith.constant 0 : i32
    %dma_start3A_11 = tpu.memref_slice %arg2[%mul3A_2, %dma_start3A_10] : memref<10112x16xf32, #tpu.memory_space<hbm>> -> memref<632x16xf32, #tpu.memory_space<hbm>>
    tpu.enqueue_dma source(%dma_start3A_11 : memref<632x16xf32, #tpu.memory_space<hbm>>) target(%dma_start3A_9 : memref<632x16xf32, #tpu.memory_space<vmem>>) target_semaphore(%arg13 : memref<!tpu.dma_semaphore, #tpu.memory_space<semaphore_mem>>)
    %mul3A_12 = arith.constant 632 : i32
    %mul3A_13 = arith.muli %arg1, %mul3A_12 : i32
    %dma_start3A_14 = arith.constant 0 : i32
    %dma_start3A_15 = arith.constant 0 : i32
    %dma_start3A_16 = tpu.memref_slice %arg9[%dma_start3A_14, %dma_start3A_15] : memref<1024x16xf32, #tpu.memory_space<vmem>> -> memref<632x16xf32, #tpu.memory_space<vmem>>
    %dma_start3A_17 = arith.constant 0 : i32
    %dma_start3A_18 = tpu.memref_slice %arg3[%mul3A_13, %dma_start3A_17] : memref<10112x16xf32, #tpu.memory_space<hbm>> -> memref<632x16xf32, #tpu.memory_space<hbm>>
    %dma_start3A_19 = arith.constant 0 : i32
    %dma_start3A_20 = arith.constant 0 : i32
    %dma_start3A_21 = tpu.memref_slice %arg9[%dma_start3A_19, %dma_start3A_20] : memref<1024x16xf32, #tpu.memory_space<vmem>> -> memref<632x16xf32, #tpu.memory_space<vmem>>
    %dma_start3A_22 = arith.constant 0 : i32
    %dma_start3A_23 = tpu.memref_slice %arg3[%mul3A_13, %dma_start3A_22] : memref<10112x16xf32, #tpu.memory_space<hbm>> -> memref<632x16xf32, #tpu.memory_space<hbm>>
    tpu.enqueue_dma source(%dma_start3A_23 : memref<632x16xf32, #tpu.memory_space<hbm>>) target(%dma_start3A_21 : memref<632x16xf32, #tpu.memory_space<vmem>>) target_semaphore(%arg14 : memref<!tpu.dma_semaphore, #tpu.memory_space<semaphore_mem>>)
    %scan3A = arith.constant 0 : i32
    %scan3A_24 = arith.constant 0 : i32
    %scan3A_25 = arith.constant 79 : i32
    %scan3A_26 = arith.addi %scan3A_24, %scan3A_25 : i32
    %scan3A_27 = arith.constant 1 : i32
    scf.for %scan3A_107 = %scan3A_24 to %scan3A_26 step %scan3A_27  : i32 {
      %mul3A_108 = arith.constant 8 : i32
      %mul3A_109 = arith.muli %scan3A_107, %mul3A_108 : i32
      %add3A_110 = arith.constant 0 : i32
      %add3A_111 = arith.addi %mul3A_109, %add3A_110 : i32
      %broadcast_in_dim3A = arith.constant 0.000000e+00 : f32
      %broadcast_in_dim3A_112 = vector.broadcast %broadcast_in_dim3A : f32 to vector<16xf32>
      %swap3A = arith.index_cast %add3A_111 : i32 to index
      %swap3A_113 = arith.constant 0 : index
      %swap3A_114 = tpu.vector_load %arg10[%swap3A, %swap3A_113] {strides = array<i32>} : memref<632x16xf32, #tpu.memory_space<vmem>>, vector<1x16xf32>,
      %swap3A_115 = vector.shape_cast %swap3A_114 : vector<1x16xf32> to vector<16xf32>
      %swap3A_116 = vector.shape_cast %broadcast_in_dim3A_112 : vector<16xf32> to vector<1x16xf32>
      tpu.vector_store %arg10[%swap3A, %swap3A_113], %swap3A_116 {strides = array<i32>} : memref<632x16xf32, #tpu.memory_space<vmem>>, vector<1x16xf32>,
      %mul3A_117 = arith.constant 8 : i32
      %mul3A_118 = arith.muli %scan3A_107, %mul3A_117 : i32
      %add3A_119 = arith.constant 1 : i32
      %add3A_120 = arith.addi %mul3A_118, %add3A_119 : i32
      %broadcast_in_dim3A_121 = arith.constant 0.000000e+00 : f32
      %broadcast_in_dim3A_122 = vector.broadcast %broadcast_in_dim3A_121 : f32 to vector<16xf32>
      %swap3A_123 = arith.index_cast %add3A_120 : i32 to index
      %swap3A_124 = arith.constant 0 : index
      %swap3A_125 = tpu.vector_load %arg10[%swap3A_123, %swap3A_124] {strides = array<i32>} : memref<632x16xf32, #tpu.memory_space<vmem>>, vector<1x16xf32>,
      %swap3A_126 = vector.shape_cast %swap3A_125 : vector<1x16xf32> to vector<16xf32>
      %swap3A_127 = vector.shape_cast %broadcast_in_dim3A_122 : vector<16xf32> to vector<1x16xf32>
      tpu.vector_store %arg10[%swap3A_123, %swap3A_124], %swap3A_127 {strides = array<i32>} : memref<632x16xf32, #tpu.memory_space<vmem>>, vector<1x16xf32>,
      %mul3A_128 = arith.constant 8 : i32
      %mul3A_129 = arith.muli %scan3A_107, %mul3A_128 : i32
      %add3A_130 = arith.constant 2 : i32
      %add3A_131 = arith.addi %mul3A_129, %add3A_130 : i32
      %broadcast_in_dim3A_132 = arith.constant 0.000000e+00 : f32
      %broadcast_in_dim3A_133 = vector.broadcast %broadcast_in_dim3A_132 : f32 to vector<16xf32>
      %swap3A_134 = arith.index_cast %add3A_131 : i32 to index
      %swap3A_135 = arith.constant 0 : index
      %swap3A_136 = tpu.vector_load %arg10[%swap3A_134, %swap3A_135] {strides = array<i32>} : memref<632x16xf32, #tpu.memory_space<vmem>>, vector<1x16xf32>,
      %swap3A_137 = vector.shape_cast %swap3A_136 : vector<1x16xf32> to vector<16xf32>
      %swap3A_138 = vector.shape_cast %broadcast_in_dim3A_133 : vector<16xf32> to vector<1x16xf32>
      tpu.vector_store %arg10[%swap3A_134, %swap3A_135], %swap3A_138 {strides = array<i32>} : memref<632x16xf32, #tpu.memory_space<vmem>>, vector<1x16xf32>,
      %mul3A_139 = arith.constant 8 : i32
      %mul3A_140 = arith.muli %scan3A_107, %mul3A_139 : i32
      %add3A_141 = arith.constant 3 : i32
      %add3A_142 = arith.addi %mul3A_140, %add3A_141 : i32
      %broadcast_in_dim3A_143 = arith.constant 0.000000e+00 : f32
      %broadcast_in_dim3A_144 = vector.broadcast %broadcast_in_dim3A_143 : f32 to vector<16xf32>
      %swap3A_145 = arith.index_cast %add3A_142 : i32 to index
      %swap3A_146 = arith.constant 0 : index
      %swap3A_147 = tpu.vector_load %arg10[%swap3A_145, %swap3A_146] {strides = array<i32>} : memref<632x16xf32, #tpu.memory_space<vmem>>, vector<1x16xf32>,
      %swap3A_148 = vector.shape_cast %swap3A_147 : vector<1x16xf32> to vector<16xf32>
      %swap3A_149 = vector.shape_cast %broadcast_in_dim3A_144 : vector<16xf32> to vector<1x16xf32>
      tpu.vector_store %arg10[%swap3A_145, %swap3A_146], %swap3A_149 {strides = array<i32>} : memref<632x16xf32, #tpu.memory_space<vmem>>, vector<1x16xf32>,
      %mul3A_150 = arith.constant 8 : i32
      %mul3A_151 = arith.muli %scan3A_107, %mul3A_150 : i32
      %add3A_152 = arith.constant 4 : i32
      %add3A_153 = arith.addi %mul3A_151, %add3A_152 : i32
      %broadcast_in_dim3A_154 = arith.constant 0.000000e+00 : f32
      %broadcast_in_dim3A_155 = vector.broadcast %broadcast_in_dim3A_154 : f32 to vector<16xf32>
      %swap3A_156 = arith.index_cast %add3A_153 : i32 to index
      %swap3A_157 = arith.constant 0 : index
      %swap3A_158 = tpu.vector_load %arg10[%swap3A_156, %swap3A_157] {strides = array<i32>} : memref<632x16xf32, #tpu.memory_space<vmem>>, vector<1x16xf32>,
      %swap3A_159 = vector.shape_cast %swap3A_158 : vector<1x16xf32> to vector<16xf32>
      %swap3A_160 = vector.shape_cast %broadcast_in_dim3A_155 : vector<16xf32> to vector<1x16xf32>
      tpu.vector_store %arg10[%swap3A_156, %swap3A_157], %swap3A_160 {strides = array<i32>} : memref<632x16xf32, #tpu.memory_space<vmem>>, vector<1x16xf32>,
      %mul3A_161 = arith.constant 8 : i32
      %mul3A_162 = arith.muli %scan3A_107, %mul3A_161 : i32
      %add3A_163 = arith.constant 5 : i32
      %add3A_164 = arith.addi %mul3A_162, %add3A_163 : i32
      %broadcast_in_dim3A_165 = arith.constant 0.000000e+00 : f32
      %broadcast_in_dim3A_166 = vector.broadcast %broadcast_in_dim3A_165 : f32 to vector<16xf32>
      %swap3A_167 = arith.index_cast %add3A_164 : i32 to index
      %swap3A_168 = arith.constant 0 : index
      %swap3A_169 = tpu.vector_load %arg10[%swap3A_167, %swap3A_168] {strides = array<i32>} : memref<632x16xf32, #tpu.memory_space<vmem>>, vector<1x16xf32>,
      %swap3A_170 = vector.shape_cast %swap3A_169 : vector<1x16xf32> to vector<16xf32>
      %swap3A_171 = vector.shape_cast %broadcast_in_dim3A_166 : vector<16xf32> to vector<1x16xf32>
      tpu.vector_store %arg10[%swap3A_167, %swap3A_168], %swap3A_171 {strides = array<i32>} : memref<632x16xf32, #tpu.memory_space<vmem>>, vector<1x16xf32>,
      %mul3A_172 = arith.constant 8 : i32
      %mul3A_173 = arith.muli %scan3A_107, %mul3A_172 : i32
      %add3A_174 = arith.constant 6 : i32
      %add3A_175 = arith.addi %mul3A_173, %add3A_174 : i32
      %broadcast_in_dim3A_176 = arith.constant 0.000000e+00 : f32
      %broadcast_in_dim3A_177 = vector.broadcast %broadcast_in_dim3A_176 : f32 to vector<16xf32>
      %swap3A_178 = arith.index_cast %add3A_175 : i32 to index
      %swap3A_179 = arith.constant 0 : index
      %swap3A_180 = tpu.vector_load %arg10[%swap3A_178, %swap3A_179] {strides = array<i32>} : memref<632x16xf32, #tpu.memory_space<vmem>>, vector<1x16xf32>,
      %swap3A_181 = vector.shape_cast %swap3A_180 : vector<1x16xf32> to vector<16xf32>
      %swap3A_182 = vector.shape_cast %broadcast_in_dim3A_177 : vector<16xf32> to vector<1x16xf32>
      tpu.vector_store %arg10[%swap3A_178, %swap3A_179], %swap3A_182 {strides = array<i32>} : memref<632x16xf32, #tpu.memory_space<vmem>>, vector<1x16xf32>,
      %mul3A_183 = arith.constant 8 : i32
      %mul3A_184 = arith.muli %scan3A_107, %mul3A_183 : i32
      %add3A_185 = arith.constant 7 : i32
      %add3A_186 = arith.addi %mul3A_184, %add3A_185 : i32
      %broadcast_in_dim3A_187 = arith.constant 0.000000e+00 : f32
      %broadcast_in_dim3A_188 = vector.broadcast %broadcast_in_dim3A_187 : f32 to vector<16xf32>
      %swap3A_189 = arith.index_cast %add3A_186 : i32 to index
      %swap3A_190 = arith.constant 0 : index
      %swap3A_191 = tpu.vector_load %arg10[%swap3A_189, %swap3A_190] {strides = array<i32>} : memref<632x16xf32, #tpu.memory_space<vmem>>, vector<1x16xf32>,
      %swap3A_192 = vector.shape_cast %swap3A_191 : vector<1x16xf32> to vector<16xf32>
      %swap3A_193 = vector.shape_cast %broadcast_in_dim3A_188 : vector<16xf32> to vector<1x16xf32>
      tpu.vector_store %arg10[%swap3A_189, %swap3A_190], %swap3A_193 {strides = array<i32>} : memref<632x16xf32, #tpu.memory_space<vmem>>, vector<1x16xf32>,
    }
    %scan3A_28 = arith.constant 79 : i32
    %mul3A_29 = arith.constant 632 : i32
    %mul3A_30 = arith.muli %arg1, %mul3A_29 : i32
    "tpu.region"() ({
      %run_scoped3A_107 = tpu.sem_alloc : memref<!tpu.dma_semaphore, #tpu.memory_space<semaphore_mem>>
      %dma_start3A_108 = arith.constant 0 : i32
      %dma_start3A_109 = tpu.memref_slice %arg11[%mul3A_30, %dma_start3A_108] : memref<10112x16xf32, #tpu.memory_space<vmem_shared>> -> memref<632x16xf32, #tpu.memory_space<vmem_shared>>
      %dma_start3A_110 = arith.constant 0 : i32
      %dma_start3A_111 = tpu.memref_slice %arg11[%mul3A_30, %dma_start3A_110] : memref<10112x16xf32, #tpu.memory_space<vmem_shared>> -> memref<632x16xf32, #tpu.memory_space<vmem_shared>>
      tpu.enqueue_dma source(%arg10 : memref<632x16xf32, #tpu.memory_space<vmem>>) target(%dma_start3A_111 : memref<632x16xf32, #tpu.memory_space<vmem_shared>>) target_semaphore(%run_scoped3A_107 : memref<!tpu.dma_semaphore, #tpu.memory_space<semaphore_mem>>)
      %dma_wait3A_112 = arith.constant 0 : i32
      %dma_wait3A_113 = tpu.memref_slice %arg11[%mul3A_30, %dma_wait3A_112] : memref<10112x16xf32, #tpu.memory_space<vmem_shared>> -> memref<632x16xf32, #tpu.memory_space<vmem_shared>>
      %dma_wait3A_114 = arith.constant 0 : i32
      %dma_wait3A_115 = tpu.memref_slice %arg11[%mul3A_30, %dma_wait3A_114] : memref<10112x16xf32, #tpu.memory_space<vmem_shared>> -> memref<632x16xf32, #tpu.memory_space<vmem_shared>>
      tpu.wait_dma2 semaphore(%run_scoped3A_107 : memref<!tpu.dma_semaphore, #tpu.memory_space<semaphore_mem>>) src(%arg10 : memref<632x16xf32, #tpu.memory_space<vmem>>) dst(%dma_wait3A_115 : memref<632x16xf32, #tpu.memory_space<vmem_shared>>)
      tpu.yield
    }) : () -> ()
    %mul3A_31 = arith.constant 632 : i32
    %mul3A_32 = arith.muli %arg1, %mul3A_31 : i32
    %dma_wait3A = arith.constant 0 : i32
    %dma_wait3A_33 = arith.constant 0 : i32
    %dma_wait3A_34 = tpu.memref_slice %arg8[%dma_wait3A, %dma_wait3A_33] : memref<1024x16xf32, #tpu.memory_space<vmem>> -> memref<632x16xf32, #tpu.memory_space<vmem>>
    %dma_wait3A_35 = arith.constant 0 : i32
    %dma_wait3A_36 = tpu.memref_slice %arg2[%mul3A_32, %dma_wait3A_35] : memref<10112x16xf32, #tpu.memory_space<hbm>> -> memref<632x16xf32, #tpu.memory_space<hbm>>
    %dma_wait3A_37 = arith.constant 0 : i32
    %dma_wait3A_38 = arith.constant 0 : i32
    %dma_wait3A_39 = tpu.memref_slice %arg8[%dma_wait3A_37, %dma_wait3A_38] : memref<1024x16xf32, #tpu.memory_space<vmem>> -> memref<632x16xf32, #tpu.memory_space<vmem>>
    %dma_wait3A_40 = arith.constant 0 : i32
    %dma_wait3A_41 = tpu.memref_slice %arg2[%mul3A_32, %dma_wait3A_40] : memref<10112x16xf32, #tpu.memory_space<hbm>> -> memref<632x16xf32, #tpu.memory_space<hbm>>
    tpu.wait_dma2 semaphore(%arg13 : memref<!tpu.dma_semaphore, #tpu.memory_space<semaphore_mem>>) src(%dma_wait3A_41 : memref<632x16xf32, #tpu.memory_space<hbm>>) dst(%dma_wait3A_39 : memref<632x16xf32, #tpu.memory_space<vmem>>)
    %mul3A_42 = arith.constant 632 : i32
    %mul3A_43 = arith.muli %arg1, %mul3A_42 : i32
    %dma_wait3A_44 = arith.constant 0 : i32
    %dma_wait3A_45 = arith.constant 0 : i32
    %dma_wait3A_46 = tpu.memref_slice %arg9[%dma_wait3A_44, %dma_wait3A_45] : memref<1024x16xf32, #tpu.memory_space<vmem>> -> memref<632x16xf32, #tpu.memory_space<vmem>>
    %dma_wait3A_47 = arith.constant 0 : i32
    %dma_wait3A_48 = tpu.memref_slice %arg3[%mul3A_43, %dma_wait3A_47] : memref<10112x16xf32, #tpu.memory_space<hbm>> -> memref<632x16xf32, #tpu.memory_space<hbm>>
    %dma_wait3A_49 = arith.constant 0 : i32
    %dma_wait3A_50 = arith.constant 0 : i32
    %dma_wait3A_51 = tpu.memref_slice %arg9[%dma_wait3A_49, %dma_wait3A_50] : memref<1024x16xf32, #tpu.memory_space<vmem>> -> memref<632x16xf32, #tpu.memory_space<vmem>>
    %dma_wait3A_52 = arith.constant 0 : i32
    %dma_wait3A_53 = tpu.memref_slice %arg3[%mul3A_43, %dma_wait3A_52] : memref<10112x16xf32, #tpu.memory_space<hbm>> -> memref<632x16xf32, #tpu.memory_space<hbm>>
    tpu.wait_dma2 semaphore(%arg14 : memref<!tpu.dma_semaphore, #tpu.memory_space<semaphore_mem>>) src(%dma_wait3A_53 : memref<632x16xf32, #tpu.memory_space<hbm>>) dst(%dma_wait3A_51 : memref<632x16xf32, #tpu.memory_space<vmem>>)
    %scan3A_54 = arith.constant 0 : i32
    %scan3A_55 = arith.constant 0 : i32
    %scan3A_56 = arith.constant 79 : i32
    %scan3A_57 = arith.addi %scan3A_55, %scan3A_56 : i32
    %scan3A_58 = arith.constant 1 : i32
    scf.for %scan3A_107 = %scan3A_55 to %scan3A_57 step %scan3A_58  : i32 {
      %mul3A_108 = arith.constant 8 : i32
      %mul3A_109 = arith.muli %scan3A_107, %mul3A_108 : i32
      %add3A_110 = arith.constant 0 : i32
      %add3A_111 = arith.addi %mul3A_109, %add3A_110 : i32
      %get3A = arith.index_cast %add3A_111 : i32 to index
      %get3A_112 = arith.constant 0 : index
      %get3A_113 = tpu.vector_load %arg8[%get3A, %get3A_112] {strides = array<i32>} : memref<1024x16xf32, #tpu.memory_space<vmem>>, vector<1x16xf32>,
      %get3A_114 = vector.shape_cast %get3A_113 : vector<1x16xf32> to vector<16xf32>
      %get3A_115 = arith.index_cast %add3A_111 : i32 to index
      %get3A_116 = arith.constant 0 : index
      %get3A_117 = tpu.vector_load %arg9[%get3A_115, %get3A_116] {strides = array<i32>} : memref<1024x16xf32, #tpu.memory_space<vmem>>, vector<1x16xf32>,
      %get3A_118 = vector.shape_cast %get3A_117 : vector<1x16xf32> to vector<16xf32>
      %mul3A_119 = arith.mulf %get3A_114, %get3A_118 : vector<16xf32>
      %swap3A = arith.index_cast %add3A_111 : i32 to index
      %swap3A_120 = arith.constant 0 : index
      %swap3A_121 = tpu.vector_load %arg10[%swap3A, %swap3A_120] {strides = array<i32>} : memref<632x16xf32, #tpu.memory_space<vmem>>, vector<1x16xf32>,
      %swap3A_122 = vector.shape_cast %swap3A_121 : vector<1x16xf32> to vector<16xf32>
      %swap3A_123 = vector.shape_cast %mul3A_119 : vector<16xf32> to vector<1x16xf32>
      tpu.vector_store %arg10[%swap3A, %swap3A_120], %swap3A_123 {strides = array<i32>} : memref<632x16xf32, #tpu.memory_space<vmem>>, vector<1x16xf32>,
      %mul3A_124 = arith.constant 8 : i32
      %mul3A_125 = arith.muli %scan3A_107, %mul3A_124 : i32
      %add3A_126 = arith.constant 1 : i32
      %add3A_127 = arith.addi %mul3A_125, %add3A_126 : i32
      %get3A_128 = arith.index_cast %add3A_127 : i32 to index
      %get3A_129 = arith.constant 0 : index
      %get3A_130 = tpu.vector_load %arg8[%get3A_128, %get3A_129] {strides = array<i32>} : memref<1024x16xf32, #tpu.memory_space<vmem>>, vector<1x16xf32>,
      %get3A_131 = vector.shape_cast %get3A_130 : vector<1x16xf32> to vector<16xf32>
      %get3A_132 = arith.index_cast %add3A_127 : i32 to index
      %get3A_133 = arith.constant 0 : index
      %get3A_134 = tpu.vector_load %arg9[%get3A_132, %get3A_133] {strides = array<i32>} : memref<1024x16xf32, #tpu.memory_space<vmem>>, vector<1x16xf32>,
      %get3A_135 = vector.shape_cast %get3A_134 : vector<1x16xf32> to vector<16xf32>
      %mul3A_136 = arith.mulf %get3A_131, %get3A_135 : vector<16xf32>
      %swap3A_137 = arith.index_cast %add3A_127 : i32 to index
      %swap3A_138 = arith.constant 0 : index
      %swap3A_139 = tpu.vector_load %arg10[%swap3A_137, %swap3A_138] {strides = array<i32>} : memref<632x16xf32, #tpu.memory_space<vmem>>, vector<1x16xf32>,
      %swap3A_140 = vector.shape_cast %swap3A_139 : vector<1x16xf32> to vector<16xf32>
      %swap3A_141 = vector.shape_cast %mul3A_136 : vector<16xf32> to vector<1x16xf32>
      tpu.vector_store %arg10[%swap3A_137, %swap3A_138], %swap3A_141 {strides = array<i32>} : memref<632x16xf32, #tpu.memory_space<vmem>>, vector<1x16xf32>,
      %mul3A_142 = arith.constant 8 : i32
      %mul3A_143 = arith.muli %scan3A_107, %mul3A_142 : i32
      %add3A_144 = arith.constant 2 : i32
      %add3A_145 = arith.addi %mul3A_143, %add3A_144 : i32
      %get3A_146 = arith.index_cast %add3A_145 : i32 to index
      %get3A_147 = arith.constant 0 : index
      %get3A_148 = tpu.vector_load %arg8[%get3A_146, %get3A_147] {strides = array<i32>} : memref<1024x16xf32, #tpu.memory_space<vmem>>, vector<1x16xf32>,
      %get3A_149 = vector.shape_cast %get3A_148 : vector<1x16xf32> to vector<16xf32>
      %get3A_150 = arith.index_cast %add3A_145 : i32 to index
      %get3A_151 = arith.constant 0 : index
      %get3A_152 = tpu.vector_load %arg9[%get3A_150, %get3A_151] {strides = array<i32>} : memref<1024x16xf32, #tpu.memory_space<vmem>>, vector<1x16xf32>,
      %get3A_153 = vector.shape_cast %get3A_152 : vector<1x16xf32> to vector<16xf32>
      %mul3A_154 = arith.mulf %get3A_149, %get3A_153 : vector<16xf32>
      %swap3A_155 = arith.index_cast %add3A_145 : i32 to index
      %swap3A_156 = arith.constant 0 : index
      %swap3A_157 = tpu.vector_load %arg10[%swap3A_155, %swap3A_156] {strides = array<i32>} : memref<632x16xf32, #tpu.memory_space<vmem>>, vector<1x16xf32>,
      %swap3A_158 = vector.shape_cast %swap3A_157 : vector<1x16xf32> to vector<16xf32>
      %swap3A_159 = vector.shape_cast %mul3A_154 : vector<16xf32> to vector<1x16xf32>
      tpu.vector_store %arg10[%swap3A_155, %swap3A_156], %swap3A_159 {strides = array<i32>} : memref<632x16xf32, #tpu.memory_space<vmem>>, vector<1x16xf32>,
      %mul3A_160 = arith.constant 8 : i32
      %mul3A_161 = arith.muli %scan3A_107, %mul3A_160 : i32
      %add3A_162 = arith.constant 3 : i32
      %add3A_163 = arith.addi %mul3A_161, %add3A_162 : i32
      %get3A_164 = arith.index_cast %add3A_163 : i32 to index
      %get3A_165 = arith.constant 0 : index
      %get3A_166 = tpu.vector_load %arg8[%get3A_164, %get3A_165] {strides = array<i32>} : memref<1024x16xf32, #tpu.memory_space<vmem>>, vector<1x16xf32>,
      %get3A_167 = vector.shape_cast %get3A_166 : vector<1x16xf32> to vector<16xf32>
      %get3A_168 = arith.index_cast %add3A_163 : i32 to index
      %get3A_169 = arith.constant 0 : index
      %get3A_170 = tpu.vector_load %arg9[%get3A_168, %get3A_169] {strides = array<i32>} : memref<1024x16xf32, #tpu.memory_space<vmem>>, vector<1x16xf32>,
      %get3A_171 = vector.shape_cast %get3A_170 : vector<1x16xf32> to vector<16xf32>
      %mul3A_172 = arith.mulf %get3A_167, %get3A_171 : vector<16xf32>
      %swap3A_173 = arith.index_cast %add3A_163 : i32 to index
      %swap3A_174 = arith.constant 0 : index
      %swap3A_175 = tpu.vector_load %arg10[%swap3A_173, %swap3A_174] {strides = array<i32>} : memref<632x16xf32, #tpu.memory_space<vmem>>, vector<1x16xf32>,
      %swap3A_176 = vector.shape_cast %swap3A_175 : vector<1x16xf32> to vector<16xf32>
      %swap3A_177 = vector.shape_cast %mul3A_172 : vector<16xf32> to vector<1x16xf32>
      tpu.vector_store %arg10[%swap3A_173, %swap3A_174], %swap3A_177 {strides = array<i32>} : memref<632x16xf32, #tpu.memory_space<vmem>>, vector<1x16xf32>,
      %mul3A_178 = arith.constant 8 : i32
      %mul3A_179 = arith.muli %scan3A_107, %mul3A_178 : i32
      %add3A_180 = arith.constant 4 : i32
      %add3A_181 = arith.addi %mul3A_179, %add3A_180 : i32
      %get3A_182 = arith.index_cast %add3A_181 : i32 to index
      %get3A_183 = arith.constant 0 : index
      %get3A_184 = tpu.vector_load %arg8[%get3A_182, %get3A_183] {strides = array<i32>} : memref<1024x16xf32, #tpu.memory_space<vmem>>, vector<1x16xf32>,
      %get3A_185 = vector.shape_cast %get3A_184 : vector<1x16xf32> to vector<16xf32>
      %get3A_186 = arith.index_cast %add3A_181 : i32 to index
      %get3A_187 = arith.constant 0 : index
      %get3A_188 = tpu.vector_load %arg9[%get3A_186, %get3A_187] {strides = array<i32>} : memref<1024x16xf32, #tpu.memory_space<vmem>>, vector<1x16xf32>,
      %get3A_189 = vector.shape_cast %get3A_188 : vector<1x16xf32> to vector<16xf32>
      %mul3A_190 = arith.mulf %get3A_185, %get3A_189 : vector<16xf32>
      %swap3A_191 = arith.index_cast %add3A_181 : i32 to index
      %swap3A_192 = arith.constant 0 : index
      %swap3A_193 = tpu.vector_load %arg10[%swap3A_191, %swap3A_192] {strides = array<i32>} : memref<632x16xf32, #tpu.memory_space<vmem>>, vector<1x16xf32>,
      %swap3A_194 = vector.shape_cast %swap3A_193 : vector<1x16xf32> to vector<16xf32>
      %swap3A_195 = vector.shape_cast %mul3A_190 : vector<16xf32> to vector<1x16xf32>
      tpu.vector_store %arg10[%swap3A_191, %swap3A_192], %swap3A_195 {strides = array<i32>} : memref<632x16xf32, #tpu.memory_space<vmem>>, vector<1x16xf32>,
      %mul3A_196 = arith.constant 8 : i32
      %mul3A_197 = arith.muli %scan3A_107, %mul3A_196 : i32
      %add3A_198 = arith.constant 5 : i32
      %add3A_199 = arith.addi %mul3A_197, %add3A_198 : i32
      %get3A_200 = arith.index_cast %add3A_199 : i32 to index
      %get3A_201 = arith.constant 0 : index
      %get3A_202 = tpu.vector_load %arg8[%get3A_200, %get3A_201] {strides = array<i32>} : memref<1024x16xf32, #tpu.memory_space<vmem>>, vector<1x16xf32>,
      %get3A_203 = vector.shape_cast %get3A_202 : vector<1x16xf32> to vector<16xf32>
      %get3A_204 = arith.index_cast %add3A_199 : i32 to index
      %get3A_205 = arith.constant 0 : index
      %get3A_206 = tpu.vector_load %arg9[%get3A_204, %get3A_205] {strides = array<i32>} : memref<1024x16xf32, #tpu.memory_space<vmem>>, vector<1x16xf32>,
      %get3A_207 = vector.shape_cast %get3A_206 : vector<1x16xf32> to vector<16xf32>
      %mul3A_208 = arith.mulf %get3A_203, %get3A_207 : vector<16xf32>
      %swap3A_209 = arith.index_cast %add3A_199 : i32 to index
      %swap3A_210 = arith.constant 0 : index
      %swap3A_211 = tpu.vector_load %arg10[%swap3A_209, %swap3A_210] {strides = array<i32>} : memref<632x16xf32, #tpu.memory_space<vmem>>, vector<1x16xf32>,
      %swap3A_212 = vector.shape_cast %swap3A_211 : vector<1x16xf32> to vector<16xf32>
      %swap3A_213 = vector.shape_cast %mul3A_208 : vector<16xf32> to vector<1x16xf32>
      tpu.vector_store %arg10[%swap3A_209, %swap3A_210], %swap3A_213 {strides = array<i32>} : memref<632x16xf32, #tpu.memory_space<vmem>>, vector<1x16xf32>,
      %mul3A_214 = arith.constant 8 : i32
      %mul3A_215 = arith.muli %scan3A_107, %mul3A_214 : i32
      %add3A_216 = arith.constant 6 : i32
      %add3A_217 = arith.addi %mul3A_215, %add3A_216 : i32
      %get3A_218 = arith.index_cast %add3A_217 : i32 to index
      %get3A_219 = arith.constant 0 : index
      %get3A_220 = tpu.vector_load %arg8[%get3A_218, %get3A_219] {strides = array<i32>} : memref<1024x16xf32, #tpu.memory_space<vmem>>, vector<1x16xf32>,
      %get3A_221 = vector.shape_cast %get3A_220 : vector<1x16xf32> to vector<16xf32>
      %get3A_222 = arith.index_cast %add3A_217 : i32 to index
      %get3A_223 = arith.constant 0 : index
      %get3A_224 = tpu.vector_load %arg9[%get3A_222, %get3A_223] {strides = array<i32>} : memref<1024x16xf32, #tpu.memory_space<vmem>>, vector<1x16xf32>,
      %get3A_225 = vector.shape_cast %get3A_224 : vector<1x16xf32> to vector<16xf32>
      %mul3A_226 = arith.mulf %get3A_221, %get3A_225 : vector<16xf32>
      %swap3A_227 = arith.index_cast %add3A_217 : i32 to index
      %swap3A_228 = arith.constant 0 : index
      %swap3A_229 = tpu.vector_load %arg10[%swap3A_227, %swap3A_228] {strides = array<i32>} : memref<632x16xf32, #tpu.memory_space<vmem>>, vector<1x16xf32>,
      %swap3A_230 = vector.shape_cast %swap3A_229 : vector<1x16xf32> to vector<16xf32>
      %swap3A_231 = vector.shape_cast %mul3A_226 : vector<16xf32> to vector<1x16xf32>
      tpu.vector_store %arg10[%swap3A_227, %swap3A_228], %swap3A_231 {strides = array<i32>} : memref<632x16xf32, #tpu.memory_space<vmem>>, vector<1x16xf32>,
      %mul3A_232 = arith.constant 8 : i32
      %mul3A_233 = arith.muli %scan3A_107, %mul3A_232 : i32
      %add3A_234 = arith.constant 7 : i32
      %add3A_235 = arith.addi %mul3A_233, %add3A_234 : i32
      %get3A_236 = arith.index_cast %add3A_235 : i32 to index
      %get3A_237 = arith.constant 0 : index
      %get3A_238 = tpu.vector_load %arg8[%get3A_236, %get3A_237] {strides = array<i32>} : memref<1024x16xf32, #tpu.memory_space<vmem>>, vector<1x16xf32>,
      %get3A_239 = vector.shape_cast %get3A_238 : vector<1x16xf32> to vector<16xf32>
      %get3A_240 = arith.index_cast %add3A_235 : i32 to index
      %get3A_241 = arith.constant 0 : index
      %get3A_242 = tpu.vector_load %arg9[%get3A_240, %get3A_241] {strides = array<i32>} : memref<1024x16xf32, #tpu.memory_space<vmem>>, vector<1x16xf32>,
      %get3A_243 = vector.shape_cast %get3A_242 : vector<1x16xf32> to vector<16xf32>
      %mul3A_244 = arith.mulf %get3A_239, %get3A_243 : vector<16xf32>
      %swap3A_245 = arith.index_cast %add3A_235 : i32 to index
      %swap3A_246 = arith.constant 0 : index
      %swap3A_247 = tpu.vector_load %arg10[%swap3A_245, %swap3A_246] {strides = array<i32>} : memref<632x16xf32, #tpu.memory_space<vmem>>, vector<1x16xf32>,
      %swap3A_248 = vector.shape_cast %swap3A_247 : vector<1x16xf32> to vector<16xf32>
      %swap3A_249 = vector.shape_cast %mul3A_244 : vector<16xf32> to vector<1x16xf32>
      tpu.vector_store %arg10[%swap3A_245, %swap3A_246], %swap3A_249 {strides = array<i32>} : memref<632x16xf32, #tpu.memory_space<vmem>>, vector<1x16xf32>,
    }
    %scan3A_59 = arith.constant 79 : i32
    %mul3A_60 = arith.constant 632 : i32
    %mul3A_61 = arith.muli %arg1, %mul3A_60 : i32
    "tpu.region"() ({
      %run_scoped3A_107 = tpu.sem_alloc : memref<!tpu.dma_semaphore, #tpu.memory_space<semaphore_mem>>
      %dma_start3A_108 = arith.constant 0 : i32
      %dma_start3A_109 = tpu.memref_slice %arg12[%mul3A_61, %dma_start3A_108] : memref<10112x16xf32, #tpu.memory_space<vmem_shared>> -> memref<632x16xf32, #tpu.memory_space<vmem_shared>>
      %dma_start3A_110 = arith.constant 0 : i32
      %dma_start3A_111 = tpu.memref_slice %arg12[%mul3A_61, %dma_start3A_110] : memref<10112x16xf32, #tpu.memory_space<vmem_shared>> -> memref<632x16xf32, #tpu.memory_space<vmem_shared>>
      tpu.enqueue_dma source(%arg10 : memref<632x16xf32, #tpu.memory_space<vmem>>) target(%dma_start3A_111 : memref<632x16xf32, #tpu.memory_space<vmem_shared>>) target_semaphore(%run_scoped3A_107 : memref<!tpu.dma_semaphore, #tpu.memory_space<semaphore_mem>>)
      %dma_wait3A_112 = arith.constant 0 : i32
      %dma_wait3A_113 = tpu.memref_slice %arg12[%mul3A_61, %dma_wait3A_112] : memref<10112x16xf32, #tpu.memory_space<vmem_shared>> -> memref<632x16xf32, #tpu.memory_space<vmem_shared>>
      %dma_wait3A_114 = arith.constant 0 : i32
      %dma_wait3A_115 = tpu.memref_slice %arg12[%mul3A_61, %dma_wait3A_114] : memref<10112x16xf32, #tpu.memory_space<vmem_shared>> -> memref<632x16xf32, #tpu.memory_space<vmem_shared>>
      tpu.wait_dma2 semaphore(%run_scoped3A_107 : memref<!tpu.dma_semaphore, #tpu.memory_space<semaphore_mem>>) src(%arg10 : memref<632x16xf32, #tpu.memory_space<vmem>>) dst(%dma_wait3A_115 : memref<632x16xf32, #tpu.memory_space<vmem_shared>>)
      tpu.yield
    }) : () -> ()
    %run_scoped3A = arith.constant 0 : i32
    "tpu.region"() ({
      %run_scoped3A_107 = tpu.sem_alloc : memref<!tpu.dma_semaphore, #tpu.memory_space<semaphore_mem>>
      %dma_start3A_108 = arith.constant 0 : i32
      %dma_start3A_109 = arith.constant 0 : i32
      %dma_start3A_110 = tpu.memref_slice %arg4[%run_scoped3A, %add3A, %dma_start3A_108, %dma_start3A_109] : memref<2x32x10x1024xi32, #tpu.memory_space<hbm>> -> memref<1x1x10x1024xi32, #tpu.memory_space<hbm>>
      %dma_start3A_111 = tpu.memref_squeeze %dma_start3A_110 : memref<1x1x10x1024xi32, #tpu.memory_space<hbm>> -> memref<10x1024xi32, #tpu.memory_space<hbm>>
      %dma_start3A_112 = arith.constant 0 : i32
      %dma_start3A_113 = arith.constant 0 : i32
      %dma_start3A_114 = tpu.memref_slice %arg4[%run_scoped3A, %add3A, %dma_start3A_112, %dma_start3A_113] : memref<2x32x10x1024xi32, #tpu.memory_space<hbm>> -> memref<1x1x10x1024xi32, #tpu.memory_space<hbm>>
      %dma_start3A_115 = tpu.memref_squeeze %dma_start3A_114 : memref<1x1x10x1024xi32, #tpu.memory_space<hbm>> -> memref<10x1024xi32, #tpu.memory_space<hbm>>
      tpu.enqueue_dma source(%dma_start3A_115 : memref<10x1024xi32, #tpu.memory_space<hbm>>) target(%arg6 : memref<10x1024xi32, #tpu.memory_space<vmem>>) target_semaphore(%run_scoped3A_107 : memref<!tpu.dma_semaphore, #tpu.memory_space<semaphore_mem>>)
      %dma_wait3A_116 = arith.constant 0 : i32
      %dma_wait3A_117 = arith.constant 0 : i32
      %dma_wait3A_118 = tpu.memref_slice %arg4[%run_scoped3A, %add3A, %dma_wait3A_116, %dma_wait3A_117] : memref<2x32x10x1024xi32, #tpu.memory_space<hbm>> -> memref<1x1x10x1024xi32, #tpu.memory_space<hbm>>
      %dma_wait3A_119 = tpu.memref_squeeze %dma_wait3A_118 : memref<1x1x10x1024xi32, #tpu.memory_space<hbm>> -> memref<10x1024xi32, #tpu.memory_space<hbm>>
      %dma_wait3A_120 = arith.constant 0 : i32
      %dma_wait3A_121 = arith.constant 0 : i32
      %dma_wait3A_122 = tpu.memref_slice %arg4[%run_scoped3A, %add3A, %dma_wait3A_120, %dma_wait3A_121] : memref<2x32x10x1024xi32, #tpu.memory_space<hbm>> -> memref<1x1x10x1024xi32, #tpu.memory_space<hbm>>
      %dma_wait3A_123 = tpu.memref_squeeze %dma_wait3A_122 : memref<1x1x10x1024xi32, #tpu.memory_space<hbm>> -> memref<10x1024xi32, #tpu.memory_space<hbm>>
      tpu.wait_dma2 semaphore(%run_scoped3A_107 : memref<!tpu.dma_semaphore, #tpu.memory_space<semaphore_mem>>) src(%dma_wait3A_123 : memref<10x1024xi32, #tpu.memory_space<hbm>>) dst(%arg6 : memref<10x1024xi32, #tpu.memory_space<vmem>>)
      tpu.yield
    }) : () -> ()
    %run_scoped3A_62 = arith.constant 1 : i32
    "tpu.region"() ({
      %run_scoped3A_107 = tpu.sem_alloc : memref<!tpu.dma_semaphore, #tpu.memory_space<semaphore_mem>>
      %dma_start3A_108 = arith.constant 0 : i32
      %dma_start3A_109 = arith.constant 0 : i32
      %dma_start3A_110 = tpu.memref_slice %arg4[%run_scoped3A_62, %add3A, %dma_start3A_108, %dma_start3A_109] : memref<2x32x10x1024xi32, #tpu.memory_space<hbm>> -> memref<1x1x10x1024xi32, #tpu.memory_space<hbm>>
      %dma_start3A_111 = tpu.memref_squeeze %dma_start3A_110 : memref<1x1x10x1024xi32, #tpu.memory_space<hbm>> -> memref<10x1024xi32, #tpu.memory_space<hbm>>
      %dma_start3A_112 = arith.constant 0 : i32
      %dma_start3A_113 = arith.constant 0 : i32
      %dma_start3A_114 = tpu.memref_slice %arg4[%run_scoped3A_62, %add3A, %dma_start3A_112, %dma_start3A_113] : memref<2x32x10x1024xi32, #tpu.memory_space<hbm>> -> memref<1x1x10x1024xi32, #tpu.memory_space<hbm>>
      %dma_start3A_115 = tpu.memref_squeeze %dma_start3A_114 : memref<1x1x10x1024xi32, #tpu.memory_space<hbm>> -> memref<10x1024xi32, #tpu.memory_space<hbm>>
      tpu.enqueue_dma source(%dma_start3A_115 : memref<10x1024xi32, #tpu.memory_space<hbm>>) target(%arg7 : memref<10x1024xi32, #tpu.memory_space<vmem>>) target_semaphore(%run_scoped3A_107 : memref<!tpu.dma_semaphore, #tpu.memory_space<semaphore_mem>>)
      %dma_wait3A_116 = arith.constant 0 : i32
      %dma_wait3A_117 = arith.constant 0 : i32
      %dma_wait3A_118 = tpu.memref_slice %arg4[%run_scoped3A_62, %add3A, %dma_wait3A_116, %dma_wait3A_117] : memref<2x32x10x1024xi32, #tpu.memory_space<hbm>> -> memref<1x1x10x1024xi32, #tpu.memory_space<hbm>>
      %dma_wait3A_119 = tpu.memref_squeeze %dma_wait3A_118 : memref<1x1x10x1024xi32, #tpu.memory_space<hbm>> -> memref<10x1024xi32, #tpu.memory_space<hbm>>
      %dma_wait3A_120 = arith.constant 0 : i32
      %dma_wait3A_121 = arith.constant 0 : i32
      %dma_wait3A_122 = tpu.memref_slice %arg4[%run_scoped3A_62, %add3A, %dma_wait3A_120, %dma_wait3A_121] : memref<2x32x10x1024xi32, #tpu.memory_space<hbm>> -> memref<1x1x10x1024xi32, #tpu.memory_space<hbm>>
      %dma_wait3A_123 = tpu.memref_squeeze %dma_wait3A_122 : memref<1x1x10x1024xi32, #tpu.memory_space<hbm>> -> memref<10x1024xi32, #tpu.memory_space<hbm>>
      tpu.wait_dma2 semaphore(%run_scoped3A_107 : memref<!tpu.dma_semaphore, #tpu.memory_space<semaphore_mem>>) src(%dma_wait3A_123 : memref<10x1024xi32, #tpu.memory_space<hbm>>) dst(%arg7 : memref<10x1024xi32, #tpu.memory_space<vmem>>)
      tpu.yield
    }) : () -> ()
    %barrier3A = arith.constant 0 : index
    tpu.barrier barrier_id(%barrier3A)
    %dma_start3A_63 = arith.constant 0 : i32
    %dma_start3A_64 = arith.constant 0 : i32
    %dma_start3A_65 = tpu.memref_slice %arg6[%dma_start3A_63, %dma_start3A_64] : memref<10x1024xi32, #tpu.memory_space<vmem>> -> memref<1x1024xi32, #tpu.memory_space<vmem>>
    %dma_start3A_66 = tpu.memref_squeeze %dma_start3A_65 : memref<1x1024xi32, #tpu.memory_space<vmem>> -> memref<1024xi32, #tpu.memory_space<vmem>>
    %dma_start3A_67 = arith.constant 0 : i32
    %dma_start3A_68 = arith.constant 0 : i32
    %dma_start3A_69 = tpu.memref_slice %arg12[%dma_start3A_67, %dma_start3A_68] : memref<10112x16xf32, #tpu.memory_space<vmem_shared>> -> memref<10112x16xf32, #tpu.memory_space<vmem_shared>>
    tpu.enqueue_indirect_dma source(%dma_start3A_69 : memref<10112x16xf32, #tpu.memory_space<vmem_shared>>) target(%arg8 : memref<1024x16xf32, #tpu.memory_space<vmem>>) offsets(%dma_start3A_66 : memref<1024xi32, #tpu.memory_space<vmem>>) semaphore(%arg13 : memref<!tpu.dma_semaphore, #tpu.memory_space<semaphore_mem>>)
    %scan3A_70 = arith.constant 0 : i32
    %scan3A_71 = arith.constant 0 : i32
    %scan3A_72 = arith.constant 4 : i32
    %scan3A_73 = arith.addi %scan3A_71, %scan3A_72 : i32
    %scan3A_74 = arith.constant 1 : i32
    scf.for %scan3A_107 = %scan3A_71 to %scan3A_73 step %scan3A_74  : i32 {
      %mul3A_108 = arith.constant 2 : i32
      %mul3A_109 = arith.muli %mul3A_108, %scan3A_107 : i32
      %add3A_110 = arith.constant 1 : i32
      %add3A_111 = arith.addi %mul3A_109, %add3A_110 : i32
      %dma_start3A_112 = arith.constant 0 : i32
      %dma_start3A_113 = tpu.memref_slice %arg6[%add3A_111, %dma_start3A_112] : memref<10x1024xi32, #tpu.memory_space<vmem>> -> memref<1x1024xi32, #tpu.memory_space<vmem>>
      %dma_start3A_114 = tpu.memref_squeeze %dma_start3A_113 : memref<1x1024xi32, #tpu.memory_space<vmem>> -> memref<1024xi32, #tpu.memory_space<vmem>>
      %dma_start3A_115 = arith.constant 0 : i32
      %dma_start3A_116 = arith.constant 0 : i32
      %dma_start3A_117 = tpu.memref_slice %arg12[%dma_start3A_115, %dma_start3A_116] : memref<10112x16xf32, #tpu.memory_space<vmem_shared>> -> memref<10112x16xf32, #tpu.memory_space<vmem_shared>>
      tpu.enqueue_indirect_dma source(%dma_start3A_117 : memref<10112x16xf32, #tpu.memory_space<vmem_shared>>) target(%arg9 : memref<1024x16xf32, #tpu.memory_space<vmem>>) offsets(%dma_start3A_114 : memref<1024xi32, #tpu.memory_space<vmem>>) semaphore(%arg14 : memref<!tpu.dma_semaphore, #tpu.memory_space<semaphore_mem>>)
      %dma_wait3A_118 = arith.constant 0 : i32
      %dma_wait3A_119 = tpu.memref_slice %arg6[%mul3A_109, %dma_wait3A_118] : memref<10x1024xi32, #tpu.memory_space<vmem>> -> memref<1x1024xi32, #tpu.memory_space<vmem>>
      %dma_wait3A_120 = tpu.memref_squeeze %dma_wait3A_119 : memref<1x1024xi32, #tpu.memory_space<vmem>> -> memref<1024xi32, #tpu.memory_space<vmem>>
      %dma_wait3A_121 = arith.constant 0 : i32
      %dma_wait3A_122 = arith.constant 0 : i32
      %dma_wait3A_123 = tpu.memref_slice %arg12[%dma_wait3A_121, %dma_wait3A_122] : memref<10112x16xf32, #tpu.memory_space<vmem_shared>> -> memref<10112x16xf32, #tpu.memory_space<vmem_shared>>
      tpu.wait_indirect_dma semaphore(%arg13 : memref<!tpu.dma_semaphore, #tpu.memory_space<semaphore_mem>>) src(%dma_wait3A_123 : memref<10112x16xf32, #tpu.memory_space<vmem_shared>>) dst(%arg8 : memref<1024x16xf32, #tpu.memory_space<vmem>>)
      "tpu.region"() ({
        %run_scoped3A_140 = tpu.sem_alloc : memref<!tpu.dma_semaphore, #tpu.memory_space<semaphore_mem>>
        %dma_start3A_141 = arith.constant 0 : i32
        %dma_start3A_142 = tpu.memref_slice %arg7[%mul3A_109, %dma_start3A_141] : memref<10x1024xi32, #tpu.memory_space<vmem>> -> memref<1x1024xi32, #tpu.memory_space<vmem>>
        %dma_start3A_143 = tpu.memref_squeeze %dma_start3A_142 : memref<1x1024xi32, #tpu.memory_space<vmem>> -> memref<1024xi32, #tpu.memory_space<vmem>>
        %dma_start3A_144 = arith.constant 0 : i32
        %dma_start3A_145 = arith.constant 0 : i32
        %dma_start3A_146 = tpu.memref_slice %arg11[%dma_start3A_144, %dma_start3A_145] : memref<10112x16xf32, #tpu.memory_space<vmem_shared>> -> memref<10112x16xf32, #tpu.memory_space<vmem_shared>>
        tpu.enqueue_indirect_dma source(%arg8 : memref<1024x16xf32, #tpu.memory_space<vmem>>) target(%dma_start3A_146 : memref<10112x16xf32, #tpu.memory_space<vmem_shared>>) offsets(%dma_start3A_143 : memref<1024xi32, #tpu.memory_space<vmem>>) semaphore(%run_scoped3A_140 : memref<!tpu.dma_semaphore, #tpu.memory_space<semaphore_mem>>) {add = true}
        %dma_wait3A_147 = arith.constant 0 : i32
        %dma_wait3A_148 = tpu.memref_slice %arg7[%mul3A_109, %dma_wait3A_147] : memref<10x1024xi32, #tpu.memory_space<vmem>> -> memref<1x1024xi32, #tpu.memory_space<vmem>>
        %dma_wait3A_149 = tpu.memref_squeeze %dma_wait3A_148 : memref<1x1024xi32, #tpu.memory_space<vmem>> -> memref<1024xi32, #tpu.memory_space<vmem>>
        %dma_wait3A_150 = arith.constant 0 : i32
        %dma_wait3A_151 = arith.constant 0 : i32
        %dma_wait3A_152 = tpu.memref_slice %arg11[%dma_wait3A_150, %dma_wait3A_151] : memref<10112x16xf32, #tpu.memory_space<vmem_shared>> -> memref<10112x16xf32, #tpu.memory_space<vmem_shared>>
        tpu.wait_indirect_dma semaphore(%run_scoped3A_140 : memref<!tpu.dma_semaphore, #tpu.memory_space<semaphore_mem>>) src(%arg8 : memref<1024x16xf32, #tpu.memory_space<vmem>>) dst(%dma_wait3A_152 : memref<10112x16xf32, #tpu.memory_space<vmem_shared>>)
        tpu.yield
      }) : () -> ()
      %add3A_124 = arith.constant 2 : i32
      %add3A_125 = arith.addi %mul3A_109, %add3A_124 : i32
      %dma_start3A_126 = arith.constant 0 : i32
      %dma_start3A_127 = tpu.memref_slice %arg6[%add3A_125, %dma_start3A_126] : memref<10x1024xi32, #tpu.memory_space<vmem>> -> memref<1x1024xi32, #tpu.memory_space<vmem>>
      %dma_start3A_128 = tpu.memref_squeeze %dma_start3A_127 : memref<1x1024xi32, #tpu.memory_space<vmem>> -> memref<1024xi32, #tpu.memory_space<vmem>>
      %dma_start3A_129 = arith.constant 0 : i32
      %dma_start3A_130 = arith.constant 0 : i32
      %dma_start3A_131 = tpu.memref_slice %arg12[%dma_start3A_129, %dma_start3A_130] : memref<10112x16xf32, #tpu.memory_space<vmem_shared>> -> memref<10112x16xf32, #tpu.memory_space<vmem_shared>>
      tpu.enqueue_indirect_dma source(%dma_start3A_131 : memref<10112x16xf32, #tpu.memory_space<vmem_shared>>) target(%arg8 : memref<1024x16xf32, #tpu.memory_space<vmem>>) offsets(%dma_start3A_128 : memref<1024xi32, #tpu.memory_space<vmem>>) semaphore(%arg13 : memref<!tpu.dma_semaphore, #tpu.memory_space<semaphore_mem>>)
      %dma_wait3A_132 = arith.constant 0 : i32
      %dma_wait3A_133 = tpu.memref_slice %arg6[%mul3A_109, %dma_wait3A_132] : memref<10x1024xi32, #tpu.memory_space<vmem>> -> memref<1x1024xi32, #tpu.memory_space<vmem>>
      %dma_wait3A_134 = tpu.memref_squeeze %dma_wait3A_133 : memref<1x1024xi32, #tpu.memory_space<vmem>> -> memref<1024xi32, #tpu.memory_space<vmem>>
      %dma_wait3A_135 = arith.constant 0 : i32
      %dma_wait3A_136 = arith.constant 0 : i32
      %dma_wait3A_137 = tpu.memref_slice %arg12[%dma_wait3A_135, %dma_wait3A_136] : memref<10112x16xf32, #tpu.memory_space<vmem_shared>> -> memref<10112x16xf32, #tpu.memory_space<vmem_shared>>
      tpu.wait_indirect_dma semaphore(%arg14 : memref<!tpu.dma_semaphore, #tpu.memory_space<semaphore_mem>>) src(%dma_wait3A_137 : memref<10112x16xf32, #tpu.memory_space<vmem_shared>>) dst(%arg9 : memref<1024x16xf32, #tpu.memory_space<vmem>>)
      %add3A_138 = arith.constant 1 : i32
      %add3A_139 = arith.addi %mul3A_109, %add3A_138 : i32
      "tpu.region"() ({
        %run_scoped3A_140 = tpu.sem_alloc : memref<!tpu.dma_semaphore, #tpu.memory_space<semaphore_mem>>
        %dma_start3A_141 = arith.constant 0 : i32
        %dma_start3A_142 = tpu.memref_slice %arg7[%add3A_139, %dma_start3A_141] : memref<10x1024xi32, #tpu.memory_space<vmem>> -> memref<1x1024xi32, #tpu.memory_space<vmem>>
        %dma_start3A_143 = tpu.memref_squeeze %dma_start3A_142 : memref<1x1024xi32, #tpu.memory_space<vmem>> -> memref<1024xi32, #tpu.memory_space<vmem>>
        %dma_start3A_144 = arith.constant 0 : i32
        %dma_start3A_145 = arith.constant 0 : i32
        %dma_start3A_146 = tpu.memref_slice %arg11[%dma_start3A_144, %dma_start3A_145] : memref<10112x16xf32, #tpu.memory_space<vmem_shared>> -> memref<10112x16xf32, #tpu.memory_space<vmem_shared>>
        tpu.enqueue_indirect_dma source(%arg9 : memref<1024x16xf32, #tpu.memory_space<vmem>>) target(%dma_start3A_146 : memref<10112x16xf32, #tpu.memory_space<vmem_shared>>) offsets(%dma_start3A_143 : memref<1024xi32, #tpu.memory_space<vmem>>) semaphore(%run_scoped3A_140 : memref<!tpu.dma_semaphore, #tpu.memory_space<semaphore_mem>>) {add = true}
        %dma_wait3A_147 = arith.constant 0 : i32
        %dma_wait3A_148 = tpu.memref_slice %arg7[%add3A_139, %dma_wait3A_147] : memref<10x1024xi32, #tpu.memory_space<vmem>> -> memref<1x1024xi32, #tpu.memory_space<vmem>>
        %dma_wait3A_149 = tpu.memref_squeeze %dma_wait3A_148 : memref<1x1024xi32, #tpu.memory_space<vmem>> -> memref<1024xi32, #tpu.memory_space<vmem>>
        %dma_wait3A_150 = arith.constant 0 : i32
        %dma_wait3A_151 = arith.constant 0 : i32
        %dma_wait3A_152 = tpu.memref_slice %arg11[%dma_wait3A_150, %dma_wait3A_151] : memref<10112x16xf32, #tpu.memory_space<vmem_shared>> -> memref<10112x16xf32, #tpu.memory_space<vmem_shared>>
        tpu.wait_indirect_dma semaphore(%run_scoped3A_140 : memref<!tpu.dma_semaphore, #tpu.memory_space<semaphore_mem>>) src(%arg9 : memref<1024x16xf32, #tpu.memory_space<vmem>>) dst(%dma_wait3A_152 : memref<10112x16xf32, #tpu.memory_space<vmem_shared>>)
        tpu.yield
      }) : () -> ()
    }
    %scan3A_75 = arith.constant 4 : i32
    %dma_start3A_76 = arith.constant 9 : i32
    %dma_start3A_77 = arith.constant 0 : i32
    %dma_start3A_78 = tpu.memref_slice %arg6[%dma_start3A_76, %dma_start3A_77] : memref<10x1024xi32, #tpu.memory_space<vmem>> -> memref<1x1024xi32, #tpu.memory_space<vmem>>
    %dma_start3A_79 = tpu.memref_squeeze %dma_start3A_78 : memref<1x1024xi32, #tpu.memory_space<vmem>> -> memref<1024xi32, #tpu.memory_space<vmem>>
    %dma_start3A_80 = arith.constant 0 : i32
    %dma_start3A_81 = arith.constant 0 : i32
    %dma_start3A_82 = tpu.memref_slice %arg12[%dma_start3A_80, %dma_start3A_81] : memref<10112x16xf32, #tpu.memory_space<vmem_shared>> -> memref<10112x16xf32, #tpu.memory_space<vmem_shared>>
    tpu.enqueue_indirect_dma source(%dma_start3A_82 : memref<10112x16xf32, #tpu.memory_space<vmem_shared>>) target(%arg9 : memref<1024x16xf32, #tpu.memory_space<vmem>>) offsets(%dma_start3A_79 : memref<1024xi32, #tpu.memory_space<vmem>>) semaphore(%arg14 : memref<!tpu.dma_semaphore, #tpu.memory_space<semaphore_mem>>)
    %dma_wait3A_83 = arith.constant 0 : i32
    %dma_wait3A_84 = arith.constant 0 : i32
    %dma_wait3A_85 = tpu.memref_slice %arg6[%dma_wait3A_83, %dma_wait3A_84] : memref<10x1024xi32, #tpu.memory_space<vmem>> -> memref<1x1024xi32, #tpu.memory_space<vmem>>
    %dma_wait3A_86 = tpu.memref_squeeze %dma_wait3A_85 : memref<1x1024xi32, #tpu.memory_space<vmem>> -> memref<1024xi32, #tpu.memory_space<vmem>>
    %dma_wait3A_87 = arith.constant 0 : i32
    %dma_wait3A_88 = arith.constant 0 : i32
    %dma_wait3A_89 = tpu.memref_slice %arg12[%dma_wait3A_87, %dma_wait3A_88] : memref<10112x16xf32, #tpu.memory_space<vmem_shared>> -> memref<10112x16xf32, #tpu.memory_space<vmem_shared>>
    tpu.wait_indirect_dma semaphore(%arg13 : memref<!tpu.dma_semaphore, #tpu.memory_space<semaphore_mem>>) src(%dma_wait3A_89 : memref<10112x16xf32, #tpu.memory_space<vmem_shared>>) dst(%arg8 : memref<1024x16xf32, #tpu.memory_space<vmem>>)
    %run_scoped3A_90 = arith.constant 8 : i32
    "tpu.region"() ({
      %run_scoped3A_107 = tpu.sem_alloc : memref<!tpu.dma_semaphore, #tpu.memory_space<semaphore_mem>>
      %dma_start3A_108 = arith.constant 0 : i32
      %dma_start3A_109 = tpu.memref_slice %arg7[%run_scoped3A_90, %dma_start3A_108] : memref<10x1024xi32, #tpu.memory_space<vmem>> -> memref<1x1024xi32, #tpu.memory_space<vmem>>
      %dma_start3A_110 = tpu.memref_squeeze %dma_start3A_109 : memref<1x1024xi32, #tpu.memory_space<vmem>> -> memref<1024xi32, #tpu.memory_space<vmem>>
      %dma_start3A_111 = arith.constant 0 : i32
      %dma_start3A_112 = arith.constant 0 : i32
      %dma_start3A_113 = tpu.memref_slice %arg11[%dma_start3A_111, %dma_start3A_112] : memref<10112x16xf32, #tpu.memory_space<vmem_shared>> -> memref<10112x16xf32, #tpu.memory_space<vmem_shared>>
      tpu.enqueue_indirect_dma source(%arg8 : memref<1024x16xf32, #tpu.memory_space<vmem>>) target(%dma_start3A_113 : memref<10112x16xf32, #tpu.memory_space<vmem_shared>>) offsets(%dma_start3A_110 : memref<1024xi32, #tpu.memory_space<vmem>>) semaphore(%run_scoped3A_107 : memref<!tpu.dma_semaphore, #tpu.memory_space<semaphore_mem>>) {add = true}
      %dma_wait3A_114 = arith.constant 0 : i32
      %dma_wait3A_115 = tpu.memref_slice %arg7[%run_scoped3A_90, %dma_wait3A_114] : memref<10x1024xi32, #tpu.memory_space<vmem>> -> memref<1x1024xi32, #tpu.memory_space<vmem>>
      %dma_wait3A_116 = tpu.memref_squeeze %dma_wait3A_115 : memref<1x1024xi32, #tpu.memory_space<vmem>> -> memref<1024xi32, #tpu.memory_space<vmem>>
      %dma_wait3A_117 = arith.constant 0 : i32
      %dma_wait3A_118 = arith.constant 0 : i32
      %dma_wait3A_119 = tpu.memref_slice %arg11[%dma_wait3A_117, %dma_wait3A_118] : memref<10112x16xf32, #tpu.memory_space<vmem_shared>> -> memref<10112x16xf32, #tpu.memory_space<vmem_shared>>
      tpu.wait_indirect_dma semaphore(%run_scoped3A_107 : memref<!tpu.dma_semaphore, #tpu.memory_space<semaphore_mem>>) src(%arg8 : memref<1024x16xf32, #tpu.memory_space<vmem>>) dst(%dma_wait3A_119 : memref<10112x16xf32, #tpu.memory_space<vmem_shared>>)
      tpu.yield
    }) : () -> ()
    %dma_wait3A_91 = arith.constant 0 : i32
    %dma_wait3A_92 = arith.constant 0 : i32
    %dma_wait3A_93 = tpu.memref_slice %arg6[%dma_wait3A_91, %dma_wait3A_92] : memref<10x1024xi32, #tpu.memory_space<vmem>> -> memref<1x1024xi32, #tpu.memory_space<vmem>>
    %dma_wait3A_94 = tpu.memref_squeeze %dma_wait3A_93 : memref<1x1024xi32, #tpu.memory_space<vmem>> -> memref<1024xi32, #tpu.memory_space<vmem>>
    %dma_wait3A_95 = arith.constant 0 : i32
    %dma_wait3A_96 = arith.constant 0 : i32
    %dma_wait3A_97 = tpu.memref_slice %arg12[%dma_wait3A_95, %dma_wait3A_96] : memref<10112x16xf32, #tpu.memory_space<vmem_shared>> -> memref<10112x16xf32, #tpu.memory_space<vmem_shared>>
    tpu.wait_indirect_dma semaphore(%arg14 : memref<!tpu.dma_semaphore, #tpu.memory_space<semaphore_mem>>) src(%dma_wait3A_97 : memref<10112x16xf32, #tpu.memory_space<vmem_shared>>) dst(%arg9 : memref<1024x16xf32, #tpu.memory_space<vmem>>)
    %run_scoped3A_98 = arith.constant 9 : i32
    "tpu.region"() ({
      %run_scoped3A_107 = tpu.sem_alloc : memref<!tpu.dma_semaphore, #tpu.memory_space<semaphore_mem>>
      %dma_start3A_108 = arith.constant 0 : i32
      %dma_start3A_109 = tpu.memref_slice %arg7[%run_scoped3A_98, %dma_start3A_108] : memref<10x1024xi32, #tpu.memory_space<vmem>> -> memref<1x1024xi32, #tpu.memory_space<vmem>>
      %dma_start3A_110 = tpu.memref_squeeze %dma_start3A_109 : memref<1x1024xi32, #tpu.memory_space<vmem>> -> memref<1024xi32, #tpu.memory_space<vmem>>
      %dma_start3A_111 = arith.constant 0 : i32
      %dma_start3A_112 = arith.constant 0 : i32
      %dma_start3A_113 = tpu.memref_slice %arg11[%dma_start3A_111, %dma_start3A_112] : memref<10112x16xf32, #tpu.memory_space<vmem_shared>> -> memref<10112x16xf32, #tpu.memory_space<vmem_shared>>
      tpu.enqueue_indirect_dma source(%arg9 : memref<1024x16xf32, #tpu.memory_space<vmem>>) target(%dma_start3A_113 : memref<10112x16xf32, #tpu.memory_space<vmem_shared>>) offsets(%dma_start3A_110 : memref<1024xi32, #tpu.memory_space<vmem>>) semaphore(%run_scoped3A_107 : memref<!tpu.dma_semaphore, #tpu.memory_space<semaphore_mem>>) {add = true}
      %dma_wait3A_114 = arith.constant 0 : i32
      %dma_wait3A_115 = tpu.memref_slice %arg7[%run_scoped3A_98, %dma_wait3A_114] : memref<10x1024xi32, #tpu.memory_space<vmem>> -> memref<1x1024xi32, #tpu.memory_space<vmem>>
      %dma_wait3A_116 = tpu.memref_squeeze %dma_wait3A_115 : memref<1x1024xi32, #tpu.memory_space<vmem>> -> memref<1024xi32, #tpu.memory_space<vmem>>
      %dma_wait3A_117 = arith.constant 0 : i32
      %dma_wait3A_118 = arith.constant 0 : i32
      %dma_wait3A_119 = tpu.memref_slice %arg11[%dma_wait3A_117, %dma_wait3A_118] : memref<10112x16xf32, #tpu.memory_space<vmem_shared>> -> memref<10112x16xf32, #tpu.memory_space<vmem_shared>>
      tpu.wait_indirect_dma semaphore(%run_scoped3A_107 : memref<!tpu.dma_semaphore, #tpu.memory_space<semaphore_mem>>) src(%arg9 : memref<1024x16xf32, #tpu.memory_space<vmem>>) dst(%dma_wait3A_119 : memref<10112x16xf32, #tpu.memory_space<vmem_shared>>)
      tpu.yield
    }) : () -> ()
    %barrier3A_99 = arith.constant 0 : index
    tpu.barrier barrier_id(%barrier3A_99)
    %mul3A_100 = arith.constant 632 : i32
    %mul3A_101 = arith.muli %arg1, %mul3A_100 : i32
    "tpu.region"() ({
      %run_scoped3A_107 = tpu.sem_alloc : memref<!tpu.dma_semaphore, #tpu.memory_space<semaphore_mem>>
      %dma_start3A_108 = arith.constant 0 : i32
      %dma_start3A_109 = tpu.memref_slice %arg11[%mul3A_101, %dma_start3A_108] : memref<10112x16xf32, #tpu.memory_space<vmem_shared>> -> memref<632x16xf32, #tpu.memory_space<vmem_shared>>
      %dma_start3A_110 = arith.constant 0 : i32
      %dma_start3A_111 = tpu.memref_slice %arg11[%mul3A_101, %dma_start3A_110] : memref<10112x16xf32, #tpu.memory_space<vmem_shared>> -> memref<632x16xf32, #tpu.memory_space<vmem_shared>>
      tpu.enqueue_dma source(%dma_start3A_111 : memref<632x16xf32, #tpu.memory_space<vmem_shared>>) target(%arg10 : memref<632x16xf32, #tpu.memory_space<vmem>>) target_semaphore(%run_scoped3A_107 : memref<!tpu.dma_semaphore, #tpu.memory_space<semaphore_mem>>)
      %dma_wait3A_112 = arith.constant 0 : i32
      %dma_wait3A_113 = tpu.memref_slice %arg11[%mul3A_101, %dma_wait3A_112] : memref<10112x16xf32, #tpu.memory_space<vmem_shared>> -> memref<632x16xf32, #tpu.memory_space<vmem_shared>>
      %dma_wait3A_114 = arith.constant 0 : i32
      %dma_wait3A_115 = tpu.memref_slice %arg11[%mul3A_101, %dma_wait3A_114] : memref<10112x16xf32, #tpu.memory_space<vmem_shared>> -> memref<632x16xf32, #tpu.memory_space<vmem_shared>>
      tpu.wait_dma2 semaphore(%run_scoped3A_107 : memref<!tpu.dma_semaphore, #tpu.memory_space<semaphore_mem>>) src(%dma_wait3A_115 : memref<632x16xf32, #tpu.memory_space<vmem_shared>>) dst(%arg10 : memref<632x16xf32, #tpu.memory_space<vmem>>)
      tpu.yield
    }) : () -> ()
    %mul3A_102 = arith.constant 10112 : i32
    %mul3A_103 = arith.muli %arg0, %mul3A_102 : i32
    %mul3A_104 = arith.constant 632 : i32
    %mul3A_105 = arith.muli %arg1, %mul3A_104 : i32
    %add3A_106 = arith.addi %mul3A_103, %mul3A_105 : i32
    "tpu.region"() ({
      %run_scoped3A_107 = tpu.sem_alloc : memref<!tpu.dma_semaphore, #tpu.memory_space<semaphore_mem>>
      %dma_start3A_108 = arith.constant 0 : i32
      %dma_start3A_109 = tpu.memref_slice %arg5[%add3A_106, %dma_start3A_108] : memref<20224x16xf32, #tpu.memory_space<hbm>> -> memref<632x16xf32, #tpu.memory_space<hbm>>
      %dma_start3A_110 = arith.constant 0 : i32
      %dma_start3A_111 = tpu.memref_slice %arg5[%add3A_106, %dma_start3A_110] : memref<20224x16xf32, #tpu.memory_space<hbm>> -> memref<632x16xf32, #tpu.memory_space<hbm>>
      tpu.enqueue_dma source(%arg10 : memref<632x16xf32, #tpu.memory_space<vmem>>) target(%dma_start3A_111 : memref<632x16xf32, #tpu.memory_space<hbm>>) target_semaphore(%run_scoped3A_107 : memref<!tpu.dma_semaphore, #tpu.memory_space<semaphore_mem>>)
      %dma_wait3A_112 = arith.constant 0 : i32
      %dma_wait3A_113 = tpu.memref_slice %arg5[%add3A_106, %dma_wait3A_112] : memref<20224x16xf32, #tpu.memory_space<hbm>> -> memref<632x16xf32, #tpu.memory_space<hbm>>
      %dma_wait3A_114 = arith.constant 0 : i32
      %dma_wait3A_115 = tpu.memref_slice %arg5[%add3A_106, %dma_wait3A_114] : memref<20224x16xf32, #tpu.memory_space<hbm>> -> memref<632x16xf32, #tpu.memory_space<hbm>>
      tpu.wait_dma2 semaphore(%run_scoped3A_107 : memref<!tpu.dma_semaphore, #tpu.memory_space<semaphore_mem>>) src(%arg10 : memref<632x16xf32, #tpu.memory_space<vmem>>) dst(%dma_wait3A_115 : memref<632x16xf32, #tpu.memory_space<hbm>>)
      tpu.yield
    }) : () -> ()
    return
  }
}

#map = affine_map<(d0, d1) -> (0, 0)>
#map1 = affine_map<(d0, d1) -> (0, 0, 0, 0)>
module attributes {stable_mosaic.version = 14 : i64} {
  func.func @_hop2_body(%arg0: i32, %arg1: i32, %arg2: memref<10112x16xf32, #tpu.memory_space<hbm>>, %arg3: memref<10112x16xf32, #tpu.memory_space<hbm>>, %arg4: memref<10112x16xf32, #tpu.memory_space<hbm>>, %arg5: memref<20224x16xf32, #tpu.memory_space<hbm>>, %arg6: memref<2x32x10x1024xi32, #tpu.memory_space<hbm>>, %arg7: memref<20224x16xf32, #tpu.memory_space<hbm>>, %arg8: memref<10x1024xi32, #tpu.memory_space<vmem>>, %arg9: memref<10x1024xi32, #tpu.memory_space<vmem>>, %arg10: memref<1024x16xf32, #tpu.memory_space<vmem>>, %arg11: memref<1024x16xf32, #tpu.memory_space<vmem>>, %arg12: memref<632x16xf32, #tpu.memory_space<vmem>>, %arg13: memref<632x16xf32, #tpu.memory_space<vmem>>, %arg14: memref<632x16xf32, #tpu.memory_space<vmem>>, %arg15: memref<10112x16xf32, #tpu.memory_space<vmem_shared>>, %arg16: memref<10112x16xf32, #tpu.memory_space<vmem_shared>>, %arg17: memref<!tpu.dma_semaphore, #tpu.memory_space<semaphore_mem>>, %arg18: memref<!tpu.dma_semaphore, #tpu.memory_space<semaphore_mem>>) attributes {dimension_semantics = [#tpu.dimension_semantics<core_parallel>, #tpu.dimension_semantics<subcore_parallel>], iteration_bounds = array<i64: 2, 16>, scalar_prefetch = 0 : i64, scratch_operands = 11 : i64, tpu.core_type = #tpu.core_type<sc_vector_subcore>, window_params = [{transform_indices = #map}, {transform_indices = #map}, {transform_indices = #map}, {transform_indices = #map}, {transform_indices = #map1}, {transform_indices = #map}]} {
    %mul3A = arith.constant 16 : i32
    %mul3A_0 = arith.muli %arg0, %mul3A : i32
    %add3A = arith.addi %mul3A_0, %arg1 : i32
    %mul3A_1 = arith.constant 632 : i32
    %mul3A_2 = arith.muli %arg1, %mul3A_1 : i32
    %dma_start3A = arith.constant 0 : i32
    %dma_start3A_3 = arith.constant 0 : i32
    %dma_start3A_4 = tpu.memref_slice %arg10[%dma_start3A, %dma_start3A_3] : memref<1024x16xf32, #tpu.memory_space<vmem>> -> memref<632x16xf32, #tpu.memory_space<vmem>>
    %dma_start3A_5 = arith.constant 0 : i32
    %dma_start3A_6 = tpu.memref_slice %arg5[%mul3A_2, %dma_start3A_5] : memref<20224x16xf32, #tpu.memory_space<hbm>> -> memref<632x16xf32, #tpu.memory_space<hbm>>
    %dma_start3A_7 = arith.constant 0 : i32
    %dma_start3A_8 = arith.constant 0 : i32
    %dma_start3A_9 = tpu.memref_slice %arg10[%dma_start3A_7, %dma_start3A_8] : memref<1024x16xf32, #tpu.memory_space<vmem>> -> memref<632x16xf32, #tpu.memory_space<vmem>>
    %dma_start3A_10 = arith.constant 0 : i32
    %dma_start3A_11 = tpu.memref_slice %arg5[%mul3A_2, %dma_start3A_10] : memref<20224x16xf32, #tpu.memory_space<hbm>> -> memref<632x16xf32, #tpu.memory_space<hbm>>
    tpu.enqueue_dma source(%dma_start3A_11 : memref<632x16xf32, #tpu.memory_space<hbm>>) target(%dma_start3A_9 : memref<632x16xf32, #tpu.memory_space<vmem>>) target_semaphore(%arg17 : memref<!tpu.dma_semaphore, #tpu.memory_space<semaphore_mem>>)
    %mul3A_12 = arith.constant 632 : i32
    %mul3A_13 = arith.muli %arg1, %mul3A_12 : i32
    %add3A_14 = arith.constant 10112 : i32
    %add3A_15 = arith.addi %add3A_14, %mul3A_13 : i32
    %dma_start3A_16 = arith.constant 0 : i32
    %dma_start3A_17 = arith.constant 0 : i32
    %dma_start3A_18 = tpu.memref_slice %arg11[%dma_start3A_16, %dma_start3A_17] : memref<1024x16xf32, #tpu.memory_space<vmem>> -> memref<632x16xf32, #tpu.memory_space<vmem>>
    %dma_start3A_19 = arith.constant 0 : i32
    %dma_start3A_20 = tpu.memref_slice %arg5[%add3A_15, %dma_start3A_19] : memref<20224x16xf32, #tpu.memory_space<hbm>> -> memref<632x16xf32, #tpu.memory_space<hbm>>
    %dma_start3A_21 = arith.constant 0 : i32
    %dma_start3A_22 = arith.constant 0 : i32
    %dma_start3A_23 = tpu.memref_slice %arg11[%dma_start3A_21, %dma_start3A_22] : memref<1024x16xf32, #tpu.memory_space<vmem>> -> memref<632x16xf32, #tpu.memory_space<vmem>>
    %dma_start3A_24 = arith.constant 0 : i32
    %dma_start3A_25 = tpu.memref_slice %arg5[%add3A_15, %dma_start3A_24] : memref<20224x16xf32, #tpu.memory_space<hbm>> -> memref<632x16xf32, #tpu.memory_space<hbm>>
    tpu.enqueue_dma source(%dma_start3A_25 : memref<632x16xf32, #tpu.memory_space<hbm>>) target(%dma_start3A_23 : memref<632x16xf32, #tpu.memory_space<vmem>>) target_semaphore(%arg18 : memref<!tpu.dma_semaphore, #tpu.memory_space<semaphore_mem>>)
    %scan3A = arith.constant 0 : i32
    %scan3A_26 = arith.constant 0 : i32
    %scan3A_27 = arith.constant 79 : i32
    %scan3A_28 = arith.addi %scan3A_26, %scan3A_27 : i32
    %scan3A_29 = arith.constant 1 : i32
    scf.for %scan3A_123 = %scan3A_26 to %scan3A_28 step %scan3A_29  : i32 {
      %mul3A_124 = arith.constant 8 : i32
      %mul3A_125 = arith.muli %scan3A_123, %mul3A_124 : i32
      %add3A_126 = arith.constant 0 : i32
      %add3A_127 = arith.addi %mul3A_125, %add3A_126 : i32
      %broadcast_in_dim3A = arith.constant 0.000000e+00 : f32
      %broadcast_in_dim3A_128 = vector.broadcast %broadcast_in_dim3A : f32 to vector<16xf32>
      %swap3A = arith.index_cast %add3A_127 : i32 to index
      %swap3A_129 = arith.constant 0 : index
      %swap3A_130 = tpu.vector_load %arg14[%swap3A, %swap3A_129] {strides = array<i32>} : memref<632x16xf32, #tpu.memory_space<vmem>>, vector<1x16xf32>,
      %swap3A_131 = vector.shape_cast %swap3A_130 : vector<1x16xf32> to vector<16xf32>
      %swap3A_132 = vector.shape_cast %broadcast_in_dim3A_128 : vector<16xf32> to vector<1x16xf32>
      tpu.vector_store %arg14[%swap3A, %swap3A_129], %swap3A_132 {strides = array<i32>} : memref<632x16xf32, #tpu.memory_space<vmem>>, vector<1x16xf32>,
      %mul3A_133 = arith.constant 8 : i32
      %mul3A_134 = arith.muli %scan3A_123, %mul3A_133 : i32
      %add3A_135 = arith.constant 1 : i32
      %add3A_136 = arith.addi %mul3A_134, %add3A_135 : i32
      %broadcast_in_dim3A_137 = arith.constant 0.000000e+00 : f32
      %broadcast_in_dim3A_138 = vector.broadcast %broadcast_in_dim3A_137 : f32 to vector<16xf32>
      %swap3A_139 = arith.index_cast %add3A_136 : i32 to index
      %swap3A_140 = arith.constant 0 : index
      %swap3A_141 = tpu.vector_load %arg14[%swap3A_139, %swap3A_140] {strides = array<i32>} : memref<632x16xf32, #tpu.memory_space<vmem>>, vector<1x16xf32>,
      %swap3A_142 = vector.shape_cast %swap3A_141 : vector<1x16xf32> to vector<16xf32>
      %swap3A_143 = vector.shape_cast %broadcast_in_dim3A_138 : vector<16xf32> to vector<1x16xf32>
      tpu.vector_store %arg14[%swap3A_139, %swap3A_140], %swap3A_143 {strides = array<i32>} : memref<632x16xf32, #tpu.memory_space<vmem>>, vector<1x16xf32>,
      %mul3A_144 = arith.constant 8 : i32
      %mul3A_145 = arith.muli %scan3A_123, %mul3A_144 : i32
      %add3A_146 = arith.constant 2 : i32
      %add3A_147 = arith.addi %mul3A_145, %add3A_146 : i32
      %broadcast_in_dim3A_148 = arith.constant 0.000000e+00 : f32
      %broadcast_in_dim3A_149 = vector.broadcast %broadcast_in_dim3A_148 : f32 to vector<16xf32>
      %swap3A_150 = arith.index_cast %add3A_147 : i32 to index
      %swap3A_151 = arith.constant 0 : index
      %swap3A_152 = tpu.vector_load %arg14[%swap3A_150, %swap3A_151] {strides = array<i32>} : memref<632x16xf32, #tpu.memory_space<vmem>>, vector<1x16xf32>,
      %swap3A_153 = vector.shape_cast %swap3A_152 : vector<1x16xf32> to vector<16xf32>
      %swap3A_154 = vector.shape_cast %broadcast_in_dim3A_149 : vector<16xf32> to vector<1x16xf32>
      tpu.vector_store %arg14[%swap3A_150, %swap3A_151], %swap3A_154 {strides = array<i32>} : memref<632x16xf32, #tpu.memory_space<vmem>>, vector<1x16xf32>,
      %mul3A_155 = arith.constant 8 : i32
      %mul3A_156 = arith.muli %scan3A_123, %mul3A_155 : i32
      %add3A_157 = arith.constant 3 : i32
      %add3A_158 = arith.addi %mul3A_156, %add3A_157 : i32
      %broadcast_in_dim3A_159 = arith.constant 0.000000e+00 : f32
      %broadcast_in_dim3A_160 = vector.broadcast %broadcast_in_dim3A_159 : f32 to vector<16xf32>
      %swap3A_161 = arith.index_cast %add3A_158 : i32 to index
      %swap3A_162 = arith.constant 0 : index
      %swap3A_163 = tpu.vector_load %arg14[%swap3A_161, %swap3A_162] {strides = array<i32>} : memref<632x16xf32, #tpu.memory_space<vmem>>, vector<1x16xf32>,
      %swap3A_164 = vector.shape_cast %swap3A_163 : vector<1x16xf32> to vector<16xf32>
      %swap3A_165 = vector.shape_cast %broadcast_in_dim3A_160 : vector<16xf32> to vector<1x16xf32>
      tpu.vector_store %arg14[%swap3A_161, %swap3A_162], %swap3A_165 {strides = array<i32>} : memref<632x16xf32, #tpu.memory_space<vmem>>, vector<1x16xf32>,
      %mul3A_166 = arith.constant 8 : i32
      %mul3A_167 = arith.muli %scan3A_123, %mul3A_166 : i32
      %add3A_168 = arith.constant 4 : i32
      %add3A_169 = arith.addi %mul3A_167, %add3A_168 : i32
      %broadcast_in_dim3A_170 = arith.constant 0.000000e+00 : f32
      %broadcast_in_dim3A_171 = vector.broadcast %broadcast_in_dim3A_170 : f32 to vector<16xf32>
      %swap3A_172 = arith.index_cast %add3A_169 : i32 to index
      %swap3A_173 = arith.constant 0 : index
      %swap3A_174 = tpu.vector_load %arg14[%swap3A_172, %swap3A_173] {strides = array<i32>} : memref<632x16xf32, #tpu.memory_space<vmem>>, vector<1x16xf32>,
      %swap3A_175 = vector.shape_cast %swap3A_174 : vector<1x16xf32> to vector<16xf32>
      %swap3A_176 = vector.shape_cast %broadcast_in_dim3A_171 : vector<16xf32> to vector<1x16xf32>
      tpu.vector_store %arg14[%swap3A_172, %swap3A_173], %swap3A_176 {strides = array<i32>} : memref<632x16xf32, #tpu.memory_space<vmem>>, vector<1x16xf32>,
      %mul3A_177 = arith.constant 8 : i32
      %mul3A_178 = arith.muli %scan3A_123, %mul3A_177 : i32
      %add3A_179 = arith.constant 5 : i32
      %add3A_180 = arith.addi %mul3A_178, %add3A_179 : i32
      %broadcast_in_dim3A_181 = arith.constant 0.000000e+00 : f32
      %broadcast_in_dim3A_182 = vector.broadcast %broadcast_in_dim3A_181 : f32 to vector<16xf32>
      %swap3A_183 = arith.index_cast %add3A_180 : i32 to index
      %swap3A_184 = arith.constant 0 : index
      %swap3A_185 = tpu.vector_load %arg14[%swap3A_183, %swap3A_184] {strides = array<i32>} : memref<632x16xf32, #tpu.memory_space<vmem>>, vector<1x16xf32>,
      %swap3A_186 = vector.shape_cast %swap3A_185 : vector<1x16xf32> to vector<16xf32>
      %swap3A_187 = vector.shape_cast %broadcast_in_dim3A_182 : vector<16xf32> to vector<1x16xf32>
      tpu.vector_store %arg14[%swap3A_183, %swap3A_184], %swap3A_187 {strides = array<i32>} : memref<632x16xf32, #tpu.memory_space<vmem>>, vector<1x16xf32>,
      %mul3A_188 = arith.constant 8 : i32
      %mul3A_189 = arith.muli %scan3A_123, %mul3A_188 : i32
      %add3A_190 = arith.constant 6 : i32
      %add3A_191 = arith.addi %mul3A_189, %add3A_190 : i32
      %broadcast_in_dim3A_192 = arith.constant 0.000000e+00 : f32
      %broadcast_in_dim3A_193 = vector.broadcast %broadcast_in_dim3A_192 : f32 to vector<16xf32>
      %swap3A_194 = arith.index_cast %add3A_191 : i32 to index
      %swap3A_195 = arith.constant 0 : index
      %swap3A_196 = tpu.vector_load %arg14[%swap3A_194, %swap3A_195] {strides = array<i32>} : memref<632x16xf32, #tpu.memory_space<vmem>>, vector<1x16xf32>,
      %swap3A_197 = vector.shape_cast %swap3A_196 : vector<1x16xf32> to vector<16xf32>
      %swap3A_198 = vector.shape_cast %broadcast_in_dim3A_193 : vector<16xf32> to vector<1x16xf32>
      tpu.vector_store %arg14[%swap3A_194, %swap3A_195], %swap3A_198 {strides = array<i32>} : memref<632x16xf32, #tpu.memory_space<vmem>>, vector<1x16xf32>,
      %mul3A_199 = arith.constant 8 : i32
      %mul3A_200 = arith.muli %scan3A_123, %mul3A_199 : i32
      %add3A_201 = arith.constant 7 : i32
      %add3A_202 = arith.addi %mul3A_200, %add3A_201 : i32
      %broadcast_in_dim3A_203 = arith.constant 0.000000e+00 : f32
      %broadcast_in_dim3A_204 = vector.broadcast %broadcast_in_dim3A_203 : f32 to vector<16xf32>
      %swap3A_205 = arith.index_cast %add3A_202 : i32 to index
      %swap3A_206 = arith.constant 0 : index
      %swap3A_207 = tpu.vector_load %arg14[%swap3A_205, %swap3A_206] {strides = array<i32>} : memref<632x16xf32, #tpu.memory_space<vmem>>, vector<1x16xf32>,
      %swap3A_208 = vector.shape_cast %swap3A_207 : vector<1x16xf32> to vector<16xf32>
      %swap3A_209 = vector.shape_cast %broadcast_in_dim3A_204 : vector<16xf32> to vector<1x16xf32>
      tpu.vector_store %arg14[%swap3A_205, %swap3A_206], %swap3A_209 {strides = array<i32>} : memref<632x16xf32, #tpu.memory_space<vmem>>, vector<1x16xf32>,
    }
    %scan3A_30 = arith.constant 79 : i32
    %mul3A_31 = arith.constant 632 : i32
    %mul3A_32 = arith.muli %arg1, %mul3A_31 : i32
    "tpu.region"() ({
      %run_scoped3A_123 = tpu.sem_alloc : memref<!tpu.dma_semaphore, #tpu.memory_space<semaphore_mem>>
      %dma_start3A_124 = arith.constant 0 : i32
      %dma_start3A_125 = tpu.memref_slice %arg15[%mul3A_32, %dma_start3A_124] : memref<10112x16xf32, #tpu.memory_space<vmem_shared>> -> memref<632x16xf32, #tpu.memory_space<vmem_shared>>
      %dma_start3A_126 = arith.constant 0 : i32
      %dma_start3A_127 = tpu.memref_slice %arg15[%mul3A_32, %dma_start3A_126] : memref<10112x16xf32, #tpu.memory_space<vmem_shared>> -> memref<632x16xf32, #tpu.memory_space<vmem_shared>>
      tpu.enqueue_dma source(%arg14 : memref<632x16xf32, #tpu.memory_space<vmem>>) target(%dma_start3A_127 : memref<632x16xf32, #tpu.memory_space<vmem_shared>>) target_semaphore(%run_scoped3A_123 : memref<!tpu.dma_semaphore, #tpu.memory_space<semaphore_mem>>)
      %dma_wait3A_128 = arith.constant 0 : i32
      %dma_wait3A_129 = tpu.memref_slice %arg15[%mul3A_32, %dma_wait3A_128] : memref<10112x16xf32, #tpu.memory_space<vmem_shared>> -> memref<632x16xf32, #tpu.memory_space<vmem_shared>>
      %dma_wait3A_130 = arith.constant 0 : i32
      %dma_wait3A_131 = tpu.memref_slice %arg15[%mul3A_32, %dma_wait3A_130] : memref<10112x16xf32, #tpu.memory_space<vmem_shared>> -> memref<632x16xf32, #tpu.memory_space<vmem_shared>>
      tpu.wait_dma2 semaphore(%run_scoped3A_123 : memref<!tpu.dma_semaphore, #tpu.memory_space<semaphore_mem>>) src(%arg14 : memref<632x16xf32, #tpu.memory_space<vmem>>) dst(%dma_wait3A_131 : memref<632x16xf32, #tpu.memory_space<vmem_shared>>)
      tpu.yield
    }) : () -> ()
    %mul3A_33 = arith.constant 632 : i32
    %mul3A_34 = arith.muli %arg1, %mul3A_33 : i32
    %dma_wait3A = arith.constant 0 : i32
    %dma_wait3A_35 = arith.constant 0 : i32
    %dma_wait3A_36 = tpu.memref_slice %arg10[%dma_wait3A, %dma_wait3A_35] : memref<1024x16xf32, #tpu.memory_space<vmem>> -> memref<632x16xf32, #tpu.memory_space<vmem>>
    %dma_wait3A_37 = arith.constant 0 : i32
    %dma_wait3A_38 = tpu.memref_slice %arg5[%mul3A_34, %dma_wait3A_37] : memref<20224x16xf32, #tpu.memory_space<hbm>> -> memref<632x16xf32, #tpu.memory_space<hbm>>
    %dma_wait3A_39 = arith.constant 0 : i32
    %dma_wait3A_40 = arith.constant 0 : i32
    %dma_wait3A_41 = tpu.memref_slice %arg10[%dma_wait3A_39, %dma_wait3A_40] : memref<1024x16xf32, #tpu.memory_space<vmem>> -> memref<632x16xf32, #tpu.memory_space<vmem>>
    %dma_wait3A_42 = arith.constant 0 : i32
    %dma_wait3A_43 = tpu.memref_slice %arg5[%mul3A_34, %dma_wait3A_42] : memref<20224x16xf32, #tpu.memory_space<hbm>> -> memref<632x16xf32, #tpu.memory_space<hbm>>
    tpu.wait_dma2 semaphore(%arg17 : memref<!tpu.dma_semaphore, #tpu.memory_space<semaphore_mem>>) src(%dma_wait3A_43 : memref<632x16xf32, #tpu.memory_space<hbm>>) dst(%dma_wait3A_41 : memref<632x16xf32, #tpu.memory_space<vmem>>)
    %mul3A_44 = arith.constant 632 : i32
    %mul3A_45 = arith.muli %arg1, %mul3A_44 : i32
    %add3A_46 = arith.constant 10112 : i32
    %add3A_47 = arith.addi %add3A_46, %mul3A_45 : i32
    %dma_wait3A_48 = arith.constant 0 : i32
    %dma_wait3A_49 = arith.constant 0 : i32
    %dma_wait3A_50 = tpu.memref_slice %arg11[%dma_wait3A_48, %dma_wait3A_49] : memref<1024x16xf32, #tpu.memory_space<vmem>> -> memref<632x16xf32, #tpu.memory_space<vmem>>
    %dma_wait3A_51 = arith.constant 0 : i32
    %dma_wait3A_52 = tpu.memref_slice %arg5[%add3A_47, %dma_wait3A_51] : memref<20224x16xf32, #tpu.memory_space<hbm>> -> memref<632x16xf32, #tpu.memory_space<hbm>>
    %dma_wait3A_53 = arith.constant 0 : i32
    %dma_wait3A_54 = arith.constant 0 : i32
    %dma_wait3A_55 = tpu.memref_slice %arg11[%dma_wait3A_53, %dma_wait3A_54] : memref<1024x16xf32, #tpu.memory_space<vmem>> -> memref<632x16xf32, #tpu.memory_space<vmem>>
    %dma_wait3A_56 = arith.constant 0 : i32
    %dma_wait3A_57 = tpu.memref_slice %arg5[%add3A_47, %dma_wait3A_56] : memref<20224x16xf32, #tpu.memory_space<hbm>> -> memref<632x16xf32, #tpu.memory_space<hbm>>
    tpu.wait_dma2 semaphore(%arg18 : memref<!tpu.dma_semaphore, #tpu.memory_space<semaphore_mem>>) src(%dma_wait3A_57 : memref<632x16xf32, #tpu.memory_space<hbm>>) dst(%dma_wait3A_55 : memref<632x16xf32, #tpu.memory_space<vmem>>)
    %mul3A_58 = arith.constant 632 : i32
    %mul3A_59 = arith.muli %arg1, %mul3A_58 : i32
    "tpu.region"() ({
      %run_scoped3A_123 = tpu.sem_alloc : memref<!tpu.dma_semaphore, #tpu.memory_space<semaphore_mem>>
      %dma_start3A_124 = arith.constant 0 : i32
      %dma_start3A_125 = arith.constant 0 : i32
      %dma_start3A_126 = tpu.memref_slice %arg12[%dma_start3A_124, %dma_start3A_125] : memref<632x16xf32, #tpu.memory_space<vmem>> -> memref<632x16xf32, #tpu.memory_space<vmem>>
      %dma_start3A_127 = arith.constant 0 : i32
      %dma_start3A_128 = tpu.memref_slice %arg2[%mul3A_59, %dma_start3A_127] : memref<10112x16xf32, #tpu.memory_space<hbm>> -> memref<632x16xf32, #tpu.memory_space<hbm>>
      %dma_start3A_129 = arith.constant 0 : i32
      %dma_start3A_130 = arith.constant 0 : i32
      %dma_start3A_131 = tpu.memref_slice %arg12[%dma_start3A_129, %dma_start3A_130] : memref<632x16xf32, #tpu.memory_space<vmem>> -> memref<632x16xf32, #tpu.memory_space<vmem>>
      %dma_start3A_132 = arith.constant 0 : i32
      %dma_start3A_133 = tpu.memref_slice %arg2[%mul3A_59, %dma_start3A_132] : memref<10112x16xf32, #tpu.memory_space<hbm>> -> memref<632x16xf32, #tpu.memory_space<hbm>>
      tpu.enqueue_dma source(%dma_start3A_133 : memref<632x16xf32, #tpu.memory_space<hbm>>) target(%dma_start3A_131 : memref<632x16xf32, #tpu.memory_space<vmem>>) target_semaphore(%run_scoped3A_123 : memref<!tpu.dma_semaphore, #tpu.memory_space<semaphore_mem>>)
      %dma_wait3A_134 = arith.constant 0 : i32
      %dma_wait3A_135 = arith.constant 0 : i32
      %dma_wait3A_136 = tpu.memref_slice %arg12[%dma_wait3A_134, %dma_wait3A_135] : memref<632x16xf32, #tpu.memory_space<vmem>> -> memref<632x16xf32, #tpu.memory_space<vmem>>
      %dma_wait3A_137 = arith.constant 0 : i32
      %dma_wait3A_138 = tpu.memref_slice %arg2[%mul3A_59, %dma_wait3A_137] : memref<10112x16xf32, #tpu.memory_space<hbm>> -> memref<632x16xf32, #tpu.memory_space<hbm>>
      %dma_wait3A_139 = arith.constant 0 : i32
      %dma_wait3A_140 = arith.constant 0 : i32
      %dma_wait3A_141 = tpu.memref_slice %arg12[%dma_wait3A_139, %dma_wait3A_140] : memref<632x16xf32, #tpu.memory_space<vmem>> -> memref<632x16xf32, #tpu.memory_space<vmem>>
      %dma_wait3A_142 = arith.constant 0 : i32
      %dma_wait3A_143 = tpu.memref_slice %arg2[%mul3A_59, %dma_wait3A_142] : memref<10112x16xf32, #tpu.memory_space<hbm>> -> memref<632x16xf32, #tpu.memory_space<hbm>>
      tpu.wait_dma2 semaphore(%run_scoped3A_123 : memref<!tpu.dma_semaphore, #tpu.memory_space<semaphore_mem>>) src(%dma_wait3A_143 : memref<632x16xf32, #tpu.memory_space<hbm>>) dst(%dma_wait3A_141 : memref<632x16xf32, #tpu.memory_space<vmem>>)
      tpu.yield
    }) : () -> ()
    %mul3A_60 = arith.constant 632 : i32
    %mul3A_61 = arith.muli %arg1, %mul3A_60 : i32
    "tpu.region"() ({
      %run_scoped3A_123 = tpu.sem_alloc : memref<!tpu.dma_semaphore, #tpu.memory_space<semaphore_mem>>
      %dma_start3A_124 = arith.constant 0 : i32
      %dma_start3A_125 = arith.constant 0 : i32
      %dma_start3A_126 = tpu.memref_slice %arg13[%dma_start3A_124, %dma_start3A_125] : memref<632x16xf32, #tpu.memory_space<vmem>> -> memref<632x16xf32, #tpu.memory_space<vmem>>
      %dma_start3A_127 = arith.constant 0 : i32
      %dma_start3A_128 = tpu.memref_slice %arg3[%mul3A_61, %dma_start3A_127] : memref<10112x16xf32, #tpu.memory_space<hbm>> -> memref<632x16xf32, #tpu.memory_space<hbm>>
      %dma_start3A_129 = arith.constant 0 : i32
      %dma_start3A_130 = arith.constant 0 : i32
      %dma_start3A_131 = tpu.memref_slice %arg13[%dma_start3A_129, %dma_start3A_130] : memref<632x16xf32, #tpu.memory_space<vmem>> -> memref<632x16xf32, #tpu.memory_space<vmem>>
      %dma_start3A_132 = arith.constant 0 : i32
      %dma_start3A_133 = tpu.memref_slice %arg3[%mul3A_61, %dma_start3A_132] : memref<10112x16xf32, #tpu.memory_space<hbm>> -> memref<632x16xf32, #tpu.memory_space<hbm>>
      tpu.enqueue_dma source(%dma_start3A_133 : memref<632x16xf32, #tpu.memory_space<hbm>>) target(%dma_start3A_131 : memref<632x16xf32, #tpu.memory_space<vmem>>) target_semaphore(%run_scoped3A_123 : memref<!tpu.dma_semaphore, #tpu.memory_space<semaphore_mem>>)
      %dma_wait3A_134 = arith.constant 0 : i32
      %dma_wait3A_135 = arith.constant 0 : i32
      %dma_wait3A_136 = tpu.memref_slice %arg13[%dma_wait3A_134, %dma_wait3A_135] : memref<632x16xf32, #tpu.memory_space<vmem>> -> memref<632x16xf32, #tpu.memory_space<vmem>>
      %dma_wait3A_137 = arith.constant 0 : i32
      %dma_wait3A_138 = tpu.memref_slice %arg3[%mul3A_61, %dma_wait3A_137] : memref<10112x16xf32, #tpu.memory_space<hbm>> -> memref<632x16xf32, #tpu.memory_space<hbm>>
      %dma_wait3A_139 = arith.constant 0 : i32
      %dma_wait3A_140 = arith.constant 0 : i32
      %dma_wait3A_141 = tpu.memref_slice %arg13[%dma_wait3A_139, %dma_wait3A_140] : memref<632x16xf32, #tpu.memory_space<vmem>> -> memref<632x16xf32, #tpu.memory_space<vmem>>
      %dma_wait3A_142 = arith.constant 0 : i32
      %dma_wait3A_143 = tpu.memref_slice %arg3[%mul3A_61, %dma_wait3A_142] : memref<10112x16xf32, #tpu.memory_space<hbm>> -> memref<632x16xf32, #tpu.memory_space<hbm>>
      tpu.wait_dma2 semaphore(%run_scoped3A_123 : memref<!tpu.dma_semaphore, #tpu.memory_space<semaphore_mem>>) src(%dma_wait3A_143 : memref<632x16xf32, #tpu.memory_space<hbm>>) dst(%dma_wait3A_141 : memref<632x16xf32, #tpu.memory_space<vmem>>)
      tpu.yield
    }) : () -> ()
    %scan3A_62 = arith.constant 0 : i32
    %scan3A_63 = arith.constant 0 : i32
    %scan3A_64 = arith.constant 79 : i32
    %scan3A_65 = arith.addi %scan3A_63, %scan3A_64 : i32
    %scan3A_66 = arith.constant 1 : i32
    scf.for %scan3A_123 = %scan3A_63 to %scan3A_65 step %scan3A_66  : i32 {
      %mul3A_124 = arith.constant 8 : i32
      %mul3A_125 = arith.muli %scan3A_123, %mul3A_124 : i32
      %add3A_126 = arith.constant 0 : i32
      %add3A_127 = arith.addi %mul3A_125, %add3A_126 : i32
      %get3A = arith.index_cast %add3A_127 : i32 to index
      %get3A_128 = arith.constant 0 : index
      %get3A_129 = tpu.vector_load %arg10[%get3A, %get3A_128] {strides = array<i32>} : memref<1024x16xf32, #tpu.memory_space<vmem>>, vector<1x16xf32>,
      %get3A_130 = vector.shape_cast %get3A_129 : vector<1x16xf32> to vector<16xf32>
      %get3A_131 = arith.index_cast %add3A_127 : i32 to index
      %get3A_132 = arith.constant 0 : index
      %get3A_133 = tpu.vector_load %arg11[%get3A_131, %get3A_132] {strides = array<i32>} : memref<1024x16xf32, #tpu.memory_space<vmem>>, vector<1x16xf32>,
      %get3A_134 = vector.shape_cast %get3A_133 : vector<1x16xf32> to vector<16xf32>
      %add3A_135 = arith.addf %get3A_130, %get3A_134 : vector<16xf32>
      %get3A_136 = arith.index_cast %add3A_127 : i32 to index
      %get3A_137 = arith.constant 0 : index
      %get3A_138 = tpu.vector_load %arg12[%get3A_136, %get3A_137] {strides = array<i32>} : memref<632x16xf32, #tpu.memory_space<vmem>>, vector<1x16xf32>,
      %get3A_139 = vector.shape_cast %get3A_138 : vector<1x16xf32> to vector<16xf32>
      %get3A_140 = arith.index_cast %add3A_127 : i32 to index
      %get3A_141 = arith.constant 0 : index
      %get3A_142 = tpu.vector_load %arg13[%get3A_140, %get3A_141] {strides = array<i32>} : memref<632x16xf32, #tpu.memory_space<vmem>>, vector<1x16xf32>,
      %get3A_143 = vector.shape_cast %get3A_142 : vector<1x16xf32> to vector<16xf32>
      %mul3A_144 = arith.mulf %get3A_139, %get3A_143 : vector<16xf32>
      %add3A_145 = arith.addf %add3A_135, %mul3A_144 : vector<16xf32>
      %swap3A = arith.index_cast %add3A_127 : i32 to index
      %swap3A_146 = arith.constant 0 : index
      %swap3A_147 = tpu.vector_load %arg14[%swap3A, %swap3A_146] {strides = array<i32>} : memref<632x16xf32, #tpu.memory_space<vmem>>, vector<1x16xf32>,
      %swap3A_148 = vector.shape_cast %swap3A_147 : vector<1x16xf32> to vector<16xf32>
      %swap3A_149 = vector.shape_cast %add3A_145 : vector<16xf32> to vector<1x16xf32>
      tpu.vector_store %arg14[%swap3A, %swap3A_146], %swap3A_149 {strides = array<i32>} : memref<632x16xf32, #tpu.memory_space<vmem>>, vector<1x16xf32>,
      %mul3A_150 = arith.constant 8 : i32
      %mul3A_151 = arith.muli %scan3A_123, %mul3A_150 : i32
      %add3A_152 = arith.constant 1 : i32
      %add3A_153 = arith.addi %mul3A_151, %add3A_152 : i32
      %get3A_154 = arith.index_cast %add3A_153 : i32 to index
      %get3A_155 = arith.constant 0 : index
      %get3A_156 = tpu.vector_load %arg10[%get3A_154, %get3A_155] {strides = array<i32>} : memref<1024x16xf32, #tpu.memory_space<vmem>>, vector<1x16xf32>,
      %get3A_157 = vector.shape_cast %get3A_156 : vector<1x16xf32> to vector<16xf32>
      %get3A_158 = arith.index_cast %add3A_153 : i32 to index
      %get3A_159 = arith.constant 0 : index
      %get3A_160 = tpu.vector_load %arg11[%get3A_158, %get3A_159] {strides = array<i32>} : memref<1024x16xf32, #tpu.memory_space<vmem>>, vector<1x16xf32>,
      %get3A_161 = vector.shape_cast %get3A_160 : vector<1x16xf32> to vector<16xf32>
      %add3A_162 = arith.addf %get3A_157, %get3A_161 : vector<16xf32>
      %get3A_163 = arith.index_cast %add3A_153 : i32 to index
      %get3A_164 = arith.constant 0 : index
      %get3A_165 = tpu.vector_load %arg12[%get3A_163, %get3A_164] {strides = array<i32>} : memref<632x16xf32, #tpu.memory_space<vmem>>, vector<1x16xf32>,
      %get3A_166 = vector.shape_cast %get3A_165 : vector<1x16xf32> to vector<16xf32>
      %get3A_167 = arith.index_cast %add3A_153 : i32 to index
      %get3A_168 = arith.constant 0 : index
      %get3A_169 = tpu.vector_load %arg13[%get3A_167, %get3A_168] {strides = array<i32>} : memref<632x16xf32, #tpu.memory_space<vmem>>, vector<1x16xf32>,
      %get3A_170 = vector.shape_cast %get3A_169 : vector<1x16xf32> to vector<16xf32>
      %mul3A_171 = arith.mulf %get3A_166, %get3A_170 : vector<16xf32>
      %add3A_172 = arith.addf %add3A_162, %mul3A_171 : vector<16xf32>
      %swap3A_173 = arith.index_cast %add3A_153 : i32 to index
      %swap3A_174 = arith.constant 0 : index
      %swap3A_175 = tpu.vector_load %arg14[%swap3A_173, %swap3A_174] {strides = array<i32>} : memref<632x16xf32, #tpu.memory_space<vmem>>, vector<1x16xf32>,
      %swap3A_176 = vector.shape_cast %swap3A_175 : vector<1x16xf32> to vector<16xf32>
      %swap3A_177 = vector.shape_cast %add3A_172 : vector<16xf32> to vector<1x16xf32>
      tpu.vector_store %arg14[%swap3A_173, %swap3A_174], %swap3A_177 {strides = array<i32>} : memref<632x16xf32, #tpu.memory_space<vmem>>, vector<1x16xf32>,
      %mul3A_178 = arith.constant 8 : i32
      %mul3A_179 = arith.muli %scan3A_123, %mul3A_178 : i32
      %add3A_180 = arith.constant 2 : i32
      %add3A_181 = arith.addi %mul3A_179, %add3A_180 : i32
      %get3A_182 = arith.index_cast %add3A_181 : i32 to index
      %get3A_183 = arith.constant 0 : index
      %get3A_184 = tpu.vector_load %arg10[%get3A_182, %get3A_183] {strides = array<i32>} : memref<1024x16xf32, #tpu.memory_space<vmem>>, vector<1x16xf32>,
      %get3A_185 = vector.shape_cast %get3A_184 : vector<1x16xf32> to vector<16xf32>
      %get3A_186 = arith.index_cast %add3A_181 : i32 to index
      %get3A_187 = arith.constant 0 : index
      %get3A_188 = tpu.vector_load %arg11[%get3A_186, %get3A_187] {strides = array<i32>} : memref<1024x16xf32, #tpu.memory_space<vmem>>, vector<1x16xf32>,
      %get3A_189 = vector.shape_cast %get3A_188 : vector<1x16xf32> to vector<16xf32>
      %add3A_190 = arith.addf %get3A_185, %get3A_189 : vector<16xf32>
      %get3A_191 = arith.index_cast %add3A_181 : i32 to index
      %get3A_192 = arith.constant 0 : index
      %get3A_193 = tpu.vector_load %arg12[%get3A_191, %get3A_192] {strides = array<i32>} : memref<632x16xf32, #tpu.memory_space<vmem>>, vector<1x16xf32>,
      %get3A_194 = vector.shape_cast %get3A_193 : vector<1x16xf32> to vector<16xf32>
      %get3A_195 = arith.index_cast %add3A_181 : i32 to index
      %get3A_196 = arith.constant 0 : index
      %get3A_197 = tpu.vector_load %arg13[%get3A_195, %get3A_196] {strides = array<i32>} : memref<632x16xf32, #tpu.memory_space<vmem>>, vector<1x16xf32>,
      %get3A_198 = vector.shape_cast %get3A_197 : vector<1x16xf32> to vector<16xf32>
      %mul3A_199 = arith.mulf %get3A_194, %get3A_198 : vector<16xf32>
      %add3A_200 = arith.addf %add3A_190, %mul3A_199 : vector<16xf32>
      %swap3A_201 = arith.index_cast %add3A_181 : i32 to index
      %swap3A_202 = arith.constant 0 : index
      %swap3A_203 = tpu.vector_load %arg14[%swap3A_201, %swap3A_202] {strides = array<i32>} : memref<632x16xf32, #tpu.memory_space<vmem>>, vector<1x16xf32>,
      %swap3A_204 = vector.shape_cast %swap3A_203 : vector<1x16xf32> to vector<16xf32>
      %swap3A_205 = vector.shape_cast %add3A_200 : vector<16xf32> to vector<1x16xf32>
      tpu.vector_store %arg14[%swap3A_201, %swap3A_202], %swap3A_205 {strides = array<i32>} : memref<632x16xf32, #tpu.memory_space<vmem>>, vector<1x16xf32>,
      %mul3A_206 = arith.constant 8 : i32
      %mul3A_207 = arith.muli %scan3A_123, %mul3A_206 : i32
      %add3A_208 = arith.constant 3 : i32
      %add3A_209 = arith.addi %mul3A_207, %add3A_208 : i32
      %get3A_210 = arith.index_cast %add3A_209 : i32 to index
      %get3A_211 = arith.constant 0 : index
      %get3A_212 = tpu.vector_load %arg10[%get3A_210, %get3A_211] {strides = array<i32>} : memref<1024x16xf32, #tpu.memory_space<vmem>>, vector<1x16xf32>,
      %get3A_213 = vector.shape_cast %get3A_212 : vector<1x16xf32> to vector<16xf32>
      %get3A_214 = arith.index_cast %add3A_209 : i32 to index
      %get3A_215 = arith.constant 0 : index
      %get3A_216 = tpu.vector_load %arg11[%get3A_214, %get3A_215] {strides = array<i32>} : memref<1024x16xf32, #tpu.memory_space<vmem>>, vector<1x16xf32>,
      %get3A_217 = vector.shape_cast %get3A_216 : vector<1x16xf32> to vector<16xf32>
      %add3A_218 = arith.addf %get3A_213, %get3A_217 : vector<16xf32>
      %get3A_219 = arith.index_cast %add3A_209 : i32 to index
      %get3A_220 = arith.constant 0 : index
      %get3A_221 = tpu.vector_load %arg12[%get3A_219, %get3A_220] {strides = array<i32>} : memref<632x16xf32, #tpu.memory_space<vmem>>, vector<1x16xf32>,
      %get3A_222 = vector.shape_cast %get3A_221 : vector<1x16xf32> to vector<16xf32>
      %get3A_223 = arith.index_cast %add3A_209 : i32 to index
      %get3A_224 = arith.constant 0 : index
      %get3A_225 = tpu.vector_load %arg13[%get3A_223, %get3A_224] {strides = array<i32>} : memref<632x16xf32, #tpu.memory_space<vmem>>, vector<1x16xf32>,
      %get3A_226 = vector.shape_cast %get3A_225 : vector<1x16xf32> to vector<16xf32>
      %mul3A_227 = arith.mulf %get3A_222, %get3A_226 : vector<16xf32>
      %add3A_228 = arith.addf %add3A_218, %mul3A_227 : vector<16xf32>
      %swap3A_229 = arith.index_cast %add3A_209 : i32 to index
      %swap3A_230 = arith.constant 0 : index
      %swap3A_231 = tpu.vector_load %arg14[%swap3A_229, %swap3A_230] {strides = array<i32>} : memref<632x16xf32, #tpu.memory_space<vmem>>, vector<1x16xf32>,
      %swap3A_232 = vector.shape_cast %swap3A_231 : vector<1x16xf32> to vector<16xf32>
      %swap3A_233 = vector.shape_cast %add3A_228 : vector<16xf32> to vector<1x16xf32>
      tpu.vector_store %arg14[%swap3A_229, %swap3A_230], %swap3A_233 {strides = array<i32>} : memref<632x16xf32, #tpu.memory_space<vmem>>, vector<1x16xf32>,
      %mul3A_234 = arith.constant 8 : i32
      %mul3A_235 = arith.muli %scan3A_123, %mul3A_234 : i32
      %add3A_236 = arith.constant 4 : i32
      %add3A_237 = arith.addi %mul3A_235, %add3A_236 : i32
      %get3A_238 = arith.index_cast %add3A_237 : i32 to index
      %get3A_239 = arith.constant 0 : index
      %get3A_240 = tpu.vector_load %arg10[%get3A_238, %get3A_239] {strides = array<i32>} : memref<1024x16xf32, #tpu.memory_space<vmem>>, vector<1x16xf32>,
      %get3A_241 = vector.shape_cast %get3A_240 : vector<1x16xf32> to vector<16xf32>
      %get3A_242 = arith.index_cast %add3A_237 : i32 to index
      %get3A_243 = arith.constant 0 : index
      %get3A_244 = tpu.vector_load %arg11[%get3A_242, %get3A_243] {strides = array<i32>} : memref<1024x16xf32, #tpu.memory_space<vmem>>, vector<1x16xf32>,
      %get3A_245 = vector.shape_cast %get3A_244 : vector<1x16xf32> to vector<16xf32>
      %add3A_246 = arith.addf %get3A_241, %get3A_245 : vector<16xf32>
      %get3A_247 = arith.index_cast %add3A_237 : i32 to index
      %get3A_248 = arith.constant 0 : index
      %get3A_249 = tpu.vector_load %arg12[%get3A_247, %get3A_248] {strides = array<i32>} : memref<632x16xf32, #tpu.memory_space<vmem>>, vector<1x16xf32>,
      %get3A_250 = vector.shape_cast %get3A_249 : vector<1x16xf32> to vector<16xf32>
      %get3A_251 = arith.index_cast %add3A_237 : i32 to index
      %get3A_252 = arith.constant 0 : index
      %get3A_253 = tpu.vector_load %arg13[%get3A_251, %get3A_252] {strides = array<i32>} : memref<632x16xf32, #tpu.memory_space<vmem>>, vector<1x16xf32>,
      %get3A_254 = vector.shape_cast %get3A_253 : vector<1x16xf32> to vector<16xf32>
      %mul3A_255 = arith.mulf %get3A_250, %get3A_254 : vector<16xf32>
      %add3A_256 = arith.addf %add3A_246, %mul3A_255 : vector<16xf32>
      %swap3A_257 = arith.index_cast %add3A_237 : i32 to index
      %swap3A_258 = arith.constant 0 : index
      %swap3A_259 = tpu.vector_load %arg14[%swap3A_257, %swap3A_258] {strides = array<i32>} : memref<632x16xf32, #tpu.memory_space<vmem>>, vector<1x16xf32>,
      %swap3A_260 = vector.shape_cast %swap3A_259 : vector<1x16xf32> to vector<16xf32>
      %swap3A_261 = vector.shape_cast %add3A_256 : vector<16xf32> to vector<1x16xf32>
      tpu.vector_store %arg14[%swap3A_257, %swap3A_258], %swap3A_261 {strides = array<i32>} : memref<632x16xf32, #tpu.memory_space<vmem>>, vector<1x16xf32>,
      %mul3A_262 = arith.constant 8 : i32
      %mul3A_263 = arith.muli %scan3A_123, %mul3A_262 : i32
      %add3A_264 = arith.constant 5 : i32
      %add3A_265 = arith.addi %mul3A_263, %add3A_264 : i32
      %get3A_266 = arith.index_cast %add3A_265 : i32 to index
      %get3A_267 = arith.constant 0 : index
      %get3A_268 = tpu.vector_load %arg10[%get3A_266, %get3A_267] {strides = array<i32>} : memref<1024x16xf32, #tpu.memory_space<vmem>>, vector<1x16xf32>,
      %get3A_269 = vector.shape_cast %get3A_268 : vector<1x16xf32> to vector<16xf32>
      %get3A_270 = arith.index_cast %add3A_265 : i32 to index
      %get3A_271 = arith.constant 0 : index
      %get3A_272 = tpu.vector_load %arg11[%get3A_270, %get3A_271] {strides = array<i32>} : memref<1024x16xf32, #tpu.memory_space<vmem>>, vector<1x16xf32>,
      %get3A_273 = vector.shape_cast %get3A_272 : vector<1x16xf32> to vector<16xf32>
      %add3A_274 = arith.addf %get3A_269, %get3A_273 : vector<16xf32>
      %get3A_275 = arith.index_cast %add3A_265 : i32 to index
      %get3A_276 = arith.constant 0 : index
      %get3A_277 = tpu.vector_load %arg12[%get3A_275, %get3A_276] {strides = array<i32>} : memref<632x16xf32, #tpu.memory_space<vmem>>, vector<1x16xf32>,
      %get3A_278 = vector.shape_cast %get3A_277 : vector<1x16xf32> to vector<16xf32>
      %get3A_279 = arith.index_cast %add3A_265 : i32 to index
      %get3A_280 = arith.constant 0 : index
      %get3A_281 = tpu.vector_load %arg13[%get3A_279, %get3A_280] {strides = array<i32>} : memref<632x16xf32, #tpu.memory_space<vmem>>, vector<1x16xf32>,
      %get3A_282 = vector.shape_cast %get3A_281 : vector<1x16xf32> to vector<16xf32>
      %mul3A_283 = arith.mulf %get3A_278, %get3A_282 : vector<16xf32>
      %add3A_284 = arith.addf %add3A_274, %mul3A_283 : vector<16xf32>
      %swap3A_285 = arith.index_cast %add3A_265 : i32 to index
      %swap3A_286 = arith.constant 0 : index
      %swap3A_287 = tpu.vector_load %arg14[%swap3A_285, %swap3A_286] {strides = array<i32>} : memref<632x16xf32, #tpu.memory_space<vmem>>, vector<1x16xf32>,
      %swap3A_288 = vector.shape_cast %swap3A_287 : vector<1x16xf32> to vector<16xf32>
      %swap3A_289 = vector.shape_cast %add3A_284 : vector<16xf32> to vector<1x16xf32>
      tpu.vector_store %arg14[%swap3A_285, %swap3A_286], %swap3A_289 {strides = array<i32>} : memref<632x16xf32, #tpu.memory_space<vmem>>, vector<1x16xf32>,
      %mul3A_290 = arith.constant 8 : i32
      %mul3A_291 = arith.muli %scan3A_123, %mul3A_290 : i32
      %add3A_292 = arith.constant 6 : i32
      %add3A_293 = arith.addi %mul3A_291, %add3A_292 : i32
      %get3A_294 = arith.index_cast %add3A_293 : i32 to index
      %get3A_295 = arith.constant 0 : index
      %get3A_296 = tpu.vector_load %arg10[%get3A_294, %get3A_295] {strides = array<i32>} : memref<1024x16xf32, #tpu.memory_space<vmem>>, vector<1x16xf32>,
      %get3A_297 = vector.shape_cast %get3A_296 : vector<1x16xf32> to vector<16xf32>
      %get3A_298 = arith.index_cast %add3A_293 : i32 to index
      %get3A_299 = arith.constant 0 : index
      %get3A_300 = tpu.vector_load %arg11[%get3A_298, %get3A_299] {strides = array<i32>} : memref<1024x16xf32, #tpu.memory_space<vmem>>, vector<1x16xf32>,
      %get3A_301 = vector.shape_cast %get3A_300 : vector<1x16xf32> to vector<16xf32>
      %add3A_302 = arith.addf %get3A_297, %get3A_301 : vector<16xf32>
      %get3A_303 = arith.index_cast %add3A_293 : i32 to index
      %get3A_304 = arith.constant 0 : index
      %get3A_305 = tpu.vector_load %arg12[%get3A_303, %get3A_304] {strides = array<i32>} : memref<632x16xf32, #tpu.memory_space<vmem>>, vector<1x16xf32>,
      %get3A_306 = vector.shape_cast %get3A_305 : vector<1x16xf32> to vector<16xf32>
      %get3A_307 = arith.index_cast %add3A_293 : i32 to index
      %get3A_308 = arith.constant 0 : index
      %get3A_309 = tpu.vector_load %arg13[%get3A_307, %get3A_308] {strides = array<i32>} : memref<632x16xf32, #tpu.memory_space<vmem>>, vector<1x16xf32>,
      %get3A_310 = vector.shape_cast %get3A_309 : vector<1x16xf32> to vector<16xf32>
      %mul3A_311 = arith.mulf %get3A_306, %get3A_310 : vector<16xf32>
      %add3A_312 = arith.addf %add3A_302, %mul3A_311 : vector<16xf32>
      %swap3A_313 = arith.index_cast %add3A_293 : i32 to index
      %swap3A_314 = arith.constant 0 : index
      %swap3A_315 = tpu.vector_load %arg14[%swap3A_313, %swap3A_314] {strides = array<i32>} : memref<632x16xf32, #tpu.memory_space<vmem>>, vector<1x16xf32>,
      %swap3A_316 = vector.shape_cast %swap3A_315 : vector<1x16xf32> to vector<16xf32>
      %swap3A_317 = vector.shape_cast %add3A_312 : vector<16xf32> to vector<1x16xf32>
      tpu.vector_store %arg14[%swap3A_313, %swap3A_314], %swap3A_317 {strides = array<i32>} : memref<632x16xf32, #tpu.memory_space<vmem>>, vector<1x16xf32>,
      %mul3A_318 = arith.constant 8 : i32
      %mul3A_319 = arith.muli %scan3A_123, %mul3A_318 : i32
      %add3A_320 = arith.constant 7 : i32
      %add3A_321 = arith.addi %mul3A_319, %add3A_320 : i32
      %get3A_322 = arith.index_cast %add3A_321 : i32 to index
      %get3A_323 = arith.constant 0 : index
      %get3A_324 = tpu.vector_load %arg10[%get3A_322, %get3A_323] {strides = array<i32>} : memref<1024x16xf32, #tpu.memory_space<vmem>>, vector<1x16xf32>,
      %get3A_325 = vector.shape_cast %get3A_324 : vector<1x16xf32> to vector<16xf32>
      %get3A_326 = arith.index_cast %add3A_321 : i32 to index
      %get3A_327 = arith.constant 0 : index
      %get3A_328 = tpu.vector_load %arg11[%get3A_326, %get3A_327] {strides = array<i32>} : memref<1024x16xf32, #tpu.memory_space<vmem>>, vector<1x16xf32>,
      %get3A_329 = vector.shape_cast %get3A_328 : vector<1x16xf32> to vector<16xf32>
      %add3A_330 = arith.addf %get3A_325, %get3A_329 : vector<16xf32>
      %get3A_331 = arith.index_cast %add3A_321 : i32 to index
      %get3A_332 = arith.constant 0 : index
      %get3A_333 = tpu.vector_load %arg12[%get3A_331, %get3A_332] {strides = array<i32>} : memref<632x16xf32, #tpu.memory_space<vmem>>, vector<1x16xf32>,
      %get3A_334 = vector.shape_cast %get3A_333 : vector<1x16xf32> to vector<16xf32>
      %get3A_335 = arith.index_cast %add3A_321 : i32 to index
      %get3A_336 = arith.constant 0 : index
      %get3A_337 = tpu.vector_load %arg13[%get3A_335, %get3A_336] {strides = array<i32>} : memref<632x16xf32, #tpu.memory_space<vmem>>, vector<1x16xf32>,
      %get3A_338 = vector.shape_cast %get3A_337 : vector<1x16xf32> to vector<16xf32>
      %mul3A_339 = arith.mulf %get3A_334, %get3A_338 : vector<16xf32>
      %add3A_340 = arith.addf %add3A_330, %mul3A_339 : vector<16xf32>
      %swap3A_341 = arith.index_cast %add3A_321 : i32 to index
      %swap3A_342 = arith.constant 0 : index
      %swap3A_343 = tpu.vector_load %arg14[%swap3A_341, %swap3A_342] {strides = array<i32>} : memref<632x16xf32, #tpu.memory_space<vmem>>, vector<1x16xf32>,
      %swap3A_344 = vector.shape_cast %swap3A_343 : vector<1x16xf32> to vector<16xf32>
      %swap3A_345 = vector.shape_cast %add3A_340 : vector<16xf32> to vector<1x16xf32>
      tpu.vector_store %arg14[%swap3A_341, %swap3A_342], %swap3A_345 {strides = array<i32>} : memref<632x16xf32, #tpu.memory_space<vmem>>, vector<1x16xf32>,
    }
    %scan3A_67 = arith.constant 79 : i32
    %mul3A_68 = arith.constant 632 : i32
    %mul3A_69 = arith.muli %arg1, %mul3A_68 : i32
    "tpu.region"() ({
      %run_scoped3A_123 = tpu.sem_alloc : memref<!tpu.dma_semaphore, #tpu.memory_space<semaphore_mem>>
      %dma_start3A_124 = arith.constant 0 : i32
      %dma_start3A_125 = arith.constant 0 : i32
      %dma_start3A_126 = tpu.memref_slice %arg10[%dma_start3A_124, %dma_start3A_125] : memref<1024x16xf32, #tpu.memory_space<vmem>> -> memref<632x16xf32, #tpu.memory_space<vmem>>
      %dma_start3A_127 = arith.constant 0 : i32
      %dma_start3A_128 = tpu.memref_slice %arg4[%mul3A_69, %dma_start3A_127] : memref<10112x16xf32, #tpu.memory_space<hbm>> -> memref<632x16xf32, #tpu.memory_space<hbm>>
      %dma_start3A_129 = arith.constant 0 : i32
      %dma_start3A_130 = arith.constant 0 : i32
      %dma_start3A_131 = tpu.memref_slice %arg10[%dma_start3A_129, %dma_start3A_130] : memref<1024x16xf32, #tpu.memory_space<vmem>> -> memref<632x16xf32, #tpu.memory_space<vmem>>
      %dma_start3A_132 = arith.constant 0 : i32
      %dma_start3A_133 = tpu.memref_slice %arg4[%mul3A_69, %dma_start3A_132] : memref<10112x16xf32, #tpu.memory_space<hbm>> -> memref<632x16xf32, #tpu.memory_space<hbm>>
      tpu.enqueue_dma source(%dma_start3A_133 : memref<632x16xf32, #tpu.memory_space<hbm>>) target(%dma_start3A_131 : memref<632x16xf32, #tpu.memory_space<vmem>>) target_semaphore(%run_scoped3A_123 : memref<!tpu.dma_semaphore, #tpu.memory_space<semaphore_mem>>)
      %dma_wait3A_134 = arith.constant 0 : i32
      %dma_wait3A_135 = arith.constant 0 : i32
      %dma_wait3A_136 = tpu.memref_slice %arg10[%dma_wait3A_134, %dma_wait3A_135] : memref<1024x16xf32, #tpu.memory_space<vmem>> -> memref<632x16xf32, #tpu.memory_space<vmem>>
      %dma_wait3A_137 = arith.constant 0 : i32
      %dma_wait3A_138 = tpu.memref_slice %arg4[%mul3A_69, %dma_wait3A_137] : memref<10112x16xf32, #tpu.memory_space<hbm>> -> memref<632x16xf32, #tpu.memory_space<hbm>>
      %dma_wait3A_139 = arith.constant 0 : i32
      %dma_wait3A_140 = arith.constant 0 : i32
      %dma_wait3A_141 = tpu.memref_slice %arg10[%dma_wait3A_139, %dma_wait3A_140] : memref<1024x16xf32, #tpu.memory_space<vmem>> -> memref<632x16xf32, #tpu.memory_space<vmem>>
      %dma_wait3A_142 = arith.constant 0 : i32
      %dma_wait3A_143 = tpu.memref_slice %arg4[%mul3A_69, %dma_wait3A_142] : memref<10112x16xf32, #tpu.memory_space<hbm>> -> memref<632x16xf32, #tpu.memory_space<hbm>>
      tpu.wait_dma2 semaphore(%run_scoped3A_123 : memref<!tpu.dma_semaphore, #tpu.memory_space<semaphore_mem>>) src(%dma_wait3A_143 : memref<632x16xf32, #tpu.memory_space<hbm>>) dst(%dma_wait3A_141 : memref<632x16xf32, #tpu.memory_space<vmem>>)
      tpu.yield
    }) : () -> ()
    %scan3A_70 = arith.constant 0 : i32
    %scan3A_71 = arith.constant 0 : i32
    %scan3A_72 = arith.constant 79 : i32
    %scan3A_73 = arith.addi %scan3A_71, %scan3A_72 : i32
    %scan3A_74 = arith.constant 1 : i32
    scf.for %scan3A_123 = %scan3A_71 to %scan3A_73 step %scan3A_74  : i32 {
      %mul3A_124 = arith.constant 8 : i32
      %mul3A_125 = arith.muli %scan3A_123, %mul3A_124 : i32
      %add3A_126 = arith.constant 0 : i32
      %add3A_127 = arith.addi %mul3A_125, %add3A_126 : i32
      %get3A = arith.index_cast %add3A_127 : i32 to index
      %get3A_128 = arith.constant 0 : index
      %get3A_129 = tpu.vector_load %arg14[%get3A, %get3A_128] {strides = array<i32>} : memref<632x16xf32, #tpu.memory_space<vmem>>, vector<1x16xf32>,
      %get3A_130 = vector.shape_cast %get3A_129 : vector<1x16xf32> to vector<16xf32>
      %get3A_131 = arith.index_cast %add3A_127 : i32 to index
      %get3A_132 = arith.constant 0 : index
      %get3A_133 = tpu.vector_load %arg10[%get3A_131, %get3A_132] {strides = array<i32>} : memref<1024x16xf32, #tpu.memory_space<vmem>>, vector<1x16xf32>,
      %get3A_134 = vector.shape_cast %get3A_133 : vector<1x16xf32> to vector<16xf32>
      %mul3A_135 = arith.mulf %get3A_130, %get3A_134 : vector<16xf32>
      %swap3A = arith.index_cast %add3A_127 : i32 to index
      %swap3A_136 = arith.constant 0 : index
      %swap3A_137 = tpu.vector_load %arg14[%swap3A, %swap3A_136] {strides = array<i32>} : memref<632x16xf32, #tpu.memory_space<vmem>>, vector<1x16xf32>,
      %swap3A_138 = vector.shape_cast %swap3A_137 : vector<1x16xf32> to vector<16xf32>
      %swap3A_139 = vector.shape_cast %mul3A_135 : vector<16xf32> to vector<1x16xf32>
      tpu.vector_store %arg14[%swap3A, %swap3A_136], %swap3A_139 {strides = array<i32>} : memref<632x16xf32, #tpu.memory_space<vmem>>, vector<1x16xf32>,
      %mul3A_140 = arith.constant 8 : i32
      %mul3A_141 = arith.muli %scan3A_123, %mul3A_140 : i32
      %add3A_142 = arith.constant 1 : i32
      %add3A_143 = arith.addi %mul3A_141, %add3A_142 : i32
      %get3A_144 = arith.index_cast %add3A_143 : i32 to index
      %get3A_145 = arith.constant 0 : index
      %get3A_146 = tpu.vector_load %arg14[%get3A_144, %get3A_145] {strides = array<i32>} : memref<632x16xf32, #tpu.memory_space<vmem>>, vector<1x16xf32>,
      %get3A_147 = vector.shape_cast %get3A_146 : vector<1x16xf32> to vector<16xf32>
      %get3A_148 = arith.index_cast %add3A_143 : i32 to index
      %get3A_149 = arith.constant 0 : index
      %get3A_150 = tpu.vector_load %arg10[%get3A_148, %get3A_149] {strides = array<i32>} : memref<1024x16xf32, #tpu.memory_space<vmem>>, vector<1x16xf32>,
      %get3A_151 = vector.shape_cast %get3A_150 : vector<1x16xf32> to vector<16xf32>
      %mul3A_152 = arith.mulf %get3A_147, %get3A_151 : vector<16xf32>
      %swap3A_153 = arith.index_cast %add3A_143 : i32 to index
      %swap3A_154 = arith.constant 0 : index
      %swap3A_155 = tpu.vector_load %arg14[%swap3A_153, %swap3A_154] {strides = array<i32>} : memref<632x16xf32, #tpu.memory_space<vmem>>, vector<1x16xf32>,
      %swap3A_156 = vector.shape_cast %swap3A_155 : vector<1x16xf32> to vector<16xf32>
      %swap3A_157 = vector.shape_cast %mul3A_152 : vector<16xf32> to vector<1x16xf32>
      tpu.vector_store %arg14[%swap3A_153, %swap3A_154], %swap3A_157 {strides = array<i32>} : memref<632x16xf32, #tpu.memory_space<vmem>>, vector<1x16xf32>,
      %mul3A_158 = arith.constant 8 : i32
      %mul3A_159 = arith.muli %scan3A_123, %mul3A_158 : i32
      %add3A_160 = arith.constant 2 : i32
      %add3A_161 = arith.addi %mul3A_159, %add3A_160 : i32
      %get3A_162 = arith.index_cast %add3A_161 : i32 to index
      %get3A_163 = arith.constant 0 : index
      %get3A_164 = tpu.vector_load %arg14[%get3A_162, %get3A_163] {strides = array<i32>} : memref<632x16xf32, #tpu.memory_space<vmem>>, vector<1x16xf32>,
      %get3A_165 = vector.shape_cast %get3A_164 : vector<1x16xf32> to vector<16xf32>
      %get3A_166 = arith.index_cast %add3A_161 : i32 to index
      %get3A_167 = arith.constant 0 : index
      %get3A_168 = tpu.vector_load %arg10[%get3A_166, %get3A_167] {strides = array<i32>} : memref<1024x16xf32, #tpu.memory_space<vmem>>, vector<1x16xf32>,
      %get3A_169 = vector.shape_cast %get3A_168 : vector<1x16xf32> to vector<16xf32>
      %mul3A_170 = arith.mulf %get3A_165, %get3A_169 : vector<16xf32>
      %swap3A_171 = arith.index_cast %add3A_161 : i32 to index
      %swap3A_172 = arith.constant 0 : index
      %swap3A_173 = tpu.vector_load %arg14[%swap3A_171, %swap3A_172] {strides = array<i32>} : memref<632x16xf32, #tpu.memory_space<vmem>>, vector<1x16xf32>,
      %swap3A_174 = vector.shape_cast %swap3A_173 : vector<1x16xf32> to vector<16xf32>
      %swap3A_175 = vector.shape_cast %mul3A_170 : vector<16xf32> to vector<1x16xf32>
      tpu.vector_store %arg14[%swap3A_171, %swap3A_172], %swap3A_175 {strides = array<i32>} : memref<632x16xf32, #tpu.memory_space<vmem>>, vector<1x16xf32>,
      %mul3A_176 = arith.constant 8 : i32
      %mul3A_177 = arith.muli %scan3A_123, %mul3A_176 : i32
      %add3A_178 = arith.constant 3 : i32
      %add3A_179 = arith.addi %mul3A_177, %add3A_178 : i32
      %get3A_180 = arith.index_cast %add3A_179 : i32 to index
      %get3A_181 = arith.constant 0 : index
      %get3A_182 = tpu.vector_load %arg14[%get3A_180, %get3A_181] {strides = array<i32>} : memref<632x16xf32, #tpu.memory_space<vmem>>, vector<1x16xf32>,
      %get3A_183 = vector.shape_cast %get3A_182 : vector<1x16xf32> to vector<16xf32>
      %get3A_184 = arith.index_cast %add3A_179 : i32 to index
      %get3A_185 = arith.constant 0 : index
      %get3A_186 = tpu.vector_load %arg10[%get3A_184, %get3A_185] {strides = array<i32>} : memref<1024x16xf32, #tpu.memory_space<vmem>>, vector<1x16xf32>,
      %get3A_187 = vector.shape_cast %get3A_186 : vector<1x16xf32> to vector<16xf32>
      %mul3A_188 = arith.mulf %get3A_183, %get3A_187 : vector<16xf32>
      %swap3A_189 = arith.index_cast %add3A_179 : i32 to index
      %swap3A_190 = arith.constant 0 : index
      %swap3A_191 = tpu.vector_load %arg14[%swap3A_189, %swap3A_190] {strides = array<i32>} : memref<632x16xf32, #tpu.memory_space<vmem>>, vector<1x16xf32>,
      %swap3A_192 = vector.shape_cast %swap3A_191 : vector<1x16xf32> to vector<16xf32>
      %swap3A_193 = vector.shape_cast %mul3A_188 : vector<16xf32> to vector<1x16xf32>
      tpu.vector_store %arg14[%swap3A_189, %swap3A_190], %swap3A_193 {strides = array<i32>} : memref<632x16xf32, #tpu.memory_space<vmem>>, vector<1x16xf32>,
      %mul3A_194 = arith.constant 8 : i32
      %mul3A_195 = arith.muli %scan3A_123, %mul3A_194 : i32
      %add3A_196 = arith.constant 4 : i32
      %add3A_197 = arith.addi %mul3A_195, %add3A_196 : i32
      %get3A_198 = arith.index_cast %add3A_197 : i32 to index
      %get3A_199 = arith.constant 0 : index
      %get3A_200 = tpu.vector_load %arg14[%get3A_198, %get3A_199] {strides = array<i32>} : memref<632x16xf32, #tpu.memory_space<vmem>>, vector<1x16xf32>,
      %get3A_201 = vector.shape_cast %get3A_200 : vector<1x16xf32> to vector<16xf32>
      %get3A_202 = arith.index_cast %add3A_197 : i32 to index
      %get3A_203 = arith.constant 0 : index
      %get3A_204 = tpu.vector_load %arg10[%get3A_202, %get3A_203] {strides = array<i32>} : memref<1024x16xf32, #tpu.memory_space<vmem>>, vector<1x16xf32>,
      %get3A_205 = vector.shape_cast %get3A_204 : vector<1x16xf32> to vector<16xf32>
      %mul3A_206 = arith.mulf %get3A_201, %get3A_205 : vector<16xf32>
      %swap3A_207 = arith.index_cast %add3A_197 : i32 to index
      %swap3A_208 = arith.constant 0 : index
      %swap3A_209 = tpu.vector_load %arg14[%swap3A_207, %swap3A_208] {strides = array<i32>} : memref<632x16xf32, #tpu.memory_space<vmem>>, vector<1x16xf32>,
      %swap3A_210 = vector.shape_cast %swap3A_209 : vector<1x16xf32> to vector<16xf32>
      %swap3A_211 = vector.shape_cast %mul3A_206 : vector<16xf32> to vector<1x16xf32>
      tpu.vector_store %arg14[%swap3A_207, %swap3A_208], %swap3A_211 {strides = array<i32>} : memref<632x16xf32, #tpu.memory_space<vmem>>, vector<1x16xf32>,
      %mul3A_212 = arith.constant 8 : i32
      %mul3A_213 = arith.muli %scan3A_123, %mul3A_212 : i32
      %add3A_214 = arith.constant 5 : i32
      %add3A_215 = arith.addi %mul3A_213, %add3A_214 : i32
      %get3A_216 = arith.index_cast %add3A_215 : i32 to index
      %get3A_217 = arith.constant 0 : index
      %get3A_218 = tpu.vector_load %arg14[%get3A_216, %get3A_217] {strides = array<i32>} : memref<632x16xf32, #tpu.memory_space<vmem>>, vector<1x16xf32>,
      %get3A_219 = vector.shape_cast %get3A_218 : vector<1x16xf32> to vector<16xf32>
      %get3A_220 = arith.index_cast %add3A_215 : i32 to index
      %get3A_221 = arith.constant 0 : index
      %get3A_222 = tpu.vector_load %arg10[%get3A_220, %get3A_221] {strides = array<i32>} : memref<1024x16xf32, #tpu.memory_space<vmem>>, vector<1x16xf32>,
      %get3A_223 = vector.shape_cast %get3A_222 : vector<1x16xf32> to vector<16xf32>
      %mul3A_224 = arith.mulf %get3A_219, %get3A_223 : vector<16xf32>
      %swap3A_225 = arith.index_cast %add3A_215 : i32 to index
      %swap3A_226 = arith.constant 0 : index
      %swap3A_227 = tpu.vector_load %arg14[%swap3A_225, %swap3A_226] {strides = array<i32>} : memref<632x16xf32, #tpu.memory_space<vmem>>, vector<1x16xf32>,
      %swap3A_228 = vector.shape_cast %swap3A_227 : vector<1x16xf32> to vector<16xf32>
      %swap3A_229 = vector.shape_cast %mul3A_224 : vector<16xf32> to vector<1x16xf32>
      tpu.vector_store %arg14[%swap3A_225, %swap3A_226], %swap3A_229 {strides = array<i32>} : memref<632x16xf32, #tpu.memory_space<vmem>>, vector<1x16xf32>,
      %mul3A_230 = arith.constant 8 : i32
      %mul3A_231 = arith.muli %scan3A_123, %mul3A_230 : i32
      %add3A_232 = arith.constant 6 : i32
      %add3A_233 = arith.addi %mul3A_231, %add3A_232 : i32
      %get3A_234 = arith.index_cast %add3A_233 : i32 to index
      %get3A_235 = arith.constant 0 : index
      %get3A_236 = tpu.vector_load %arg14[%get3A_234, %get3A_235] {strides = array<i32>} : memref<632x16xf32, #tpu.memory_space<vmem>>, vector<1x16xf32>,
      %get3A_237 = vector.shape_cast %get3A_236 : vector<1x16xf32> to vector<16xf32>
      %get3A_238 = arith.index_cast %add3A_233 : i32 to index
      %get3A_239 = arith.constant 0 : index
      %get3A_240 = tpu.vector_load %arg10[%get3A_238, %get3A_239] {strides = array<i32>} : memref<1024x16xf32, #tpu.memory_space<vmem>>, vector<1x16xf32>,
      %get3A_241 = vector.shape_cast %get3A_240 : vector<1x16xf32> to vector<16xf32>
      %mul3A_242 = arith.mulf %get3A_237, %get3A_241 : vector<16xf32>
      %swap3A_243 = arith.index_cast %add3A_233 : i32 to index
      %swap3A_244 = arith.constant 0 : index
      %swap3A_245 = tpu.vector_load %arg14[%swap3A_243, %swap3A_244] {strides = array<i32>} : memref<632x16xf32, #tpu.memory_space<vmem>>, vector<1x16xf32>,
      %swap3A_246 = vector.shape_cast %swap3A_245 : vector<1x16xf32> to vector<16xf32>
      %swap3A_247 = vector.shape_cast %mul3A_242 : vector<16xf32> to vector<1x16xf32>
      tpu.vector_store %arg14[%swap3A_243, %swap3A_244], %swap3A_247 {strides = array<i32>} : memref<632x16xf32, #tpu.memory_space<vmem>>, vector<1x16xf32>,
      %mul3A_248 = arith.constant 8 : i32
      %mul3A_249 = arith.muli %scan3A_123, %mul3A_248 : i32
      %add3A_250 = arith.constant 7 : i32
      %add3A_251 = arith.addi %mul3A_249, %add3A_250 : i32
      %get3A_252 = arith.index_cast %add3A_251 : i32 to index
      %get3A_253 = arith.constant 0 : index
      %get3A_254 = tpu.vector_load %arg14[%get3A_252, %get3A_253] {strides = array<i32>} : memref<632x16xf32, #tpu.memory_space<vmem>>, vector<1x16xf32>,
      %get3A_255 = vector.shape_cast %get3A_254 : vector<1x16xf32> to vector<16xf32>
      %get3A_256 = arith.index_cast %add3A_251 : i32 to index
      %get3A_257 = arith.constant 0 : index
      %get3A_258 = tpu.vector_load %arg10[%get3A_256, %get3A_257] {strides = array<i32>} : memref<1024x16xf32, #tpu.memory_space<vmem>>, vector<1x16xf32>,
      %get3A_259 = vector.shape_cast %get3A_258 : vector<1x16xf32> to vector<16xf32>
      %mul3A_260 = arith.mulf %get3A_255, %get3A_259 : vector<16xf32>
      %swap3A_261 = arith.index_cast %add3A_251 : i32 to index
      %swap3A_262 = arith.constant 0 : index
      %swap3A_263 = tpu.vector_load %arg14[%swap3A_261, %swap3A_262] {strides = array<i32>} : memref<632x16xf32, #tpu.memory_space<vmem>>, vector<1x16xf32>,
      %swap3A_264 = vector.shape_cast %swap3A_263 : vector<1x16xf32> to vector<16xf32>
      %swap3A_265 = vector.shape_cast %mul3A_260 : vector<16xf32> to vector<1x16xf32>
      tpu.vector_store %arg14[%swap3A_261, %swap3A_262], %swap3A_265 {strides = array<i32>} : memref<632x16xf32, #tpu.memory_space<vmem>>, vector<1x16xf32>,
    }
    %scan3A_75 = arith.constant 79 : i32
    %mul3A_76 = arith.constant 632 : i32
    %mul3A_77 = arith.muli %arg1, %mul3A_76 : i32
    "tpu.region"() ({
      %run_scoped3A_123 = tpu.sem_alloc : memref<!tpu.dma_semaphore, #tpu.memory_space<semaphore_mem>>
      %dma_start3A_124 = arith.constant 0 : i32
      %dma_start3A_125 = tpu.memref_slice %arg16[%mul3A_77, %dma_start3A_124] : memref<10112x16xf32, #tpu.memory_space<vmem_shared>> -> memref<632x16xf32, #tpu.memory_space<vmem_shared>>
      %dma_start3A_126 = arith.constant 0 : i32
      %dma_start3A_127 = tpu.memref_slice %arg16[%mul3A_77, %dma_start3A_126] : memref<10112x16xf32, #tpu.memory_space<vmem_shared>> -> memref<632x16xf32, #tpu.memory_space<vmem_shared>>
      tpu.enqueue_dma source(%arg14 : memref<632x16xf32, #tpu.memory_space<vmem>>) target(%dma_start3A_127 : memref<632x16xf32, #tpu.memory_space<vmem_shared>>) target_semaphore(%run_scoped3A_123 : memref<!tpu.dma_semaphore, #tpu.memory_space<semaphore_mem>>)
      %dma_wait3A_128 = arith.constant 0 : i32
      %dma_wait3A_129 = tpu.memref_slice %arg16[%mul3A_77, %dma_wait3A_128] : memref<10112x16xf32, #tpu.memory_space<vmem_shared>> -> memref<632x16xf32, #tpu.memory_space<vmem_shared>>
      %dma_wait3A_130 = arith.constant 0 : i32
      %dma_wait3A_131 = tpu.memref_slice %arg16[%mul3A_77, %dma_wait3A_130] : memref<10112x16xf32, #tpu.memory_space<vmem_shared>> -> memref<632x16xf32, #tpu.memory_space<vmem_shared>>
      tpu.wait_dma2 semaphore(%run_scoped3A_123 : memref<!tpu.dma_semaphore, #tpu.memory_space<semaphore_mem>>) src(%arg14 : memref<632x16xf32, #tpu.memory_space<vmem>>) dst(%dma_wait3A_131 : memref<632x16xf32, #tpu.memory_space<vmem_shared>>)
      tpu.yield
    }) : () -> ()
    %run_scoped3A = arith.constant 0 : i32
    "tpu.region"() ({
      %run_scoped3A_123 = tpu.sem_alloc : memref<!tpu.dma_semaphore, #tpu.memory_space<semaphore_mem>>
      %dma_start3A_124 = arith.constant 0 : i32
      %dma_start3A_125 = arith.constant 0 : i32
      %dma_start3A_126 = tpu.memref_slice %arg6[%run_scoped3A, %add3A, %dma_start3A_124, %dma_start3A_125] : memref<2x32x10x1024xi32, #tpu.memory_space<hbm>> -> memref<1x1x10x1024xi32, #tpu.memory_space<hbm>>
      %dma_start3A_127 = tpu.memref_squeeze %dma_start3A_126 : memref<1x1x10x1024xi32, #tpu.memory_space<hbm>> -> memref<10x1024xi32, #tpu.memory_space<hbm>>
      %dma_start3A_128 = arith.constant 0 : i32
      %dma_start3A_129 = arith.constant 0 : i32
      %dma_start3A_130 = tpu.memref_slice %arg6[%run_scoped3A, %add3A, %dma_start3A_128, %dma_start3A_129] : memref<2x32x10x1024xi32, #tpu.memory_space<hbm>> -> memref<1x1x10x1024xi32, #tpu.memory_space<hbm>>
      %dma_start3A_131 = tpu.memref_squeeze %dma_start3A_130 : memref<1x1x10x1024xi32, #tpu.memory_space<hbm>> -> memref<10x1024xi32, #tpu.memory_space<hbm>>
      tpu.enqueue_dma source(%dma_start3A_131 : memref<10x1024xi32, #tpu.memory_space<hbm>>) target(%arg8 : memref<10x1024xi32, #tpu.memory_space<vmem>>) target_semaphore(%run_scoped3A_123 : memref<!tpu.dma_semaphore, #tpu.memory_space<semaphore_mem>>)
      %dma_wait3A_132 = arith.constant 0 : i32
      %dma_wait3A_133 = arith.constant 0 : i32
      %dma_wait3A_134 = tpu.memref_slice %arg6[%run_scoped3A, %add3A, %dma_wait3A_132, %dma_wait3A_133] : memref<2x32x10x1024xi32, #tpu.memory_space<hbm>> -> memref<1x1x10x1024xi32, #tpu.memory_space<hbm>>
      %dma_wait3A_135 = tpu.memref_squeeze %dma_wait3A_134 : memref<1x1x10x1024xi32, #tpu.memory_space<hbm>> -> memref<10x1024xi32, #tpu.memory_space<hbm>>
      %dma_wait3A_136 = arith.constant 0 : i32
      %dma_wait3A_137 = arith.constant 0 : i32
      %dma_wait3A_138 = tpu.memref_slice %arg6[%run_scoped3A, %add3A, %dma_wait3A_136, %dma_wait3A_137] : memref<2x32x10x1024xi32, #tpu.memory_space<hbm>> -> memref<1x1x10x1024xi32, #tpu.memory_space<hbm>>
      %dma_wait3A_139 = tpu.memref_squeeze %dma_wait3A_138 : memref<1x1x10x1024xi32, #tpu.memory_space<hbm>> -> memref<10x1024xi32, #tpu.memory_space<hbm>>
      tpu.wait_dma2 semaphore(%run_scoped3A_123 : memref<!tpu.dma_semaphore, #tpu.memory_space<semaphore_mem>>) src(%dma_wait3A_139 : memref<10x1024xi32, #tpu.memory_space<hbm>>) dst(%arg8 : memref<10x1024xi32, #tpu.memory_space<vmem>>)
      tpu.yield
    }) : () -> ()
    %run_scoped3A_78 = arith.constant 1 : i32
    "tpu.region"() ({
      %run_scoped3A_123 = tpu.sem_alloc : memref<!tpu.dma_semaphore, #tpu.memory_space<semaphore_mem>>
      %dma_start3A_124 = arith.constant 0 : i32
      %dma_start3A_125 = arith.constant 0 : i32
      %dma_start3A_126 = tpu.memref_slice %arg6[%run_scoped3A_78, %add3A, %dma_start3A_124, %dma_start3A_125] : memref<2x32x10x1024xi32, #tpu.memory_space<hbm>> -> memref<1x1x10x1024xi32, #tpu.memory_space<hbm>>
      %dma_start3A_127 = tpu.memref_squeeze %dma_start3A_126 : memref<1x1x10x1024xi32, #tpu.memory_space<hbm>> -> memref<10x1024xi32, #tpu.memory_space<hbm>>
      %dma_start3A_128 = arith.constant 0 : i32
      %dma_start3A_129 = arith.constant 0 : i32
      %dma_start3A_130 = tpu.memref_slice %arg6[%run_scoped3A_78, %add3A, %dma_start3A_128, %dma_start3A_129] : memref<2x32x10x1024xi32, #tpu.memory_space<hbm>> -> memref<1x1x10x1024xi32, #tpu.memory_space<hbm>>
      %dma_start3A_131 = tpu.memref_squeeze %dma_start3A_130 : memref<1x1x10x1024xi32, #tpu.memory_space<hbm>> -> memref<10x1024xi32, #tpu.memory_space<hbm>>
      tpu.enqueue_dma source(%dma_start3A_131 : memref<10x1024xi32, #tpu.memory_space<hbm>>) target(%arg9 : memref<10x1024xi32, #tpu.memory_space<vmem>>) target_semaphore(%run_scoped3A_123 : memref<!tpu.dma_semaphore, #tpu.memory_space<semaphore_mem>>)
      %dma_wait3A_132 = arith.constant 0 : i32
      %dma_wait3A_133 = arith.constant 0 : i32
      %dma_wait3A_134 = tpu.memref_slice %arg6[%run_scoped3A_78, %add3A, %dma_wait3A_132, %dma_wait3A_133] : memref<2x32x10x1024xi32, #tpu.memory_space<hbm>> -> memref<1x1x10x1024xi32, #tpu.memory_space<hbm>>
      %dma_wait3A_135 = tpu.memref_squeeze %dma_wait3A_134 : memref<1x1x10x1024xi32, #tpu.memory_space<hbm>> -> memref<10x1024xi32, #tpu.memory_space<hbm>>
      %dma_wait3A_136 = arith.constant 0 : i32
      %dma_wait3A_137 = arith.constant 0 : i32
      %dma_wait3A_138 = tpu.memref_slice %arg6[%run_scoped3A_78, %add3A, %dma_wait3A_136, %dma_wait3A_137] : memref<2x32x10x1024xi32, #tpu.memory_space<hbm>> -> memref<1x1x10x1024xi32, #tpu.memory_space<hbm>>
      %dma_wait3A_139 = tpu.memref_squeeze %dma_wait3A_138 : memref<1x1x10x1024xi32, #tpu.memory_space<hbm>> -> memref<10x1024xi32, #tpu.memory_space<hbm>>
      tpu.wait_dma2 semaphore(%run_scoped3A_123 : memref<!tpu.dma_semaphore, #tpu.memory_space<semaphore_mem>>) src(%dma_wait3A_139 : memref<10x1024xi32, #tpu.memory_space<hbm>>) dst(%arg9 : memref<10x1024xi32, #tpu.memory_space<vmem>>)
      tpu.yield
    }) : () -> ()
    %barrier3A = arith.constant 0 : index
    tpu.barrier barrier_id(%barrier3A)
    %dma_start3A_79 = arith.constant 0 : i32
    %dma_start3A_80 = arith.constant 0 : i32
    %dma_start3A_81 = tpu.memref_slice %arg8[%dma_start3A_79, %dma_start3A_80] : memref<10x1024xi32, #tpu.memory_space<vmem>> -> memref<1x1024xi32, #tpu.memory_space<vmem>>
    %dma_start3A_82 = tpu.memref_squeeze %dma_start3A_81 : memref<1x1024xi32, #tpu.memory_space<vmem>> -> memref<1024xi32, #tpu.memory_space<vmem>>
    %dma_start3A_83 = arith.constant 0 : i32
    %dma_start3A_84 = arith.constant 0 : i32
    %dma_start3A_85 = tpu.memref_slice %arg16[%dma_start3A_83, %dma_start3A_84] : memref<10112x16xf32, #tpu.memory_space<vmem_shared>> -> memref<10112x16xf32, #tpu.memory_space<vmem_shared>>
    tpu.enqueue_indirect_dma source(%dma_start3A_85 : memref<10112x16xf32, #tpu.memory_space<vmem_shared>>) target(%arg10 : memref<1024x16xf32, #tpu.memory_space<vmem>>) offsets(%dma_start3A_82 : memref<1024xi32, #tpu.memory_space<vmem>>) semaphore(%arg17 : memref<!tpu.dma_semaphore, #tpu.memory_space<semaphore_mem>>)
    %scan3A_86 = arith.constant 0 : i32
    %scan3A_87 = arith.constant 0 : i32
    %scan3A_88 = arith.constant 4 : i32
    %scan3A_89 = arith.addi %scan3A_87, %scan3A_88 : i32
    %scan3A_90 = arith.constant 1 : i32
    scf.for %scan3A_123 = %scan3A_87 to %scan3A_89 step %scan3A_90  : i32 {
      %mul3A_124 = arith.constant 2 : i32
      %mul3A_125 = arith.muli %mul3A_124, %scan3A_123 : i32
      %add3A_126 = arith.constant 1 : i32
      %add3A_127 = arith.addi %mul3A_125, %add3A_126 : i32
      %dma_start3A_128 = arith.constant 0 : i32
      %dma_start3A_129 = tpu.memref_slice %arg8[%add3A_127, %dma_start3A_128] : memref<10x1024xi32, #tpu.memory_space<vmem>> -> memref<1x1024xi32, #tpu.memory_space<vmem>>
      %dma_start3A_130 = tpu.memref_squeeze %dma_start3A_129 : memref<1x1024xi32, #tpu.memory_space<vmem>> -> memref<1024xi32, #tpu.memory_space<vmem>>
      %dma_start3A_131 = arith.constant 0 : i32
      %dma_start3A_132 = arith.constant 0 : i32
      %dma_start3A_133 = tpu.memref_slice %arg16[%dma_start3A_131, %dma_start3A_132] : memref<10112x16xf32, #tpu.memory_space<vmem_shared>> -> memref<10112x16xf32, #tpu.memory_space<vmem_shared>>
      tpu.enqueue_indirect_dma source(%dma_start3A_133 : memref<10112x16xf32, #tpu.memory_space<vmem_shared>>) target(%arg11 : memref<1024x16xf32, #tpu.memory_space<vmem>>) offsets(%dma_start3A_130 : memref<1024xi32, #tpu.memory_space<vmem>>) semaphore(%arg18 : memref<!tpu.dma_semaphore, #tpu.memory_space<semaphore_mem>>)
      %dma_wait3A_134 = arith.constant 0 : i32
      %dma_wait3A_135 = tpu.memref_slice %arg8[%mul3A_125, %dma_wait3A_134] : memref<10x1024xi32, #tpu.memory_space<vmem>> -> memref<1x1024xi32, #tpu.memory_space<vmem>>
      %dma_wait3A_136 = tpu.memref_squeeze %dma_wait3A_135 : memref<1x1024xi32, #tpu.memory_space<vmem>> -> memref<1024xi32, #tpu.memory_space<vmem>>
      %dma_wait3A_137 = arith.constant 0 : i32
      %dma_wait3A_138 = arith.constant 0 : i32
      %dma_wait3A_139 = tpu.memref_slice %arg16[%dma_wait3A_137, %dma_wait3A_138] : memref<10112x16xf32, #tpu.memory_space<vmem_shared>> -> memref<10112x16xf32, #tpu.memory_space<vmem_shared>>
      tpu.wait_indirect_dma semaphore(%arg17 : memref<!tpu.dma_semaphore, #tpu.memory_space<semaphore_mem>>) src(%dma_wait3A_139 : memref<10112x16xf32, #tpu.memory_space<vmem_shared>>) dst(%arg10 : memref<1024x16xf32, #tpu.memory_space<vmem>>)
      "tpu.region"() ({
        %run_scoped3A_156 = tpu.sem_alloc : memref<!tpu.dma_semaphore, #tpu.memory_space<semaphore_mem>>
        %dma_start3A_157 = arith.constant 0 : i32
        %dma_start3A_158 = tpu.memref_slice %arg9[%mul3A_125, %dma_start3A_157] : memref<10x1024xi32, #tpu.memory_space<vmem>> -> memref<1x1024xi32, #tpu.memory_space<vmem>>
        %dma_start3A_159 = tpu.memref_squeeze %dma_start3A_158 : memref<1x1024xi32, #tpu.memory_space<vmem>> -> memref<1024xi32, #tpu.memory_space<vmem>>
        %dma_start3A_160 = arith.constant 0 : i32
        %dma_start3A_161 = arith.constant 0 : i32
        %dma_start3A_162 = tpu.memref_slice %arg15[%dma_start3A_160, %dma_start3A_161] : memref<10112x16xf32, #tpu.memory_space<vmem_shared>> -> memref<10112x16xf32, #tpu.memory_space<vmem_shared>>
        tpu.enqueue_indirect_dma source(%arg10 : memref<1024x16xf32, #tpu.memory_space<vmem>>) target(%dma_start3A_162 : memref<10112x16xf32, #tpu.memory_space<vmem_shared>>) offsets(%dma_start3A_159 : memref<1024xi32, #tpu.memory_space<vmem>>) semaphore(%run_scoped3A_156 : memref<!tpu.dma_semaphore, #tpu.memory_space<semaphore_mem>>) {add = true}
        %dma_wait3A_163 = arith.constant 0 : i32
        %dma_wait3A_164 = tpu.memref_slice %arg9[%mul3A_125, %dma_wait3A_163] : memref<10x1024xi32, #tpu.memory_space<vmem>> -> memref<1x1024xi32, #tpu.memory_space<vmem>>
        %dma_wait3A_165 = tpu.memref_squeeze %dma_wait3A_164 : memref<1x1024xi32, #tpu.memory_space<vmem>> -> memref<1024xi32, #tpu.memory_space<vmem>>
        %dma_wait3A_166 = arith.constant 0 : i32
        %dma_wait3A_167 = arith.constant 0 : i32
        %dma_wait3A_168 = tpu.memref_slice %arg15[%dma_wait3A_166, %dma_wait3A_167] : memref<10112x16xf32, #tpu.memory_space<vmem_shared>> -> memref<10112x16xf32, #tpu.memory_space<vmem_shared>>
        tpu.wait_indirect_dma semaphore(%run_scoped3A_156 : memref<!tpu.dma_semaphore, #tpu.memory_space<semaphore_mem>>) src(%arg10 : memref<1024x16xf32, #tpu.memory_space<vmem>>) dst(%dma_wait3A_168 : memref<10112x16xf32, #tpu.memory_space<vmem_shared>>)
        tpu.yield
      }) : () -> ()
      %add3A_140 = arith.constant 2 : i32
      %add3A_141 = arith.addi %mul3A_125, %add3A_140 : i32
      %dma_start3A_142 = arith.constant 0 : i32
      %dma_start3A_143 = tpu.memref_slice %arg8[%add3A_141, %dma_start3A_142] : memref<10x1024xi32, #tpu.memory_space<vmem>> -> memref<1x1024xi32, #tpu.memory_space<vmem>>
      %dma_start3A_144 = tpu.memref_squeeze %dma_start3A_143 : memref<1x1024xi32, #tpu.memory_space<vmem>> -> memref<1024xi32, #tpu.memory_space<vmem>>
      %dma_start3A_145 = arith.constant 0 : i32
      %dma_start3A_146 = arith.constant 0 : i32
      %dma_start3A_147 = tpu.memref_slice %arg16[%dma_start3A_145, %dma_start3A_146] : memref<10112x16xf32, #tpu.memory_space<vmem_shared>> -> memref<10112x16xf32, #tpu.memory_space<vmem_shared>>
      tpu.enqueue_indirect_dma source(%dma_start3A_147 : memref<10112x16xf32, #tpu.memory_space<vmem_shared>>) target(%arg10 : memref<1024x16xf32, #tpu.memory_space<vmem>>) offsets(%dma_start3A_144 : memref<1024xi32, #tpu.memory_space<vmem>>) semaphore(%arg17 : memref<!tpu.dma_semaphore, #tpu.memory_space<semaphore_mem>>)
      %dma_wait3A_148 = arith.constant 0 : i32
      %dma_wait3A_149 = tpu.memref_slice %arg8[%mul3A_125, %dma_wait3A_148] : memref<10x1024xi32, #tpu.memory_space<vmem>> -> memref<1x1024xi32, #tpu.memory_space<vmem>>
      %dma_wait3A_150 = tpu.memref_squeeze %dma_wait3A_149 : memref<1x1024xi32, #tpu.memory_space<vmem>> -> memref<1024xi32, #tpu.memory_space<vmem>>
      %dma_wait3A_151 = arith.constant 0 : i32
      %dma_wait3A_152 = arith.constant 0 : i32
      %dma_wait3A_153 = tpu.memref_slice %arg16[%dma_wait3A_151, %dma_wait3A_152] : memref<10112x16xf32, #tpu.memory_space<vmem_shared>> -> memref<10112x16xf32, #tpu.memory_space<vmem_shared>>
      tpu.wait_indirect_dma semaphore(%arg18 : memref<!tpu.dma_semaphore, #tpu.memory_space<semaphore_mem>>) src(%dma_wait3A_153 : memref<10112x16xf32, #tpu.memory_space<vmem_shared>>) dst(%arg11 : memref<1024x16xf32, #tpu.memory_space<vmem>>)
      %add3A_154 = arith.constant 1 : i32
      %add3A_155 = arith.addi %mul3A_125, %add3A_154 : i32
      "tpu.region"() ({
        %run_scoped3A_156 = tpu.sem_alloc : memref<!tpu.dma_semaphore, #tpu.memory_space<semaphore_mem>>
        %dma_start3A_157 = arith.constant 0 : i32
        %dma_start3A_158 = tpu.memref_slice %arg9[%add3A_155, %dma_start3A_157] : memref<10x1024xi32, #tpu.memory_space<vmem>> -> memref<1x1024xi32, #tpu.memory_space<vmem>>
        %dma_start3A_159 = tpu.memref_squeeze %dma_start3A_158 : memref<1x1024xi32, #tpu.memory_space<vmem>> -> memref<1024xi32, #tpu.memory_space<vmem>>
        %dma_start3A_160 = arith.constant 0 : i32
        %dma_start3A_161 = arith.constant 0 : i32
        %dma_start3A_162 = tpu.memref_slice %arg15[%dma_start3A_160, %dma_start3A_161] : memref<10112x16xf32, #tpu.memory_space<vmem_shared>> -> memref<10112x16xf32, #tpu.memory_space<vmem_shared>>
        tpu.enqueue_indirect_dma source(%arg11 : memref<1024x16xf32, #tpu.memory_space<vmem>>) target(%dma_start3A_162 : memref<10112x16xf32, #tpu.memory_space<vmem_shared>>) offsets(%dma_start3A_159 : memref<1024xi32, #tpu.memory_space<vmem>>) semaphore(%run_scoped3A_156 : memref<!tpu.dma_semaphore, #tpu.memory_space<semaphore_mem>>) {add = true}
        %dma_wait3A_163 = arith.constant 0 : i32
        %dma_wait3A_164 = tpu.memref_slice %arg9[%add3A_155, %dma_wait3A_163] : memref<10x1024xi32, #tpu.memory_space<vmem>> -> memref<1x1024xi32, #tpu.memory_space<vmem>>
        %dma_wait3A_165 = tpu.memref_squeeze %dma_wait3A_164 : memref<1x1024xi32, #tpu.memory_space<vmem>> -> memref<1024xi32, #tpu.memory_space<vmem>>
        %dma_wait3A_166 = arith.constant 0 : i32
        %dma_wait3A_167 = arith.constant 0 : i32
        %dma_wait3A_168 = tpu.memref_slice %arg15[%dma_wait3A_166, %dma_wait3A_167] : memref<10112x16xf32, #tpu.memory_space<vmem_shared>> -> memref<10112x16xf32, #tpu.memory_space<vmem_shared>>
        tpu.wait_indirect_dma semaphore(%run_scoped3A_156 : memref<!tpu.dma_semaphore, #tpu.memory_space<semaphore_mem>>) src(%arg11 : memref<1024x16xf32, #tpu.memory_space<vmem>>) dst(%dma_wait3A_168 : memref<10112x16xf32, #tpu.memory_space<vmem_shared>>)
        tpu.yield
      }) : () -> ()
    }
    %scan3A_91 = arith.constant 4 : i32
    %dma_start3A_92 = arith.constant 9 : i32
    %dma_start3A_93 = arith.constant 0 : i32
    %dma_start3A_94 = tpu.memref_slice %arg8[%dma_start3A_92, %dma_start3A_93] : memref<10x1024xi32, #tpu.memory_space<vmem>> -> memref<1x1024xi32, #tpu.memory_space<vmem>>
    %dma_start3A_95 = tpu.memref_squeeze %dma_start3A_94 : memref<1x1024xi32, #tpu.memory_space<vmem>> -> memref<1024xi32, #tpu.memory_space<vmem>>
    %dma_start3A_96 = arith.constant 0 : i32
    %dma_start3A_97 = arith.constant 0 : i32
    %dma_start3A_98 = tpu.memref_slice %arg16[%dma_start3A_96, %dma_start3A_97] : memref<10112x16xf32, #tpu.memory_space<vmem_shared>> -> memref<10112x16xf32, #tpu.memory_space<vmem_shared>>
    tpu.enqueue_indirect_dma source(%dma_start3A_98 : memref<10112x16xf32, #tpu.memory_space<vmem_shared>>) target(%arg11 : memref<1024x16xf32, #tpu.memory_space<vmem>>) offsets(%dma_start3A_95 : memref<1024xi32, #tpu.memory_space<vmem>>) semaphore(%arg18 : memref<!tpu.dma_semaphore, #tpu.memory_space<semaphore_mem>>)
    %dma_wait3A_99 = arith.constant 0 : i32
    %dma_wait3A_100 = arith.constant 0 : i32
    %dma_wait3A_101 = tpu.memref_slice %arg8[%dma_wait3A_99, %dma_wait3A_100] : memref<10x1024xi32, #tpu.memory_space<vmem>> -> memref<1x1024xi32, #tpu.memory_space<vmem>>
    %dma_wait3A_102 = tpu.memref_squeeze %dma_wait3A_101 : memref<1x1024xi32, #tpu.memory_space<vmem>> -> memref<1024xi32, #tpu.memory_space<vmem>>
    %dma_wait3A_103 = arith.constant 0 : i32
    %dma_wait3A_104 = arith.constant 0 : i32
    %dma_wait3A_105 = tpu.memref_slice %arg16[%dma_wait3A_103, %dma_wait3A_104] : memref<10112x16xf32, #tpu.memory_space<vmem_shared>> -> memref<10112x16xf32, #tpu.memory_space<vmem_shared>>
    tpu.wait_indirect_dma semaphore(%arg17 : memref<!tpu.dma_semaphore, #tpu.memory_space<semaphore_mem>>) src(%dma_wait3A_105 : memref<10112x16xf32, #tpu.memory_space<vmem_shared>>) dst(%arg10 : memref<1024x16xf32, #tpu.memory_space<vmem>>)
    %run_scoped3A_106 = arith.constant 8 : i32
    "tpu.region"() ({
      %run_scoped3A_123 = tpu.sem_alloc : memref<!tpu.dma_semaphore, #tpu.memory_space<semaphore_mem>>
      %dma_start3A_124 = arith.constant 0 : i32
      %dma_start3A_125 = tpu.memref_slice %arg9[%run_scoped3A_106, %dma_start3A_124] : memref<10x1024xi32, #tpu.memory_space<vmem>> -> memref<1x1024xi32, #tpu.memory_space<vmem>>
      %dma_start3A_126 = tpu.memref_squeeze %dma_start3A_125 : memref<1x1024xi32, #tpu.memory_space<vmem>> -> memref<1024xi32, #tpu.memory_space<vmem>>
      %dma_start3A_127 = arith.constant 0 : i32
      %dma_start3A_128 = arith.constant 0 : i32
      %dma_start3A_129 = tpu.memref_slice %arg15[%dma_start3A_127, %dma_start3A_128] : memref<10112x16xf32, #tpu.memory_space<vmem_shared>> -> memref<10112x16xf32, #tpu.memory_space<vmem_shared>>
      tpu.enqueue_indirect_dma source(%arg10 : memref<1024x16xf32, #tpu.memory_space<vmem>>) target(%dma_start3A_129 : memref<10112x16xf32, #tpu.memory_space<vmem_shared>>) offsets(%dma_start3A_126 : memref<1024xi32, #tpu.memory_space<vmem>>) semaphore(%run_scoped3A_123 : memref<!tpu.dma_semaphore, #tpu.memory_space<semaphore_mem>>) {add = true}
      %dma_wait3A_130 = arith.constant 0 : i32
      %dma_wait3A_131 = tpu.memref_slice %arg9[%run_scoped3A_106, %dma_wait3A_130] : memref<10x1024xi32, #tpu.memory_space<vmem>> -> memref<1x1024xi32, #tpu.memory_space<vmem>>
      %dma_wait3A_132 = tpu.memref_squeeze %dma_wait3A_131 : memref<1x1024xi32, #tpu.memory_space<vmem>> -> memref<1024xi32, #tpu.memory_space<vmem>>
      %dma_wait3A_133 = arith.constant 0 : i32
      %dma_wait3A_134 = arith.constant 0 : i32
      %dma_wait3A_135 = tpu.memref_slice %arg15[%dma_wait3A_133, %dma_wait3A_134] : memref<10112x16xf32, #tpu.memory_space<vmem_shared>> -> memref<10112x16xf32, #tpu.memory_space<vmem_shared>>
      tpu.wait_indirect_dma semaphore(%run_scoped3A_123 : memref<!tpu.dma_semaphore, #tpu.memory_space<semaphore_mem>>) src(%arg10 : memref<1024x16xf32, #tpu.memory_space<vmem>>) dst(%dma_wait3A_135 : memref<10112x16xf32, #tpu.memory_space<vmem_shared>>)
      tpu.yield
    }) : () -> ()
    %dma_wait3A_107 = arith.constant 0 : i32
    %dma_wait3A_108 = arith.constant 0 : i32
    %dma_wait3A_109 = tpu.memref_slice %arg8[%dma_wait3A_107, %dma_wait3A_108] : memref<10x1024xi32, #tpu.memory_space<vmem>> -> memref<1x1024xi32, #tpu.memory_space<vmem>>
    %dma_wait3A_110 = tpu.memref_squeeze %dma_wait3A_109 : memref<1x1024xi32, #tpu.memory_space<vmem>> -> memref<1024xi32, #tpu.memory_space<vmem>>
    %dma_wait3A_111 = arith.constant 0 : i32
    %dma_wait3A_112 = arith.constant 0 : i32
    %dma_wait3A_113 = tpu.memref_slice %arg16[%dma_wait3A_111, %dma_wait3A_112] : memref<10112x16xf32, #tpu.memory_space<vmem_shared>> -> memref<10112x16xf32, #tpu.memory_space<vmem_shared>>
    tpu.wait_indirect_dma semaphore(%arg18 : memref<!tpu.dma_semaphore, #tpu.memory_space<semaphore_mem>>) src(%dma_wait3A_113 : memref<10112x16xf32, #tpu.memory_space<vmem_shared>>) dst(%arg11 : memref<1024x16xf32, #tpu.memory_space<vmem>>)
    %run_scoped3A_114 = arith.constant 9 : i32
    "tpu.region"() ({
      %run_scoped3A_123 = tpu.sem_alloc : memref<!tpu.dma_semaphore, #tpu.memory_space<semaphore_mem>>
      %dma_start3A_124 = arith.constant 0 : i32
      %dma_start3A_125 = tpu.memref_slice %arg9[%run_scoped3A_114, %dma_start3A_124] : memref<10x1024xi32, #tpu.memory_space<vmem>> -> memref<1x1024xi32, #tpu.memory_space<vmem>>
      %dma_start3A_126 = tpu.memref_squeeze %dma_start3A_125 : memref<1x1024xi32, #tpu.memory_space<vmem>> -> memref<1024xi32, #tpu.memory_space<vmem>>
      %dma_start3A_127 = arith.constant 0 : i32
      %dma_start3A_128 = arith.constant 0 : i32
      %dma_start3A_129 = tpu.memref_slice %arg15[%dma_start3A_127, %dma_start3A_128] : memref<10112x16xf32, #tpu.memory_space<vmem_shared>> -> memref<10112x16xf32, #tpu.memory_space<vmem_shared>>
      tpu.enqueue_indirect_dma source(%arg11 : memref<1024x16xf32, #tpu.memory_space<vmem>>) target(%dma_start3A_129 : memref<10112x16xf32, #tpu.memory_space<vmem_shared>>) offsets(%dma_start3A_126 : memref<1024xi32, #tpu.memory_space<vmem>>) semaphore(%run_scoped3A_123 : memref<!tpu.dma_semaphore, #tpu.memory_space<semaphore_mem>>) {add = true}
      %dma_wait3A_130 = arith.constant 0 : i32
      %dma_wait3A_131 = tpu.memref_slice %arg9[%run_scoped3A_114, %dma_wait3A_130] : memref<10x1024xi32, #tpu.memory_space<vmem>> -> memref<1x1024xi32, #tpu.memory_space<vmem>>
      %dma_wait3A_132 = tpu.memref_squeeze %dma_wait3A_131 : memref<1x1024xi32, #tpu.memory_space<vmem>> -> memref<1024xi32, #tpu.memory_space<vmem>>
      %dma_wait3A_133 = arith.constant 0 : i32
      %dma_wait3A_134 = arith.constant 0 : i32
      %dma_wait3A_135 = tpu.memref_slice %arg15[%dma_wait3A_133, %dma_wait3A_134] : memref<10112x16xf32, #tpu.memory_space<vmem_shared>> -> memref<10112x16xf32, #tpu.memory_space<vmem_shared>>
      tpu.wait_indirect_dma semaphore(%run_scoped3A_123 : memref<!tpu.dma_semaphore, #tpu.memory_space<semaphore_mem>>) src(%arg11 : memref<1024x16xf32, #tpu.memory_space<vmem>>) dst(%dma_wait3A_135 : memref<10112x16xf32, #tpu.memory_space<vmem_shared>>)
      tpu.yield
    }) : () -> ()
    %barrier3A_115 = arith.constant 0 : index
    tpu.barrier barrier_id(%barrier3A_115)
    %mul3A_116 = arith.constant 632 : i32
    %mul3A_117 = arith.muli %arg1, %mul3A_116 : i32
    "tpu.region"() ({
      %run_scoped3A_123 = tpu.sem_alloc : memref<!tpu.dma_semaphore, #tpu.memory_space<semaphore_mem>>
      %dma_start3A_124 = arith.constant 0 : i32
      %dma_start3A_125 = tpu.memref_slice %arg15[%mul3A_117, %dma_start3A_124] : memref<10112x16xf32, #tpu.memory_space<vmem_shared>> -> memref<632x16xf32, #tpu.memory_space<vmem_shared>>
      %dma_start3A_126 = arith.constant 0 : i32
      %dma_start3A_127 = tpu.memref_slice %arg15[%mul3A_117, %dma_start3A_126] : memref<10112x16xf32, #tpu.memory_space<vmem_shared>> -> memref<632x16xf32, #tpu.memory_space<vmem_shared>>
      tpu.enqueue_dma source(%dma_start3A_127 : memref<632x16xf32, #tpu.memory_space<vmem_shared>>) target(%arg14 : memref<632x16xf32, #tpu.memory_space<vmem>>) target_semaphore(%run_scoped3A_123 : memref<!tpu.dma_semaphore, #tpu.memory_space<semaphore_mem>>)
      %dma_wait3A_128 = arith.constant 0 : i32
      %dma_wait3A_129 = tpu.memref_slice %arg15[%mul3A_117, %dma_wait3A_128] : memref<10112x16xf32, #tpu.memory_space<vmem_shared>> -> memref<632x16xf32, #tpu.memory_space<vmem_shared>>
      %dma_wait3A_130 = arith.constant 0 : i32
      %dma_wait3A_131 = tpu.memref_slice %arg15[%mul3A_117, %dma_wait3A_130] : memref<10112x16xf32, #tpu.memory_space<vmem_shared>> -> memref<632x16xf32, #tpu.memory_space<vmem_shared>>
      tpu.wait_dma2 semaphore(%run_scoped3A_123 : memref<!tpu.dma_semaphore, #tpu.memory_space<semaphore_mem>>) src(%dma_wait3A_131 : memref<632x16xf32, #tpu.memory_space<vmem_shared>>) dst(%arg14 : memref<632x16xf32, #tpu.memory_space<vmem>>)
      tpu.yield
    }) : () -> ()
    %mul3A_118 = arith.constant 10112 : i32
    %mul3A_119 = arith.muli %arg0, %mul3A_118 : i32
    %mul3A_120 = arith.constant 632 : i32
    %mul3A_121 = arith.muli %arg1, %mul3A_120 : i32
    %add3A_122 = arith.addi %mul3A_119, %mul3A_121 : i32
    "tpu.region"() ({
      %run_scoped3A_123 = tpu.sem_alloc : memref<!tpu.dma_semaphore, #tpu.memory_space<semaphore_mem>>
      %dma_start3A_124 = arith.constant 0 : i32
      %dma_start3A_125 = tpu.memref_slice %arg7[%add3A_122, %dma_start3A_124] : memref<20224x16xf32, #tpu.memory_space<hbm>> -> memref<632x16xf32, #tpu.memory_space<hbm>>
      %dma_start3A_126 = arith.constant 0 : i32
      %dma_start3A_127 = tpu.memref_slice %arg7[%add3A_122, %dma_start3A_126] : memref<20224x16xf32, #tpu.memory_space<hbm>> -> memref<632x16xf32, #tpu.memory_space<hbm>>
      tpu.enqueue_dma source(%arg14 : memref<632x16xf32, #tpu.memory_space<vmem>>) target(%dma_start3A_127 : memref<632x16xf32, #tpu.memory_space<hbm>>) target_semaphore(%run_scoped3A_123 : memref<!tpu.dma_semaphore, #tpu.memory_space<semaphore_mem>>)
      %dma_wait3A_128 = arith.constant 0 : i32
      %dma_wait3A_129 = tpu.memref_slice %arg7[%add3A_122, %dma_wait3A_128] : memref<20224x16xf32, #tpu.memory_space<hbm>> -> memref<632x16xf32, #tpu.memory_space<hbm>>
      %dma_wait3A_130 = arith.constant 0 : i32
      %dma_wait3A_131 = tpu.memref_slice %arg7[%add3A_122, %dma_wait3A_130] : memref<20224x16xf32, #tpu.memory_space<hbm>> -> memref<632x16xf32, #tpu.memory_space<hbm>>
      tpu.wait_dma2 semaphore(%run_scoped3A_123 : memref<!tpu.dma_semaphore, #tpu.memory_space<semaphore_mem>>) src(%arg14 : memref<632x16xf32, #tpu.memory_space<vmem>>) dst(%dma_wait3A_131 : memref<632x16xf32, #tpu.memory_space<hbm>>)
      tpu.yield
    }) : () -> ()
    return
  }
}

module attributes {stable_mosaic.version = 14 : i64} {
  func.func @_proj_body(%arg0: memref<10000x128xf32, #tpu.memory_space<vmem>>, %arg1: memref<128x16xf32, #tpu.memory_space<vmem>>, %arg2: memref<10112x16xf32, #tpu.memory_space<vmem>>) attributes {dimension_semantics = [], scalar_prefetch = 0 : i64, scratch_operands = 0 : i64, tpu.core_type = #tpu.core_type<tc>} {
    %get3A = arith.constant 0 : index
    %get3A_0 = arith.constant 0 : index
    %get3A_1 = vector.load %arg0[%get3A, %get3A_0] : memref<10000x128xf32, #tpu.memory_space<vmem>>, vector<10000x128xf32>
    %get3A_2 = arith.constant 0 : index
    %get3A_3 = arith.constant 0 : index
    %get3A_4 = vector.load %arg1[%get3A_2, %get3A_3] : memref<128x16xf32, #tpu.memory_space<vmem>>, vector<128x16xf32>
    %dot_general3A = arith.constant dense<0.000000e+00> : vector<10000x16xf32>
    %dot_general3A_5 = tpu.matmul %get3A_1, %get3A_4, %dot_general3A {dimension_numbers = #tpu.dot_dimension_numbers<[1], [0], [0], [1], [0, 0, 1, 1], [], []>, transpose_lhs_hint = false} : vector<10000x128xf32>, vector<128x16xf32>, vector<10000x16xf32> -> vector<10000x16xf32>
    %swap3A = arith.constant 0 : index
    %swap3A_6 = arith.constant 0 : index
    %swap3A_7 = vector.load %arg2[%swap3A, %swap3A_6] : memref<10112x16xf32, #tpu.memory_space<vmem>>, vector<10000x16xf32>
    tpu.vector_store %arg2[%swap3A, %swap3A_6], %dot_general3A_5 {strides = array<i32>} : memref<10112x16xf32, #tpu.memory_space<vmem>>, vector<10000x16xf32>,
    %broadcast_in_dim3A = arith.constant 0.000000e+00 : f32
    %broadcast_in_dim3A_8 = vector.broadcast %broadcast_in_dim3A : f32 to vector<112x16xf32>
    %swap3A_9 = arith.constant 10000 : index
    %swap3A_10 = arith.constant 0 : index
    %swap3A_11 = vector.load %arg2[%swap3A_9, %swap3A_10] : memref<10112x16xf32, #tpu.memory_space<vmem>>, vector<112x16xf32>
    tpu.vector_store %arg2[%swap3A_9, %swap3A_10], %broadcast_in_dim3A_8 {strides = array<i32>} : memref<10112x16xf32, #tpu.memory_space<vmem>>, vector<112x16xf32>,
    return
  }
}

module attributes {stable_mosaic.version = 14 : i64} {
  func.func @_prep_body(%arg0: memref<20224xf32, #tpu.memory_space<vmem>>, %arg1: memref<10112x16xf32, #tpu.memory_space<vmem>>, %arg2: memref<10112x16xf32, #tpu.memory_space<vmem>>) attributes {dimension_semantics = [], scalar_prefetch = 0 : i64, scratch_operands = 0 : i64, tpu.core_type = #tpu.core_type<tc>} {
    %get3A = arith.constant 0 : index
    %get3A_0 = vector.load %arg0[%get3A] : memref<20224xf32, #tpu.memory_space<vmem>>, vector<10000xf32>
    %get3A_1 = arith.constant 10112 : index
    %get3A_2 = vector.load %arg0[%get3A_1] : memref<20224xf32, #tpu.memory_space<vmem>>, vector<10000xf32>
    %add3A = arith.addf %get3A_0, %get3A_2 : vector<10000xf32>
    %add3A_3 = arith.constant 1.000000e+00 : f32
    %add3A_4 = vector.broadcast %add3A_3 : f32 to vector<10000xf32>
    %add3A_5 = arith.addf %add3A, %add3A_4 : vector<10000xf32>
    %rsqrt3A = math.rsqrt %add3A_5 : vector<10000xf32>
    %reshape3A = vector.shape_cast %rsqrt3A : vector<10000xf32> to vector<10000x1xf32>
    %broadcast_in_dim3A = vector.shape_cast %reshape3A : vector<10000x1xf32> to vector<10000x1xf32>
    %broadcast_in_dim3A_6 = vector.broadcast %broadcast_in_dim3A : vector<10000x1xf32> to vector<10000x16xf32>
    %broadcast_in_dim3A_7 = arith.constant 0.000000e+00 : f32
    %broadcast_in_dim3A_8 = vector.broadcast %broadcast_in_dim3A_7 : f32 to vector<112x16xf32>
    %swap3A = arith.constant 0 : index
    %swap3A_9 = arith.constant 0 : index
    %swap3A_10 = vector.load %arg1[%swap3A, %swap3A_9] : memref<10112x16xf32, #tpu.memory_space<vmem>>, vector<10000x16xf32>
    tpu.vector_store %arg1[%swap3A, %swap3A_9], %broadcast_in_dim3A_6 {strides = array<i32>} : memref<10112x16xf32, #tpu.memory_space<vmem>>, vector<10000x16xf32>,
    %swap3A_11 = arith.constant 10000 : index
    %swap3A_12 = arith.constant 0 : index
    %swap3A_13 = vector.load %arg1[%swap3A_11, %swap3A_12] : memref<10112x16xf32, #tpu.memory_space<vmem>>, vector<112x16xf32>
    tpu.vector_store %arg1[%swap3A_11, %swap3A_12], %broadcast_in_dim3A_8 {strides = array<i32>} : memref<10112x16xf32, #tpu.memory_space<vmem>>, vector<112x16xf32>,
    %mul3A = arith.mulf %broadcast_in_dim3A_6, %broadcast_in_dim3A_6 : vector<10000x16xf32>
    %swap3A_14 = arith.constant 0 : index
    %swap3A_15 = arith.constant 0 : index
    %swap3A_16 = vector.load %arg2[%swap3A_14, %swap3A_15] : memref<10112x16xf32, #tpu.memory_space<vmem>>, vector<10000x16xf32>
    tpu.vector_store %arg2[%swap3A_14, %swap3A_15], %mul3A {strides = array<i32>} : memref<10112x16xf32, #tpu.memory_space<vmem>>, vector<10000x16xf32>,
    %swap3A_17 = arith.constant 10000 : index
    %swap3A_18 = arith.constant 0 : index
    %swap3A_19 = vector.load %arg2[%swap3A_17, %swap3A_18] : memref<10112x16xf32, #tpu.memory_space<vmem>>, vector<112x16xf32>
    tpu.vector_store %arg2[%swap3A_17, %swap3A_18], %broadcast_in_dim3A_8 {strides = array<i32>} : memref<10112x16xf32, #tpu.memory_space<vmem>>, vector<112x16xf32>,
    return
  }
}

module attributes {stable_mosaic.version = 14 : i64} {
  func.func @_out_body(%arg0: memref<20224x16xf32, #tpu.memory_space<vmem>>, %arg1: memref<20224x16xf32, #tpu.memory_space<vmem>>, %arg2: memref<10112x16xf32, #tpu.memory_space<vmem>>, %arg3: memref<10112x16xf32, #tpu.memory_space<vmem>>, %arg4: memref<10112x16xf32, #tpu.memory_space<vmem>>, %arg5: memref<1x16xf32, #tpu.memory_space<vmem>>, %arg6: memref<16x128xf32, #tpu.memory_space<vmem>>, %arg7: memref<1x128xf32, #tpu.memory_space<vmem>>, %arg8: memref<10000x128xf32, #tpu.memory_space<vmem>>) attributes {dimension_semantics = [], scalar_prefetch = 0 : i64, scratch_operands = 0 : i64, tpu.core_type = #tpu.core_type<tc>} {
    %get3A = arith.constant 0 : index
    %get3A_0 = arith.constant 0 : index
    %get3A_1 = vector.load %arg3[%get3A, %get3A_0] : memref<10112x16xf32, #tpu.memory_space<vmem>>, vector<10000x16xf32>
    %get3A_2 = arith.constant 0 : index
    %get3A_3 = arith.constant 0 : index
    %get3A_4 = vector.load %arg4[%get3A_2, %get3A_3] : memref<10112x16xf32, #tpu.memory_space<vmem>>, vector<10000x16xf32>
    %get3A_5 = arith.constant 0 : index
    %get3A_6 = arith.constant 0 : index
    %get3A_7 = vector.load %arg1[%get3A_5, %get3A_6] : memref<20224x16xf32, #tpu.memory_space<vmem>>, vector<10000x16xf32>
    %get3A_8 = arith.constant 10112 : index
    %get3A_9 = arith.constant 0 : index
    %get3A_10 = vector.load %arg1[%get3A_8, %get3A_9] : memref<20224x16xf32, #tpu.memory_space<vmem>>, vector<10000x16xf32>
    %add3A = arith.addf %get3A_7, %get3A_10 : vector<10000x16xf32>
    %get3A_11 = arith.constant 0 : index
    %get3A_12 = arith.constant 0 : index
    %get3A_13 = vector.load %arg2[%get3A_11, %get3A_12] : memref<10112x16xf32, #tpu.memory_space<vmem>>, vector<10000x16xf32>
    %mul3A = arith.mulf %get3A_1, %get3A_13 : vector<10000x16xf32>
    %add3A_14 = arith.addf %add3A, %mul3A : vector<10000x16xf32>
    %mul3A_15 = arith.mulf %get3A_4, %add3A_14 : vector<10000x16xf32>
    %get3A_16 = arith.constant 0 : index
    %get3A_17 = arith.constant 0 : index
    %get3A_18 = vector.load %arg0[%get3A_16, %get3A_17] : memref<20224x16xf32, #tpu.memory_space<vmem>>, vector<10000x16xf32>
    %get3A_19 = arith.constant 10112 : index
    %get3A_20 = arith.constant 0 : index
    %get3A_21 = vector.load %arg0[%get3A_19, %get3A_20] : memref<20224x16xf32, #tpu.memory_space<vmem>>, vector<10000x16xf32>
    %add3A_22 = arith.addf %get3A_18, %get3A_21 : vector<10000x16xf32>
    %add3A_23 = arith.addf %add3A_22, %mul3A_15 : vector<10000x16xf32>
    %mul3A_24 = arith.mulf %get3A_1, %add3A_23 : vector<10000x16xf32>
    %get3A_25 = arith.constant 0 : index
    %get3A_26 = arith.constant 0 : index
    %get3A_27 = vector.load %arg5[%get3A_25, %get3A_26] : memref<1x16xf32, #tpu.memory_space<vmem>>, vector<1x16xf32>
    %add3A_28 = vector.broadcast %get3A_27 : vector<1x16xf32> to vector<10000x16xf32>
    %add3A_29 = arith.addf %mul3A_24, %add3A_28 : vector<10000x16xf32>
    %max3A = arith.constant 0.000000e+00 : f32
    %max3A_30 = vector.broadcast %max3A : f32 to vector<10000x16xf32>
    %max3A_31 = arith.maximumf %add3A_29, %max3A_30 : vector<10000x16xf32>
    %get3A_32 = arith.constant 0 : index
    %get3A_33 = arith.constant 0 : index
    %get3A_34 = vector.load %arg6[%get3A_32, %get3A_33] : memref<16x128xf32, #tpu.memory_space<vmem>>, vector<16x128xf32>
    %dot_general3A = arith.constant dense<0.000000e+00> : vector<10000x128xf32>
    %dot_general3A_35 = tpu.matmul %max3A_31, %get3A_34, %dot_general3A {dimension_numbers = #tpu.dot_dimension_numbers<[1], [0], [0], [1], [0, 0, 1, 1], [], []>, transpose_lhs_hint = false} : vector<10000x16xf32>, vector<16x128xf32>, vector<10000x128xf32> -> vector<10000x128xf32>
    %get3A_36 = arith.constant 0 : index
    %get3A_37 = arith.constant 0 : index
    %get3A_38 = vector.load %arg7[%get3A_36, %get3A_37] : memref<1x128xf32, #tpu.memory_space<vmem>>, vector<1x128xf32>
    %add3A_39 = vector.broadcast %get3A_38 : vector<1x128xf32> to vector<10000x128xf32>
    %add3A_40 = arith.addf %dot_general3A_35, %add3A_39 : vector<10000x128xf32>
    %swap3A = arith.constant 0 : index
    %swap3A_41 = arith.constant 0 : index
    %swap3A_42 = vector.load %arg8[%swap3A, %swap3A_41] : memref<10000x128xf32, #tpu.memory_space<vmem>>, vector<10000x128xf32>
    tpu.vector_store %arg8[%swap3A, %swap3A_41], %add3A_40 {strides = array<i32>} : memref<10000x128xf32, #tpu.memory_space<vmem>>, vector<10000x128xf32>,
    return
  }
}

</mosaic_0001>

<sc_bundles>
// kernel: kernel.11.cloned.1.call-start
scs
__scs_entry_jumppad:
0x0: {  	(pc) =	sbr.rel $0x88, $3  }
0x1: {  	(tag) =	ssettag $0x0;
	lr =	simm.s32 $0x1  }
0x2: {  	[smem:$0x3F9B] =	sst lr;
	_ =	strace $0xD0000000  }
0x3: {  	_ = 	snop  }
0x4: {  	_ = 	snop  }
0x5: {  	_ = 	snop  }
0x6: {  	_ = 	snop  }
0x7: {  	_ = 	snop  }
__scs_overlays_trampoline_lowered:
0x8: {  	[smem:$0x3FAA] =	sst s0  }
0x9: {  	[smem:$0x3FAB] =	sst s1  }
0xa: {  	[smem:$0x3FAC] =	sst s2  }
0xb: {  	[smem:$0x3FAD] =	sst s3  }
0xc: {  	[smem:$0x3FAE] =	sst s4  }
0xd: {  	[smem:$0x3FAF] =	sst s5  }
0xe: {  	[smem:$0x3FB0] =	sst s6  }
0xf: {  	[smem:$0x3FB1] =	sst s7  }
0x10: {  	[smem:$0x3FB2] =	sst s8  }
0x11: {  	[smem:$0x3FB3] =	sst s9;
	s0 =	simm.s32 @!p0 $0x0  }
0x12: {  	s1 =	sld [smem:$0x3F99];
	s0 =	simm.s32 @p0 $0x1  }
0x13: {  	[smem:$0x3FB4] =	sst s0;
	s0 =	simm.s32 @!p1 $0x0  }
0x14: {  	s2 =	sld [smem:$0x3F98];
	s0 =	simm.s32 @p1 $0x1  }
0x15: {  	[smem:$0x3FB5] =	sst s0;
	s0 =	simm.s32 @!p2 $0x0  }
0x16: {  	s3 =	sld [smem:$0x3FDB];
	s0 =	simm.s32 @p2 $0x1  }
0x17: {  	s4 =	simm.s32 $0x1BF5;
	[smem:$0x3FB7] =	sst s0  }
0x18: {  	s0 =	sld [smem:$0x3F9A];
	_ =	swait.ge [sflag:s4], $0x0  }
0x19: {  	s7 =	sld [smem:$0x3F9B]  }
0x1a: {  	s8 =	sadd.s32 $0xFFFFE003, lr  }
0x1b: {  	s9 =	sadd.s32 $0xFFFFFEF7, lr;
	s5 =	simm.s32 $0xFFFFFFFF;
	p2 =	slt.u32 s8, $0xFFFFF086  }
0x1c: {  	p1 =	slt.u32 s9, $0xF7A;
	s5 =	simm.s32 @!p2 $0x0  }
0x1d: {  	s5 =	simm.s32 @p1 $0x1;
	p0 =	seq.s32 s7, s2  }
0x1e: {  	s7 =	smul.u32 @!p0 $0xF7A, s2;
	p2 =	seq.s32 @!p0 s5, $0x0  }
0x1f: {  	s9 =	smul.u32 $0xF7A, s1;
	s8 =	simm.s32 @!p0 $0x1BF5;
	p2 =	por !p2, p0  }
0x20: {  	[sflag:s8] =	ssyncset.s32 @!p0 $0xFFFFF086;
	s6 =	sadd.s32 @!p0 s3, s7;
	s7 =	simm.s32 @!p0 $0x108  }
0x21: {  	s3 =	sadd.s32 s3, s9;
	s6 =	sadd.s32 @!p0 $0x88, s6;
	s7 =	simm.s32 @p2 $0x1082  }
0x22: {  	[simem:s7], [sflag:s8] =	dma.local @!p0 [hbm:s6], $0xF7A  }
0x23: {  	s9 =	sor.u32 $0xD0000000, s2;
	s6 =	simm.s32 $0x108;
	_ =	swait.ge @!p0 [sflag:s8], $0x0  }
0x24: {  	s3 =	sadd.s32 $0x88, s3;
	s6 =	simm.s32 @!p1 $0x1082;
	[sflag:s4] =	ssyncset.s32 $0xFFFFF086  }
0x25: {  	[simem:s6], [sflag:s4] =	dma.local [hbm:s3], $0xF7A  }
0x26: {  	[smem:$0x3F9B] =	sst s1;
	(tag) =	ssettag s2;
	_ =	strace s9  }
0x27: {  	s1 =	sld [smem:$0x3FAB]  }
0x28: {  	s2 =	sld [smem:$0x3FAC]  }
0x29: {  	s4 =	sld [smem:$0x3FAE]  }
0x2a: {  	p0 =	seq.s32 s5, $0x0;
	s5 =	sld [smem:$0x3FAF]  }
0x2b: {  	s6 =	sld [smem:$0x3FB0]  }
0x2c: {  	s7 =	sld [smem:$0x3FB1]  }
0x2d: {  	s3 =	simm.s32 $0x108;
	s8 =	sld [smem:$0x3FB2]  }
0x2e: {  	s3 =	simm.s32 @!p0 $0x1082;
	s9 =	sld [smem:$0x3FB3]  }
0x2f: {  	lr =	sadd.s32 s0, s3;
	s0 =	sld [smem:$0x3FAA]  }
0x30: {  	s3 =	sld [smem:$0x3FAD]  }
0x31: {  	[smem:$0x3FB6] =	sst s10  }
0x32: {  	s10 =	sld [smem:$0x3FB4];
	_ =	sdelay $0x3  }
0x33: {  	p0 =	seq.s32 s10, $0x1;
	s10 =	sld [smem:$0x3FB6];
	_ =	sdelay $0x3  }
0x34: {  	[smem:$0x3FB6] =	sst s10  }
0x35: {  	s10 =	sld [smem:$0x3FB5];
	_ =	sdelay $0x3  }
0x36: {  	p1 =	seq.s32 s10, $0x1;
	s10 =	sld [smem:$0x3FB6];
	_ =	sdelay $0x3  }
0x37: {  	[smem:$0x3FB6] =	sst s10  }
0x38: {  	s10 =	sld [smem:$0x3FB7]  }
0x39: {  	_ = 	snop;
	(pc) =	sbr.ind lr, $3  }
0x3a: {  	_ = 	snop  }
0x3b: {  	_ = 	snop  }
0x3c: {  	p2 =	seq.s32 s10, $0x1;
	s10 =	sld [smem:$0x3FB6]  }
0x3d: {  	_ =	shalt  }
0x3e: {  	_ =	shalt  }
0x3f: {  	_ =	shalt  }
0x40: {  	_ =	shalt  }
0x41: {  	_ =	shalt  }
0x42: {  	_ =	shalt  }
0x43: {  	_ =	shalt  }
0x44: {  	_ =	shalt  }
0x45: {  	_ =	shalt  }
0x46: {  	_ =	shalt  }
0x47: {  	_ =	shalt  }
0x48: {  	_ =	shalt  }
0x49: {  	_ =	shalt  }
0x4a: {  	_ =	shalt  }
0x4b: {  	_ =	shalt  }
0x4c: {  	_ =	shalt  }
0x4d: {  	_ =	shalt  }
0x4e: {  	_ =	shalt  }
0x4f: {  	_ =	shalt  }
0x50: {  	_ =	shalt  }
0x51: {  	_ =	shalt  }
0x52: {  	_ =	shalt  }
0x53: {  	_ =	shalt  }
0x54: {  	_ =	shalt  }
0x55: {  	_ =	shalt  }
0x56: {  	_ =	shalt  }
0x57: {  	_ =	shalt  }
0x58: {  	_ =	shalt  }
0x59: {  	_ =	shalt  }
0x5a: {  	_ =	shalt  }
0x5b: {  	_ =	shalt  }
0x5c: {  	_ =	shalt  }
0x5d: {  	_ =	shalt  }
0x5e: {  	_ =	shalt  }
0x5f: {  	_ =	shalt  }
0x60: {  	_ =	shalt  }
0x61: {  	_ =	shalt  }
0x62: {  	_ =	shalt  }
0x63: {  	_ =	shalt  }
0x64: {  	_ =	shalt  }
0x65: {  	_ =	shalt  }
0x66: {  	_ =	shalt  }
0x67: {  	_ =	shalt  }
0x68: {  	_ =	shalt  }
0x69: {  	_ =	shalt  }
0x6a: {  	_ =	shalt  }
0x6b: {  	_ =	shalt  }
0x6c: {  	_ =	shalt  }
0x6d: {  	_ =	shalt  }
0x6e: {  	_ =	shalt  }
0x6f: {  	_ =	shalt  }
0x70: {  	_ =	shalt  }
0x71: {  	_ =	shalt  }
0x72: {  	_ =	shalt  }
0x73: {  	_ =	shalt  }
0x74: {  	_ =	shalt  }
0x75: {  	_ =	shalt  }
0x76: {  	_ =	shalt  }
0x77: {  	_ =	shalt  }
0x78: {  	_ =	shalt  }
0x79: {  	_ =	shalt  }
0x7a: {  	_ =	shalt  }
0x7b: {  	_ =	shalt  }
0x7c: {  	_ =	shalt  }
0x7d: {  	_ =	shalt  }
0x7e: {  	_ =	shalt  }
0x7f: {  	_ =	shalt  }
0x80: {  	_ =	shalt  }
0x81: {  	_ =	shalt  }
0x82: {  	_ =	shalt  }
0x83: {  	_ =	shalt  }
0x84: {  	_ =	shalt  }
0x85: {  	_ =	shalt  }
0x86: {  	_ =	shalt  }
0x87: {  	_ =	shalt  }
.Lfunc_end0:
.L_simem_size_0:
called_computation.1_lowered:
.L_overlay_start_0:
0x88: {  	s2 =	sld [smem:$0x3FD9]  }
0x89: {  	s3 =	sld [smem:$0x3FFE];
	_ =	sdelay $0x1  }
0x8a: {  	s1 =	srdreg.scid  }
0x8b: {  	s0 =	sand.u32 $0x1, s1  }
0x8c: {  	s17 =	sshll.u32 s0, $0xA;
	s2 =	sadd.s32 s3, s2  }
0x8d: {  	s2 =	sadd.s32 s2, s17  }
0x8e: {  	[smem:$0x3FC2] =	sst s2  }
0x8f: {  	_ = 	snop  }
0x90: {  	s2 =	sld [smem:$0x3FD0];
	(tm) =	ssettm $0x1  }
0x91: {  	s18 =	sld [smem:$0x3FFB];
	_ =	sdelay $0x3  }
0x92: {  	_ =	strace s18  }
0x93: {  	s3 =	sld [smem:$0x3FFC];
	_ =	sdelay $0x3  }
0x94: {  	_ =	strace s3  }
0x95: {  	s3 =	sld [smem:$0x3FFD];
	_ =	sdelay $0x3  }
0x96: {  	_ =	strace s3  }
0x97: {  	_ =	strace $0x8FFFFFFF  }
0x98: {  	s19 =	sld [smem:$0x3FDB];
	_ =	sdelay $0x1  }
0x99: {  	s4 =	simm.s32 $_scs_section_size  }
0x9a: {  	s5 =	simm.s32 $_size__tile_overlayer_lowered;
	s6 =	simm.s32 $_tile_overlayer_lowered  }
0x9b: {  	s22 =	simm.s32 $0x1BFF;
	s21 =	sshll.u32 s6, $0x1;
	s3 =	sadd.s32 s4, s19  }
0x9c: {  	s7 =	simm.s32 $0x0;
	s20 =	sshll.u32 s5, $0x1;
	s5 =	sadd.s32 s21, s3  }
0x9d: {  	[timem:s7], [sflag:s22] =	dma.local [hbm:s5], s20  }
0x9e: {  	_ =	swait.ge [sflag:s22], s20  }
0x9f: {  	s4 =	ssub.s32 $0x0, s20;
	[sflag:s22] =	ssyncset.done $0x0  }
0xa0: {  	[sflag:s22] =	ssyncadd.s32 s4;
	_ =	sdelay $0x1  }
0xa1: {  	s23 =	simm.s32 $0x1B8B  }
0xa2: {  	_ =	swait.ge [sflag:s23], $0x1  }
0xa3: {  	[sflag:s23] =	ssyncset.done $0x0  }
0xa4: {  	s25 =	simm.s32 $0x1B8E;
	s24 =	sld [smem:$0x3FFE];
	[sflag:s23] =	ssyncadd.s32 $0xFFFFFFFF  }
0xa5: {  	s26 =	simm.s32 $execute0_lowered;
	[smem:$0x3FD2] =	sst s25  }
0xa6: {  	s5 =	sshll.u32 s26, $0x1;
	_ =	strace $0x80000049;
	[dreg:$0x1] =	wrdreg $0xFFFFFFFF  }
0xa7: {  	s28 =	simm.s32 $_size_execute0_lowered;
	s3 =	sadd.s32 s3, s5;
	[dreg:$0x0] =	wrdreg $0x0  }
0xa8: {  	s5 =	sshll.u32 s28, $0x1;
	[dreg:$0x2] =	wrdreg s3  }
0xa9: {  	[dreg:$0x3] =	wrdreg s5  }
0xaa: {  	[dreg:$0x4] =	wrdreg $0xC0  }
0xab: {  	_ =	task [dreg:s7], $0x5FFFF  }
0xac: {  	[dreg:$0x1] =	wrdreg $0xFFFFFFFF  }
0xad: {  	[dreg:$0x0] =	wrdreg $0x60  }
0xae: {  	[dreg:$0x2] =	wrdreg s24  }
0xaf: {  	[dreg:$0x3] =	wrdreg s2  }
0xb0: {  	[dreg:$0x4] =	wrdreg $0xF7800  }
0xb1: {  	[dreg:$0x5] =	wrdreg $0x11F000  }
0xb2: {  	[dreg:$0x6] =	wrdreg $0x9  }
0xb3: {  	_ =	task.clear_ibuf [dreg:s7], $0x7FFFF;
	_ =	strace $0x90000049  }
0xb4: {  	s29 =	simm.s32 $0x9;
	_ =	strace $0x8000004B  }
0xb5: {  	_ =	swait.ge [sflag:s29], $0x1  }
0xb6: {  	[sflag:s29] =	ssyncadd.s32 $0xFFFFFFFF  }
0xb7: {  	_ =	strace $0x9000004B  }
0xb8: {  	_ =	sfence  }
0xb9: {  	s30 =	sld [smem:$0x0];
	_ =	sdelay $0x2  }
0xba: {  	s31 =	sshll.u32 s1, $0xD;
	s1 =	sshrl.u32 s1, $0x2  }
0xbb: {  	s3 =	sand.u32 $0x4000, s31;
	s1 =	sadd.s32 s1, s30  }
0xbc: {  	s0 =	sor.u32 s3, s0;
	s1 =	sshll.u32 s1, $0x11  }
0xbd: {  	s0 =	sor.u32 s1, s0  }
0xbe: {  	s0 =	sadd.s32 $0x8F2B, s0  }
0xbf: {  	[sflag:s0] =	ssyncadd.remote.s32 $0x1  }
0xc0: {  	_ =	sfence.sel $0xFFFF  }
0xc1: {  	[dreg:$0x0] =	wrdreg $0xFFFFFFFF;
	(pc) =	sbr.abs _section_cstart, $3  }
0xc2: {  	[dreg:$0x1] =	wrdreg $0xFFFFFFFF  }
0xc3: {  	_ =	task.clear_ibuf [dreg:s7], $0x2FFFF;
	_ =	strace $0x9FFFFFFF  }
0xc4: {  	(tm) =	ssettm $0x7FFFFFFF  }
0xc5: {  	_ =	shalt  }
tec
execute0_lowered:
.L_overlay_start_1:
0x0: {  	(tag) =	ssettag $0x1  }
0x1: {  	s0 =	rddreg [dreg:$0x0]  }
0x2: {  	s1 =	rddreg [dreg:$0x1]  }
0x3: {  	s2 =	rddreg [dreg:$0x2]  }
0x4: {  	s3 =	rddreg [dreg:$0x3]  }
0x5: {  	s11 =	stileid.u32;
	s5 =	srdreg.scid;
	s4 =	simm.s32 $0x0  }
0x6: {  	s13 =	simm.s32 $0x5000;
	s14 =	simm.s32 $0x9000;
	s15 =	simm.s32 $0xD000  }
0x7: {  	s16 =	simm.s32 $0x3;
	s17 =	simm.s32 $0x1;
	s18 =	simm.s32 $0x2  }
0x8: {  	s19 =	simm.s32 $0x2800;
	s20 =	simm.s32 $0x400;
	s31 =	simm.s32 $0x3C00  }
0x9: {  	s21 =	simm.s32 $0x2000;
	s22 =	simm.s32 $0x4400;
	s23 =	simm.s32 $0x2400  }
0xa: {  	s24 =	simm.s32 $0x4800;
	s25 =	simm.s32 $0x4C00;
	s9 =	smul.u32 $0x2780, s11  }
0xb: {  	s5 =	sand.u32 $0x1, s5;
	s6 =	smul.u32 $0x4F0, s11;
	[smem:$0x7FF] =	sst s4  }
0xc: {  	s7 =	smul.u32 $0x4F00, s5;
	s8 =	sshll.u32 s5, $0x4;
	_ =	strace $0x8000004A  }
0xd: {  	s5 =	ssub.s32 $0x2, s5;
	s10 =	sshrl.u32 s9, $0x3;
	s8 =	sor.u32 s11, s8  }
0xe: {  	s29 =	sshrl.u32 s5, $0x1;
	s6 =	sadd.s32 s6, s7;
	s26 =	smul.u32 $0x2800, s8  }
0xf: {  	s28 =	sadd.s32 s10, s0;
	s12 =	ssub.s32 s5, s29;
	s7 =	sadd.s32 s9, s2  }
0x10: {  	s9 =	sadd.s32 s9, s3;
	s0 =	sadd.s32 s6, s0;
	s5 =	sadd.s32 $0x2E00, s28  }
0x11: {  	s6 =	sadd.s32 $0x7E00, s28;
	s12 =	smax.u32 s12, $0x1;
	s30 =	sshrl.u32 s26, $0x3  }
0x12: {  	s11 =	sadd.s32 $0xCE00, s0;
	s0 =	simm.s32 $0x1C00;
	s8 =	sadd.s32 s1, s30  }
0x13: {  	v0 =	vimm.f32 $0.0e+00;
	s26 =	simm.s32 $0x0;
	s1 =	simm.s32 $0x4000;
	s10 =	sadd.s32 $0xA000, s8  }
.LBB2_1:
0x14: {  	[tilespmem:s13], [sflag:$0x1] =	stream.linear.gather [hbm4b:s5+s4], $0x2780, $0x38;
	[tilespmem:$0x14680] =	vst v63  }
0x15: {  	s28 =	simm.s32 $0x0;
	s29 =	simm.s32 $0x200  }
0x16: {  	[tilespmem:s14], [sflag:$0x2] =	stream.linear.gather [hbm4b:s6+s4], $0x2780, $0x38;
	[tilespmem:$0x14680] =	vst v63  }
.LBB2_2:
0x17: {  	p0 =	sne.s32 s29, $0x9C00;
	[tilespmem:s28+$0xD070] =	vst v0  }
0x18: {  	[tilespmem:s28+$0xD000] =	vst v0  }
0x19: {  	[tilespmem:s28+$0xD010] =	vst v0  }
.Ltmp0:
0x1a: {  	[tilespmem:s28+$0xD020] =	vst v0;
	(pc) =	sbr.rel @p0 .LBB2_2-.Ltmp0, $4  }
0x1b: {  	[tilespmem:s28+$0xD030] =	vst v0  }
0x1c: {  	[tilespmem:s28+$0xD040] =	vst v0  }
0x1d: {  	[tilespmem:s28+$0xD050] =	vst v0  }
0x1e: {  	[tilespmem:s28+$0xD060] =	vst v0;
	s28 =	sshra.s32 s29, $0x2;
	s29 =	sadd.s32 $0x200, s29  }
0x1f: {  	[tilespmem:s28+$0xD070] =	vst v0  }
0x20: {  	[tilespmem:s28+$0xD000] =	vst v0  }
0x21: {  	[tilespmem:s28+$0xD010] =	vst v0  }
0x22: {  	[tilespmem:s28+$0xD020] =	vst v0  }
0x23: {  	[tilespmem:s28+$0xD030] =	vst v0  }
0x24: {  	[tilespmem:s28+$0xD040] =	vst v0  }
0x25: {  	[tilespmem:s28+$0xD050] =	vst v0  }
0x26: {  	[tilespmem:s28+$0xD060] =	vst v0  }
0x27: {  	[spmem:s7] =	stream.linear.scatter [tilespmem:s15], [sflag:$0x3], $0x2780, $0x38;
	[tilespmem:$0x14680] =	vst v63  }
0x28: {  	_ =	swait.ge [sflag:s16], $0x2780  }
0x29: {  	[sflag:s16] =	ssyncset.done $0x0  }
0x2a: {  	[sflag:s16] =	ssyncadd.s32 $0xFFFFD880  }
0x2b: {  	_ =	swait.ge [sflag:s17], $0x2780  }
0x2c: {  	[sflag:s17] =	ssyncset.done $0x0  }
0x2d: {  	[sflag:s17] =	ssyncadd.s32 $0xFFFFD880  }
0x2e: {  	_ =	swait.ge [sflag:s18], $0x2780  }
0x2f: {  	[sflag:s18] =	ssyncset.done $0x0  }
0x30: {  	s28 =	simm.s32 $0x0;
	[sflag:s18] =	ssyncadd.s32 $0xFFFFD880  }
0x31: {  	v1 =	vld [tilespmem:s28+$0x5070]  }
0x32: {  	v2 =	vld [tilespmem:s28+$0x9070]  }
0x33: {  	v3 =	vld [tilespmem:s28+$0x5000]  }
0x34: {  	v4 =	vld [tilespmem:s28+$0x9000]  }
0x35: {  	v5 =	vld [tilespmem:s28+$0x5010]  }
0x36: {  	v6 =	vld [tilespmem:s28+$0x9010]  }
0x37: {  	v7 =	vld [tilespmem:s28+$0x5020]  }
0x38: {  	v8 =	vld [tilespmem:s28+$0x5030]  }
0x39: {  	v1 =	vmul.f32 v2, v1;
	v2 =	vld [tilespmem:s28+$0x9020]  }
0x3a: {  	v9 =	vld [tilespmem:s28+$0x9030]  }
0x3b: {  	v10 =	vld [tilespmem:s28+$0x9040];
	v3 =	vmul.f32 v4, v3  }
0x3c: {  	[tilespmem:s28+$0xD070] =	vst v1;
	v1 =	vmul.f32 v6, v5;
	v6 =	vld [tilespmem:s28+$0x5040]  }
0x3d: {  	v4 =	vld [tilespmem:s28+$0x9050];
	[tilespmem:s28+$0xD000] =	vst v3  }
0x3e: {  	v3 =	vld [tilespmem:s28+$0x5050];
	[tilespmem:s28+$0xD010] =	vst v1;
	v1 =	vmul.f32 v2, v7  }
0x3f: {  	v5 =	vld [tilespmem:s28+$0x9060];
	v7 =	vmul.f32 v9, v8  }
0x40: {  	s29 =	simm.s32 $0x80;
	[tilespmem:s28+$0xD020] =	vst v1;
	v1 =	vld [tilespmem:s28+$0x5060]  }
0x41: {  	s30 =	simm.s32 $0x400;
	v6 =	vmul.f32 v10, v6;
	v2 =	vld [tilespmem:s29+$0x5070];
	[tilespmem:s28+$0xD030] =	vst v7  }
.LBB2_4:
0x42: {  	p0 =	sne.s32 s30, $0x9C00;
	v7 =	vld [tilespmem:s29+$0x9070]  }
0x43: {  	v8 =	vld [tilespmem:s29+$0x5000];
	[tilespmem:s28+$0xD040] =	vst v6;
	v3 =	vmul.f32 v4, v3  }
0x44: {  	v4 =	vld [tilespmem:s29+$0x9000]  }
0x45: {  	v6 =	vld [tilespmem:s29+$0x5010];
	[tilespmem:s28+$0xD050] =	vst v3;
	v1 =	vmul.f32 v5, v1  }
0x46: {  	v3 =	vld [tilespmem:s29+$0x9010]  }
0x47: {  	v5 =	vld [tilespmem:s29+$0x5020];
	v2 =	vmul.f32 v7, v2;
	[tilespmem:s28+$0xD060] =	vst v1;
	s28 =	smov.u32 s29  }
0x48: {  	v1 =	vld [tilespmem:s28+$0x9020]  }
0x49: {  	v4 =	vmul.f32 v4, v8;
	v7 =	vld [tilespmem:s28+$0x5030];
	[tilespmem:s28+$0xD070] =	vst v2  }
0x4a: {  	v2 =	vld [tilespmem:s28+$0x9030]  }
0x4b: {  	[tilespmem:s28+$0xD000] =	vst v4;
	v3 =	vmul.f32 v3, v6;
	v6 =	vld [tilespmem:s28+$0x5040]  }
0x4c: {  	v8 =	vld [tilespmem:s28+$0x9040]  }
.Ltmp1:
0x4d: {  	[tilespmem:s28+$0xD010] =	vst v3;
	v1 =	vmul.f32 v1, v5;
	v3 =	vld [tilespmem:s28+$0x5050];
	(pc) =	sbr.rel @p0 .LBB2_4-.Ltmp1, $4  }
0x4e: {  	v4 =	vld [tilespmem:s28+$0x9050]  }
0x4f: {  	[tilespmem:s28+$0xD020] =	vst v1;
	v7 =	vmul.f32 v2, v7;
	v1 =	vld [tilespmem:s28+$0x5060]  }
0x50: {  	s29 =	sshra.s32 s30, $0x2;
	v5 =	vld [tilespmem:s28+$0x9060]  }
0x51: {  	s30 =	sadd.s32 $0x200, s30;
	v2 =	vld [tilespmem:s29+$0x5070];
	[tilespmem:s28+$0xD030] =	vst v7;
	v6 =	vmul.f32 v8, v6  }
0x52: {  	v7 =	vld [tilespmem:s29+$0x9070]  }
0x53: {  	v8 =	vld [tilespmem:s29+$0x5000];
	[tilespmem:s28+$0xD040] =	vst v6;
	v3 =	vmul.f32 v4, v3  }
0x54: {  	v57 =	vld [tilespmem:s29+$0x9000]  }
0x55: {  	v6 =	vld [tilespmem:s29+$0x5010];
	[tilespmem:s28+$0xD050] =	vst v3;
	v1 =	vmul.f32 v5, v1  }
0x56: {  	v3 =	vld [tilespmem:s29+$0x9010]  }
0x57: {  	v58 =	vld [tilespmem:s29+$0x5020];
	[tilespmem:s28+$0xD060] =	vst v1  }
0x58: {  	v1 =	vmul.f32 v7, v2;
	v2 =	vld [tilespmem:s29+$0x9020]  }
0x59: {  	v59 =	vld [tilespmem:s29+$0x5030]  }
0x5a: {  	v60 =	vld [tilespmem:s29+$0x5040]  }
0x5b: {  	v61 =	vld [tilespmem:s29+$0x9040]  }
0x5c: {  	v62 =	vld [tilespmem:s29+$0x9050]  }
0x5d: {  	[tilespmem:s29+$0xD070] =	vst v1;
	v1 =	vld [tilespmem:s29+$0x9030];
	v3 =	vmul.f32 v3, v6  }
0x5e: {  	v63 =	vld [tilespmem:s29+$0x9060];
	v2 =	vmul.f32 v2, v58  }
0x5f: {  	[tilespmem:s29+$0xD010] =	vst v3;
	v3 =	vld [tilespmem:s29+$0x5050]  }
0x60: {  	[tilespmem:s29+$0xD020] =	vst v2;
	v2 =	vld [tilespmem:s29+$0x5060]  }
0x61: {  	v4 =	vmul.f32 v57, v8  }
0x62: {  	v1 =	vmul.f32 v1, v59  }
0x63: {  	[tilespmem:s29+$0xD000] =	vst v4;
	v4 =	vmul.f32 v61, v60  }
0x64: {  	[tilespmem:s29+$0xD030] =	vst v1;
	v1 =	vmul.f32 v62, v3  }
0x65: {  	[tilespmem:s29+$0xD040] =	vst v4;
	v2 =	vmul.f32 v63, v2  }
0x66: {  	[tilespmem:s29+$0xD050] =	vst v1  }
0x67: {  	[tilespmem:s29+$0xD060] =	vst v2  }
0x68: {  	[spmem:s9] =	stream.linear.scatter [tilespmem:s15], [sflag:$0x3], $0x2780, $0x38;
	[tilespmem:$0x14680] =	vst v63  }
0x69: {  	_ =	swait.ge [sflag:s16], $0x2780  }
0x6a: {  	[sflag:s16] =	ssyncset.done $0x0  }
0x6b: {  	[sflag:s16] =	ssyncadd.s32 $0xFFFFD880  }
0x6c: {  	[tilespmem:s4], [sflag:$0x3] =	stream.linear.gather [hbm4b:s8+s4], $0x2800, $0x38;
	[tilespmem:$0x14680] =	vst v63  }
0x6d: {  	_ =	swait.ge [sflag:s16], $0x2800  }
0x6e: {  	[sflag:s16] =	ssyncset.done $0x0  }
0x6f: {  	[sflag:s16] =	ssyncadd.s32 $0xFFFFD800  }
0x70: {  	[tilespmem:s19], [sflag:$0x3] =	stream.linear.gather [hbm4b:s10+s4], $0x2800, $0x38;
	[tilespmem:$0x14680] =	vst v63  }
0x71: {  	_ =	swait.ge [sflag:s16], $0x2800  }
0x72: {  	[sflag:s16] =	ssyncset.done $0x0  }
0x73: {  	[sflag:s16] =	ssyncadd.s32 $0xFFFFD800  }
0x74: {  	[bflag:$0x0] =	sbarrier.arrive $0xFFFF  }
0x75: {  	[tilespmem:s13], [sflag:$0x1] =	stream.indirect.gather [spmem:s3], $0x10, s4, s20, $0xb8;
	[tilespmem:$0x14680] =	vst v63  }
0x76: {  	_ = 	snop  }
0x77: {  	[tilespmem:s14], [sflag:$0x2] =	stream.indirect.gather [spmem:s3], $0x10, s20, s20, $0xb8;
	[tilespmem:$0x14680] =	vst v63  }
0x78: {  	_ =	swait.ge [sflag:s17], $0x4000  }
0x79: {  	[sflag:s17] =	ssyncset.done $0x0  }
0x7a: {  	[sflag:s17] =	ssyncadd.s32 $0xFFFFC000  }
0x7b: {  	[spmem:s2] =	stream.indirect.scatter.add.f32 [tilespmem:s13], [sflag:$0x3], $0x10, s19, s20, $0xb8;
	[tilespmem:$0x14680] =	vst v63  }
0x7c: {  	_ =	swait.ge [sflag:s16], $0x4000  }
0x7d: {  	[sflag:s16] =	ssyncset.done $0x0  }
0x7e: {  	s30 =	simm.s32 $0x800;
	[sflag:s16] =	ssyncadd.s32 $0xFFFFC000  }
0x7f: {  	[tilespmem:s13], [sflag:$0x1] =	stream.indirect.gather [spmem:s3], $0x10, s30, s20, $0xb8;
	[tilespmem:$0x14680] =	vst v63  }
0x80: {  	_ =	swait.ge [sflag:s18], $0x4000  }
0x81: {  	[sflag:s18] =	ssyncset.done $0x0  }
0x82: {  	s29 =	simm.s32 $0x2C00;
	[sflag:s18] =	ssyncadd.s32 $0xFFFFC000  }
0x83: {  	[spmem:s2] =	stream.indirect.scatter.add.f32 [tilespmem:s14], [sflag:$0x3], $0x10, s29, s20, $0xb8;
	[tilespmem:$0x14680] =	vst v63  }
0x84: {  	_ =	swait.ge [sflag:s16], $0x4000  }
0x85: {  	[sflag:s16] =	ssyncset.done $0x0  }
0x86: {  	s30 =	simm.s32 $0xC00;
	[sflag:s16] =	ssyncadd.s32 $0xFFFFC000  }
0x87: {  	[tilespmem:s14], [sflag:$0x2] =	stream.indirect.gather [spmem:s3], $0x10, s30, s20, $0xb8;
	[tilespmem:$0x14680] =	vst v63  }
0x88: {  	_ =	swait.ge [sflag:s17], $0x4000  }
0x89: {  	[sflag:s17] =	ssyncset.done $0x0  }
0x8a: {  	s29 =	simm.s32 $0x3000;
	[sflag:s17] =	ssyncadd.s32 $0xFFFFC000  }
0x8b: {  	[spmem:s2] =	stream.indirect.scatter.add.f32 [tilespmem:s13], [sflag:$0x3], $0x10, s29, s20, $0xb8;
	[tilespmem:$0x14680] =	vst v63  }
0x8c: {  	_ =	swait.ge [sflag:s16], $0x4000  }
0x8d: {  	[sflag:s16] =	ssyncset.done $0x0  }
0x8e: {  	s30 =	simm.s32 $0x1000;
	[sflag:s16] =	ssyncadd.s32 $0xFFFFC000  }
0x8f: {  	[tilespmem:s13], [sflag:$0x1] =	stream.indirect.gather [spmem:s3], $0x10, s30, s20, $0xb8;
	[tilespmem:$0x14680] =	vst v63  }
0x90: {  	_ =	swait.ge [sflag:s18], $0x4000  }
0x91: {  	[sflag:s18] =	ssyncset.done $0x0  }
0x92: {  	s29 =	simm.s32 $0x3400;
	[sflag:s18] =	ssyncadd.s32 $0xFFFFC000  }
0x93: {  	[spmem:s2] =	stream.indirect.scatter.add.f32 [tilespmem:s14], [sflag:$0x3], $0x10, s29, s20, $0xb8;
	[tilespmem:$0x14680] =	vst v63  }
0x94: {  	_ =	swait.ge [sflag:s16], $0x4000  }
0x95: {  	[sflag:s16] =	ssyncset.done $0x0  }
0x96: {  	s30 =	simm.s32 $0x1400;
	[sflag:s16] =	ssyncadd.s32 $0xFFFFC000  }
0x97: {  	[tilespmem:s14], [sflag:$0x2] =	stream.indirect.gather [spmem:s3], $0x10, s30, s20, $0xb8;
	[tilespmem:$0x14680] =	vst v63  }
0x98: {  	_ =	swait.ge [sflag:s17], $0x4000  }
0x99: {  	[sflag:s17] =	ssyncset.done $0x0  }
0x9a: {  	s29 =	simm.s32 $0x3800;
	[sflag:s17] =	ssyncadd.s32 $0xFFFFC000  }
0x9b: {  	[spmem:s2] =	stream.indirect.scatter.add.f32 [tilespmem:s13], [sflag:$0x3], $0x10, s29, s20, $0xb8;
	[tilespmem:$0x14680] =	vst v63  }
0x9c: {  	_ =	swait.ge [sflag:s16], $0x4000  }
0x9d: {  	[sflag:s16] =	ssyncset.done $0x0  }
0x9e: {  	s30 =	simm.s32 $0x1800;
	[sflag:s16] =	ssyncadd.s32 $0xFFFFC000  }
0x9f: {  	[tilespmem:s13], [sflag:$0x1] =	stream.indirect.gather [spmem:s3], $0x10, s30, s20, $0xb8;
	[tilespmem:$0x14680] =	vst v63  }
0xa0: {  	_ =	swait.ge [sflag:s18], $0x4000  }
0xa1: {  	[sflag:s18] =	ssyncset.done $0x0  }
0xa2: {  	[sflag:s18] =	ssyncadd.s32 $0xFFFFC000  }
0xa3: {  	[spmem:s2] =	stream.indirect.scatter.add.f32 [tilespmem:s14], [sflag:$0x3], $0x10, s31, s20, $0xb8;
	[tilespmem:$0x14680] =	vst v63  }
0xa4: {  	_ =	swait.ge [sflag:s16], $0x4000  }
0xa5: {  	[sflag:s16] =	ssyncset.done $0x0  }
0xa6: {  	[sflag:s16] =	ssyncadd.s32 $0xFFFFC000  }
0xa7: {  	[tilespmem:s14], [sflag:$0x2] =	stream.indirect.gather [spmem:s3], $0x10, s0, s20, $0xb8;
	[tilespmem:$0x14680] =	vst v63  }
0xa8: {  	_ =	swait.ge [sflag:s17], $0x4000  }
0xa9: {  	[sflag:s17] =	ssyncset.done $0x0  }
0xaa: {  	[sflag:s17] =	ssyncadd.s32 $0xFFFFC000  }
0xab: {  	[spmem:s2] =	stream.indirect.scatter.add.f32 [tilespmem:s13], [sflag:$0x3], $0x10, s1, s20, $0xb8;
	[tilespmem:$0x14680] =	vst v63  }
0xac: {  	_ =	swait.ge [sflag:s16], $0x4000  }
0xad: {  	[sflag:s16] =	ssyncset.done $0x0  }
0xae: {  	[sflag:s16] =	ssyncadd.s32 $0xFFFFC000  }
0xaf: {  	[tilespmem:s13], [sflag:$0x1] =	stream.indirect.gather [spmem:s3], $0x10, s21, s20, $0xb8;
	[tilespmem:$0x14680] =	vst v63  }
0xb0: {  	_ =	swait.ge [sflag:s18], $0x4000  }
0xb1: {  	[sflag:s18] =	ssyncset.done $0x0  }
0xb2: {  	[sflag:s18] =	ssyncadd.s32 $0xFFFFC000  }
0xb3: {  	[spmem:s2] =	stream.indirect.scatter.add.f32 [tilespmem:s14], [sflag:$0x3], $0x10, s22, s20, $0xb8;
	[tilespmem:$0x14680] =	vst v63  }
0xb4: {  	_ =	swait.ge [sflag:s16], $0x4000  }
0xb5: {  	[sflag:s16] =	ssyncset.done $0x0  }
0xb6: {  	[sflag:s16] =	ssyncadd.s32 $0xFFFFC000  }
0xb7: {  	[tilespmem:s14], [sflag:$0x2] =	stream.indirect.gather [spmem:s3], $0x10, s23, s20, $0xb8;
	[tilespmem:$0x14680] =	vst v63  }
0xb8: {  	_ =	swait.ge [sflag:s17], $0x4000  }
0xb9: {  	[sflag:s17] =	ssyncset.done $0x0  }
0xba: {  	[sflag:s17] =	ssyncadd.s32 $0xFFFFC000  }
0xbb: {  	[spmem:s2] =	stream.indirect.scatter.add.f32 [tilespmem:s13], [sflag:$0x3], $0x10, s24, s20, $0xb8;
	[tilespmem:$0x14680] =	vst v63  }
0xbc: {  	_ =	swait.ge [sflag:s16], $0x4000  }
0xbd: {  	[sflag:s16] =	ssyncset.done $0x0  }
0xbe: {  	[sflag:s16] =	ssyncadd.s32 $0xFFFFC000  }
0xbf: {  	_ =	swait.ge [sflag:s18], $0x4000  }
0xc0: {  	[sflag:s18] =	ssyncset.done $0x0  }
0xc1: {  	[sflag:s18] =	ssyncadd.s32 $0xFFFFC000  }
0xc2: {  	[spmem:s2] =	stream.indirect.scatter.add.f32 [tilespmem:s14], [sflag:$0x3], $0x10, s25, s20, $0xb8;
	[tilespmem:$0x14680] =	vst v63  }
0xc3: {  	_ =	swait.ge [sflag:s16], $0x4000  }
0xc4: {  	[sflag:s16] =	ssyncset.done $0x0  }
0xc5: {  	[sflag:s16] =	ssyncadd.s32 $0xFFFFC000  }
0xc6: {  	[bflag:$0x0] =	sbarrier.arrive $0xFFFF  }
0xc7: {  	[tilespmem:s15], [sflag:$0x3] =	stream.linear.gather [spmem:s7], $0x2780, $0x38;
	[tilespmem:$0x14680] =	vst v63  }
0xc8: {  	s26 =	sadd.s32 $0x1, s26;
	_ =	swait.ge [sflag:s16], $0x2780  }
0xc9: {  	p0 =	sne.s32 s26, s12;
	[sflag:s16] =	ssyncset.done $0x0  }
.Ltmp2:
0xca: {  	[sflag:s16] =	ssyncadd.s32 $0xFFFFD880;
	(pc) =	sbr.rel @p0 .LBB2_1-.Ltmp2, $4  }
0xcb: {  	[hbm4b:s11+s4] =	stream.linear.scatter [tilespmem:s15], [sflag:$0x3], $0x2780, $0x38;
	[tilespmem:$0x14680] =	vst v63  }
0xcc: {  	_ =	swait.ge [sflag:s16], $0x2780  }
0xcd: {  	[sflag:s16] =	ssyncset.done $0x0  }
0xce: {  	[sflag:s16] =	ssyncadd.s32 $0xFFFFD880  }
0xcf: {  	_ =	sfence.sel $0x180000  }
0xd0: {  	[bflag:$0x0] =	sbarrier.arrive $0xFFFF  }
0xd1: {  	_ =	strace $0x9000004A  }
0xd2: {  	s0 =	stileid.u32;
	[bflag:$0x2] =	sbarrier.arrive $0xFFFF  }
0xd3: {  	p0 =	sne.s32 s0, $0x0;
	s0 =	rddreg [dreg:$0x4]  }
0xd4: {  	s0 =	sadd.s32 @!p0 $0x100000, s0  }
0xd5: {  	[sflag:s0] =	ssyncadd.tile.s32 @!p0 $0x1;
	_ =	shalt  }
.Lfunc_end2:
_tile_overlayer_lowered:
.L_overlay_start_2:
0xd6: {  	(tag) =	ssettag $0x2  }
0xd7: {  	s0 =	rddreg [dreg:$0x0];
	s2 =	stileid.u32  }
0xd8: {  	s1 =	rddreg [dreg:$0x1];
	p0 =	sne.s32 s2, $0x0  }
0xd9: {  	s3 =	rddreg [dreg:$0x2];
	[bflag:$0x3] =	sbarrier.arrive $0xFFFF;
	s2 =	simm.s32 @!p0 $0x1C03  }
0xda: {  	[timem:s3], [sflag:s2] =	dma.local @!p0 [hbm:s0], s1  }
0xdb: {  	s0 =	simm.s32 @!p0 $0x3  }
0xdc: {  	_ =	swait.ge @!p0 [sflag:s0], s1  }
0xdd: {  	s1 =	ssub.s32 @!p0 $0x0, s1;
	[sflag:s0] =	ssyncset.done @!p0 $0x0  }
0xde: {  	[sflag:s0] =	ssyncadd.s32 @!p0 s1  }
0xdf: {  	[bflag:$0x3] =	sbarrier.arrive $0xFFFF  }
0xe0: {  	_ =	shalt  }

// kernel: kernel.14.cloned.1.call-start
scs
__scs_entry_jumppad:
0x0: {  	(pc) =	sbr.rel $0x88, $3  }
0x1: {  	(tag) =	ssettag $0x0;
	lr =	simm.s32 $0x1  }
0x2: {  	[smem:$0x3F9B] =	sst lr;
	_ =	strace $0xD0000000  }
0x3: {  	_ = 	snop  }
0x4: {  	_ = 	snop  }
0x5: {  	_ = 	snop  }
0x6: {  	_ = 	snop  }
0x7: {  	_ = 	snop  }
__scs_overlays_trampoline_lowered:
0x8: {  	[smem:$0x3FAA] =	sst s0  }
0x9: {  	[smem:$0x3FAB] =	sst s1  }
0xa: {  	[smem:$0x3FAC] =	sst s2  }
0xb: {  	[smem:$0x3FAD] =	sst s3  }
0xc: {  	[smem:$0x3FAE] =	sst s4  }
0xd: {  	[smem:$0x3FAF] =	sst s5  }
0xe: {  	[smem:$0x3FB0] =	sst s6  }
0xf: {  	[smem:$0x3FB1] =	sst s7  }
0x10: {  	[smem:$0x3FB2] =	sst s8  }
0x11: {  	[smem:$0x3FB3] =	sst s9;
	s0 =	simm.s32 @!p0 $0x0  }
0x12: {  	s1 =	sld [smem:$0x3F99];
	s0 =	simm.s32 @p0 $0x1  }
0x13: {  	[smem:$0x3FB4] =	sst s0;
	s0 =	simm.s32 @!p1 $0x0  }
0x14: {  	s2 =	sld [smem:$0x3F98];
	s0 =	simm.s32 @p1 $0x1  }
0x15: {  	[smem:$0x3FB5] =	sst s0;
	s0 =	simm.s32 @!p2 $0x0  }
0x16: {  	s3 =	sld [smem:$0x3FDB];
	s0 =	simm.s32 @p2 $0x1  }
0x17: {  	s4 =	simm.s32 $0x1BF5;
	[smem:$0x3FB7] =	sst s0  }
0x18: {  	s0 =	sld [smem:$0x3F9A];
	_ =	swait.ge [sflag:s4], $0x0  }
0x19: {  	s7 =	sld [smem:$0x3F9B]  }
0x1a: {  	s8 =	sadd.s32 $0xFFFFE003, lr  }
0x1b: {  	s9 =	sadd.s32 $0xFFFFFEF7, lr;
	s5 =	simm.s32 $0xFFFFFFFF;
	p2 =	slt.u32 s8, $0xFFFFF086  }
0x1c: {  	p1 =	slt.u32 s9, $0xF7A;
	s5 =	simm.s32 @!p2 $0x0  }
0x1d: {  	s5 =	simm.s32 @p1 $0x1;
	p0 =	seq.s32 s7, s2  }
0x1e: {  	s7 =	smul.u32 @!p0 $0xF7A, s2;
	p2 =	seq.s32 @!p0 s5, $0x0  }
0x1f: {  	s9 =	smul.u32 $0xF7A, s1;
	s8 =	simm.s32 @!p0 $0x1BF5;
	p2 =	por !p2, p0  }
0x20: {  	[sflag:s8] =	ssyncset.s32 @!p0 $0xFFFFF086;
	s6 =	sadd.s32 @!p0 s3, s7;
	s7 =	simm.s32 @!p0 $0x108  }
0x21: {  	s3 =	sadd.s32 s3, s9;
	s6 =	sadd.s32 @!p0 $0x88, s6;
	s7 =	simm.s32 @p2 $0x1082  }
0x22: {  	[simem:s7], [sflag:s8] =	dma.local @!p0 [hbm:s6], $0xF7A  }
0x23: {  	s9 =	sor.u32 $0xD0000000, s2;
	s6 =	simm.s32 $0x108;
	_ =	swait.ge @!p0 [sflag:s8], $0x0  }
0x24: {  	s3 =	sadd.s32 $0x88, s3;
	s6 =	simm.s32 @!p1 $0x1082;
	[sflag:s4] =	ssyncset.s32 $0xFFFFF086  }
0x25: {  	[simem:s6], [sflag:s4] =	dma.local [hbm:s3], $0xF7A  }
0x26: {  	[smem:$0x3F9B] =	sst s1;
	(tag) =	ssettag s2;
	_ =	strace s9  }
0x27: {  	s1 =	sld [smem:$0x3FAB]  }
0x28: {  	s2 =	sld [smem:$0x3FAC]  }
0x29: {  	s4 =	sld [smem:$0x3FAE]  }
0x2a: {  	p0 =	seq.s32 s5, $0x0;
	s5 =	sld [smem:$0x3FAF]  }
0x2b: {  	s6 =	sld [smem:$0x3FB0]  }
0x2c: {  	s7 =	sld [smem:$0x3FB1]  }
0x2d: {  	s3 =	simm.s32 $0x108;
	s8 =	sld [smem:$0x3FB2]  }
0x2e: {  	s3 =	simm.s32 @!p0 $0x1082;
	s9 =	sld [smem:$0x3FB3]  }
0x2f: {  	lr =	sadd.s32 s0, s3;
	s0 =	sld [smem:$0x3FAA]  }
0x30: {  	s3 =	sld [smem:$0x3FAD]  }
0x31: {  	[smem:$0x3FB6] =	sst s10  }
0x32: {  	s10 =	sld [smem:$0x3FB4];
	_ =	sdelay $0x3  }
0x33: {  	p0 =	seq.s32 s10, $0x1;
	s10 =	sld [smem:$0x3FB6];
	_ =	sdelay $0x3  }
0x34: {  	[smem:$0x3FB6] =	sst s10  }
0x35: {  	s10 =	sld [smem:$0x3FB5];
	_ =	sdelay $0x3  }
0x36: {  	p1 =	seq.s32 s10, $0x1;
	s10 =	sld [smem:$0x3FB6];
	_ =	sdelay $0x3  }
0x37: {  	[smem:$0x3FB6] =	sst s10  }
0x38: {  	s10 =	sld [smem:$0x3FB7]  }
0x39: {  	_ = 	snop;
	(pc) =	sbr.ind lr, $3  }
0x3a: {  	_ = 	snop  }
0x3b: {  	_ = 	snop  }
0x3c: {  	p2 =	seq.s32 s10, $0x1;
	s10 =	sld [smem:$0x3FB6]  }
0x3d: {  	_ =	shalt  }
0x3e: {  	_ =	shalt  }
0x3f: {  	_ =	shalt  }
0x40: {  	_ =	shalt  }
0x41: {  	_ =	shalt  }
0x42: {  	_ =	shalt  }
0x43: {  	_ =	shalt  }
0x44: {  	_ =	shalt  }
0x45: {  	_ =	shalt  }
0x46: {  	_ =	shalt  }
0x47: {  	_ =	shalt  }
0x48: {  	_ =	shalt  }
0x49: {  	_ =	shalt  }
0x4a: {  	_ =	shalt  }
0x4b: {  	_ =	shalt  }
0x4c: {  	_ =	shalt  }
0x4d: {  	_ =	shalt  }
0x4e: {  	_ =	shalt  }
0x4f: {  	_ =	shalt  }
0x50: {  	_ =	shalt  }
0x51: {  	_ =	shalt  }
0x52: {  	_ =	shalt  }
0x53: {  	_ =	shalt  }
0x54: {  	_ =	shalt  }
0x55: {  	_ =	shalt  }
0x56: {  	_ =	shalt  }
0x57: {  	_ =	shalt  }
0x58: {  	_ =	shalt  }
0x59: {  	_ =	shalt  }
0x5a: {  	_ =	shalt  }
0x5b: {  	_ =	shalt  }
0x5c: {  	_ =	shalt  }
0x5d: {  	_ =	shalt  }
0x5e: {  	_ =	shalt  }
0x5f: {  	_ =	shalt  }
0x60: {  	_ =	shalt  }
0x61: {  	_ =	shalt  }
0x62: {  	_ =	shalt  }
0x63: {  	_ =	shalt  }
0x64: {  	_ =	shalt  }
0x65: {  	_ =	shalt  }
0x66: {  	_ =	shalt  }
0x67: {  	_ =	shalt  }
0x68: {  	_ =	shalt  }
0x69: {  	_ =	shalt  }
0x6a: {  	_ =	shalt  }
0x6b: {  	_ =	shalt  }
0x6c: {  	_ =	shalt  }
0x6d: {  	_ =	shalt  }
0x6e: {  	_ =	shalt  }
0x6f: {  	_ =	shalt  }
0x70: {  	_ =	shalt  }
0x71: {  	_ =	shalt  }
0x72: {  	_ =	shalt  }
0x73: {  	_ =	shalt  }
0x74: {  	_ =	shalt  }
0x75: {  	_ =	shalt  }
0x76: {  	_ =	shalt  }
0x77: {  	_ =	shalt  }
0x78: {  	_ =	shalt  }
0x79: {  	_ =	shalt  }
0x7a: {  	_ =	shalt  }
0x7b: {  	_ =	shalt  }
0x7c: {  	_ =	shalt  }
0x7d: {  	_ =	shalt  }
0x7e: {  	_ =	shalt  }
0x7f: {  	_ =	shalt  }
0x80: {  	_ =	shalt  }
0x81: {  	_ =	shalt  }
0x82: {  	_ =	shalt  }
0x83: {  	_ =	shalt  }
0x84: {  	_ =	shalt  }
0x85: {  	_ =	shalt  }
0x86: {  	_ =	shalt  }
0x87: {  	_ =	shalt  }
.Lfunc_end0:
.L_simem_size_0:
called_computation.2_lowered:
.L_overlay_start_0:
0x88: {  	s2 =	sld [smem:$0x3FD9]  }
0x89: {  	s3 =	sld [smem:$0x3FFE];
	_ =	sdelay $0x1  }
0x8a: {  	s1 =	srdreg.scid  }
0x8b: {  	s0 =	sand.u32 $0x1, s1  }
0x8c: {  	s17 =	sshll.u32 s0, $0xA;
	s2 =	sadd.s32 s3, s2  }
0x8d: {  	s2 =	sadd.s32 s2, s17  }
0x8e: {  	[smem:$0x3FC2] =	sst s2  }
0x8f: {  	_ = 	snop  }
0x90: {  	s2 =	sld [smem:$0x3FD0];
	(tm) =	ssettm $0x1  }
0x91: {  	s18 =	sld [smem:$0x3FFB];
	_ =	sdelay $0x3  }
0x92: {  	_ =	strace s18  }
0x93: {  	s3 =	sld [smem:$0x3FFC];
	_ =	sdelay $0x3  }
0x94: {  	_ =	strace s3  }
0x95: {  	s3 =	sld [smem:$0x3FFD];
	_ =	sdelay $0x3  }
0x96: {  	_ =	strace s3  }
0x97: {  	_ =	strace $0x8FFFFFFF  }
0x98: {  	s19 =	sld [smem:$0x3FDB];
	_ =	sdelay $0x1  }
0x99: {  	s4 =	simm.s32 $_scs_section_size  }
0x9a: {  	s5 =	simm.s32 $_size__tile_overlayer_lowered;
	s6 =	simm.s32 $_tile_overlayer_lowered  }
0x9b: {  	s22 =	simm.s32 $0x1BFF;
	s21 =	sshll.u32 s6, $0x1;
	s3 =	sadd.s32 s4, s19  }
0x9c: {  	s7 =	simm.s32 $0x0;
	s20 =	sshll.u32 s5, $0x1;
	s5 =	sadd.s32 s21, s3  }
0x9d: {  	[timem:s7], [sflag:s22] =	dma.local [hbm:s5], s20  }
0x9e: {  	_ =	swait.ge [sflag:s22], s20  }
0x9f: {  	s4 =	ssub.s32 $0x0, s20;
	[sflag:s22] =	ssyncset.done $0x0  }
0xa0: {  	[sflag:s22] =	ssyncadd.s32 s4;
	_ =	sdelay $0x1  }
0xa1: {  	s23 =	simm.s32 $0x1B8B  }
0xa2: {  	_ =	swait.ge [sflag:s23], $0x1  }
0xa3: {  	[sflag:s23] =	ssyncset.done $0x0  }
0xa4: {  	s25 =	simm.s32 $0x1B8E;
	s24 =	sld [smem:$0x3FFE];
	[sflag:s23] =	ssyncadd.s32 $0xFFFFFFFF  }
0xa5: {  	s26 =	simm.s32 $execute0_lowered;
	[smem:$0x3FD2] =	sst s25  }
0xa6: {  	s5 =	sshll.u32 s26, $0x1;
	_ =	strace $0x8000004C;
	[dreg:$0x1] =	wrdreg $0xFFFFFFFF  }
0xa7: {  	s28 =	simm.s32 $_size_execute0_lowered;
	s3 =	sadd.s32 s3, s5;
	[dreg:$0x0] =	wrdreg $0x0  }
0xa8: {  	s5 =	sshll.u32 s28, $0x1;
	[dreg:$0x2] =	wrdreg s3  }
0xa9: {  	[dreg:$0x3] =	wrdreg s5  }
0xaa: {  	[dreg:$0x4] =	wrdreg $0xC0  }
0xab: {  	_ =	task [dreg:s7], $0x5FFFF  }
0xac: {  	[dreg:$0x1] =	wrdreg $0xFFFFFFFF  }
0xad: {  	[dreg:$0x0] =	wrdreg $0x60  }
0xae: {  	[dreg:$0x2] =	wrdreg s24  }
0xaf: {  	[dreg:$0x3] =	wrdreg s2  }
0xb0: {  	[dreg:$0x4] =	wrdreg $0x146800  }
0xb1: {  	[dreg:$0x5] =	wrdreg $0x16E000  }
0xb2: {  	[dreg:$0x6] =	wrdreg $0x9  }
0xb3: {  	_ =	task.clear_ibuf [dreg:s7], $0x7FFFF;
	_ =	strace $0x9000004C  }
0xb4: {  	s29 =	simm.s32 $0x9;
	_ =	strace $0x8000004E  }
0xb5: {  	_ =	swait.ge [sflag:s29], $0x1  }
0xb6: {  	[sflag:s29] =	ssyncadd.s32 $0xFFFFFFFF  }
0xb7: {  	_ =	strace $0x9000004E  }
0xb8: {  	_ =	sfence  }
0xb9: {  	s30 =	sld [smem:$0x0];
	_ =	sdelay $0x2  }
0xba: {  	s31 =	sshll.u32 s1, $0xD;
	s1 =	sshrl.u32 s1, $0x2  }
0xbb: {  	s3 =	sand.u32 $0x4000, s31;
	s1 =	sadd.s32 s1, s30  }
0xbc: {  	s0 =	sor.u32 s3, s0;
	s1 =	sshll.u32 s1, $0x11  }
0xbd: {  	s0 =	sor.u32 s1, s0  }
0xbe: {  	s0 =	sadd.s32 $0x8F2B, s0  }
0xbf: {  	[sflag:s0] =	ssyncadd.remote.s32 $0x1  }
0xc0: {  	_ =	sfence.sel $0xFFFF  }
0xc1: {  	[dreg:$0x0] =	wrdreg $0xFFFFFFFF;
	(pc) =	sbr.abs _section_cstart, $3  }
0xc2: {  	[dreg:$0x1] =	wrdreg $0xFFFFFFFF  }
0xc3: {  	_ =	task.clear_ibuf [dreg:s7], $0x2FFFF;
	_ =	strace $0x9FFFFFFF  }
0xc4: {  	(tm) =	ssettm $0x7FFFFFFF  }
0xc5: {  	_ =	shalt  }
tec
execute0_lowered:
.L_overlay_start_1:
0x0: {  	(tag) =	ssettag $0x1  }
0x1: {  	s0 =	rddreg [dreg:$0x0]  }
0x2: {  	s2 =	rddreg [dreg:$0x1]  }
0x3: {  	s1 =	rddreg [dreg:$0x2]  }
0x4: {  	s3 =	rddreg [dreg:$0x3]  }
0x5: {  	s4 =	simm.s32 $0x0;
	s10 =	stileid.u32;
	s5 =	srdreg.scid  }
0x6: {  	s16 =	simm.s32 $0x5000;
	s17 =	simm.s32 $0x9000;
	s18 =	simm.s32 $0x11F00  }
0x7: {  	s19 =	simm.s32 $0x3;
	s20 =	simm.s32 $0x1;
	s21 =	simm.s32 $0x2  }
0x8: {  	s24 =	simm.s32 $0x2800;
	s25 =	simm.s32 $0x400;
	s30 =	simm.s32 $0x2000  }
0x9: {  	s31 =	simm.s32 $0x4400;
	s22 =	simm.s32 $0x4C00;
	s12 =	smul.u32 $0x2780, s10  }
0xa: {  	[smem:$0x7FF] =	sst s4;
	s5 =	sand.u32 $0x1, s5;
	s6 =	smul.u32 $0x4F0, s10  }
0xb: {  	s23 =	simm.s32 $0x0;
	_ =	strace $0x8000004D;
	s8 =	smul.u32 $0x4F00, s5  }
0xc: {  	s9 =	sshll.u32 s5, $0x4;
	s5 =	ssub.s32 $0x2, s5;
	s7 =	sshrl.u32 s12, $0x3  }
0xd: {  	s26 =	sor.u32 s10, s9;
	s28 =	sshrl.u32 s5, $0x1;
	s11 =	sadd.s32 s7, s0  }
0xe: {  	s6 =	sadd.s32 s6, s8;
	s9 =	smul.u32 $0x2800, s26;
	s15 =	ssub.s32 s5, s28  }
0xf: {  	s7 =	sadd.s32 s12, s1;
	s12 =	sadd.s32 s12, s3;
	s0 =	sadd.s32 s6, s0  }
0x10: {  	s5 =	sadd.s32 $0xCE00, s11;
	s6 =	sadd.s32 $0x11D00, s11;
	s8 =	sadd.s32 $0x2E00, s11  }
0x11: {  	s15 =	smax.u32 s15, $0x1;
	s29 =	sshrl.u32 s9, $0x3;
	s9 =	sadd.s32 $0x7E00, s11  }
0x12: {  	s11 =	sadd.s32 $0x16C00, s11;
	s14 =	sadd.s32 $0x1BC00, s0;
	s10 =	sadd.s32 s2, s29  }
0x13: {  	v0 =	vimm.f32 $0.0e+00;
	s0 =	simm.s32 $0x2400;
	s2 =	simm.s32 $0x4800;
	s13 =	sadd.s32 $0xA000, s10  }
.LBB2_1:
0x14: {  	[tilespmem:s16], [sflag:$0x1] =	stream.linear.gather [hbm4b:s5+s4], $0x2780, $0x38;
	[tilespmem:$0x19580] =	vst v63  }
0x15: {  	s26 =	simm.s32 $0x0;
	s28 =	simm.s32 $0x200  }
0x16: {  	[tilespmem:s17], [sflag:$0x2] =	stream.linear.gather [hbm4b:s6+s4], $0x2780, $0x38;
	[tilespmem:$0x19580] =	vst v63  }
.LBB2_2:
0x17: {  	p0 =	sne.s32 s28, $0x9C00;
	[tilespmem:s26+$0x11F70] =	vst v0  }
0x18: {  	[tilespmem:s26+$0x11F00] =	vst v0  }
0x19: {  	[tilespmem:s26+$0x11F10] =	vst v0  }
.Ltmp0:
0x1a: {  	[tilespmem:s26+$0x11F20] =	vst v0;
	(pc) =	sbr.rel @p0 .LBB2_2-.Ltmp0, $4  }
0x1b: {  	[tilespmem:s26+$0x11F30] =	vst v0  }
0x1c: {  	[tilespmem:s26+$0x11F40] =	vst v0  }
0x1d: {  	[tilespmem:s26+$0x11F50] =	vst v0  }
0x1e: {  	[tilespmem:s26+$0x11F60] =	vst v0;
	s26 =	sshra.s32 s28, $0x2;
	s28 =	sadd.s32 $0x200, s28  }
0x1f: {  	[tilespmem:s26+$0x11F70] =	vst v0  }
0x20: {  	[tilespmem:s26+$0x11F00] =	vst v0  }
0x21: {  	[tilespmem:s26+$0x11F10] =	vst v0  }
0x22: {  	[tilespmem:s26+$0x11F20] =	vst v0  }
0x23: {  	[tilespmem:s26+$0x11F30] =	vst v0  }
0x24: {  	[tilespmem:s26+$0x11F40] =	vst v0  }
0x25: {  	[tilespmem:s26+$0x11F50] =	vst v0  }
0x26: {  	[tilespmem:s26+$0x11F60] =	vst v0  }
0x27: {  	[spmem:s7] =	stream.linear.scatter [tilespmem:s18], [sflag:$0x3], $0x2780, $0x38;
	[tilespmem:$0x19580] =	vst v63  }
0x28: {  	_ =	swait.ge [sflag:s19], $0x2780  }
0x29: {  	[sflag:s19] =	ssyncset.done $0x0  }
0x2a: {  	[sflag:s19] =	ssyncadd.s32 $0xFFFFD880  }
0x2b: {  	_ =	swait.ge [sflag:s20], $0x2780  }
0x2c: {  	[sflag:s20] =	ssyncset.done $0x0  }
0x2d: {  	[sflag:s20] =	ssyncadd.s32 $0xFFFFD880  }
0x2e: {  	_ =	swait.ge [sflag:s21], $0x2780  }
0x2f: {  	[sflag:s21] =	ssyncset.done $0x0  }
0x30: {  	s26 =	simm.s32 $0x0;
	s28 =	simm.s32 $0xD000;
	[sflag:s21] =	ssyncadd.s32 $0xFFFFD880  }
0x31: {  	[tilespmem:s28], [sflag:$0x3] =	stream.linear.gather [hbm4b:s8+s26], $0x2780, $0x38;
	[tilespmem:$0x19580] =	vst v63  }
0x32: {  	_ =	swait.ge [sflag:s19], $0x2780  }
0x33: {  	[sflag:s19] =	ssyncset.done $0x0  }
0x34: {  	s28 =	simm.s32 $0xF780;
	[sflag:s19] =	ssyncadd.s32 $0xFFFFD880  }
0x35: {  	[tilespmem:s28], [sflag:$0x3] =	stream.linear.gather [hbm4b:s9+s26], $0x2780, $0x38;
	[tilespmem:$0x19580] =	vst v63  }
0x36: {  	_ =	swait.ge [sflag:s19], $0x2780  }
0x37: {  	[sflag:s19] =	ssyncset.done $0x0  }
0x38: {  	s26 =	simm.s32 $0x0;
	[sflag:s19] =	ssyncadd.s32 $0xFFFFD880  }
0x39: {  	v1 =	vld [tilespmem:s26+$0x5070]  }
0x3a: {  	v2 =	vld [tilespmem:s26+$0x9070]  }
0x3b: {  	v3 =	vld [tilespmem:s26+$0xD070]  }
0x3c: {  	v4 =	vld [tilespmem:s26+$0xF7F0]  }
0x3d: {  	v5 =	vld [tilespmem:s26+$0x5000]  }
0x3e: {  	v6 =	vld [tilespmem:s26+$0x9000]  }
0x3f: {  	v7 =	vld [tilespmem:s26+$0xD000]  }
0x40: {  	v8 =	vld [tilespmem:s26+$0xF780]  }
0x41: {  	v9 =	vld [tilespmem:s26+$0x5010]  }
0x42: {  	v1 =	vadd.f32 v2, v1;
	v2 =	vmul.f32 v4, v3;
	v3 =	vld [tilespmem:s26+$0x9010]  }
0x43: {  	v4 =	vld [tilespmem:s26+$0xD010]  }
0x44: {  	v1 =	vadd.f32 v2, v1;
	v2 =	vld [tilespmem:s26+$0xF790]  }
0x45: {  	v10 =	vld [tilespmem:s26+$0x5020];
	v5 =	vadd.f32 v6, v5;
	v6 =	vmul.f32 v8, v7  }
0x46: {  	v7 =	vld [tilespmem:s26+$0xF7A0]  }
0x47: {  	v5 =	vadd.f32 v6, v5;
	v6 =	vld [tilespmem:s26+$0xD020]  }
0x48: {  	[tilespmem:s26+$0x11F70] =	vst v1;
	v1 =	vld [tilespmem:s26+$0x9020]  }
0x49: {  	v8 =	vld [tilespmem:s26+$0xF7B0];
	v3 =	vadd.f32 v3, v9;
	v2 =	vmul.f32 v2, v4  }
0x4a: {  	[tilespmem:s26+$0x11F00] =	vst v5;
	v5 =	vld [tilespmem:s26+$0x9030]  }
0x4b: {  	v4 =	vld [tilespmem:s26+$0x5030];
	v2 =	vadd.f32 v2, v3  }
0x4c: {  	v3 =	vld [tilespmem:s26+$0xD030]  }
0x4d: {  	v62 =	vld [tilespmem:s26+$0xF7C0];
	v1 =	vadd.f32 v1, v10;
	[tilespmem:s26+$0x11F10] =	vst v2;
	v2 =	vmul.f32 v7, v6  }
0x4e: {  	v6 =	vld [tilespmem:s26+$0x5040]  }
0x4f: {  	v7 =	vld [tilespmem:s26+$0x9040];
	v1 =	vadd.f32 v2, v1  }
0x50: {  	v2 =	vld [tilespmem:s26+$0xD040]  }
0x51: {  	v63 =	vld [tilespmem:s26+$0xF7D0];
	v3 =	vmul.f32 v8, v3;
	[tilespmem:s26+$0x11F20] =	vst v1;
	v1 =	vadd.f32 v5, v4  }
0x52: {  	v8 =	vld [tilespmem:s26+$0x9050]  }
0x53: {  	v4 =	vld [tilespmem:s26+$0x5050];
	v1 =	vadd.f32 v3, v1  }
0x54: {  	v3 =	vld [tilespmem:s26+$0xD050]  }
0x55: {  	v11 =	vld [tilespmem:s26+$0x5060];
	v5 =	vmul.f32 v62, v2;
	[tilespmem:s26+$0x11F30] =	vst v1;
	v1 =	vadd.f32 v7, v6  }
0x56: {  	v6 =	vld [tilespmem:s26+$0x9060]  }
0x57: {  	v2 =	vld [tilespmem:s26+$0xD060];
	v7 =	vadd.f32 v5, v1  }
0x58: {  	s28 =	simm.s32 $0x80;
	v5 =	vld [tilespmem:s26+$0xF7E0]  }
0x59: {  	v8 =	vadd.f32 v8, v4;
	v1 =	vld [tilespmem:s28+$0x5070];
	[tilespmem:s26+$0x11F40] =	vst v7;
	v7 =	vmul.f32 v63, v3  }
0x5a: {  	v3 =	vld [tilespmem:s28+$0x9070]  }
0x5b: {  	s29 =	simm.s32 $0x400;
	v4 =	vld [tilespmem:s28+$0xD070];
	v6 =	vadd.f32 v6, v11;
	v7 =	vadd.f32 v7, v8  }
.LBB2_4:
0x5c: {  	p0 =	sne.s32 s29, $0x9C00;
	v8 =	vld [tilespmem:s28+$0xF7F0]  }
0x5d: {  	v9 =	vld [tilespmem:s28+$0x5000];
	[tilespmem:s26+$0x11F50] =	vst v7;
	v2 =	vmul.f32 v5, v2  }
0x5e: {  	v5 =	vld [tilespmem:s28+$0x9000]  }
0x5f: {  	v7 =	vld [tilespmem:s28+$0xD000];
	v2 =	vadd.f32 v2, v6  }
0x60: {  	v6 =	vld [tilespmem:s28+$0xF780]  }
0x61: {  	v1 =	vadd.f32 v3, v1;
	v10 =	vld [tilespmem:s28+$0x5010];
	v3 =	vmul.f32 v8, v4;
	[tilespmem:s26+$0x11F60] =	vst v2;
	s26 =	smov.u32 s28  }
0x62: {  	v2 =	vld [tilespmem:s26+$0x9010]  }
0x63: {  	v4 =	vadd.f32 v5, v9;
	v5 =	vld [tilespmem:s26+$0xD010];
	v1 =	vadd.f32 v3, v1  }
0x64: {  	v3 =	vld [tilespmem:s26+$0xF790]  }
0x65: {  	v6 =	vmul.f32 v6, v7;
	v7 =	vld [tilespmem:s26+$0x5020];
	[tilespmem:s26+$0x11F70] =	vst v1  }
0x66: {  	v1 =	vld [tilespmem:s26+$0x9020]  }
0x67: {  	v4 =	vadd.f32 v6, v4;
	v2 =	vadd.f32 v2, v10;
	v6 =	vld [tilespmem:s26+$0xD020]  }
0x68: {  	v8 =	vld [tilespmem:s26+$0xF7A0]  }
0x69: {  	[tilespmem:s26+$0x11F00] =	vst v4;
	v3 =	vmul.f32 v3, v5;
	v4 =	vld [tilespmem:s26+$0x5030]  }
0x6a: {  	v5 =	vld [tilespmem:s26+$0x9030]  }
0x6b: {  	v2 =	vadd.f32 v3, v2;
	v1 =	vadd.f32 v1, v7;
	v3 =	vld [tilespmem:s26+$0xD030]  }
0x6c: {  	v7 =	vld [tilespmem:s26+$0xF7B0]  }
0x6d: {  	[tilespmem:s26+$0x11F10] =	vst v2;
	v2 =	vmul.f32 v8, v6;
	v6 =	vld [tilespmem:s26+$0x5040]  }
0x6e: {  	v8 =	vld [tilespmem:s26+$0x9040]  }
0x6f: {  	v1 =	vadd.f32 v2, v1;
	v2 =	vadd.f32 v5, v4;
	v4 =	vld [tilespmem:s26+$0xD040]  }
0x70: {  	v5 =	vld [tilespmem:s26+$0xF7C0]  }
0x71: {  	[tilespmem:s26+$0x11F20] =	vst v1;
	v1 =	vmul.f32 v7, v3;
	v3 =	vld [tilespmem:s26+$0x5050]  }
0x72: {  	v7 =	vld [tilespmem:s26+$0x9050]  }
0x73: {  	v1 =	vadd.f32 v1, v2;
	v2 =	vadd.f32 v8, v6;
	v6 =	vld [tilespmem:s26+$0xD050]  }
0x74: {  	v8 =	vld [tilespmem:s26+$0xF7D0]  }
0x75: {  	[tilespmem:s26+$0x11F30] =	vst v1;
	v1 =	vmul.f32 v5, v4;
	v9 =	vld [tilespmem:s26+$0x5060]  }
0x76: {  	v10 =	vld [tilespmem:s26+$0x9060]  }
.Ltmp1:
0x77: {  	v4 =	vadd.f32 v1, v2;
	v7 =	vadd.f32 v7, v3;
	v2 =	vld [tilespmem:s26+$0xD060];
	(pc) =	sbr.rel @p0 .LBB2_4-.Ltmp1, $4  }
0x78: {  	s28 =	sshra.s32 s29, $0x2;
	v5 =	vld [tilespmem:s26+$0xF7E0]  }
0x79: {  	v1 =	vld [tilespmem:s28+$0x5070];
	[tilespmem:s26+$0x11F40] =	vst v4;
	v6 =	vmul.f32 v8, v6  }
0x7a: {  	v3 =	vld [tilespmem:s28+$0x9070]  }
0x7b: {  	s29 =	sadd.s32 $0x200, s29;
	v4 =	vld [tilespmem:s28+$0xD070];
	v7 =	vadd.f32 v6, v7;
	v6 =	vadd.f32 v10, v9  }
0x7c: {  	v8 =	vld [tilespmem:s28+$0xF7F0]  }
0x7d: {  	v9 =	vld [tilespmem:s28+$0x5000];
	[tilespmem:s26+$0x11F50] =	vst v7;
	v2 =	vmul.f32 v5, v2  }
0x7e: {  	v5 =	vld [tilespmem:s28+$0x9000]  }
0x7f: {  	v7 =	vld [tilespmem:s28+$0xD000];
	v2 =	vadd.f32 v2, v6  }
0x80: {  	v10 =	vld [tilespmem:s28+$0x5010]  }
0x81: {  	v6 =	vld [tilespmem:s28+$0xF780];
	[tilespmem:s26+$0x11F60] =	vst v2  }
0x82: {  	v1 =	vadd.f32 v3, v1;
	v3 =	vld [tilespmem:s28+$0x9010]  }
0x83: {  	v2 =	vmul.f32 v8, v4;
	v4 =	vld [tilespmem:s28+$0xD010]  }
0x84: {  	v8 =	vld [tilespmem:s28+$0x5020]  }
0x85: {  	v11 =	vld [tilespmem:s28+$0xD060]  }
0x86: {  	v12 =	vld [tilespmem:s28+$0xF7E0]  }
0x87: {  	v1 =	vadd.f32 v2, v1;
	v2 =	vld [tilespmem:s28+$0xF790]  }
0x88: {  	v5 =	vadd.f32 v5, v9;
	v9 =	vld [tilespmem:s28+$0xF7B0]  }
0x89: {  	v6 =	vmul.f32 v6, v7;
	v7 =	vld [tilespmem:s28+$0xF7A0]  }
0x8a: {  	[tilespmem:s28+$0x11F70] =	vst v1;
	v1 =	vld [tilespmem:s28+$0x9020]  }
0x8b: {  	v5 =	vadd.f32 v6, v5;
	v6 =	vld [tilespmem:s28+$0xD020]  }
0x8c: {  	v3 =	vadd.f32 v3, v10;
	v10 =	vld [tilespmem:s28+$0x9060];
	v2 =	vmul.f32 v2, v4  }
0x8d: {  	v4 =	vld [tilespmem:s28+$0x5030]  }
0x8e: {  	[tilespmem:s28+$0x11F00] =	vst v5;
	v5 =	vld [tilespmem:s28+$0x9030];
	v2 =	vadd.f32 v2, v3  }
0x8f: {  	v3 =	vld [tilespmem:s28+$0xD030]  }
0x90: {  	v1 =	vadd.f32 v1, v8;
	v8 =	vld [tilespmem:s28+$0xF7C0];
	[tilespmem:s28+$0x11F10] =	vst v2;
	v2 =	vmul.f32 v7, v6  }
0x91: {  	v6 =	vld [tilespmem:s28+$0x5040]  }
0x92: {  	v7 =	vld [tilespmem:s28+$0x9040];
	v1 =	vadd.f32 v2, v1  }
0x93: {  	v2 =	vld [tilespmem:s28+$0xD040]  }
0x94: {  	v3 =	vmul.f32 v9, v3;
	v9 =	vld [tilespmem:s28+$0xF7D0];
	[tilespmem:s28+$0x11F20] =	vst v1;
	v1 =	vadd.f32 v5, v4  }
0x95: {  	v4 =	vld [tilespmem:s28+$0x5050]  }
0x96: {  	v5 =	vld [tilespmem:s28+$0x9050];
	v1 =	vadd.f32 v3, v1  }
0x97: {  	v3 =	vld [tilespmem:s28+$0xD050]  }
0x98: {  	[tilespmem:s28+$0x11F30] =	vst v1;
	v1 =	vld [tilespmem:s28+$0x5060];
	_ =	sdelay $0x2  }
0x99: {  	v6 =	vadd.f32 v7, v6;
	v2 =	vmul.f32 v8, v2  }
0x9a: {  	v4 =	vadd.f32 v5, v4;
	v3 =	vmul.f32 v9, v3  }
0x9b: {  	v2 =	vadd.f32 v2, v6;
	v5 =	vmul.f32 v12, v11;
	v1 =	vadd.f32 v10, v1  }
0x9c: {  	v3 =	vadd.f32 v3, v4  }
0x9d: {  	[tilespmem:s28+$0x11F40] =	vst v2;
	v1 =	vadd.f32 v5, v1  }
0x9e: {  	[tilespmem:s28+$0x11F50] =	vst v3  }
0x9f: {  	s29 =	simm.s32 $0x0;
	[tilespmem:s28+$0x11F60] =	vst v1  }
0xa0: {  	[tilespmem:s16], [sflag:$0x3] =	stream.linear.gather [hbm4b:s11+s29], $0x2780, $0x38;
	[tilespmem:$0x19580] =	vst v63  }
0xa1: {  	_ =	swait.ge [sflag:s19], $0x2780  }
0xa2: {  	[sflag:s19] =	ssyncset.done $0x0  }
0xa3: {  	s26 =	simm.s32 $0x0;
	[sflag:s19] =	ssyncadd.s32 $0xFFFFD880  }
0xa4: {  	v8 =	vld [tilespmem:s26+$0x5000]  }
0xa5: {  	v12 =	vld [tilespmem:s26+$0x5010]  }
0xa6: {  	v6 =	vld [tilespmem:s26+$0x5020]  }
0xa7: {  	v5 =	vld [tilespmem:s26+$0x5030]  }
0xa8: {  	v4 =	vld [tilespmem:s26+$0x5040]  }
0xa9: {  	v3 =	vld [tilespmem:s26+$0x5050]  }
0xaa: {  	v2 =	vld [tilespmem:s26+$0x5060]  }
0xab: {  	v1 =	vld [tilespmem:s26+$0x5070]  }
0xac: {  	v13 =	vld [tilespmem:s26+$0x11F00]  }
0xad: {  	v14 =	vld [tilespmem:s26+$0x11F10]  }
0xae: {  	v11 =	vld [tilespmem:s26+$0x11F20]  }
0xaf: {  	v10 =	vld [tilespmem:s26+$0x11F30]  }
0xb0: {  	v9 =	vld [tilespmem:s26+$0x11F40]  }
0xb1: {  	v7 =	vld [tilespmem:s26+$0x11F50];
	v13 =	vmul.f32 v8, v13  }
0xb2: {  	s28 =	simm.s32 $0x200;
	v12 =	vmul.f32 v12, v14;
	v8 =	vld [tilespmem:s26+$0x11F60]  }
.LBB2_6:
0xb3: {  	s29 =	sshra.s32 s28, $0x2;
	p0 =	sne.s32 s28, $0x9C00;
	[tilespmem:s26+$0x11F00] =	vst v13;
	v6 =	vmul.f32 v6, v11;
	v11 =	vld [tilespmem:s26+$0x11F70]  }
0xb4: {  	v13 =	vld [tilespmem:s29+$0x5000];
	[tilespmem:s26+$0x11F10] =	vst v12;
	v5 =	vmul.f32 v5, v10  }
0xb5: {  	v12 =	vld [tilespmem:s29+$0x5010];
	[tilespmem:s26+$0x11F20] =	vst v6;
	v4 =	vmul.f32 v4, v9  }
0xb6: {  	v6 =	vld [tilespmem:s29+$0x5020];
	[tilespmem:s26+$0x11F30] =	vst v5;
	v3 =	vmul.f32 v3, v7  }
0xb7: {  	v5 =	vld [tilespmem:s29+$0x5030];
	[tilespmem:s26+$0x11F40] =	vst v4;
	v2 =	vmul.f32 v2, v8  }
0xb8: {  	v4 =	vld [tilespmem:s29+$0x5040];
	[tilespmem:s26+$0x11F50] =	vst v3;
	v1 =	vmul.f32 v1, v11  }
0xb9: {  	v3 =	vld [tilespmem:s29+$0x5050];
	[tilespmem:s26+$0x11F60] =	vst v2  }
0xba: {  	v2 =	vld [tilespmem:s29+$0x5060];
	[tilespmem:s26+$0x11F70] =	vst v1;
	s26 =	smov.u32 s29  }
0xbb: {  	v1 =	vld [tilespmem:s26+$0x5070]  }
0xbc: {  	v7 =	vld [tilespmem:s26+$0x11F00]  }
0xbd: {  	v8 =	vld [tilespmem:s26+$0x11F10]  }
.Ltmp2:
0xbe: {  	v11 =	vld [tilespmem:s26+$0x11F20];
	(pc) =	sbr.rel @p0 .LBB2_6-.Ltmp2, $4  }
0xbf: {  	v10 =	vld [tilespmem:s26+$0x11F30]  }
0xc0: {  	v9 =	vld [tilespmem:s26+$0x11F40]  }
0xc1: {  	v13 =	vmul.f32 v13, v7;
	v7 =	vld [tilespmem:s26+$0x11F50]  }
0xc2: {  	s28 =	sadd.s32 $0x200, s28;
	v12 =	vmul.f32 v12, v8;
	v8 =	vld [tilespmem:s26+$0x11F60]  }
0xc3: {  	[tilespmem:s26+$0x11F00] =	vst v13;
	v6 =	vmul.f32 v6, v11;
	v63 =	vld [tilespmem:s26+$0x11F70]  }
0xc4: {  	[tilespmem:s26+$0x11F10] =	vst v12;
	v5 =	vmul.f32 v5, v10  }
0xc5: {  	[tilespmem:s26+$0x11F20] =	vst v6;
	v4 =	vmul.f32 v4, v9  }
0xc6: {  	[tilespmem:s26+$0x11F30] =	vst v5;
	v3 =	vmul.f32 v3, v7  }
0xc7: {  	[tilespmem:s26+$0x11F40] =	vst v4;
	v2 =	vmul.f32 v2, v8  }
0xc8: {  	[tilespmem:s26+$0x11F50] =	vst v3;
	v1 =	vmul.f32 v1, v63  }
0xc9: {  	[tilespmem:s26+$0x11F60] =	vst v2  }
0xca: {  	[tilespmem:s26+$0x11F70] =	vst v1  }
0xcb: {  	[spmem:s12] =	stream.linear.scatter [tilespmem:s18], [sflag:$0x3], $0x2780, $0x38;
	[tilespmem:$0x19580] =	vst v63  }
0xcc: {  	_ =	swait.ge [sflag:s19], $0x2780  }
0xcd: {  	[sflag:s19] =	ssyncset.done $0x0  }
0xce: {  	[sflag:s19] =	ssyncadd.s32 $0xFFFFD880  }
0xcf: {  	[tilespmem:s4], [sflag:$0x3] =	stream.linear.gather [hbm4b:s10+s4], $0x2800, $0x38;
	[tilespmem:$0x19580] =	vst v63  }
0xd0: {  	_ =	swait.ge [sflag:s19], $0x2800  }
0xd1: {  	[sflag:s19] =	ssyncset.done $0x0  }
0xd2: {  	[sflag:s19] =	ssyncadd.s32 $0xFFFFD800  }
0xd3: {  	[tilespmem:s24], [sflag:$0x3] =	stream.linear.gather [hbm4b:s13+s4], $0x2800, $0x38;
	[tilespmem:$0x19580] =	vst v63  }
0xd4: {  	_ =	swait.ge [sflag:s19], $0x2800  }
0xd5: {  	[sflag:s19] =	ssyncset.done $0x0  }
0xd6: {  	[sflag:s19] =	ssyncadd.s32 $0xFFFFD800  }
0xd7: {  	[bflag:$0x0] =	sbarrier.arrive $0xFFFF  }
0xd8: {  	[tilespmem:s16], [sflag:$0x1] =	stream.indirect.gather [spmem:s3], $0x10, s4, s25, $0xb8;
	[tilespmem:$0x19580] =	vst v63  }
0xd9: {  	_ = 	snop  }
0xda: {  	[tilespmem:s17], [sflag:$0x2] =	stream.indirect.gather [spmem:s3], $0x10, s25, s25, $0xb8;
	[tilespmem:$0x19580] =	vst v63  }
0xdb: {  	_ =	swait.ge [sflag:s20], $0x4000  }
0xdc: {  	[sflag:s20] =	ssyncset.done $0x0  }
0xdd: {  	[sflag:s20] =	ssyncadd.s32 $0xFFFFC000  }
0xde: {  	[spmem:s1] =	stream.indirect.scatter.add.f32 [tilespmem:s16], [sflag:$0x3], $0x10, s24, s25, $0xb8;
	[tilespmem:$0x19580] =	vst v63  }
0xdf: {  	_ =	swait.ge [sflag:s19], $0x4000  }
0xe0: {  	[sflag:s19] =	ssyncset.done $0x0  }
0xe1: {  	s28 =	simm.s32 $0x800;
	[sflag:s19] =	ssyncadd.s32 $0xFFFFC000  }
0xe2: {  	[tilespmem:s16], [sflag:$0x1] =	stream.indirect.gather [spmem:s3], $0x10, s28, s25, $0xb8;
	[tilespmem:$0x19580] =	vst v63  }
0xe3: {  	_ =	swait.ge [sflag:s21], $0x4000  }
0xe4: {  	[sflag:s21] =	ssyncset.done $0x0  }
0xe5: {  	s29 =	simm.s32 $0x2C00;
	[sflag:s21] =	ssyncadd.s32 $0xFFFFC000  }
0xe6: {  	[spmem:s1] =	stream.indirect.scatter.add.f32 [tilespmem:s17], [sflag:$0x3], $0x10, s29, s25, $0xb8;
	[tilespmem:$0x19580] =	vst v63  }
0xe7: {  	_ =	swait.ge [sflag:s19], $0x4000  }
0xe8: {  	[sflag:s19] =	ssyncset.done $0x0  }
0xe9: {  	s28 =	simm.s32 $0xC00;
	[sflag:s19] =	ssyncadd.s32 $0xFFFFC000  }
0xea: {  	[tilespmem:s17], [sflag:$0x2] =	stream.indirect.gather [spmem:s3], $0x10, s28, s25, $0xb8;
	[tilespmem:$0x19580] =	vst v63  }
0xeb: {  	_ =	swait.ge [sflag:s20], $0x4000  }
0xec: {  	[sflag:s20] =	ssyncset.done $0x0  }
0xed: {  	s29 =	simm.s32 $0x3000;
	[sflag:s20] =	ssyncadd.s32 $0xFFFFC000  }
0xee: {  	[spmem:s1] =	stream.indirect.scatter.add.f32 [tilespmem:s16], [sflag:$0x3], $0x10, s29, s25, $0xb8;
	[tilespmem:$0x19580] =	vst v63  }
0xef: {  	_ =	swait.ge [sflag:s19], $0x4000  }
0xf0: {  	[sflag:s19] =	ssyncset.done $0x0  }
0xf1: {  	s28 =	simm.s32 $0x1000;
	[sflag:s19] =	ssyncadd.s32 $0xFFFFC000  }
0xf2: {  	[tilespmem:s16], [sflag:$0x1] =	stream.indirect.gather [spmem:s3], $0x10, s28, s25, $0xb8;
	[tilespmem:$0x19580] =	vst v63  }
0xf3: {  	_ =	swait.ge [sflag:s21], $0x4000  }
0xf4: {  	[sflag:s21] =	ssyncset.done $0x0  }
0xf5: {  	s29 =	simm.s32 $0x3400;
	[sflag:s21] =	ssyncadd.s32 $0xFFFFC000  }
0xf6: {  	[spmem:s1] =	stream.indirect.scatter.add.f32 [tilespmem:s17], [sflag:$0x3], $0x10, s29, s25, $0xb8;
	[tilespmem:$0x19580] =	vst v63  }
0xf7: {  	_ =	swait.ge [sflag:s19], $0x4000  }
0xf8: {  	[sflag:s19] =	ssyncset.done $0x0  }
0xf9: {  	s28 =	simm.s32 $0x1400;
	[sflag:s19] =	ssyncadd.s32 $0xFFFFC000  }
0xfa: {  	[tilespmem:s17], [sflag:$0x2] =	stream.indirect.gather [spmem:s3], $0x10, s28, s25, $0xb8;
	[tilespmem:$0x19580] =	vst v63  }
0xfb: {  	_ =	swait.ge [sflag:s20], $0x4000  }
0xfc: {  	[sflag:s20] =	ssyncset.done $0x0  }
0xfd: {  	s29 =	simm.s32 $0x3800;
	[sflag:s20] =	ssyncadd.s32 $0xFFFFC000  }
0xfe: {  	[spmem:s1] =	stream.indirect.scatter.add.f32 [tilespmem:s16], [sflag:$0x3], $0x10, s29, s25, $0xb8;
	[tilespmem:$0x19580] =	vst v63  }
0xff: {  	_ =	swait.ge [sflag:s19], $0x4000  }
0x100: {  	[sflag:s19] =	ssyncset.done $0x0  }
0x101: {  	s28 =	simm.s32 $0x1800;
	[sflag:s19] =	ssyncadd.s32 $0xFFFFC000  }
0x102: {  	[tilespmem:s16], [sflag:$0x1] =	stream.indirect.gather [spmem:s3], $0x10, s28, s25, $0xb8;
	[tilespmem:$0x19580] =	vst v63  }
0x103: {  	_ =	swait.ge [sflag:s21], $0x4000  }
0x104: {  	[sflag:s21] =	ssyncset.done $0x0  }
0x105: {  	s29 =	simm.s32 $0x3C00;
	[sflag:s21] =	ssyncadd.s32 $0xFFFFC000  }
0x106: {  	[spmem:s1] =	stream.indirect.scatter.add.f32 [tilespmem:s17], [sflag:$0x3], $0x10, s29, s25, $0xb8;
	[tilespmem:$0x19580] =	vst v63  }
0x107: {  	_ =	swait.ge [sflag:s19], $0x4000  }
0x108: {  	[sflag:s19] =	ssyncset.done $0x0  }
0x109: {  	s28 =	simm.s32 $0x1C00;
	[sflag:s19] =	ssyncadd.s32 $0xFFFFC000  }
0x10a: {  	[tilespmem:s17], [sflag:$0x2] =	stream.indirect.gather [spmem:s3], $0x10, s28, s25, $0xb8;
	[tilespmem:$0x19580] =	vst v63  }
0x10b: {  	_ =	swait.ge [sflag:s20], $0x4000  }
0x10c: {  	[sflag:s20] =	ssyncset.done $0x0  }
0x10d: {  	s29 =	simm.s32 $0x4000;
	[sflag:s20] =	ssyncadd.s32 $0xFFFFC000  }
0x10e: {  	[spmem:s1] =	stream.indirect.scatter.add.f32 [tilespmem:s16], [sflag:$0x3], $0x10, s29, s25, $0xb8;
	[tilespmem:$0x19580] =	vst v63  }
0x10f: {  	_ =	swait.ge [sflag:s19], $0x4000  }
0x110: {  	[sflag:s19] =	ssyncset.done $0x0  }
0x111: {  	[sflag:s19] =	ssyncadd.s32 $0xFFFFC000  }
0x112: {  	[tilespmem:s16], [sflag:$0x1] =	stream.indirect.gather [spmem:s3], $0x10, s30, s25, $0xb8;
	[tilespmem:$0x19580] =	vst v63  }
0x113: {  	_ =	swait.ge [sflag:s21], $0x4000  }
0x114: {  	[sflag:s21] =	ssyncset.done $0x0  }
0x115: {  	[sflag:s21] =	ssyncadd.s32 $0xFFFFC000  }
0x116: {  	[spmem:s1] =	stream.indirect.scatter.add.f32 [tilespmem:s17], [sflag:$0x3], $0x10, s31, s25, $0xb8;
	[tilespmem:$0x19580] =	vst v63  }
0x117: {  	_ =	swait.ge [sflag:s19], $0x4000  }
0x118: {  	[sflag:s19] =	ssyncset.done $0x0  }
0x119: {  	[sflag:s19] =	ssyncadd.s32 $0xFFFFC000  }
0x11a: {  	[tilespmem:s17], [sflag:$0x2] =	stream.indirect.gather [spmem:s3], $0x10, s0, s25, $0xb8;
	[tilespmem:$0x19580] =	vst v63  }
0x11b: {  	_ =	swait.ge [sflag:s20], $0x4000  }
0x11c: {  	[sflag:s20] =	ssyncset.done $0x0  }
0x11d: {  	[sflag:s20] =	ssyncadd.s32 $0xFFFFC000  }
0x11e: {  	[spmem:s1] =	stream.indirect.scatter.add.f32 [tilespmem:s16], [sflag:$0x3], $0x10, s2, s25, $0xb8;
	[tilespmem:$0x19580] =	vst v63  }
0x11f: {  	_ =	swait.ge [sflag:s19], $0x4000  }
0x120: {  	[sflag:s19] =	ssyncset.done $0x0  }
0x121: {  	[sflag:s19] =	ssyncadd.s32 $0xFFFFC000  }
0x122: {  	_ =	swait.ge [sflag:s21], $0x4000  }
0x123: {  	[sflag:s21] =	ssyncset.done $0x0  }
0x124: {  	[sflag:s21] =	ssyncadd.s32 $0xFFFFC000  }
0x125: {  	[spmem:s1] =	stream.indirect.scatter.add.f32 [tilespmem:s17], [sflag:$0x3], $0x10, s22, s25, $0xb8;
	[tilespmem:$0x19580] =	vst v63  }
0x126: {  	_ =	swait.ge [sflag:s19], $0x4000  }
0x127: {  	[sflag:s19] =	ssyncset.done $0x0  }
0x128: {  	[sflag:s19] =	ssyncadd.s32 $0xFFFFC000  }
0x129: {  	[bflag:$0x0] =	sbarrier.arrive $0xFFFF  }
0x12a: {  	[tilespmem:s18], [sflag:$0x3] =	stream.linear.gather [spmem:s7], $0x2780, $0x38;
	[tilespmem:$0x19580] =	vst v63  }
0x12b: {  	s23 =	sadd.s32 $0x1, s23;
	_ =	swait.ge [sflag:s19], $0x2780  }
0x12c: {  	p0 =	sne.s32 s23, s15;
	[sflag:s19] =	ssyncset.done $0x0  }
.Ltmp3:
0x12d: {  	[sflag:s19] =	ssyncadd.s32 $0xFFFFD880;
	(pc) =	sbr.rel @p0 .LBB2_1-.Ltmp3, $4  }
0x12e: {  	[hbm4b:s14+s4] =	stream.linear.scatter [tilespmem:s18], [sflag:$0x3], $0x2780, $0x38;
	[tilespmem:$0x19580] =	vst v63  }
0x12f: {  	_ =	swait.ge [sflag:s19], $0x2780  }
0x130: {  	[sflag:s19] =	ssyncset.done $0x0  }
0x131: {  	[sflag:s19] =	ssyncadd.s32 $0xFFFFD880  }
0x132: {  	_ =	sfence.sel $0x180000  }
0x133: {  	[bflag:$0x0] =	sbarrier.arrive $0xFFFF  }
0x134: {  	_ =	strace $0x9000004D  }
0x135: {  	s0 =	stileid.u32;
	[bflag:$0x2] =	sbarrier.arrive $0xFFFF  }
0x136: {  	p0 =	sne.s32 s0, $0x0;
	s0 =	rddreg [dreg:$0x4]  }
0x137: {  	s0 =	sadd.s32 @!p0 $0x100000, s0  }
0x138: {  	[sflag:s0] =	ssyncadd.tile.s32 @!p0 $0x1;
	_ =	shalt  }
.Lfunc_end2:
_tile_overlayer_lowered:
.L_overlay_start_2:
0x139: {  	(tag) =	ssettag $0x2  }
0x13a: {  	s0 =	rddreg [dreg:$0x0];
	s2 =	stileid.u32  }
0x13b: {  	s1 =	rddreg [dreg:$0x1];
	p0 =	sne.s32 s2, $0x0  }
0x13c: {  	s3 =	rddreg [dreg:$0x2];
	[bflag:$0x3] =	sbarrier.arrive $0xFFFF;
	s2 =	simm.s32 @!p0 $0x1C03  }
0x13d: {  	[timem:s3], [sflag:s2] =	dma.local @!p0 [hbm:s0], s1  }
0x13e: {  	s0 =	simm.s32 @!p0 $0x3  }
0x13f: {  	_ =	swait.ge @!p0 [sflag:s0], s1  }
0x140: {  	s1 =	ssub.s32 @!p0 $0x0, s1;
	[sflag:s0] =	ssyncset.done @!p0 $0x0  }
0x141: {  	[sflag:s0] =	ssyncadd.s32 @!p0 s1  }
0x142: {  	[bflag:$0x3] =	sbarrier.arrive $0xFFFF  }
0x143: {  	_ =	shalt  }

// kernel: kernel.8.cloned.1.call-start
scs
__scs_entry_jumppad:
0x0: {  	(pc) =	sbr.rel $0x88, $3  }
0x1: {  	(tag) =	ssettag $0x0;
	lr =	simm.s32 $0x1  }
0x2: {  	[smem:$0x3F9B] =	sst lr;
	_ =	strace $0xD0000000  }
0x3: {  	_ = 	snop  }
0x4: {  	_ = 	snop  }
0x5: {  	_ = 	snop  }
0x6: {  	_ = 	snop  }
0x7: {  	_ = 	snop  }
__scs_overlays_trampoline_lowered:
0x8: {  	[smem:$0x3FAA] =	sst s0  }
0x9: {  	[smem:$0x3FAB] =	sst s1  }
0xa: {  	[smem:$0x3FAC] =	sst s2  }
0xb: {  	[smem:$0x3FAD] =	sst s3  }
0xc: {  	[smem:$0x3FAE] =	sst s4  }
0xd: {  	[smem:$0x3FAF] =	sst s5  }
0xe: {  	[smem:$0x3FB0] =	sst s6  }
0xf: {  	[smem:$0x3FB1] =	sst s7  }
0x10: {  	[smem:$0x3FB2] =	sst s8  }
0x11: {  	[smem:$0x3FB3] =	sst s9;
	s0 =	simm.s32 @!p0 $0x0  }
0x12: {  	s1 =	sld [smem:$0x3F99];
	s0 =	simm.s32 @p0 $0x1  }
0x13: {  	[smem:$0x3FB4] =	sst s0;
	s0 =	simm.s32 @!p1 $0x0  }
0x14: {  	s2 =	sld [smem:$0x3F98];
	s0 =	simm.s32 @p1 $0x1  }
0x15: {  	[smem:$0x3FB5] =	sst s0;
	s0 =	simm.s32 @!p2 $0x0  }
0x16: {  	s3 =	sld [smem:$0x3FDB];
	s0 =	simm.s32 @p2 $0x1  }
0x17: {  	s4 =	simm.s32 $0x1BF5;
	[smem:$0x3FB7] =	sst s0  }
0x18: {  	s0 =	sld [smem:$0x3F9A];
	_ =	swait.ge [sflag:s4], $0x0  }
0x19: {  	s7 =	sld [smem:$0x3F9B]  }
0x1a: {  	s8 =	sadd.s32 $0xFFFFE003, lr  }
0x1b: {  	s9 =	sadd.s32 $0xFFFFFEF7, lr;
	s5 =	simm.s32 $0xFFFFFFFF;
	p2 =	slt.u32 s8, $0xFFFFF086  }
0x1c: {  	p1 =	slt.u32 s9, $0xF7A;
	s5 =	simm.s32 @!p2 $0x0  }
0x1d: {  	s5 =	simm.s32 @p1 $0x1;
	p0 =	seq.s32 s7, s2  }
0x1e: {  	s7 =	smul.u32 @!p0 $0xF7A, s2;
	p2 =	seq.s32 @!p0 s5, $0x0  }
0x1f: {  	s9 =	smul.u32 $0xF7A, s1;
	s8 =	simm.s32 @!p0 $0x1BF5;
	p2 =	por !p2, p0  }
0x20: {  	[sflag:s8] =	ssyncset.s32 @!p0 $0xFFFFF086;
	s6 =	sadd.s32 @!p0 s3, s7;
	s7 =	simm.s32 @!p0 $0x108  }
0x21: {  	s3 =	sadd.s32 s3, s9;
	s6 =	sadd.s32 @!p0 $0x88, s6;
	s7 =	simm.s32 @p2 $0x1082  }
0x22: {  	[simem:s7], [sflag:s8] =	dma.local @!p0 [hbm:s6], $0xF7A  }
0x23: {  	s9 =	sor.u32 $0xD0000000, s2;
	s6 =	simm.s32 $0x108;
	_ =	swait.ge @!p0 [sflag:s8], $0x0  }
0x24: {  	s3 =	sadd.s32 $0x88, s3;
	s6 =	simm.s32 @!p1 $0x1082;
	[sflag:s4] =	ssyncset.s32 $0xFFFFF086  }
0x25: {  	[simem:s6], [sflag:s4] =	dma.local [hbm:s3], $0xF7A  }
0x26: {  	[smem:$0x3F9B] =	sst s1;
	(tag) =	ssettag s2;
	_ =	strace s9  }
0x27: {  	s1 =	sld [smem:$0x3FAB]  }
0x28: {  	s2 =	sld [smem:$0x3FAC]  }
0x29: {  	s4 =	sld [smem:$0x3FAE]  }
0x2a: {  	p0 =	seq.s32 s5, $0x0;
	s5 =	sld [smem:$0x3FAF]  }
0x2b: {  	s6 =	sld [smem:$0x3FB0]  }
0x2c: {  	s7 =	sld [smem:$0x3FB1]  }
0x2d: {  	s3 =	simm.s32 $0x108;
	s8 =	sld [smem:$0x3FB2]  }
0x2e: {  	s3 =	simm.s32 @!p0 $0x1082;
	s9 =	sld [smem:$0x3FB3]  }
0x2f: {  	lr =	sadd.s32 s0, s3;
	s0 =	sld [smem:$0x3FAA]  }
0x30: {  	s3 =	sld [smem:$0x3FAD]  }
0x31: {  	[smem:$0x3FB6] =	sst s10  }
0x32: {  	s10 =	sld [smem:$0x3FB4];
	_ =	sdelay $0x3  }
0x33: {  	p0 =	seq.s32 s10, $0x1;
	s10 =	sld [smem:$0x3FB6];
	_ =	sdelay $0x3  }
0x34: {  	[smem:$0x3FB6] =	sst s10  }
0x35: {  	s10 =	sld [smem:$0x3FB5];
	_ =	sdelay $0x3  }
0x36: {  	p1 =	seq.s32 s10, $0x1;
	s10 =	sld [smem:$0x3FB6];
	_ =	sdelay $0x3  }
0x37: {  	[smem:$0x3FB6] =	sst s10  }
0x38: {  	s10 =	sld [smem:$0x3FB7]  }
0x39: {  	_ = 	snop;
	(pc) =	sbr.ind lr, $3  }
0x3a: {  	_ = 	snop  }
0x3b: {  	_ = 	snop  }
0x3c: {  	p2 =	seq.s32 s10, $0x1;
	s10 =	sld [smem:$0x3FB6]  }
0x3d: {  	_ =	shalt  }
0x3e: {  	_ =	shalt  }
0x3f: {  	_ =	shalt  }
0x40: {  	_ =	shalt  }
0x41: {  	_ =	shalt  }
0x42: {  	_ =	shalt  }
0x43: {  	_ =	shalt  }
0x44: {  	_ =	shalt  }
0x45: {  	_ =	shalt  }
0x46: {  	_ =	shalt  }
0x47: {  	_ =	shalt  }
0x48: {  	_ =	shalt  }
0x49: {  	_ =	shalt  }
0x4a: {  	_ =	shalt  }
0x4b: {  	_ =	shalt  }
0x4c: {  	_ =	shalt  }
0x4d: {  	_ =	shalt  }
0x4e: {  	_ =	shalt  }
0x4f: {  	_ =	shalt  }
0x50: {  	_ =	shalt  }
0x51: {  	_ =	shalt  }
0x52: {  	_ =	shalt  }
0x53: {  	_ =	shalt  }
0x54: {  	_ =	shalt  }
0x55: {  	_ =	shalt  }
0x56: {  	_ =	shalt  }
0x57: {  	_ =	shalt  }
0x58: {  	_ =	shalt  }
0x59: {  	_ =	shalt  }
0x5a: {  	_ =	shalt  }
0x5b: {  	_ =	shalt  }
0x5c: {  	_ =	shalt  }
0x5d: {  	_ =	shalt  }
0x5e: {  	_ =	shalt  }
0x5f: {  	_ =	shalt  }
0x60: {  	_ =	shalt  }
0x61: {  	_ =	shalt  }
0x62: {  	_ =	shalt  }
0x63: {  	_ =	shalt  }
0x64: {  	_ =	shalt  }
0x65: {  	_ =	shalt  }
0x66: {  	_ =	shalt  }
0x67: {  	_ =	shalt  }
0x68: {  	_ =	shalt  }
0x69: {  	_ =	shalt  }
0x6a: {  	_ =	shalt  }
0x6b: {  	_ =	shalt  }
0x6c: {  	_ =	shalt  }
0x6d: {  	_ =	shalt  }
0x6e: {  	_ =	shalt  }
0x6f: {  	_ =	shalt  }
0x70: {  	_ =	shalt  }
0x71: {  	_ =	shalt  }
0x72: {  	_ =	shalt  }
0x73: {  	_ =	shalt  }
0x74: {  	_ =	shalt  }
0x75: {  	_ =	shalt  }
0x76: {  	_ =	shalt  }
0x77: {  	_ =	shalt  }
0x78: {  	_ =	shalt  }
0x79: {  	_ =	shalt  }
0x7a: {  	_ =	shalt  }
0x7b: {  	_ =	shalt  }
0x7c: {  	_ =	shalt  }
0x7d: {  	_ =	shalt  }
0x7e: {  	_ =	shalt  }
0x7f: {  	_ =	shalt  }
0x80: {  	_ =	shalt  }
0x81: {  	_ =	shalt  }
0x82: {  	_ =	shalt  }
0x83: {  	_ =	shalt  }
0x84: {  	_ =	shalt  }
0x85: {  	_ =	shalt  }
0x86: {  	_ =	shalt  }
0x87: {  	_ =	shalt  }
.Lfunc_end0:
.L_simem_size_0:
called_computation_lowered:
.L_overlay_start_0:
0x88: {  	s2 =	sld [smem:$0x3FD9]  }
0x89: {  	s3 =	sld [smem:$0x3FFE];
	_ =	sdelay $0x1  }
0x8a: {  	s1 =	srdreg.scid  }
0x8b: {  	s0 =	sand.u32 $0x1, s1  }
0x8c: {  	s17 =	sshll.u32 s0, $0xA;
	s2 =	sadd.s32 s3, s2  }
0x8d: {  	s2 =	sadd.s32 s2, s17  }
0x8e: {  	[smem:$0x3FC2] =	sst s2  }
0x8f: {  	_ = 	snop  }
0x90: {  	s2 =	sld [smem:$0x3FD0];
	(tm) =	ssettm $0x1  }
0x91: {  	s18 =	sld [smem:$0x3FFB];
	_ =	sdelay $0x3  }
0x92: {  	_ =	strace s18  }
0x93: {  	s3 =	sld [smem:$0x3FFC];
	_ =	sdelay $0x3  }
0x94: {  	_ =	strace s3  }
0x95: {  	s3 =	sld [smem:$0x3FFD];
	_ =	sdelay $0x3  }
0x96: {  	_ =	strace s3  }
0x97: {  	_ =	strace $0x8FFFFFFF  }
0x98: {  	s19 =	sld [smem:$0x3FDB];
	_ =	sdelay $0x1  }
0x99: {  	s4 =	simm.s32 $_scs_section_size  }
0x9a: {  	s5 =	simm.s32 $_size__tile_overlayer_lowered;
	s6 =	simm.s32 $_tile_overlayer_lowered  }
0x9b: {  	s22 =	simm.s32 $0x1BFF;
	s21 =	sshll.u32 s6, $0x1;
	s3 =	sadd.s32 s4, s19  }
0x9c: {  	s7 =	simm.s32 $0x0;
	s20 =	sshll.u32 s5, $0x1;
	s5 =	sadd.s32 s21, s3  }
0x9d: {  	[timem:s7], [sflag:s22] =	dma.local [hbm:s5], s20  }
0x9e: {  	_ =	swait.ge [sflag:s22], s20  }
0x9f: {  	s4 =	ssub.s32 $0x0, s20;
	[sflag:s22] =	ssyncset.done $0x0  }
0xa0: {  	[sflag:s22] =	ssyncadd.s32 s4;
	_ =	sdelay $0x1  }
0xa1: {  	s23 =	simm.s32 $0x1B8B  }
0xa2: {  	_ =	swait.ge [sflag:s23], $0x1  }
0xa3: {  	[sflag:s23] =	ssyncset.done $0x0  }
0xa4: {  	s25 =	simm.s32 $0x1B8E;
	s24 =	sld [smem:$0x3FFE];
	[sflag:s23] =	ssyncadd.s32 $0xFFFFFFFF  }
0xa5: {  	s26 =	simm.s32 $execute0_lowered;
	[smem:$0x3FD2] =	sst s25  }
0xa6: {  	s5 =	sshll.u32 s26, $0x1;
	_ =	strace $0x80000046;
	[dreg:$0x1] =	wrdreg $0xFFFFFFFF  }
0xa7: {  	s28 =	simm.s32 $_size_execute0_lowered;
	s3 =	sadd.s32 s3, s5;
	[dreg:$0x0] =	wrdreg $0x0  }
0xa8: {  	s5 =	sshll.u32 s28, $0x1;
	[dreg:$0x2] =	wrdreg s3  }
0xa9: {  	[dreg:$0x3] =	wrdreg s5  }
0xaa: {  	[dreg:$0x4] =	wrdreg $0xC0  }
0xab: {  	_ =	task [dreg:s7], $0x5FFFF  }
0xac: {  	[dreg:$0x1] =	wrdreg $0xFFFFFFFF  }
0xad: {  	[dreg:$0x0] =	wrdreg $0x60  }
0xae: {  	[dreg:$0x2] =	wrdreg s2  }
0xaf: {  	[dreg:$0x3] =	wrdreg s24  }
0xb0: {  	[dreg:$0x4] =	wrdreg $0x2E780  }
0xb1: {  	[dreg:$0x5] =	wrdreg $0x9  }
0xb2: {  	_ =	task.clear_ibuf [dreg:s7], $0x6FFFF;
	_ =	strace $0x90000046  }
0xb3: {  	s29 =	simm.s32 $0x9;
	_ =	strace $0x80000048  }
0xb4: {  	_ =	swait.ge [sflag:s29], $0x1  }
0xb5: {  	[sflag:s29] =	ssyncadd.s32 $0xFFFFFFFF  }
0xb6: {  	_ =	strace $0x90000048  }
0xb7: {  	_ =	sfence  }
0xb8: {  	s30 =	sld [smem:$0x0];
	_ =	sdelay $0x2  }
0xb9: {  	s31 =	sshll.u32 s1, $0xD;
	s1 =	sshrl.u32 s1, $0x2  }
0xba: {  	s3 =	sand.u32 $0x4000, s31;
	s1 =	sadd.s32 s1, s30  }
0xbb: {  	s0 =	sor.u32 s3, s0;
	s1 =	sshll.u32 s1, $0x11  }
0xbc: {  	s0 =	sor.u32 s1, s0  }
0xbd: {  	s0 =	sadd.s32 $0x8F2B, s0  }
0xbe: {  	[sflag:s0] =	ssyncadd.remote.s32 $0x1  }
0xbf: {  	_ =	sfence.sel $0xFFFF  }
0xc0: {  	[dreg:$0x0] =	wrdreg $0xFFFFFFFF;
	(pc) =	sbr.abs _section_cstart, $3  }
0xc1: {  	[dreg:$0x1] =	wrdreg $0xFFFFFFFF  }
0xc2: {  	_ =	task.clear_ibuf [dreg:s7], $0x2FFFF;
	_ =	strace $0x9FFFFFFF  }
0xc3: {  	(tm) =	ssettm $0x7FFFFFFF  }
tec
execute0_lowered:
.L_overlay_start_1:
0x0: {  	(tag) =	ssettag $0x1  }
0x1: {  	s5 =	rddreg [dreg:$0x0]  }
0x2: {  	s1 =	srdreg.scid;
	s4 =	rddreg [dreg:$0x1]  }
0x3: {  	s0 =	stileid.u32;
	s2 =	rddreg [dreg:$0x2];
	s3 =	simm.s32 $0x0  }
0x4: {  	s11 =	simm.s32 $0x2800;
	s12 =	simm.s32 $0x800;
	s13 =	simm.s32 $0xC00  }
0x5: {  	s14 =	simm.s32 $0x1000;
	s15 =	simm.s32 $0x1400;
	s16 =	simm.s32 $0x1800  }
0x6: {  	s17 =	simm.s32 $0x1C00;
	s6 =	sand.u32 $0x1, s1;
	s7 =	smul.u32 $0x278, s0  }
0x7: {  	s18 =	simm.s32 $0x2000;
	s1 =	rddreg [dreg:$0x3];
	s8 =	smul.u32 $0x2780, s6  }
0x8: {  	s19 =	simm.s32 $0x2400;
	[smem:$0x7FF] =	sst s3;
	s9 =	sshll.u32 s6, $0x4  }
0x9: {  	s6 =	ssub.s32 $0x2, s6;
	s9 =	sor.u32 s0, s9;
	s8 =	sadd.s32 s7, s8  }
0xa: {  	s31 =	sshrl.u32 s6, $0x1;
	s9 =	smul.u32 $0x2800, s9;
	s8 =	sshrl.u32 s8, $0x3  }
0xb: {  	_ =	strace $0x80000047;
	s10 =	ssub.s32 s6, s31;
	s8 =	sadd.s32 s8, s4  }
0xc: {  	s9 =	sshrl.u32 s9, $0x3;
	s4 =	sadd.s32 s7, s2;
	s7 =	smax.u32 s10, $0x1  }
0xd: {  	s10 =	simm.s32 $0x400;
	s5 =	sadd.s32 s5, s9;
	s6 =	sadd.s32 $0x2400, s8  }
0xe: {  	v0 =	vimm.f32 $0.0e+00;
	v1 =	vimm.f32 $1.000000000e+00;
	s8 =	simm.s32 $0x2C00;
	s9 =	simm.s32 $0x1;
	s5 =	sadd.s32 $0xA000, s5  }
.LBB2_1:
0xf: {  	[tilespmem:$0x2C00] =	vst v0  }
0x10: {  	[tilespmem:$0x2C10] =	vst v0  }
0x11: {  	[tilespmem:$0x2C20] =	vst v0  }
0x12: {  	[tilespmem:$0x2C30] =	vst v0  }
0x13: {  	[tilespmem:$0x2C40] =	vst v0  }
0x14: {  	[tilespmem:$0x2C50] =	vst v0  }
0x15: {  	[tilespmem:$0x2C60] =	vst v0  }
0x16: {  	[tilespmem:$0x2C70] =	vst v0  }
0x17: {  	[tilespmem:$0x2C80] =	vst v0  }
0x18: {  	[tilespmem:$0x2C90] =	vst v0  }
0x19: {  	[tilespmem:$0x2CA0] =	vst v0  }
0x1a: {  	[tilespmem:$0x2CB0] =	vst v0  }
0x1b: {  	[tilespmem:$0x2CC0] =	vst v0  }
0x1c: {  	[tilespmem:$0x2CD0] =	vst v0  }
0x1d: {  	[tilespmem:$0x2CE0] =	vst v0  }
0x1e: {  	[tilespmem:$0x2CF0] =	vst v0  }
0x1f: {  	[tilespmem:$0x2D00] =	vst v0  }
0x20: {  	[tilespmem:$0x2D10] =	vst v0  }
0x21: {  	[tilespmem:$0x2D20] =	vst v0  }
0x22: {  	[tilespmem:$0x2D30] =	vst v0  }
0x23: {  	[tilespmem:$0x2D40] =	vst v0  }
0x24: {  	[tilespmem:$0x2D50] =	vst v0  }
0x25: {  	[tilespmem:$0x2D60] =	vst v0  }
0x26: {  	[tilespmem:$0x2D70] =	vst v0  }
0x27: {  	[tilespmem:$0x2D80] =	vst v0  }
0x28: {  	[tilespmem:$0x2D90] =	vst v0  }
0x29: {  	[tilespmem:$0x2DA0] =	vst v0  }
0x2a: {  	[tilespmem:$0x2DB0] =	vst v0  }
0x2b: {  	[tilespmem:$0x2DC0] =	vst v0  }
0x2c: {  	[tilespmem:$0x2DD0] =	vst v0  }
0x2d: {  	[tilespmem:$0x2DE0] =	vst v0  }
0x2e: {  	[tilespmem:$0x2DF0] =	vst v0  }
0x2f: {  	[tilespmem:$0x2E00] =	vst v0  }
0x30: {  	[tilespmem:$0x2E10] =	vst v0  }
0x31: {  	[tilespmem:$0x2E20] =	vst v0  }
0x32: {  	[tilespmem:$0x2E30] =	vst v0  }
0x33: {  	[tilespmem:$0x2E40] =	vst v0  }
0x34: {  	[tilespmem:$0x2E50] =	vst v0  }
0x35: {  	[tilespmem:$0x2E60] =	vst v0  }
0x36: {  	[spmem:s4] =	stream.linear.scatter [tilespmem:s8], [sflag:$0x1], $0x278, $0x38;
	[tilespmem:$0x30F0] =	vst v63  }
0x37: {  	_ =	swait.ge [sflag:s9], $0x278  }
0x38: {  	[sflag:s9] =	ssyncset.done $0x0  }
0x39: {  	[sflag:s9] =	ssyncadd.s32 $0xFFFFFD88  }
0x3a: {  	[tilespmem:s3], [sflag:$0x1] =	stream.linear.gather [hbm4b:s5+s3], $0x2800, $0x38;
	[tilespmem:$0x30F0] =	vst v63  }
0x3b: {  	_ =	swait.ge [sflag:s9], $0x2800  }
0x3c: {  	[sflag:s9] =	ssyncset.done $0x0  }
0x3d: {  	[sflag:s9] =	ssyncadd.s32 $0xFFFFD800  }
0x3e: {  	[tilespmem:$0x2800] =	vst v1  }
0x3f: {  	[tilespmem:$0x2810] =	vst v1  }
0x40: {  	[tilespmem:$0x2820] =	vst v1  }
0x41: {  	[tilespmem:$0x2830] =	vst v1  }
0x42: {  	[tilespmem:$0x2840] =	vst v1  }
0x43: {  	[tilespmem:$0x2850] =	vst v1  }
0x44: {  	[tilespmem:$0x2860] =	vst v1  }
0x45: {  	[tilespmem:$0x2870] =	vst v1  }
0x46: {  	[tilespmem:$0x2880] =	vst v1  }
0x47: {  	[tilespmem:$0x2890] =	vst v1  }
0x48: {  	[tilespmem:$0x28A0] =	vst v1  }
0x49: {  	[tilespmem:$0x28B0] =	vst v1  }
0x4a: {  	[tilespmem:$0x28C0] =	vst v1  }
0x4b: {  	[tilespmem:$0x28D0] =	vst v1  }
0x4c: {  	[tilespmem:$0x28E0] =	vst v1  }
0x4d: {  	[tilespmem:$0x28F0] =	vst v1  }
0x4e: {  	[tilespmem:$0x2900] =	vst v1  }
0x4f: {  	[tilespmem:$0x2910] =	vst v1  }
0x50: {  	[tilespmem:$0x2920] =	vst v1  }
0x51: {  	[tilespmem:$0x2930] =	vst v1  }
0x52: {  	[tilespmem:$0x2940] =	vst v1  }
0x53: {  	[tilespmem:$0x2950] =	vst v1  }
0x54: {  	[tilespmem:$0x2960] =	vst v1  }
0x55: {  	[tilespmem:$0x2970] =	vst v1  }
0x56: {  	[tilespmem:$0x2980] =	vst v1  }
0x57: {  	[tilespmem:$0x2990] =	vst v1  }
0x58: {  	[tilespmem:$0x29A0] =	vst v1  }
0x59: {  	[tilespmem:$0x29B0] =	vst v1  }
0x5a: {  	[tilespmem:$0x29C0] =	vst v1  }
0x5b: {  	[tilespmem:$0x29D0] =	vst v1  }
0x5c: {  	[tilespmem:$0x29E0] =	vst v1  }
0x5d: {  	[tilespmem:$0x29F0] =	vst v1  }
0x5e: {  	[tilespmem:$0x2A00] =	vst v1  }
0x5f: {  	[tilespmem:$0x2A10] =	vst v1  }
0x60: {  	[tilespmem:$0x2A20] =	vst v1  }
0x61: {  	[tilespmem:$0x2A30] =	vst v1  }
0x62: {  	[tilespmem:$0x2A40] =	vst v1  }
0x63: {  	[tilespmem:$0x2A50] =	vst v1  }
0x64: {  	[tilespmem:$0x2A60] =	vst v1  }
0x65: {  	[tilespmem:$0x2A70] =	vst v1  }
0x66: {  	[tilespmem:$0x2A80] =	vst v1  }
0x67: {  	[tilespmem:$0x2A90] =	vst v1  }
0x68: {  	[tilespmem:$0x2AA0] =	vst v1  }
0x69: {  	[tilespmem:$0x2AB0] =	vst v1  }
0x6a: {  	[tilespmem:$0x2AC0] =	vst v1  }
0x6b: {  	[tilespmem:$0x2AD0] =	vst v1  }
0x6c: {  	[tilespmem:$0x2AE0] =	vst v1  }
0x6d: {  	[tilespmem:$0x2AF0] =	vst v1  }
0x6e: {  	[tilespmem:$0x2B00] =	vst v1  }
0x6f: {  	[tilespmem:$0x2B10] =	vst v1  }
0x70: {  	[tilespmem:$0x2B20] =	vst v1  }
0x71: {  	[tilespmem:$0x2B30] =	vst v1  }
0x72: {  	[tilespmem:$0x2B40] =	vst v1  }
0x73: {  	[tilespmem:$0x2B50] =	vst v1  }
0x74: {  	[tilespmem:$0x2B60] =	vst v1  }
0x75: {  	[tilespmem:$0x2B70] =	vst v1  }
0x76: {  	[tilespmem:$0x2B80] =	vst v1  }
0x77: {  	[tilespmem:$0x2B90] =	vst v1  }
0x78: {  	[tilespmem:$0x2BA0] =	vst v1  }
0x79: {  	[tilespmem:$0x2BB0] =	vst v1  }
0x7a: {  	[tilespmem:$0x2BC0] =	vst v1  }
0x7b: {  	[tilespmem:$0x2BD0] =	vst v1  }
0x7c: {  	[tilespmem:$0x2BE0] =	vst v1  }
0x7d: {  	[tilespmem:$0x2BF0] =	vst v1  }
0x7e: {  	[bflag:$0x0] =	sbarrier.arrive $0xFFFF  }
0x7f: {  	[spmem:s2] =	stream.indirect.scatter.add.f32 [tilespmem:s11], [sflag:$0x1], $0x1, s3, s10, $0xb8;
	[tilespmem:$0x30F0] =	vst v63  }
0x80: {  	_ =	swait.ge [sflag:s9], $0x400  }
0x81: {  	[sflag:s9] =	ssyncset.done $0x0  }
0x82: {  	[sflag:s9] =	ssyncadd.s32 $0xFFFFFC00  }
0x83: {  	[spmem:s2] =	stream.indirect.scatter.add.f32 [tilespmem:s11], [sflag:$0x1], $0x1, s10, s10, $0xb8;
	[tilespmem:$0x30F0] =	vst v63  }
0x84: {  	_ =	swait.ge [sflag:s9], $0x400  }
0x85: {  	[sflag:s9] =	ssyncset.done $0x0  }
0x86: {  	[sflag:s9] =	ssyncadd.s32 $0xFFFFFC00  }
0x87: {  	[spmem:s2] =	stream.indirect.scatter.add.f32 [tilespmem:s11], [sflag:$0x1], $0x1, s12, s10, $0xb8;
	[tilespmem:$0x30F0] =	vst v63  }
0x88: {  	_ =	swait.ge [sflag:s9], $0x400  }
0x89: {  	[sflag:s9] =	ssyncset.done $0x0  }
0x8a: {  	[sflag:s9] =	ssyncadd.s32 $0xFFFFFC00  }
0x8b: {  	[spmem:s2] =	stream.indirect.scatter.add.f32 [tilespmem:s11], [sflag:$0x1], $0x1, s13, s10, $0xb8;
	[tilespmem:$0x30F0] =	vst v63  }
0x8c: {  	_ =	swait.ge [sflag:s9], $0x400  }
0x8d: {  	[sflag:s9] =	ssyncset.done $0x0  }
0x8e: {  	[sflag:s9] =	ssyncadd.s32 $0xFFFFFC00  }
0x8f: {  	[spmem:s2] =	stream.indirect.scatter.add.f32 [tilespmem:s11], [sflag:$0x1], $0x1, s14, s10, $0xb8;
	[tilespmem:$0x30F0] =	vst v63  }
0x90: {  	_ =	swait.ge [sflag:s9], $0x400  }
0x91: {  	[sflag:s9] =	ssyncset.done $0x0  }
0x92: {  	[sflag:s9] =	ssyncadd.s32 $0xFFFFFC00  }
0x93: {  	[spmem:s2] =	stream.indirect.scatter.add.f32 [tilespmem:s11], [sflag:$0x1], $0x1, s15, s10, $0xb8;
	[tilespmem:$0x30F0] =	vst v63  }
0x94: {  	_ =	swait.ge [sflag:s9], $0x400  }
0x95: {  	[sflag:s9] =	ssyncset.done $0x0  }
0x96: {  	[sflag:s9] =	ssyncadd.s32 $0xFFFFFC00  }
0x97: {  	[spmem:s2] =	stream.indirect.scatter.add.f32 [tilespmem:s11], [sflag:$0x1], $0x1, s16, s10, $0xb8;
	[tilespmem:$0x30F0] =	vst v63  }
0x98: {  	_ =	swait.ge [sflag:s9], $0x400  }
0x99: {  	[sflag:s9] =	ssyncset.done $0x0  }
0x9a: {  	[sflag:s9] =	ssyncadd.s32 $0xFFFFFC00  }
0x9b: {  	[spmem:s2] =	stream.indirect.scatter.add.f32 [tilespmem:s11], [sflag:$0x1], $0x1, s17, s10, $0xb8;
	[tilespmem:$0x30F0] =	vst v63  }
0x9c: {  	_ =	swait.ge [sflag:s9], $0x400  }
0x9d: {  	[sflag:s9] =	ssyncset.done $0x0  }
0x9e: {  	[sflag:s9] =	ssyncadd.s32 $0xFFFFFC00  }
0x9f: {  	[spmem:s2] =	stream.indirect.scatter.add.f32 [tilespmem:s11], [sflag:$0x1], $0x1, s18, s10, $0xb8;
	[tilespmem:$0x30F0] =	vst v63  }
0xa0: {  	_ =	swait.ge [sflag:s9], $0x400  }
0xa1: {  	[sflag:s9] =	ssyncset.done $0x0  }
0xa2: {  	[sflag:s9] =	ssyncadd.s32 $0xFFFFFC00  }
0xa3: {  	[spmem:s2] =	stream.indirect.scatter.add.f32 [tilespmem:s11], [sflag:$0x1], $0x1, s19, s10, $0xb8;
	[tilespmem:$0x30F0] =	vst v63  }
0xa4: {  	_ =	swait.ge [sflag:s9], $0x400  }
0xa5: {  	[sflag:s9] =	ssyncset.done $0x0  }
0xa6: {  	[sflag:s9] =	ssyncadd.s32 $0xFFFFFC00  }
0xa7: {  	[bflag:$0x0] =	sbarrier.arrive $0xFFFF  }
0xa8: {  	[tilespmem:s8], [sflag:$0x1] =	stream.linear.gather [spmem:s4], $0x278, $0x38;
	[tilespmem:$0x30F0] =	vst v63  }
0xa9: {  	_ =	swait.ge [sflag:s9], $0x278  }
0xaa: {  	p0 =	sne.s32 s7, $0x1;
	[sflag:s9] =	ssyncset.done $0x0  }
.Ltmp0:
0xab: {  	[sflag:s9] =	ssyncadd.s32 $0xFFFFFD88;
	(pc) =	sbr.rel @p0 .LBB2_1-.Ltmp0, $4  }
0xac: {  	[hbm4b:s6+s3] =	stream.linear.scatter [tilespmem:s8], [sflag:$0x1], $0x278, $0x38;
	[tilespmem:$0x30F0] =	vst v63  }
0xad: {  	_ =	swait.ge [sflag:s9], $0x278  }
0xae: {  	[sflag:s9] =	ssyncset.done $0x0  }
0xaf: {  	s7 =	sadd.s32 $0xFFFFFFFF, s7;
	[sflag:s9] =	ssyncadd.s32 $0xFFFFFD88  }
0xb0: {  	_ =	sfence.sel $0x180000  }
0xb1: {  	[bflag:$0x0] =	sbarrier.arrive $0xFFFF  }
0xb2: {  	p0 =	sne.s32 s0, $0x0;
	_ =	strace $0x90000047  }
0xb3: {  	s0 =	sadd.s32 @!p0 $0x100000, s1;
	[bflag:$0x2] =	sbarrier.arrive $0xFFFF  }
0xb4: {  	[sflag:s0] =	ssyncadd.tile.s32 @!p0 $0x1;
	_ =	shalt  }
.Lfunc_end2:
_tile_overlayer_lowered:
.L_overlay_start_2:
0xb5: {  	(tag) =	ssettag $0x2  }
0xb6: {  	s0 =	rddreg [dreg:$0x0];
	s2 =	stileid.u32  }
0xb7: {  	s1 =	rddreg [dreg:$0x1];
	p0 =	sne.s32 s2, $0x0  }
0xb8: {  	s3 =	rddreg [dreg:$0x2];
	[bflag:$0x3] =	sbarrier.arrive $0xFFFF;
	s2 =	simm.s32 @!p0 $0x1C01  }
0xb9: {  	[timem:s3], [sflag:s2] =	dma.local @!p0 [hbm:s0], s1  }
0xba: {  	s0 =	simm.s32 @!p0 $0x1  }
0xbb: {  	_ =	swait.ge @!p0 [sflag:s0], s1  }
0xbc: {  	s1 =	ssub.s32 @!p0 $0x0, s1;
	[sflag:s0] =	ssyncset.done @!p0 $0x0  }
0xbd: {  	[sflag:s0] =	ssyncadd.s32 @!p0 s1  }
0xbe: {  	[bflag:$0x3] =	sbarrier.arrive $0xFFFF  }
0xbf: {  	_ =	shalt  }

</sc_bundles>
